<compile_context>
chip_gen: v7x
topology: tpu7x:2x2x1
jax: 0.10.2.dev20260603
libtpu: 0.0.44.dev20260713+nightly
codegen_flags: <defaults>
</compile_context>

<pallas_src>
import functools

import jax
import jax.numpy as jnp
from jax import lax
from jax.experimental import pallas as pl
from jax.experimental.pallas import tpu as pltpu
from jax.experimental.pallas import tpu_sc as plsc

_NC = 2
_NS = 16
_NW = _NC * _NS


@functools.lru_cache(maxsize=None)
def _make_gather(B, D, C, NBUF=4, W=2):
    b_per_w = B // _NW
    n_chunks = b_per_w // C
    assert n_chunks % NBUF == 0 and 0 < W < NBUF
    mesh = plsc.VectorSubcoreMesh(core_axis_name="c", subcore_axis_name="s")

    @functools.partial(
        pl.kernel,
        mesh=mesh,
        out_type=jax.ShapeDtypeStruct((B, D), jnp.float32),
        scratch_types=(
            [
                pltpu.VMEM((b_per_w,), jnp.int32),
                pltpu.VMEM_SHARED((1024, D), jnp.float32),
            ]
            + [pltpu.VMEM((C, D), jnp.float32) for _ in range(NBUF)]
            + [pltpu.SemaphoreType.DMA for _ in range(2 * NBUF)]
        ),
    )
    def k(table_hbm, idx_hbm, out_hbm, idx_v, table_sh, *bufs):
        rows = bufs[:NBUF]
        sg = bufs[NBUF : 2 * NBUF]
        sw = bufs[2 * NBUF :]
        sid = lax.axis_index("s")
        wid = sid * _NC + lax.axis_index("c")
        base = wid * b_per_w

        rows_per_tile = 1024 // _NS
        pltpu.sync_copy(
            table_hbm.at[pl.ds(sid * rows_per_tile, rows_per_tile)],
            table_sh.at[pl.ds(sid * rows_per_tile, rows_per_tile)],
        )
        pltpu.sync_copy(idx_hbm.at[pl.ds(base, b_per_w)], idx_v)
        plsc.subcore_barrier()

        def gather(c, s):
            for j0 in range(0, C, 16):
                idx_vec = idx_v[pl.ds(c * C + j0, 16)]
                for j in range(16):
                    off = idx_vec[j]
                    pltpu.async_copy(
                        table_sh.at[pl.ds(off, 1)],
                        rows[s].at[pl.ds(j0 + j, 1)],
                        sg[s],
                    )

        def wait_gather(s):
            pltpu.make_async_copy(
                table_sh.at[pl.ds(0, C)], rows[s], sg[s]
            ).wait()

        def write(c, s):
            pltpu.async_copy(rows[s], out_hbm.at[pl.ds(base + c * C, C)], sw[s])

        def wait_write(s):
            pltpu.make_async_copy(
                rows[s], out_hbm.at[pl.ds(base, C)], sw[s]
            ).wait()

        for c in range(NBUF - W):
            gather(c, c)

        def body(i, carry):
            for b in range(NBUF):
                g = i * NBUF + b
                wait_gather(b)
                write(g, b)
                s_f = (b - W) % NBUF

                @pl.when(g >= W)
                def _turn(s_f=s_f):
                    wait_write(s_f)

                @pl.when(g - W + NBUF < n_chunks)
                def _refill(g=g, s_f=s_f):
                    gather(g - W + NBUF, s_f)

            return carry

        lax.fori_loop(0, n_chunks // NBUF, body, 0)

        for s in range(NBUF - W, NBUF):
            wait_write(s % NBUF)

    return k


def kernel(img_flat, position_embedding):
    batch, seq = img_flat.shape
    d = position_embedding.shape[1]
    idx = img_flat.reshape(-1).astype(jnp.int32)
    out = _make_gather(batch * seq, d, 16)(position_embedding, idx)
    return out.reshape(batch, seq, d)

# --- scband reference (transcript-rebuilt; emitter-appended) ---
"""Pipeline reference for scband-positional-embeddings-12592844112294 (READ-ONLY COPY).

The authoritative reference and input builder live on the scoring server;
editing this copy changes nothing except your own understanding.
"""

import jax, jax.numpy as jnp
import numpy as np

SEQ_LEN_IMG = 1024
DIM = 768
BATCH = 64
SEQ = 1024

def setup_inputs(seed: int = 0) -> dict:
    key = jax.random.key(seed)
    k_idx, k_tab = jax.random.split(key)
    img_flat = jax.random.randint(k_idx, (BATCH, SEQ), 0, SEQ_LEN_IMG, dtype=jnp.int64 if jax.config.jax_enable_x64 else jnp.int32)
    position_embedding = jax.random.normal(k_tab, (SEQ_LEN_IMG, DIM), dtype=jnp.float32)
    return {"img_flat": img_flat, "position_embedding": position_embedding}

def reference(img_flat, position_embedding):
    # nn.Embedding lookup: out[b, s, :] = table[img_flat[b, s], :]
    out = jnp.take(position_embedding, img_flat, axis=0)
    return out

if __name__ == "__main__":
    import jax
    _d = setup_inputs()
    print(jax.jit(kernel)(*tuple(_d.values())))

</pallas_src>

<mosaic_0001>
#map = affine_map<(d0, d1) -> (0, 0)>
#map1 = affine_map<(d0, d1) -> (0)>
module attributes {stable_mosaic.version = 14 : i64} {
  func.func @k(%arg0: i32, %arg1: i32, %arg2: memref<1024x768xf32, #tpu.memory_space<hbm>>, %arg3: memref<65536xi32, #tpu.memory_space<hbm>>, %arg4: memref<65536x768xf32, #tpu.memory_space<hbm>>, %arg5: memref<2048xi32, #tpu.memory_space<vmem>>, %arg6: memref<1024x768xf32, #tpu.memory_space<vmem_shared>>, %arg7: memref<16x768xf32, #tpu.memory_space<vmem>>, %arg8: memref<16x768xf32, #tpu.memory_space<vmem>>, %arg9: memref<16x768xf32, #tpu.memory_space<vmem>>, %arg10: memref<16x768xf32, #tpu.memory_space<vmem>>, %arg11: memref<!tpu.dma_semaphore, #tpu.memory_space<semaphore_mem>>, %arg12: memref<!tpu.dma_semaphore, #tpu.memory_space<semaphore_mem>>, %arg13: memref<!tpu.dma_semaphore, #tpu.memory_space<semaphore_mem>>, %arg14: memref<!tpu.dma_semaphore, #tpu.memory_space<semaphore_mem>>, %arg15: memref<!tpu.dma_semaphore, #tpu.memory_space<semaphore_mem>>, %arg16: memref<!tpu.dma_semaphore, #tpu.memory_space<semaphore_mem>>, %arg17: memref<!tpu.dma_semaphore, #tpu.memory_space<semaphore_mem>>, %arg18: memref<!tpu.dma_semaphore, #tpu.memory_space<semaphore_mem>>) attributes {dimension_semantics = [#tpu.dimension_semantics<core_parallel>, #tpu.dimension_semantics<subcore_parallel>], iteration_bounds = array<i64: 2, 16>, scalar_prefetch = 0 : i64, scratch_operands = 14 : i64, tpu.core_type = #tpu.core_type<sc_vector_subcore>, window_params = [{transform_indices = #map}, {transform_indices = #map1}, {transform_indices = #map}]} {
    %mul3A = arith.constant 2 : i32
    %mul3A_0 = arith.muli %arg1, %mul3A : i32
    %add3A = arith.addi %mul3A_0, %arg0 : i32
    %mul3A_1 = arith.constant 2048 : i32
    %mul3A_2 = arith.muli %add3A, %mul3A_1 : i32
    %mul3A_3 = arith.constant 64 : i32
    %mul3A_4 = arith.muli %arg1, %mul3A_3 : i32
    %mul3A_5 = arith.constant 64 : i32
    %mul3A_6 = arith.muli %arg1, %mul3A_5 : i32
    "tpu.region"() ({
      %run_scoped3A = tpu.sem_alloc : memref<!tpu.dma_semaphore, #tpu.memory_space<semaphore_mem>>
      %dma_start3A_405 = arith.constant 0 : i32
      %dma_start3A_406 = tpu.memref_slice %arg6[%mul3A_6, %dma_start3A_405] : memref<1024x768xf32, #tpu.memory_space<vmem_shared>> -> memref<64x768xf32, #tpu.memory_space<vmem_shared>>
      %dma_start3A_407 = arith.constant 0 : i32
      %dma_start3A_408 = tpu.memref_slice %arg2[%mul3A_4, %dma_start3A_407] : memref<1024x768xf32, #tpu.memory_space<hbm>> -> memref<64x768xf32, #tpu.memory_space<hbm>>
      tpu.enqueue_dma source(%dma_start3A_408 : memref<64x768xf32, #tpu.memory_space<hbm>>) target(%dma_start3A_406 : memref<64x768xf32, #tpu.memory_space<vmem_shared>>) target_semaphore(%run_scoped3A : memref<!tpu.dma_semaphore, #tpu.memory_space<semaphore_mem>>)
      %dma_wait3A_409 = arith.constant 0 : i32
      %dma_wait3A_410 = tpu.memref_slice %arg6[%mul3A_6, %dma_wait3A_409] : memref<1024x768xf32, #tpu.memory_space<vmem_shared>> -> memref<64x768xf32, #tpu.memory_space<vmem_shared>>
      %dma_wait3A_411 = arith.constant 0 : i32
      %dma_wait3A_412 = tpu.memref_slice %arg2[%mul3A_4, %dma_wait3A_411] : memref<1024x768xf32, #tpu.memory_space<hbm>> -> memref<64x768xf32, #tpu.memory_space<hbm>>
      tpu.wait_dma2 semaphore(%run_scoped3A : memref<!tpu.dma_semaphore, #tpu.memory_space<semaphore_mem>>) src(%dma_wait3A_412 : memref<64x768xf32, #tpu.memory_space<hbm>>) dst(%dma_wait3A_410 : memref<64x768xf32, #tpu.memory_space<vmem_shared>>)
      tpu.yield
    }) : () -> ()
    "tpu.region"() ({
      %run_scoped3A = tpu.sem_alloc : memref<!tpu.dma_semaphore, #tpu.memory_space<semaphore_mem>>
      %dma_start3A_405 = tpu.memref_slice %arg3[%mul3A_2] : memref<65536xi32, #tpu.memory_space<hbm>> -> memref<2048xi32, #tpu.memory_space<hbm>>
      %dma_start3A_406 = tpu.memref_slice %arg3[%mul3A_2] : memref<65536xi32, #tpu.memory_space<hbm>> -> memref<2048xi32, #tpu.memory_space<hbm>>
      tpu.enqueue_dma source(%dma_start3A_406 : memref<2048xi32, #tpu.memory_space<hbm>>) target(%arg5 : memref<2048xi32, #tpu.memory_space<vmem>>) target_semaphore(%run_scoped3A : memref<!tpu.dma_semaphore, #tpu.memory_space<semaphore_mem>>)
      %dma_wait3A_407 = tpu.memref_slice %arg3[%mul3A_2] : memref<65536xi32, #tpu.memory_space<hbm>> -> memref<2048xi32, #tpu.memory_space<hbm>>
      %dma_wait3A_408 = tpu.memref_slice %arg3[%mul3A_2] : memref<65536xi32, #tpu.memory_space<hbm>> -> memref<2048xi32, #tpu.memory_space<hbm>>
      tpu.wait_dma2 semaphore(%run_scoped3A : memref<!tpu.dma_semaphore, #tpu.memory_space<semaphore_mem>>) src(%dma_wait3A_408 : memref<2048xi32, #tpu.memory_space<hbm>>) dst(%arg5 : memref<2048xi32, #tpu.memory_space<vmem>>)
      tpu.yield
    }) : () -> ()
    %barrier3A = arith.constant 0 : index
    tpu.barrier barrier_id(%barrier3A)
    %get3A = arith.constant 0 : index
    %get3A_7 = tpu.vector_load %arg5[%get3A] {strides = array<i32>} : memref<2048xi32, #tpu.memory_space<vmem>>, vector<16xi32>,
    %get3A_8 = vector.shape_cast %get3A_7 : vector<16xi32> to vector<16xi32>
    %slice3A = vector.extract_strided_slice %get3A_8 {offsets = [0], sizes = [1], strides = [1]} : vector<16xi32> to vector<1xi32>
    %squeeze3A = vector.extract %slice3A[0] : i32 from vector<1xi32>
    %dma_start3A = arith.constant 0 : i32
    %dma_start3A_9 = arith.constant 0 : i32
    %dma_start3A_10 = tpu.memref_slice %arg7[%dma_start3A, %dma_start3A_9] : memref<16x768xf32, #tpu.memory_space<vmem>> -> memref<1x768xf32, #tpu.memory_space<vmem>>
    %dma_start3A_11 = arith.constant 0 : i32
    %dma_start3A_12 = tpu.memref_slice %arg6[%squeeze3A, %dma_start3A_11] : memref<1024x768xf32, #tpu.memory_space<vmem_shared>> -> memref<1x768xf32, #tpu.memory_space<vmem_shared>>
    %dma_start3A_13 = arith.constant 0 : i32
    %dma_start3A_14 = arith.constant 0 : i32
    %dma_start3A_15 = tpu.memref_slice %arg7[%dma_start3A_13, %dma_start3A_14] : memref<16x768xf32, #tpu.memory_space<vmem>> -> memref<1x768xf32, #tpu.memory_space<vmem>>
    %dma_start3A_16 = arith.constant 0 : i32
    %dma_start3A_17 = tpu.memref_slice %arg6[%squeeze3A, %dma_start3A_16] : memref<1024x768xf32, #tpu.memory_space<vmem_shared>> -> memref<1x768xf32, #tpu.memory_space<vmem_shared>>
    tpu.enqueue_dma source(%dma_start3A_17 : memref<1x768xf32, #tpu.memory_space<vmem_shared>>) target(%dma_start3A_15 : memref<1x768xf32, #tpu.memory_space<vmem>>) target_semaphore(%arg11 : memref<!tpu.dma_semaphore, #tpu.memory_space<semaphore_mem>>)
    %slice3A_18 = vector.extract_strided_slice %get3A_8 {offsets = [1], sizes = [1], strides = [1]} : vector<16xi32> to vector<1xi32>
    %squeeze3A_19 = vector.extract %slice3A_18[0] : i32 from vector<1xi32>
    %dma_start3A_20 = arith.constant 1 : i32
    %dma_start3A_21 = arith.constant 0 : i32
    %dma_start3A_22 = tpu.memref_slice %arg7[%dma_start3A_20, %dma_start3A_21] : memref<16x768xf32, #tpu.memory_space<vmem>> -> memref<1x768xf32, #tpu.memory_space<vmem>>
    %dma_start3A_23 = arith.constant 0 : i32
    %dma_start3A_24 = tpu.memref_slice %arg6[%squeeze3A_19, %dma_start3A_23] : memref<1024x768xf32, #tpu.memory_space<vmem_shared>> -> memref<1x768xf32, #tpu.memory_space<vmem_shared>>
    %dma_start3A_25 = arith.constant 1 : i32
    %dma_start3A_26 = arith.constant 0 : i32
    %dma_start3A_27 = tpu.memref_slice %arg7[%dma_start3A_25, %dma_start3A_26] : memref<16x768xf32, #tpu.memory_space<vmem>> -> memref<1x768xf32, #tpu.memory_space<vmem>>
    %dma_start3A_28 = arith.constant 0 : i32
    %dma_start3A_29 = tpu.memref_slice %arg6[%squeeze3A_19, %dma_start3A_28] : memref<1024x768xf32, #tpu.memory_space<vmem_shared>> -> memref<1x768xf32, #tpu.memory_space<vmem_shared>>
    tpu.enqueue_dma source(%dma_start3A_29 : memref<1x768xf32, #tpu.memory_space<vmem_shared>>) target(%dma_start3A_27 : memref<1x768xf32, #tpu.memory_space<vmem>>) target_semaphore(%arg11 : memref<!tpu.dma_semaphore, #tpu.memory_space<semaphore_mem>>)
    %slice3A_30 = vector.extract_strided_slice %get3A_8 {offsets = [2], sizes = [1], strides = [1]} : vector<16xi32> to vector<1xi32>
    %squeeze3A_31 = vector.extract %slice3A_30[0] : i32 from vector<1xi32>
    %dma_start3A_32 = arith.constant 2 : i32
    %dma_start3A_33 = arith.constant 0 : i32
    %dma_start3A_34 = tpu.memref_slice %arg7[%dma_start3A_32, %dma_start3A_33] : memref<16x768xf32, #tpu.memory_space<vmem>> -> memref<1x768xf32, #tpu.memory_space<vmem>>
    %dma_start3A_35 = arith.constant 0 : i32
    %dma_start3A_36 = tpu.memref_slice %arg6[%squeeze3A_31, %dma_start3A_35] : memref<1024x768xf32, #tpu.memory_space<vmem_shared>> -> memref<1x768xf32, #tpu.memory_space<vmem_shared>>
    %dma_start3A_37 = arith.constant 2 : i32
    %dma_start3A_38 = arith.constant 0 : i32
    %dma_start3A_39 = tpu.memref_slice %arg7[%dma_start3A_37, %dma_start3A_38] : memref<16x768xf32, #tpu.memory_space<vmem>> -> memref<1x768xf32, #tpu.memory_space<vmem>>
    %dma_start3A_40 = arith.constant 0 : i32
    %dma_start3A_41 = tpu.memref_slice %arg6[%squeeze3A_31, %dma_start3A_40] : memref<1024x768xf32, #tpu.memory_space<vmem_shared>> -> memref<1x768xf32, #tpu.memory_space<vmem_shared>>
    tpu.enqueue_dma source(%dma_start3A_41 : memref<1x768xf32, #tpu.memory_space<vmem_shared>>) target(%dma_start3A_39 : memref<1x768xf32, #tpu.memory_space<vmem>>) target_semaphore(%arg11 : memref<!tpu.dma_semaphore, #tpu.memory_space<semaphore_mem>>)
    %slice3A_42 = vector.extract_strided_slice %get3A_8 {offsets = [3], sizes = [1], strides = [1]} : vector<16xi32> to vector<1xi32>
    %squeeze3A_43 = vector.extract %slice3A_42[0] : i32 from vector<1xi32>
    %dma_start3A_44 = arith.constant 3 : i32
    %dma_start3A_45 = arith.constant 0 : i32
    %dma_start3A_46 = tpu.memref_slice %arg7[%dma_start3A_44, %dma_start3A_45] : memref<16x768xf32, #tpu.memory_space<vmem>> -> memref<1x768xf32, #tpu.memory_space<vmem>>
    %dma_start3A_47 = arith.constant 0 : i32
    %dma_start3A_48 = tpu.memref_slice %arg6[%squeeze3A_43, %dma_start3A_47] : memref<1024x768xf32, #tpu.memory_space<vmem_shared>> -> memref<1x768xf32, #tpu.memory_space<vmem_shared>>
    %dma_start3A_49 = arith.constant 3 : i32
    %dma_start3A_50 = arith.constant 0 : i32
    %dma_start3A_51 = tpu.memref_slice %arg7[%dma_start3A_49, %dma_start3A_50] : memref<16x768xf32, #tpu.memory_space<vmem>> -> memref<1x768xf32, #tpu.memory_space<vmem>>
    %dma_start3A_52 = arith.constant 0 : i32
    %dma_start3A_53 = tpu.memref_slice %arg6[%squeeze3A_43, %dma_start3A_52] : memref<1024x768xf32, #tpu.memory_space<vmem_shared>> -> memref<1x768xf32, #tpu.memory_space<vmem_shared>>
    tpu.enqueue_dma source(%dma_start3A_53 : memref<1x768xf32, #tpu.memory_space<vmem_shared>>) target(%dma_start3A_51 : memref<1x768xf32, #tpu.memory_space<vmem>>) target_semaphore(%arg11 : memref<!tpu.dma_semaphore, #tpu.memory_space<semaphore_mem>>)
    %slice3A_54 = vector.extract_strided_slice %get3A_8 {offsets = [4], sizes = [1], strides = [1]} : vector<16xi32> to vector<1xi32>
    %squeeze3A_55 = vector.extract %slice3A_54[0] : i32 from vector<1xi32>
    %dma_start3A_56 = arith.constant 4 : i32
    %dma_start3A_57 = arith.constant 0 : i32
    %dma_start3A_58 = tpu.memref_slice %arg7[%dma_start3A_56, %dma_start3A_57] : memref<16x768xf32, #tpu.memory_space<vmem>> -> memref<1x768xf32, #tpu.memory_space<vmem>>
    %dma_start3A_59 = arith.constant 0 : i32
    %dma_start3A_60 = tpu.memref_slice %arg6[%squeeze3A_55, %dma_start3A_59] : memref<1024x768xf32, #tpu.memory_space<vmem_shared>> -> memref<1x768xf32, #tpu.memory_space<vmem_shared>>
    %dma_start3A_61 = arith.constant 4 : i32
    %dma_start3A_62 = arith.constant 0 : i32
    %dma_start3A_63 = tpu.memref_slice %arg7[%dma_start3A_61, %dma_start3A_62] : memref<16x768xf32, #tpu.memory_space<vmem>> -> memref<1x768xf32, #tpu.memory_space<vmem>>
    %dma_start3A_64 = arith.constant 0 : i32
    %dma_start3A_65 = tpu.memref_slice %arg6[%squeeze3A_55, %dma_start3A_64] : memref<1024x768xf32, #tpu.memory_space<vmem_shared>> -> memref<1x768xf32, #tpu.memory_space<vmem_shared>>
    tpu.enqueue_dma source(%dma_start3A_65 : memref<1x768xf32, #tpu.memory_space<vmem_shared>>) target(%dma_start3A_63 : memref<1x768xf32, #tpu.memory_space<vmem>>) target_semaphore(%arg11 : memref<!tpu.dma_semaphore, #tpu.memory_space<semaphore_mem>>)
    %slice3A_66 = vector.extract_strided_slice %get3A_8 {offsets = [5], sizes = [1], strides = [1]} : vector<16xi32> to vector<1xi32>
    %squeeze3A_67 = vector.extract %slice3A_66[0] : i32 from vector<1xi32>
    %dma_start3A_68 = arith.constant 5 : i32
    %dma_start3A_69 = arith.constant 0 : i32
    %dma_start3A_70 = tpu.memref_slice %arg7[%dma_start3A_68, %dma_start3A_69] : memref<16x768xf32, #tpu.memory_space<vmem>> -> memref<1x768xf32, #tpu.memory_space<vmem>>
    %dma_start3A_71 = arith.constant 0 : i32
    %dma_start3A_72 = tpu.memref_slice %arg6[%squeeze3A_67, %dma_start3A_71] : memref<1024x768xf32, #tpu.memory_space<vmem_shared>> -> memref<1x768xf32, #tpu.memory_space<vmem_shared>>
    %dma_start3A_73 = arith.constant 5 : i32
    %dma_start3A_74 = arith.constant 0 : i32
    %dma_start3A_75 = tpu.memref_slice %arg7[%dma_start3A_73, %dma_start3A_74] : memref<16x768xf32, #tpu.memory_space<vmem>> -> memref<1x768xf32, #tpu.memory_space<vmem>>
    %dma_start3A_76 = arith.constant 0 : i32
    %dma_start3A_77 = tpu.memref_slice %arg6[%squeeze3A_67, %dma_start3A_76] : memref<1024x768xf32, #tpu.memory_space<vmem_shared>> -> memref<1x768xf32, #tpu.memory_space<vmem_shared>>
    tpu.enqueue_dma source(%dma_start3A_77 : memref<1x768xf32, #tpu.memory_space<vmem_shared>>) target(%dma_start3A_75 : memref<1x768xf32, #tpu.memory_space<vmem>>) target_semaphore(%arg11 : memref<!tpu.dma_semaphore, #tpu.memory_space<semaphore_mem>>)
    %slice3A_78 = vector.extract_strided_slice %get3A_8 {offsets = [6], sizes = [1], strides = [1]} : vector<16xi32> to vector<1xi32>
    %squeeze3A_79 = vector.extract %slice3A_78[0] : i32 from vector<1xi32>
    %dma_start3A_80 = arith.constant 6 : i32
    %dma_start3A_81 = arith.constant 0 : i32
    %dma_start3A_82 = tpu.memref_slice %arg7[%dma_start3A_80, %dma_start3A_81] : memref<16x768xf32, #tpu.memory_space<vmem>> -> memref<1x768xf32, #tpu.memory_space<vmem>>
    %dma_start3A_83 = arith.constant 0 : i32
    %dma_start3A_84 = tpu.memref_slice %arg6[%squeeze3A_79, %dma_start3A_83] : memref<1024x768xf32, #tpu.memory_space<vmem_shared>> -> memref<1x768xf32, #tpu.memory_space<vmem_shared>>
    %dma_start3A_85 = arith.constant 6 : i32
    %dma_start3A_86 = arith.constant 0 : i32
    %dma_start3A_87 = tpu.memref_slice %arg7[%dma_start3A_85, %dma_start3A_86] : memref<16x768xf32, #tpu.memory_space<vmem>> -> memref<1x768xf32, #tpu.memory_space<vmem>>
    %dma_start3A_88 = arith.constant 0 : i32
    %dma_start3A_89 = tpu.memref_slice %arg6[%squeeze3A_79, %dma_start3A_88] : memref<1024x768xf32, #tpu.memory_space<vmem_shared>> -> memref<1x768xf32, #tpu.memory_space<vmem_shared>>
    tpu.enqueue_dma source(%dma_start3A_89 : memref<1x768xf32, #tpu.memory_space<vmem_shared>>) target(%dma_start3A_87 : memref<1x768xf32, #tpu.memory_space<vmem>>) target_semaphore(%arg11 : memref<!tpu.dma_semaphore, #tpu.memory_space<semaphore_mem>>)
    %slice3A_90 = vector.extract_strided_slice %get3A_8 {offsets = [7], sizes = [1], strides = [1]} : vector<16xi32> to vector<1xi32>
    %squeeze3A_91 = vector.extract %slice3A_90[0] : i32 from vector<1xi32>
    %dma_start3A_92 = arith.constant 7 : i32
    %dma_start3A_93 = arith.constant 0 : i32
    %dma_start3A_94 = tpu.memref_slice %arg7[%dma_start3A_92, %dma_start3A_93] : memref<16x768xf32, #tpu.memory_space<vmem>> -> memref<1x768xf32, #tpu.memory_space<vmem>>
    %dma_start3A_95 = arith.constant 0 : i32
    %dma_start3A_96 = tpu.memref_slice %arg6[%squeeze3A_91, %dma_start3A_95] : memref<1024x768xf32, #tpu.memory_space<vmem_shared>> -> memref<1x768xf32, #tpu.memory_space<vmem_shared>>
    %dma_start3A_97 = arith.constant 7 : i32
    %dma_start3A_98 = arith.constant 0 : i32
    %dma_start3A_99 = tpu.memref_slice %arg7[%dma_start3A_97, %dma_start3A_98] : memref<16x768xf32, #tpu.memory_space<vmem>> -> memref<1x768xf32, #tpu.memory_space<vmem>>
    %dma_start3A_100 = arith.constant 0 : i32
    %dma_start3A_101 = tpu.memref_slice %arg6[%squeeze3A_91, %dma_start3A_100] : memref<1024x768xf32, #tpu.memory_space<vmem_shared>> -> memref<1x768xf32, #tpu.memory_space<vmem_shared>>
    tpu.enqueue_dma source(%dma_start3A_101 : memref<1x768xf32, #tpu.memory_space<vmem_shared>>) target(%dma_start3A_99 : memref<1x768xf32, #tpu.memory_space<vmem>>) target_semaphore(%arg11 : memref<!tpu.dma_semaphore, #tpu.memory_space<semaphore_mem>>)
    %slice3A_102 = vector.extract_strided_slice %get3A_8 {offsets = [8], sizes = [1], strides = [1]} : vector<16xi32> to vector<1xi32>
    %squeeze3A_103 = vector.extract %slice3A_102[0] : i32 from vector<1xi32>
    %dma_start3A_104 = arith.constant 8 : i32
    %dma_start3A_105 = arith.constant 0 : i32
    %dma_start3A_106 = tpu.memref_slice %arg7[%dma_start3A_104, %dma_start3A_105] : memref<16x768xf32, #tpu.memory_space<vmem>> -> memref<1x768xf32, #tpu.memory_space<vmem>>
    %dma_start3A_107 = arith.constant 0 : i32
    %dma_start3A_108 = tpu.memref_slice %arg6[%squeeze3A_103, %dma_start3A_107] : memref<1024x768xf32, #tpu.memory_space<vmem_shared>> -> memref<1x768xf32, #tpu.memory_space<vmem_shared>>
    %dma_start3A_109 = arith.constant 8 : i32
    %dma_start3A_110 = arith.constant 0 : i32
    %dma_start3A_111 = tpu.memref_slice %arg7[%dma_start3A_109, %dma_start3A_110] : memref<16x768xf32, #tpu.memory_space<vmem>> -> memref<1x768xf32, #tpu.memory_space<vmem>>
    %dma_start3A_112 = arith.constant 0 : i32
    %dma_start3A_113 = tpu.memref_slice %arg6[%squeeze3A_103, %dma_start3A_112] : memref<1024x768xf32, #tpu.memory_space<vmem_shared>> -> memref<1x768xf32, #tpu.memory_space<vmem_shared>>
    tpu.enqueue_dma source(%dma_start3A_113 : memref<1x768xf32, #tpu.memory_space<vmem_shared>>) target(%dma_start3A_111 : memref<1x768xf32, #tpu.memory_space<vmem>>) target_semaphore(%arg11 : memref<!tpu.dma_semaphore, #tpu.memory_space<semaphore_mem>>)
    %slice3A_114 = vector.extract_strided_slice %get3A_8 {offsets = [9], sizes = [1], strides = [1]} : vector<16xi32> to vector<1xi32>
    %squeeze3A_115 = vector.extract %slice3A_114[0] : i32 from vector<1xi32>
    %dma_start3A_116 = arith.constant 9 : i32
    %dma_start3A_117 = arith.constant 0 : i32
    %dma_start3A_118 = tpu.memref_slice %arg7[%dma_start3A_116, %dma_start3A_117] : memref<16x768xf32, #tpu.memory_space<vmem>> -> memref<1x768xf32, #tpu.memory_space<vmem>>
    %dma_start3A_119 = arith.constant 0 : i32
    %dma_start3A_120 = tpu.memref_slice %arg6[%squeeze3A_115, %dma_start3A_119] : memref<1024x768xf32, #tpu.memory_space<vmem_shared>> -> memref<1x768xf32, #tpu.memory_space<vmem_shared>>
    %dma_start3A_121 = arith.constant 9 : i32
    %dma_start3A_122 = arith.constant 0 : i32
    %dma_start3A_123 = tpu.memref_slice %arg7[%dma_start3A_121, %dma_start3A_122] : memref<16x768xf32, #tpu.memory_space<vmem>> -> memref<1x768xf32, #tpu.memory_space<vmem>>
    %dma_start3A_124 = arith.constant 0 : i32
    %dma_start3A_125 = tpu.memref_slice %arg6[%squeeze3A_115, %dma_start3A_124] : memref<1024x768xf32, #tpu.memory_space<vmem_shared>> -> memref<1x768xf32, #tpu.memory_space<vmem_shared>>
    tpu.enqueue_dma source(%dma_start3A_125 : memref<1x768xf32, #tpu.memory_space<vmem_shared>>) target(%dma_start3A_123 : memref<1x768xf32, #tpu.memory_space<vmem>>) target_semaphore(%arg11 : memref<!tpu.dma_semaphore, #tpu.memory_space<semaphore_mem>>)
    %slice3A_126 = vector.extract_strided_slice %get3A_8 {offsets = [10], sizes = [1], strides = [1]} : vector<16xi32> to vector<1xi32>
    %squeeze3A_127 = vector.extract %slice3A_126[0] : i32 from vector<1xi32>
    %dma_start3A_128 = arith.constant 10 : i32
    %dma_start3A_129 = arith.constant 0 : i32
    %dma_start3A_130 = tpu.memref_slice %arg7[%dma_start3A_128, %dma_start3A_129] : memref<16x768xf32, #tpu.memory_space<vmem>> -> memref<1x768xf32, #tpu.memory_space<vmem>>
    %dma_start3A_131 = arith.constant 0 : i32
    %dma_start3A_132 = tpu.memref_slice %arg6[%squeeze3A_127, %dma_start3A_131] : memref<1024x768xf32, #tpu.memory_space<vmem_shared>> -> memref<1x768xf32, #tpu.memory_space<vmem_shared>>
    %dma_start3A_133 = arith.constant 10 : i32
    %dma_start3A_134 = arith.constant 0 : i32
    %dma_start3A_135 = tpu.memref_slice %arg7[%dma_start3A_133, %dma_start3A_134] : memref<16x768xf32, #tpu.memory_space<vmem>> -> memref<1x768xf32, #tpu.memory_space<vmem>>
    %dma_start3A_136 = arith.constant 0 : i32
    %dma_start3A_137 = tpu.memref_slice %arg6[%squeeze3A_127, %dma_start3A_136] : memref<1024x768xf32, #tpu.memory_space<vmem_shared>> -> memref<1x768xf32, #tpu.memory_space<vmem_shared>>
    tpu.enqueue_dma source(%dma_start3A_137 : memref<1x768xf32, #tpu.memory_space<vmem_shared>>) target(%dma_start3A_135 : memref<1x768xf32, #tpu.memory_space<vmem>>) target_semaphore(%arg11 : memref<!tpu.dma_semaphore, #tpu.memory_space<semaphore_mem>>)
    %slice3A_138 = vector.extract_strided_slice %get3A_8 {offsets = [11], sizes = [1], strides = [1]} : vector<16xi32> to vector<1xi32>
    %squeeze3A_139 = vector.extract %slice3A_138[0] : i32 from vector<1xi32>
    %dma_start3A_140 = arith.constant 11 : i32
    %dma_start3A_141 = arith.constant 0 : i32
    %dma_start3A_142 = tpu.memref_slice %arg7[%dma_start3A_140, %dma_start3A_141] : memref<16x768xf32, #tpu.memory_space<vmem>> -> memref<1x768xf32, #tpu.memory_space<vmem>>
    %dma_start3A_143 = arith.constant 0 : i32
    %dma_start3A_144 = tpu.memref_slice %arg6[%squeeze3A_139, %dma_start3A_143] : memref<1024x768xf32, #tpu.memory_space<vmem_shared>> -> memref<1x768xf32, #tpu.memory_space<vmem_shared>>
    %dma_start3A_145 = arith.constant 11 : i32
    %dma_start3A_146 = arith.constant 0 : i32
    %dma_start3A_147 = tpu.memref_slice %arg7[%dma_start3A_145, %dma_start3A_146] : memref<16x768xf32, #tpu.memory_space<vmem>> -> memref<1x768xf32, #tpu.memory_space<vmem>>
    %dma_start3A_148 = arith.constant 0 : i32
    %dma_start3A_149 = tpu.memref_slice %arg6[%squeeze3A_139, %dma_start3A_148] : memref<1024x768xf32, #tpu.memory_space<vmem_shared>> -> memref<1x768xf32, #tpu.memory_space<vmem_shared>>
    tpu.enqueue_dma source(%dma_start3A_149 : memref<1x768xf32, #tpu.memory_space<vmem_shared>>) target(%dma_start3A_147 : memref<1x768xf32, #tpu.memory_space<vmem>>) target_semaphore(%arg11 : memref<!tpu.dma_semaphore, #tpu.memory_space<semaphore_mem>>)
    %slice3A_150 = vector.extract_strided_slice %get3A_8 {offsets = [12], sizes = [1], strides = [1]} : vector<16xi32> to vector<1xi32>
    %squeeze3A_151 = vector.extract %slice3A_150[0] : i32 from vector<1xi32>
    %dma_start3A_152 = arith.constant 12 : i32
    %dma_start3A_153 = arith.constant 0 : i32
    %dma_start3A_154 = tpu.memref_slice %arg7[%dma_start3A_152, %dma_start3A_153] : memref<16x768xf32, #tpu.memory_space<vmem>> -> memref<1x768xf32, #tpu.memory_space<vmem>>
    %dma_start3A_155 = arith.constant 0 : i32
    %dma_start3A_156 = tpu.memref_slice %arg6[%squeeze3A_151, %dma_start3A_155] : memref<1024x768xf32, #tpu.memory_space<vmem_shared>> -> memref<1x768xf32, #tpu.memory_space<vmem_shared>>
    %dma_start3A_157 = arith.constant 12 : i32
    %dma_start3A_158 = arith.constant 0 : i32
    %dma_start3A_159 = tpu.memref_slice %arg7[%dma_start3A_157, %dma_start3A_158] : memref<16x768xf32, #tpu.memory_space<vmem>> -> memref<1x768xf32, #tpu.memory_space<vmem>>
    %dma_start3A_160 = arith.constant 0 : i32
    %dma_start3A_161 = tpu.memref_slice %arg6[%squeeze3A_151, %dma_start3A_160] : memref<1024x768xf32, #tpu.memory_space<vmem_shared>> -> memref<1x768xf32, #tpu.memory_space<vmem_shared>>
    tpu.enqueue_dma source(%dma_start3A_161 : memref<1x768xf32, #tpu.memory_space<vmem_shared>>) target(%dma_start3A_159 : memref<1x768xf32, #tpu.memory_space<vmem>>) target_semaphore(%arg11 : memref<!tpu.dma_semaphore, #tpu.memory_space<semaphore_mem>>)
    %slice3A_162 = vector.extract_strided_slice %get3A_8 {offsets = [13], sizes = [1], strides = [1]} : vector<16xi32> to vector<1xi32>
    %squeeze3A_163 = vector.extract %slice3A_162[0] : i32 from vector<1xi32>
    %dma_start3A_164 = arith.constant 13 : i32
    %dma_start3A_165 = arith.constant 0 : i32
    %dma_start3A_166 = tpu.memref_slice %arg7[%dma_start3A_164, %dma_start3A_165] : memref<16x768xf32, #tpu.memory_space<vmem>> -> memref<1x768xf32, #tpu.memory_space<vmem>>
    %dma_start3A_167 = arith.constant 0 : i32
    %dma_start3A_168 = tpu.memref_slice %arg6[%squeeze3A_163, %dma_start3A_167] : memref<1024x768xf32, #tpu.memory_space<vmem_shared>> -> memref<1x768xf32, #tpu.memory_space<vmem_shared>>
    %dma_start3A_169 = arith.constant 13 : i32
    %dma_start3A_170 = arith.constant 0 : i32
    %dma_start3A_171 = tpu.memref_slice %arg7[%dma_start3A_169, %dma_start3A_170] : memref<16x768xf32, #tpu.memory_space<vmem>> -> memref<1x768xf32, #tpu.memory_space<vmem>>
    %dma_start3A_172 = arith.constant 0 : i32
    %dma_start3A_173 = tpu.memref_slice %arg6[%squeeze3A_163, %dma_start3A_172] : memref<1024x768xf32, #tpu.memory_space<vmem_shared>> -> memref<1x768xf32, #tpu.memory_space<vmem_shared>>
    tpu.enqueue_dma source(%dma_start3A_173 : memref<1x768xf32, #tpu.memory_space<vmem_shared>>) target(%dma_start3A_171 : memref<1x768xf32, #tpu.memory_space<vmem>>) target_semaphore(%arg11 : memref<!tpu.dma_semaphore, #tpu.memory_space<semaphore_mem>>)
    %slice3A_174 = vector.extract_strided_slice %get3A_8 {offsets = [14], sizes = [1], strides = [1]} : vector<16xi32> to vector<1xi32>
    %squeeze3A_175 = vector.extract %slice3A_174[0] : i32 from vector<1xi32>
    %dma_start3A_176 = arith.constant 14 : i32
    %dma_start3A_177 = arith.constant 0 : i32
    %dma_start3A_178 = tpu.memref_slice %arg7[%dma_start3A_176, %dma_start3A_177] : memref<16x768xf32, #tpu.memory_space<vmem>> -> memref<1x768xf32, #tpu.memory_space<vmem>>
    %dma_start3A_179 = arith.constant 0 : i32
    %dma_start3A_180 = tpu.memref_slice %arg6[%squeeze3A_175, %dma_start3A_179] : memref<1024x768xf32, #tpu.memory_space<vmem_shared>> -> memref<1x768xf32, #tpu.memory_space<vmem_shared>>
    %dma_start3A_181 = arith.constant 14 : i32
    %dma_start3A_182 = arith.constant 0 : i32
    %dma_start3A_183 = tpu.memref_slice %arg7[%dma_start3A_181, %dma_start3A_182] : memref<16x768xf32, #tpu.memory_space<vmem>> -> memref<1x768xf32, #tpu.memory_space<vmem>>
    %dma_start3A_184 = arith.constant 0 : i32
    %dma_start3A_185 = tpu.memref_slice %arg6[%squeeze3A_175, %dma_start3A_184] : memref<1024x768xf32, #tpu.memory_space<vmem_shared>> -> memref<1x768xf32, #tpu.memory_space<vmem_shared>>
    tpu.enqueue_dma source(%dma_start3A_185 : memref<1x768xf32, #tpu.memory_space<vmem_shared>>) target(%dma_start3A_183 : memref<1x768xf32, #tpu.memory_space<vmem>>) target_semaphore(%arg11 : memref<!tpu.dma_semaphore, #tpu.memory_space<semaphore_mem>>)
    %slice3A_186 = vector.extract_strided_slice %get3A_8 {offsets = [15], sizes = [1], strides = [1]} : vector<16xi32> to vector<1xi32>
    %squeeze3A_187 = vector.extract %slice3A_186[0] : i32 from vector<1xi32>
    %dma_start3A_188 = arith.constant 15 : i32
    %dma_start3A_189 = arith.constant 0 : i32
    %dma_start3A_190 = tpu.memref_slice %arg7[%dma_start3A_188, %dma_start3A_189] : memref<16x768xf32, #tpu.memory_space<vmem>> -> memref<1x768xf32, #tpu.memory_space<vmem>>
    %dma_start3A_191 = arith.constant 0 : i32
    %dma_start3A_192 = tpu.memref_slice %arg6[%squeeze3A_187, %dma_start3A_191] : memref<1024x768xf32, #tpu.memory_space<vmem_shared>> -> memref<1x768xf32, #tpu.memory_space<vmem_shared>>
    %dma_start3A_193 = arith.constant 15 : i32
    %dma_start3A_194 = arith.constant 0 : i32
    %dma_start3A_195 = tpu.memref_slice %arg7[%dma_start3A_193, %dma_start3A_194] : memref<16x768xf32, #tpu.memory_space<vmem>> -> memref<1x768xf32, #tpu.memory_space<vmem>>
    %dma_start3A_196 = arith.constant 0 : i32
    %dma_start3A_197 = tpu.memref_slice %arg6[%squeeze3A_187, %dma_start3A_196] : memref<1024x768xf32, #tpu.memory_space<vmem_shared>> -> memref<1x768xf32, #tpu.memory_space<vmem_shared>>
    tpu.enqueue_dma source(%dma_start3A_197 : memref<1x768xf32, #tpu.memory_space<vmem_shared>>) target(%dma_start3A_195 : memref<1x768xf32, #tpu.memory_space<vmem>>) target_semaphore(%arg11 : memref<!tpu.dma_semaphore, #tpu.memory_space<semaphore_mem>>)
    %get3A_198 = arith.constant 16 : index
    %get3A_199 = tpu.vector_load %arg5[%get3A_198] {strides = array<i32>} : memref<2048xi32, #tpu.memory_space<vmem>>, vector<16xi32>,
    %get3A_200 = vector.shape_cast %get3A_199 : vector<16xi32> to vector<16xi32>
    %slice3A_201 = vector.extract_strided_slice %get3A_200 {offsets = [0], sizes = [1], strides = [1]} : vector<16xi32> to vector<1xi32>
    %squeeze3A_202 = vector.extract %slice3A_201[0] : i32 from vector<1xi32>
    %dma_start3A_203 = arith.constant 0 : i32
    %dma_start3A_204 = arith.constant 0 : i32
    %dma_start3A_205 = tpu.memref_slice %arg8[%dma_start3A_203, %dma_start3A_204] : memref<16x768xf32, #tpu.memory_space<vmem>> -> memref<1x768xf32, #tpu.memory_space<vmem>>
    %dma_start3A_206 = arith.constant 0 : i32
    %dma_start3A_207 = tpu.memref_slice %arg6[%squeeze3A_202, %dma_start3A_206] : memref<1024x768xf32, #tpu.memory_space<vmem_shared>> -> memref<1x768xf32, #tpu.memory_space<vmem_shared>>
    %dma_start3A_208 = arith.constant 0 : i32
    %dma_start3A_209 = arith.constant 0 : i32
    %dma_start3A_210 = tpu.memref_slice %arg8[%dma_start3A_208, %dma_start3A_209] : memref<16x768xf32, #tpu.memory_space<vmem>> -> memref<1x768xf32, #tpu.memory_space<vmem>>
    %dma_start3A_211 = arith.constant 0 : i32
    %dma_start3A_212 = tpu.memref_slice %arg6[%squeeze3A_202, %dma_start3A_211] : memref<1024x768xf32, #tpu.memory_space<vmem_shared>> -> memref<1x768xf32, #tpu.memory_space<vmem_shared>>
    tpu.enqueue_dma source(%dma_start3A_212 : memref<1x768xf32, #tpu.memory_space<vmem_shared>>) target(%dma_start3A_210 : memref<1x768xf32, #tpu.memory_space<vmem>>) target_semaphore(%arg12 : memref<!tpu.dma_semaphore, #tpu.memory_space<semaphore_mem>>)
    %slice3A_213 = vector.extract_strided_slice %get3A_200 {offsets = [1], sizes = [1], strides = [1]} : vector<16xi32> to vector<1xi32>
    %squeeze3A_214 = vector.extract %slice3A_213[0] : i32 from vector<1xi32>
    %dma_start3A_215 = arith.constant 1 : i32
    %dma_start3A_216 = arith.constant 0 : i32
    %dma_start3A_217 = tpu.memref_slice %arg8[%dma_start3A_215, %dma_start3A_216] : memref<16x768xf32, #tpu.memory_space<vmem>> -> memref<1x768xf32, #tpu.memory_space<vmem>>
    %dma_start3A_218 = arith.constant 0 : i32
    %dma_start3A_219 = tpu.memref_slice %arg6[%squeeze3A_214, %dma_start3A_218] : memref<1024x768xf32, #tpu.memory_space<vmem_shared>> -> memref<1x768xf32, #tpu.memory_space<vmem_shared>>
    %dma_start3A_220 = arith.constant 1 : i32
    %dma_start3A_221 = arith.constant 0 : i32
    %dma_start3A_222 = tpu.memref_slice %arg8[%dma_start3A_220, %dma_start3A_221] : memref<16x768xf32, #tpu.memory_space<vmem>> -> memref<1x768xf32, #tpu.memory_space<vmem>>
    %dma_start3A_223 = arith.constant 0 : i32
    %dma_start3A_224 = tpu.memref_slice %arg6[%squeeze3A_214, %dma_start3A_223] : memref<1024x768xf32, #tpu.memory_space<vmem_shared>> -> memref<1x768xf32, #tpu.memory_space<vmem_shared>>
    tpu.enqueue_dma source(%dma_start3A_224 : memref<1x768xf32, #tpu.memory_space<vmem_shared>>) target(%dma_start3A_222 : memref<1x768xf32, #tpu.memory_space<vmem>>) target_semaphore(%arg12 : memref<!tpu.dma_semaphore, #tpu.memory_space<semaphore_mem>>)
    %slice3A_225 = vector.extract_strided_slice %get3A_200 {offsets = [2], sizes = [1], strides = [1]} : vector<16xi32> to vector<1xi32>
    %squeeze3A_226 = vector.extract %slice3A_225[0] : i32 from vector<1xi32>
    %dma_start3A_227 = arith.constant 2 : i32
    %dma_start3A_228 = arith.constant 0 : i32
    %dma_start3A_229 = tpu.memref_slice %arg8[%dma_start3A_227, %dma_start3A_228] : memref<16x768xf32, #tpu.memory_space<vmem>> -> memref<1x768xf32, #tpu.memory_space<vmem>>
    %dma_start3A_230 = arith.constant 0 : i32
    %dma_start3A_231 = tpu.memref_slice %arg6[%squeeze3A_226, %dma_start3A_230] : memref<1024x768xf32, #tpu.memory_space<vmem_shared>> -> memref<1x768xf32, #tpu.memory_space<vmem_shared>>
    %dma_start3A_232 = arith.constant 2 : i32
    %dma_start3A_233 = arith.constant 0 : i32
    %dma_start3A_234 = tpu.memref_slice %arg8[%dma_start3A_232, %dma_start3A_233] : memref<16x768xf32, #tpu.memory_space<vmem>> -> memref<1x768xf32, #tpu.memory_space<vmem>>
    %dma_start3A_235 = arith.constant 0 : i32
    %dma_start3A_236 = tpu.memref_slice %arg6[%squeeze3A_226, %dma_start3A_235] : memref<1024x768xf32, #tpu.memory_space<vmem_shared>> -> memref<1x768xf32, #tpu.memory_space<vmem_shared>>
    tpu.enqueue_dma source(%dma_start3A_236 : memref<1x768xf32, #tpu.memory_space<vmem_shared>>) target(%dma_start3A_234 : memref<1x768xf32, #tpu.memory_space<vmem>>) target_semaphore(%arg12 : memref<!tpu.dma_semaphore, #tpu.memory_space<semaphore_mem>>)
    %slice3A_237 = vector.extract_strided_slice %get3A_200 {offsets = [3], sizes = [1], strides = [1]} : vector<16xi32> to vector<1xi32>
    %squeeze3A_238 = vector.extract %slice3A_237[0] : i32 from vector<1xi32>
    %dma_start3A_239 = arith.constant 3 : i32
    %dma_start3A_240 = arith.constant 0 : i32
    %dma_start3A_241 = tpu.memref_slice %arg8[%dma_start3A_239, %dma_start3A_240] : memref<16x768xf32, #tpu.memory_space<vmem>> -> memref<1x768xf32, #tpu.memory_space<vmem>>
    %dma_start3A_242 = arith.constant 0 : i32
    %dma_start3A_243 = tpu.memref_slice %arg6[%squeeze3A_238, %dma_start3A_242] : memref<1024x768xf32, #tpu.memory_space<vmem_shared>> -> memref<1x768xf32, #tpu.memory_space<vmem_shared>>
    %dma_start3A_244 = arith.constant 3 : i32
    %dma_start3A_245 = arith.constant 0 : i32
    %dma_start3A_246 = tpu.memref_slice %arg8[%dma_start3A_244, %dma_start3A_245] : memref<16x768xf32, #tpu.memory_space<vmem>> -> memref<1x768xf32, #tpu.memory_space<vmem>>
    %dma_start3A_247 = arith.constant 0 : i32
    %dma_start3A_248 = tpu.memref_slice %arg6[%squeeze3A_238, %dma_start3A_247] : memref<1024x768xf32, #tpu.memory_space<vmem_shared>> -> memref<1x768xf32, #tpu.memory_space<vmem_shared>>
    tpu.enqueue_dma source(%dma_start3A_248 : memref<1x768xf32, #tpu.memory_space<vmem_shared>>) target(%dma_start3A_246 : memref<1x768xf32, #tpu.memory_space<vmem>>) target_semaphore(%arg12 : memref<!tpu.dma_semaphore, #tpu.memory_space<semaphore_mem>>)
    %slice3A_249 = vector.extract_strided_slice %get3A_200 {offsets = [4], sizes = [1], strides = [1]} : vector<16xi32> to vector<1xi32>
    %squeeze3A_250 = vector.extract %slice3A_249[0] : i32 from vector<1xi32>
    %dma_start3A_251 = arith.constant 4 : i32
    %dma_start3A_252 = arith.constant 0 : i32
    %dma_start3A_253 = tpu.memref_slice %arg8[%dma_start3A_251, %dma_start3A_252] : memref<16x768xf32, #tpu.memory_space<vmem>> -> memref<1x768xf32, #tpu.memory_space<vmem>>
    %dma_start3A_254 = arith.constant 0 : i32
    %dma_start3A_255 = tpu.memref_slice %arg6[%squeeze3A_250, %dma_start3A_254] : memref<1024x768xf32, #tpu.memory_space<vmem_shared>> -> memref<1x768xf32, #tpu.memory_space<vmem_shared>>
    %dma_start3A_256 = arith.constant 4 : i32
    %dma_start3A_257 = arith.constant 0 : i32
    %dma_start3A_258 = tpu.memref_slice %arg8[%dma_start3A_256, %dma_start3A_257] : memref<16x768xf32, #tpu.memory_space<vmem>> -> memref<1x768xf32, #tpu.memory_space<vmem>>
    %dma_start3A_259 = arith.constant 0 : i32
    %dma_start3A_260 = tpu.memref_slice %arg6[%squeeze3A_250, %dma_start3A_259] : memref<1024x768xf32, #tpu.memory_space<vmem_shared>> -> memref<1x768xf32, #tpu.memory_space<vmem_shared>>
    tpu.enqueue_dma source(%dma_start3A_260 : memref<1x768xf32, #tpu.memory_space<vmem_shared>>) target(%dma_start3A_258 : memref<1x768xf32, #tpu.memory_space<vmem>>) target_semaphore(%arg12 : memref<!tpu.dma_semaphore, #tpu.memory_space<semaphore_mem>>)
    %slice3A_261 = vector.extract_strided_slice %get3A_200 {offsets = [5], sizes = [1], strides = [1]} : vector<16xi32> to vector<1xi32>
    %squeeze3A_262 = vector.extract %slice3A_261[0] : i32 from vector<1xi32>
    %dma_start3A_263 = arith.constant 5 : i32
    %dma_start3A_264 = arith.constant 0 : i32
    %dma_start3A_265 = tpu.memref_slice %arg8[%dma_start3A_263, %dma_start3A_264] : memref<16x768xf32, #tpu.memory_space<vmem>> -> memref<1x768xf32, #tpu.memory_space<vmem>>
    %dma_start3A_266 = arith.constant 0 : i32
    %dma_start3A_267 = tpu.memref_slice %arg6[%squeeze3A_262, %dma_start3A_266] : memref<1024x768xf32, #tpu.memory_space<vmem_shared>> -> memref<1x768xf32, #tpu.memory_space<vmem_shared>>
    %dma_start3A_268 = arith.constant 5 : i32
    %dma_start3A_269 = arith.constant 0 : i32
    %dma_start3A_270 = tpu.memref_slice %arg8[%dma_start3A_268, %dma_start3A_269] : memref<16x768xf32, #tpu.memory_space<vmem>> -> memref<1x768xf32, #tpu.memory_space<vmem>>
    %dma_start3A_271 = arith.constant 0 : i32
    %dma_start3A_272 = tpu.memref_slice %arg6[%squeeze3A_262, %dma_start3A_271] : memref<1024x768xf32, #tpu.memory_space<vmem_shared>> -> memref<1x768xf32, #tpu.memory_space<vmem_shared>>
    tpu.enqueue_dma source(%dma_start3A_272 : memref<1x768xf32, #tpu.memory_space<vmem_shared>>) target(%dma_start3A_270 : memref<1x768xf32, #tpu.memory_space<vmem>>) target_semaphore(%arg12 : memref<!tpu.dma_semaphore, #tpu.memory_space<semaphore_mem>>)
    %slice3A_273 = vector.extract_strided_slice %get3A_200 {offsets = [6], sizes = [1], strides = [1]} : vector<16xi32> to vector<1xi32>
    %squeeze3A_274 = vector.extract %slice3A_273[0] : i32 from vector<1xi32>
    %dma_start3A_275 = arith.constant 6 : i32
    %dma_start3A_276 = arith.constant 0 : i32
    %dma_start3A_277 = tpu.memref_slice %arg8[%dma_start3A_275, %dma_start3A_276] : memref<16x768xf32, #tpu.memory_space<vmem>> -> memref<1x768xf32, #tpu.memory_space<vmem>>
    %dma_start3A_278 = arith.constant 0 : i32
    %dma_start3A_279 = tpu.memref_slice %arg6[%squeeze3A_274, %dma_start3A_278] : memref<1024x768xf32, #tpu.memory_space<vmem_shared>> -> memref<1x768xf32, #tpu.memory_space<vmem_shared>>
    %dma_start3A_280 = arith.constant 6 : i32
    %dma_start3A_281 = arith.constant 0 : i32
    %dma_start3A_282 = tpu.memref_slice %arg8[%dma_start3A_280, %dma_start3A_281] : memref<16x768xf32, #tpu.memory_space<vmem>> -> memref<1x768xf32, #tpu.memory_space<vmem>>
    %dma_start3A_283 = arith.constant 0 : i32
    %dma_start3A_284 = tpu.memref_slice %arg6[%squeeze3A_274, %dma_start3A_283] : memref<1024x768xf32, #tpu.memory_space<vmem_shared>> -> memref<1x768xf32, #tpu.memory_space<vmem_shared>>
    tpu.enqueue_dma source(%dma_start3A_284 : memref<1x768xf32, #tpu.memory_space<vmem_shared>>) target(%dma_start3A_282 : memref<1x768xf32, #tpu.memory_space<vmem>>) target_semaphore(%arg12 : memref<!tpu.dma_semaphore, #tpu.memory_space<semaphore_mem>>)
    %slice3A_285 = vector.extract_strided_slice %get3A_200 {offsets = [7], sizes = [1], strides = [1]} : vector<16xi32> to vector<1xi32>
    %squeeze3A_286 = vector.extract %slice3A_285[0] : i32 from vector<1xi32>
    %dma_start3A_287 = arith.constant 7 : i32
    %dma_start3A_288 = arith.constant 0 : i32
    %dma_start3A_289 = tpu.memref_slice %arg8[%dma_start3A_287, %dma_start3A_288] : memref<16x768xf32, #tpu.memory_space<vmem>> -> memref<1x768xf32, #tpu.memory_space<vmem>>
    %dma_start3A_290 = arith.constant 0 : i32
    %dma_start3A_291 = tpu.memref_slice %arg6[%squeeze3A_286, %dma_start3A_290] : memref<1024x768xf32, #tpu.memory_space<vmem_shared>> -> memref<1x768xf32, #tpu.memory_space<vmem_shared>>
    %dma_start3A_292 = arith.constant 7 : i32
    %dma_start3A_293 = arith.constant 0 : i32
    %dma_start3A_294 = tpu.memref_slice %arg8[%dma_start3A_292, %dma_start3A_293] : memref<16x768xf32, #tpu.memory_space<vmem>> -> memref<1x768xf32, #tpu.memory_space<vmem>>
    %dma_start3A_295 = arith.constant 0 : i32
    %dma_start3A_296 = tpu.memref_slice %arg6[%squeeze3A_286, %dma_start3A_295] : memref<1024x768xf32, #tpu.memory_space<vmem_shared>> -> memref<1x768xf32, #tpu.memory_space<vmem_shared>>
    tpu.enqueue_dma source(%dma_start3A_296 : memref<1x768xf32, #tpu.memory_space<vmem_shared>>) target(%dma_start3A_294 : memref<1x768xf32, #tpu.memory_space<vmem>>) target_semaphore(%arg12 : memref<!tpu.dma_semaphore, #tpu.memory_space<semaphore_mem>>)
    %slice3A_297 = vector.extract_strided_slice %get3A_200 {offsets = [8], sizes = [1], strides = [1]} : vector<16xi32> to vector<1xi32>
    %squeeze3A_298 = vector.extract %slice3A_297[0] : i32 from vector<1xi32>
    %dma_start3A_299 = arith.constant 8 : i32
    %dma_start3A_300 = arith.constant 0 : i32
    %dma_start3A_301 = tpu.memref_slice %arg8[%dma_start3A_299, %dma_start3A_300] : memref<16x768xf32, #tpu.memory_space<vmem>> -> memref<1x768xf32, #tpu.memory_space<vmem>>
    %dma_start3A_302 = arith.constant 0 : i32
    %dma_start3A_303 = tpu.memref_slice %arg6[%squeeze3A_298, %dma_start3A_302] : memref<1024x768xf32, #tpu.memory_space<vmem_shared>> -> memref<1x768xf32, #tpu.memory_space<vmem_shared>>
    %dma_start3A_304 = arith.constant 8 : i32
    %dma_start3A_305 = arith.constant 0 : i32
    %dma_start3A_306 = tpu.memref_slice %arg8[%dma_start3A_304, %dma_start3A_305] : memref<16x768xf32, #tpu.memory_space<vmem>> -> memref<1x768xf32, #tpu.memory_space<vmem>>
    %dma_start3A_307 = arith.constant 0 : i32
    %dma_start3A_308 = tpu.memref_slice %arg6[%squeeze3A_298, %dma_start3A_307] : memref<1024x768xf32, #tpu.memory_space<vmem_shared>> -> memref<1x768xf32, #tpu.memory_space<vmem_shared>>
    tpu.enqueue_dma source(%dma_start3A_308 : memref<1x768xf32, #tpu.memory_space<vmem_shared>>) target(%dma_start3A_306 : memref<1x768xf32, #tpu.memory_space<vmem>>) target_semaphore(%arg12 : memref<!tpu.dma_semaphore, #tpu.memory_space<semaphore_mem>>)
    %slice3A_309 = vector.extract_strided_slice %get3A_200 {offsets = [9], sizes = [1], strides = [1]} : vector<16xi32> to vector<1xi32>
    %squeeze3A_310 = vector.extract %slice3A_309[0] : i32 from vector<1xi32>
    %dma_start3A_311 = arith.constant 9 : i32
    %dma_start3A_312 = arith.constant 0 : i32
    %dma_start3A_313 = tpu.memref_slice %arg8[%dma_start3A_311, %dma_start3A_312] : memref<16x768xf32, #tpu.memory_space<vmem>> -> memref<1x768xf32, #tpu.memory_space<vmem>>
    %dma_start3A_314 = arith.constant 0 : i32
    %dma_start3A_315 = tpu.memref_slice %arg6[%squeeze3A_310, %dma_start3A_314] : memref<1024x768xf32, #tpu.memory_space<vmem_shared>> -> memref<1x768xf32, #tpu.memory_space<vmem_shared>>
    %dma_start3A_316 = arith.constant 9 : i32
    %dma_start3A_317 = arith.constant 0 : i32
    %dma_start3A_318 = tpu.memref_slice %arg8[%dma_start3A_316, %dma_start3A_317] : memref<16x768xf32, #tpu.memory_space<vmem>> -> memref<1x768xf32, #tpu.memory_space<vmem>>
    %dma_start3A_319 = arith.constant 0 : i32
    %dma_start3A_320 = tpu.memref_slice %arg6[%squeeze3A_310, %dma_start3A_319] : memref<1024x768xf32, #tpu.memory_space<vmem_shared>> -> memref<1x768xf32, #tpu.memory_space<vmem_shared>>
    tpu.enqueue_dma source(%dma_start3A_320 : memref<1x768xf32, #tpu.memory_space<vmem_shared>>) target(%dma_start3A_318 : memref<1x768xf32, #tpu.memory_space<vmem>>) target_semaphore(%arg12 : memref<!tpu.dma_semaphore, #tpu.memory_space<semaphore_mem>>)
    %slice3A_321 = vector.extract_strided_slice %get3A_200 {offsets = [10], sizes = [1], strides = [1]} : vector<16xi32> to vector<1xi32>
    %squeeze3A_322 = vector.extract %slice3A_321[0] : i32 from vector<1xi32>
    %dma_start3A_323 = arith.constant 10 : i32
    %dma_start3A_324 = arith.constant 0 : i32
    %dma_start3A_325 = tpu.memref_slice %arg8[%dma_start3A_323, %dma_start3A_324] : memref<16x768xf32, #tpu.memory_space<vmem>> -> memref<1x768xf32, #tpu.memory_space<vmem>>
    %dma_start3A_326 = arith.constant 0 : i32
    %dma_start3A_327 = tpu.memref_slice %arg6[%squeeze3A_322, %dma_start3A_326] : memref<1024x768xf32, #tpu.memory_space<vmem_shared>> -> memref<1x768xf32, #tpu.memory_space<vmem_shared>>
    %dma_start3A_328 = arith.constant 10 : i32
    %dma_start3A_329 = arith.constant 0 : i32
    %dma_start3A_330 = tpu.memref_slice %arg8[%dma_start3A_328, %dma_start3A_329] : memref<16x768xf32, #tpu.memory_space<vmem>> -> memref<1x768xf32, #tpu.memory_space<vmem>>
    %dma_start3A_331 = arith.constant 0 : i32
    %dma_start3A_332 = tpu.memref_slice %arg6[%squeeze3A_322, %dma_start3A_331] : memref<1024x768xf32, #tpu.memory_space<vmem_shared>> -> memref<1x768xf32, #tpu.memory_space<vmem_shared>>
    tpu.enqueue_dma source(%dma_start3A_332 : memref<1x768xf32, #tpu.memory_space<vmem_shared>>) target(%dma_start3A_330 : memref<1x768xf32, #tpu.memory_space<vmem>>) target_semaphore(%arg12 : memref<!tpu.dma_semaphore, #tpu.memory_space<semaphore_mem>>)
    %slice3A_333 = vector.extract_strided_slice %get3A_200 {offsets = [11], sizes = [1], strides = [1]} : vector<16xi32> to vector<1xi32>
    %squeeze3A_334 = vector.extract %slice3A_333[0] : i32 from vector<1xi32>
    %dma_start3A_335 = arith.constant 11 : i32
    %dma_start3A_336 = arith.constant 0 : i32
    %dma_start3A_337 = tpu.memref_slice %arg8[%dma_start3A_335, %dma_start3A_336] : memref<16x768xf32, #tpu.memory_space<vmem>> -> memref<1x768xf32, #tpu.memory_space<vmem>>
    %dma_start3A_338 = arith.constant 0 : i32
    %dma_start3A_339 = tpu.memref_slice %arg6[%squeeze3A_334, %dma_start3A_338] : memref<1024x768xf32, #tpu.memory_space<vmem_shared>> -> memref<1x768xf32, #tpu.memory_space<vmem_shared>>
    %dma_start3A_340 = arith.constant 11 : i32
    %dma_start3A_341 = arith.constant 0 : i32
    %dma_start3A_342 = tpu.memref_slice %arg8[%dma_start3A_340, %dma_start3A_341] : memref<16x768xf32, #tpu.memory_space<vmem>> -> memref<1x768xf32, #tpu.memory_space<vmem>>
    %dma_start3A_343 = arith.constant 0 : i32
    %dma_start3A_344 = tpu.memref_slice %arg6[%squeeze3A_334, %dma_start3A_343] : memref<1024x768xf32, #tpu.memory_space<vmem_shared>> -> memref<1x768xf32, #tpu.memory_space<vmem_shared>>
    tpu.enqueue_dma source(%dma_start3A_344 : memref<1x768xf32, #tpu.memory_space<vmem_shared>>) target(%dma_start3A_342 : memref<1x768xf32, #tpu.memory_space<vmem>>) target_semaphore(%arg12 : memref<!tpu.dma_semaphore, #tpu.memory_space<semaphore_mem>>)
    %slice3A_345 = vector.extract_strided_slice %get3A_200 {offsets = [12], sizes = [1], strides = [1]} : vector<16xi32> to vector<1xi32>
    %squeeze3A_346 = vector.extract %slice3A_345[0] : i32 from vector<1xi32>
    %dma_start3A_347 = arith.constant 12 : i32
    %dma_start3A_348 = arith.constant 0 : i32
    %dma_start3A_349 = tpu.memref_slice %arg8[%dma_start3A_347, %dma_start3A_348] : memref<16x768xf32, #tpu.memory_space<vmem>> -> memref<1x768xf32, #tpu.memory_space<vmem>>
    %dma_start3A_350 = arith.constant 0 : i32
    %dma_start3A_351 = tpu.memref_slice %arg6[%squeeze3A_346, %dma_start3A_350] : memref<1024x768xf32, #tpu.memory_space<vmem_shared>> -> memref<1x768xf32, #tpu.memory_space<vmem_shared>>
    %dma_start3A_352 = arith.constant 12 : i32
    %dma_start3A_353 = arith.constant 0 : i32
    %dma_start3A_354 = tpu.memref_slice %arg8[%dma_start3A_352, %dma_start3A_353] : memref<16x768xf32, #tpu.memory_space<vmem>> -> memref<1x768xf32, #tpu.memory_space<vmem>>
    %dma_start3A_355 = arith.constant 0 : i32
    %dma_start3A_356 = tpu.memref_slice %arg6[%squeeze3A_346, %dma_start3A_355] : memref<1024x768xf32, #tpu.memory_space<vmem_shared>> -> memref<1x768xf32, #tpu.memory_space<vmem_shared>>
    tpu.enqueue_dma source(%dma_start3A_356 : memref<1x768xf32, #tpu.memory_space<vmem_shared>>) target(%dma_start3A_354 : memref<1x768xf32, #tpu.memory_space<vmem>>) target_semaphore(%arg12 : memref<!tpu.dma_semaphore, #tpu.memory_space<semaphore_mem>>)
    %slice3A_357 = vector.extract_strided_slice %get3A_200 {offsets = [13], sizes = [1], strides = [1]} : vector<16xi32> to vector<1xi32>
    %squeeze3A_358 = vector.extract %slice3A_357[0] : i32 from vector<1xi32>
    %dma_start3A_359 = arith.constant 13 : i32
    %dma_start3A_360 = arith.constant 0 : i32
    %dma_start3A_361 = tpu.memref_slice %arg8[%dma_start3A_359, %dma_start3A_360] : memref<16x768xf32, #tpu.memory_space<vmem>> -> memref<1x768xf32, #tpu.memory_space<vmem>>
    %dma_start3A_362 = arith.constant 0 : i32
    %dma_start3A_363 = tpu.memref_slice %arg6[%squeeze3A_358, %dma_start3A_362] : memref<1024x768xf32, #tpu.memory_space<vmem_shared>> -> memref<1x768xf32, #tpu.memory_space<vmem_shared>>
    %dma_start3A_364 = arith.constant 13 : i32
    %dma_start3A_365 = arith.constant 0 : i32
    %dma_start3A_366 = tpu.memref_slice %arg8[%dma_start3A_364, %dma_start3A_365] : memref<16x768xf32, #tpu.memory_space<vmem>> -> memref<1x768xf32, #tpu.memory_space<vmem>>
    %dma_start3A_367 = arith.constant 0 : i32
    %dma_start3A_368 = tpu.memref_slice %arg6[%squeeze3A_358, %dma_start3A_367] : memref<1024x768xf32, #tpu.memory_space<vmem_shared>> -> memref<1x768xf32, #tpu.memory_space<vmem_shared>>
    tpu.enqueue_dma source(%dma_start3A_368 : memref<1x768xf32, #tpu.memory_space<vmem_shared>>) target(%dma_start3A_366 : memref<1x768xf32, #tpu.memory_space<vmem>>) target_semaphore(%arg12 : memref<!tpu.dma_semaphore, #tpu.memory_space<semaphore_mem>>)
    %slice3A_369 = vector.extract_strided_slice %get3A_200 {offsets = [14], sizes = [1], strides = [1]} : vector<16xi32> to vector<1xi32>
    %squeeze3A_370 = vector.extract %slice3A_369[0] : i32 from vector<1xi32>
    %dma_start3A_371 = arith.constant 14 : i32
    %dma_start3A_372 = arith.constant 0 : i32
    %dma_start3A_373 = tpu.memref_slice %arg8[%dma_start3A_371, %dma_start3A_372] : memref<16x768xf32, #tpu.memory_space<vmem>> -> memref<1x768xf32, #tpu.memory_space<vmem>>
    %dma_start3A_374 = arith.constant 0 : i32
    %dma_start3A_375 = tpu.memref_slice %arg6[%squeeze3A_370, %dma_start3A_374] : memref<1024x768xf32, #tpu.memory_space<vmem_shared>> -> memref<1x768xf32, #tpu.memory_space<vmem_shared>>
    %dma_start3A_376 = arith.constant 14 : i32
    %dma_start3A_377 = arith.constant 0 : i32
    %dma_start3A_378 = tpu.memref_slice %arg8[%dma_start3A_376, %dma_start3A_377] : memref<16x768xf32, #tpu.memory_space<vmem>> -> memref<1x768xf32, #tpu.memory_space<vmem>>
    %dma_start3A_379 = arith.constant 0 : i32
    %dma_start3A_380 = tpu.memref_slice %arg6[%squeeze3A_370, %dma_start3A_379] : memref<1024x768xf32, #tpu.memory_space<vmem_shared>> -> memref<1x768xf32, #tpu.memory_space<vmem_shared>>
    tpu.enqueue_dma source(%dma_start3A_380 : memref<1x768xf32, #tpu.memory_space<vmem_shared>>) target(%dma_start3A_378 : memref<1x768xf32, #tpu.memory_space<vmem>>) target_semaphore(%arg12 : memref<!tpu.dma_semaphore, #tpu.memory_space<semaphore_mem>>)
    %slice3A_381 = vector.extract_strided_slice %get3A_200 {offsets = [15], sizes = [1], strides = [1]} : vector<16xi32> to vector<1xi32>
    %squeeze3A_382 = vector.extract %slice3A_381[0] : i32 from vector<1xi32>
    %dma_start3A_383 = arith.constant 15 : i32
    %dma_start3A_384 = arith.constant 0 : i32
    %dma_start3A_385 = tpu.memref_slice %arg8[%dma_start3A_383, %dma_start3A_384] : memref<16x768xf32, #tpu.memory_space<vmem>> -> memref<1x768xf32, #tpu.memory_space<vmem>>
    %dma_start3A_386 = arith.constant 0 : i32
    %dma_start3A_387 = tpu.memref_slice %arg6[%squeeze3A_382, %dma_start3A_386] : memref<1024x768xf32, #tpu.memory_space<vmem_shared>> -> memref<1x768xf32, #tpu.memory_space<vmem_shared>>
    %dma_start3A_388 = arith.constant 15 : i32
    %dma_start3A_389 = arith.constant 0 : i32
    %dma_start3A_390 = tpu.memref_slice %arg8[%dma_start3A_388, %dma_start3A_389] : memref<16x768xf32, #tpu.memory_space<vmem>> -> memref<1x768xf32, #tpu.memory_space<vmem>>
    %dma_start3A_391 = arith.constant 0 : i32
    %dma_start3A_392 = tpu.memref_slice %arg6[%squeeze3A_382, %dma_start3A_391] : memref<1024x768xf32, #tpu.memory_space<vmem_shared>> -> memref<1x768xf32, #tpu.memory_space<vmem_shared>>
    tpu.enqueue_dma source(%dma_start3A_392 : memref<1x768xf32, #tpu.memory_space<vmem_shared>>) target(%dma_start3A_390 : memref<1x768xf32, #tpu.memory_space<vmem>>) target_semaphore(%arg12 : memref<!tpu.dma_semaphore, #tpu.memory_space<semaphore_mem>>)
    %scan3A = arith.constant 0 : i32
    %scan3A_393 = arith.constant 0 : i32
    %scan3A_394 = arith.constant 32 : i32
    %scan3A_395 = arith.addi %scan3A_393, %scan3A_394 : i32
    %scan3A_396 = arith.constant 1 : i32
    scf.for %scan3A_405 = %scan3A_393 to %scan3A_395 step %scan3A_396  : i32 {
      %mul3A_406 = arith.constant 4 : i32
      %mul3A_407 = arith.muli %scan3A_405, %mul3A_406 : i32
      %add3A_408 = arith.constant 0 : i32
      %add3A_409 = arith.addi %mul3A_407, %add3A_408 : i32
      %dma_wait3A_410 = arith.constant 0 : i32
      %dma_wait3A_411 = arith.constant 0 : i32
      %dma_wait3A_412 = tpu.memref_slice %arg6[%dma_wait3A_410, %dma_wait3A_411] : memref<1024x768xf32, #tpu.memory_space<vmem_shared>> -> memref<16x768xf32, #tpu.memory_space<vmem_shared>>
      %dma_wait3A_413 = arith.constant 0 : i32
      %dma_wait3A_414 = arith.constant 0 : i32
      %dma_wait3A_415 = tpu.memref_slice %arg6[%dma_wait3A_413, %dma_wait3A_414] : memref<1024x768xf32, #tpu.memory_space<vmem_shared>> -> memref<16x768xf32, #tpu.memory_space<vmem_shared>>
      tpu.wait_dma2 semaphore(%arg11 : memref<!tpu.dma_semaphore, #tpu.memory_space<semaphore_mem>>) src(%dma_wait3A_415 : memref<16x768xf32, #tpu.memory_space<vmem_shared>>) dst(%arg7 : memref<16x768xf32, #tpu.memory_space<vmem>>)
      %mul3A_416 = arith.constant 16 : i32
      %mul3A_417 = arith.muli %add3A_409, %mul3A_416 : i32
      %add3A_418 = arith.addi %mul3A_2, %mul3A_417 : i32
      %dma_start3A_419 = arith.constant 0 : i32
      %dma_start3A_420 = tpu.memref_slice %arg4[%add3A_418, %dma_start3A_419] : memref<65536x768xf32, #tpu.memory_space<hbm>> -> memref<16x768xf32, #tpu.memory_space<hbm>>
      %dma_start3A_421 = arith.constant 0 : i32
      %dma_start3A_422 = tpu.memref_slice %arg4[%add3A_418, %dma_start3A_421] : memref<65536x768xf32, #tpu.memory_space<hbm>> -> memref<16x768xf32, #tpu.memory_space<hbm>>
      tpu.enqueue_dma source(%arg7 : memref<16x768xf32, #tpu.memory_space<vmem>>) target(%dma_start3A_422 : memref<16x768xf32, #tpu.memory_space<hbm>>) target_semaphore(%arg15 : memref<!tpu.dma_semaphore, #tpu.memory_space<semaphore_mem>>)
      %ge3A = arith.constant 2 : i32
      %ge3A_423 = arith.cmpi sge, %add3A_409, %ge3A : i32
      %convert_element_type3A = arith.extui %ge3A_423 : i1 to i32
      %cond3A = arith.constant 0 : i32
      %cond3A_424 = arith.cmpi ne, %convert_element_type3A, %cond3A : i32
      scf.if %cond3A_424 {
        %dma_wait3A_525 = arith.constant 0 : i32
        %dma_wait3A_526 = tpu.memref_slice %arg4[%mul3A_2, %dma_wait3A_525] : memref<65536x768xf32, #tpu.memory_space<hbm>> -> memref<16x768xf32, #tpu.memory_space<hbm>>
        %dma_wait3A_527 = arith.constant 0 : i32
        %dma_wait3A_528 = tpu.memref_slice %arg4[%mul3A_2, %dma_wait3A_527] : memref<65536x768xf32, #tpu.memory_space<hbm>> -> memref<16x768xf32, #tpu.memory_space<hbm>>
        tpu.wait_dma2 semaphore(%arg17 : memref<!tpu.dma_semaphore, #tpu.memory_space<semaphore_mem>>) src(%arg9 : memref<16x768xf32, #tpu.memory_space<vmem>>) dst(%dma_wait3A_528 : memref<16x768xf32, #tpu.memory_space<hbm>>)
      } else {
      }
      %sub3A = arith.constant 2 : i32
      %sub3A_425 = arith.subi %add3A_409, %sub3A : i32
      %add3A_426 = arith.constant 4 : i32
      %add3A_427 = arith.addi %sub3A_425, %add3A_426 : i32
      %lt3A = arith.constant 128 : i32
      %lt3A_428 = arith.cmpi slt, %add3A_427, %lt3A : i32
      %convert_element_type3A_429 = arith.extui %lt3A_428 : i1 to i32
      %cond3A_430 = arith.constant 0 : i32
      %cond3A_431 = arith.cmpi ne, %convert_element_type3A_429, %cond3A_430 : i32
      scf.if %cond3A_431 {
        %sub3A_525 = arith.constant 2 : i32
        %sub3A_526 = arith.subi %add3A_409, %sub3A_525 : i32
        %add3A_527 = arith.constant 4 : i32
        %add3A_528 = arith.addi %sub3A_526, %add3A_527 : i32
        %mul3A_529 = arith.constant 16 : i32
        %mul3A_530 = arith.muli %add3A_528, %mul3A_529 : i32
        %add3A_531 = arith.constant 0 : i32
        %add3A_532 = arith.addi %mul3A_530, %add3A_531 : i32
        %get3A_533 = arith.index_cast %add3A_532 : i32 to index
        %get3A_534 = tpu.vector_load %arg5[%get3A_533] {strides = array<i32>} : memref<2048xi32, #tpu.memory_space<vmem>>, vector<16xi32>,
        %get3A_535 = vector.shape_cast %get3A_534 : vector<16xi32> to vector<16xi32>
        %slice3A_536 = vector.extract_strided_slice %get3A_535 {offsets = [0], sizes = [1], strides = [1]} : vector<16xi32> to vector<1xi32>
        %squeeze3A_537 = vector.extract %slice3A_536[0] : i32 from vector<1xi32>
        %dma_start3A_538 = arith.constant 0 : i32
        %dma_start3A_539 = arith.constant 0 : i32
        %dma_start3A_540 = tpu.memref_slice %arg9[%dma_start3A_538, %dma_start3A_539] : memref<16x768xf32, #tpu.memory_space<vmem>> -> memref<1x768xf32, #tpu.memory_space<vmem>>
        %dma_start3A_541 = arith.constant 0 : i32
        %dma_start3A_542 = tpu.memref_slice %arg6[%squeeze3A_537, %dma_start3A_541] : memref<1024x768xf32, #tpu.memory_space<vmem_shared>> -> memref<1x768xf32, #tpu.memory_space<vmem_shared>>
        %dma_start3A_543 = arith.constant 0 : i32
        %dma_start3A_544 = arith.constant 0 : i32
        %dma_start3A_545 = tpu.memref_slice %arg9[%dma_start3A_543, %dma_start3A_544] : memref<16x768xf32, #tpu.memory_space<vmem>> -> memref<1x768xf32, #tpu.memory_space<vmem>>
        %dma_start3A_546 = arith.constant 0 : i32
        %dma_start3A_547 = tpu.memref_slice %arg6[%squeeze3A_537, %dma_start3A_546] : memref<1024x768xf32, #tpu.memory_space<vmem_shared>> -> memref<1x768xf32, #tpu.memory_space<vmem_shared>>
        tpu.enqueue_dma source(%dma_start3A_547 : memref<1x768xf32, #tpu.memory_space<vmem_shared>>) target(%dma_start3A_545 : memref<1x768xf32, #tpu.memory_space<vmem>>) target_semaphore(%arg13 : memref<!tpu.dma_semaphore, #tpu.memory_space<semaphore_mem>>)
        %slice3A_548 = vector.extract_strided_slice %get3A_535 {offsets = [1], sizes = [1], strides = [1]} : vector<16xi32> to vector<1xi32>
        %squeeze3A_549 = vector.extract %slice3A_548[0] : i32 from vector<1xi32>
        %dma_start3A_550 = arith.constant 1 : i32
        %dma_start3A_551 = arith.constant 0 : i32
        %dma_start3A_552 = tpu.memref_slice %arg9[%dma_start3A_550, %dma_start3A_551] : memref<16x768xf32, #tpu.memory_space<vmem>> -> memref<1x768xf32, #tpu.memory_space<vmem>>
        %dma_start3A_553 = arith.constant 0 : i32
        %dma_start3A_554 = tpu.memref_slice %arg6[%squeeze3A_549, %dma_start3A_553] : memref<1024x768xf32, #tpu.memory_space<vmem_shared>> -> memref<1x768xf32, #tpu.memory_space<vmem_shared>>
        %dma_start3A_555 = arith.constant 1 : i32
        %dma_start3A_556 = arith.constant 0 : i32
        %dma_start3A_557 = tpu.memref_slice %arg9[%dma_start3A_555, %dma_start3A_556] : memref<16x768xf32, #tpu.memory_space<vmem>> -> memref<1x768xf32, #tpu.memory_space<vmem>>
        %dma_start3A_558 = arith.constant 0 : i32
        %dma_start3A_559 = tpu.memref_slice %arg6[%squeeze3A_549, %dma_start3A_558] : memref<1024x768xf32, #tpu.memory_space<vmem_shared>> -> memref<1x768xf32, #tpu.memory_space<vmem_shared>>
        tpu.enqueue_dma source(%dma_start3A_559 : memref<1x768xf32, #tpu.memory_space<vmem_shared>>) target(%dma_start3A_557 : memref<1x768xf32, #tpu.memory_space<vmem>>) target_semaphore(%arg13 : memref<!tpu.dma_semaphore, #tpu.memory_space<semaphore_mem>>)
        %slice3A_560 = vector.extract_strided_slice %get3A_535 {offsets = [2], sizes = [1], strides = [1]} : vector<16xi32> to vector<1xi32>
        %squeeze3A_561 = vector.extract %slice3A_560[0] : i32 from vector<1xi32>
        %dma_start3A_562 = arith.constant 2 : i32
        %dma_start3A_563 = arith.constant 0 : i32
        %dma_start3A_564 = tpu.memref_slice %arg9[%dma_start3A_562, %dma_start3A_563] : memref<16x768xf32, #tpu.memory_space<vmem>> -> memref<1x768xf32, #tpu.memory_space<vmem>>
        %dma_start3A_565 = arith.constant 0 : i32
        %dma_start3A_566 = tpu.memref_slice %arg6[%squeeze3A_561, %dma_start3A_565] : memref<1024x768xf32, #tpu.memory_space<vmem_shared>> -> memref<1x768xf32, #tpu.memory_space<vmem_shared>>
        %dma_start3A_567 = arith.constant 2 : i32
        %dma_start3A_568 = arith.constant 0 : i32
        %dma_start3A_569 = tpu.memref_slice %arg9[%dma_start3A_567, %dma_start3A_568] : memref<16x768xf32, #tpu.memory_space<vmem>> -> memref<1x768xf32, #tpu.memory_space<vmem>>
        %dma_start3A_570 = arith.constant 0 : i32
        %dma_start3A_571 = tpu.memref_slice %arg6[%squeeze3A_561, %dma_start3A_570] : memref<1024x768xf32, #tpu.memory_space<vmem_shared>> -> memref<1x768xf32, #tpu.memory_space<vmem_shared>>
        tpu.enqueue_dma source(%dma_start3A_571 : memref<1x768xf32, #tpu.memory_space<vmem_shared>>) target(%dma_start3A_569 : memref<1x768xf32, #tpu.memory_space<vmem>>) target_semaphore(%arg13 : memref<!tpu.dma_semaphore, #tpu.memory_space<semaphore_mem>>)
        %slice3A_572 = vector.extract_strided_slice %get3A_535 {offsets = [3], sizes = [1], strides = [1]} : vector<16xi32> to vector<1xi32>
        %squeeze3A_573 = vector.extract %slice3A_572[0] : i32 from vector<1xi32>
        %dma_start3A_574 = arith.constant 3 : i32
        %dma_start3A_575 = arith.constant 0 : i32
        %dma_start3A_576 = tpu.memref_slice %arg9[%dma_start3A_574, %dma_start3A_575] : memref<16x768xf32, #tpu.memory_space<vmem>> -> memref<1x768xf32, #tpu.memory_space<vmem>>
        %dma_start3A_577 = arith.constant 0 : i32
        %dma_start3A_578 = tpu.memref_slice %arg6[%squeeze3A_573, %dma_start3A_577] : memref<1024x768xf32, #tpu.memory_space<vmem_shared>> -> memref<1x768xf32, #tpu.memory_space<vmem_shared>>
        %dma_start3A_579 = arith.constant 3 : i32
        %dma_start3A_580 = arith.constant 0 : i32
        %dma_start3A_581 = tpu.memref_slice %arg9[%dma_start3A_579, %dma_start3A_580] : memref<16x768xf32, #tpu.memory_space<vmem>> -> memref<1x768xf32, #tpu.memory_space<vmem>>
        %dma_start3A_582 = arith.constant 0 : i32
        %dma_start3A_583 = tpu.memref_slice %arg6[%squeeze3A_573, %dma_start3A_582] : memref<1024x768xf32, #tpu.memory_space<vmem_shared>> -> memref<1x768xf32, #tpu.memory_space<vmem_shared>>
        tpu.enqueue_dma source(%dma_start3A_583 : memref<1x768xf32, #tpu.memory_space<vmem_shared>>) target(%dma_start3A_581 : memref<1x768xf32, #tpu.memory_space<vmem>>) target_semaphore(%arg13 : memref<!tpu.dma_semaphore, #tpu.memory_space<semaphore_mem>>)
        %slice3A_584 = vector.extract_strided_slice %get3A_535 {offsets = [4], sizes = [1], strides = [1]} : vector<16xi32> to vector<1xi32>
        %squeeze3A_585 = vector.extract %slice3A_584[0] : i32 from vector<1xi32>
        %dma_start3A_586 = arith.constant 4 : i32
        %dma_start3A_587 = arith.constant 0 : i32
        %dma_start3A_588 = tpu.memref_slice %arg9[%dma_start3A_586, %dma_start3A_587] : memref<16x768xf32, #tpu.memory_space<vmem>> -> memref<1x768xf32, #tpu.memory_space<vmem>>
        %dma_start3A_589 = arith.constant 0 : i32
        %dma_start3A_590 = tpu.memref_slice %arg6[%squeeze3A_585, %dma_start3A_589] : memref<1024x768xf32, #tpu.memory_space<vmem_shared>> -> memref<1x768xf32, #tpu.memory_space<vmem_shared>>
        %dma_start3A_591 = arith.constant 4 : i32
        %dma_start3A_592 = arith.constant 0 : i32
        %dma_start3A_593 = tpu.memref_slice %arg9[%dma_start3A_591, %dma_start3A_592] : memref<16x768xf32, #tpu.memory_space<vmem>> -> memref<1x768xf32, #tpu.memory_space<vmem>>
        %dma_start3A_594 = arith.constant 0 : i32
        %dma_start3A_595 = tpu.memref_slice %arg6[%squeeze3A_585, %dma_start3A_594] : memref<1024x768xf32, #tpu.memory_space<vmem_shared>> -> memref<1x768xf32, #tpu.memory_space<vmem_shared>>
        tpu.enqueue_dma source(%dma_start3A_595 : memref<1x768xf32, #tpu.memory_space<vmem_shared>>) target(%dma_start3A_593 : memref<1x768xf32, #tpu.memory_space<vmem>>) target_semaphore(%arg13 : memref<!tpu.dma_semaphore, #tpu.memory_space<semaphore_mem>>)
        %slice3A_596 = vector.extract_strided_slice %get3A_535 {offsets = [5], sizes = [1], strides = [1]} : vector<16xi32> to vector<1xi32>
        %squeeze3A_597 = vector.extract %slice3A_596[0] : i32 from vector<1xi32>
        %dma_start3A_598 = arith.constant 5 : i32
        %dma_start3A_599 = arith.constant 0 : i32
        %dma_start3A_600 = tpu.memref_slice %arg9[%dma_start3A_598, %dma_start3A_599] : memref<16x768xf32, #tpu.memory_space<vmem>> -> memref<1x768xf32, #tpu.memory_space<vmem>>
        %dma_start3A_601 = arith.constant 0 : i32
        %dma_start3A_602 = tpu.memref_slice %arg6[%squeeze3A_597, %dma_start3A_601] : memref<1024x768xf32, #tpu.memory_space<vmem_shared>> -> memref<1x768xf32, #tpu.memory_space<vmem_shared>>
        %dma_start3A_603 = arith.constant 5 : i32
        %dma_start3A_604 = arith.constant 0 : i32
        %dma_start3A_605 = tpu.memref_slice %arg9[%dma_start3A_603, %dma_start3A_604] : memref<16x768xf32, #tpu.memory_space<vmem>> -> memref<1x768xf32, #tpu.memory_space<vmem>>
        %dma_start3A_606 = arith.constant 0 : i32
        %dma_start3A_607 = tpu.memref_slice %arg6[%squeeze3A_597, %dma_start3A_606] : memref<1024x768xf32, #tpu.memory_space<vmem_shared>> -> memref<1x768xf32, #tpu.memory_space<vmem_shared>>
        tpu.enqueue_dma source(%dma_start3A_607 : memref<1x768xf32, #tpu.memory_space<vmem_shared>>) target(%dma_start3A_605 : memref<1x768xf32, #tpu.memory_space<vmem>>) target_semaphore(%arg13 : memref<!tpu.dma_semaphore, #tpu.memory_space<semaphore_mem>>)
        %slice3A_608 = vector.extract_strided_slice %get3A_535 {offsets = [6], sizes = [1], strides = [1]} : vector<16xi32> to vector<1xi32>
        %squeeze3A_609 = vector.extract %slice3A_608[0] : i32 from vector<1xi32>
        %dma_start3A_610 = arith.constant 6 : i32
        %dma_start3A_611 = arith.constant 0 : i32
        %dma_start3A_612 = tpu.memref_slice %arg9[%dma_start3A_610, %dma_start3A_611] : memref<16x768xf32, #tpu.memory_space<vmem>> -> memref<1x768xf32, #tpu.memory_space<vmem>>
        %dma_start3A_613 = arith.constant 0 : i32
        %dma_start3A_614 = tpu.memref_slice %arg6[%squeeze3A_609, %dma_start3A_613] : memref<1024x768xf32, #tpu.memory_space<vmem_shared>> -> memref<1x768xf32, #tpu.memory_space<vmem_shared>>
        %dma_start3A_615 = arith.constant 6 : i32
        %dma_start3A_616 = arith.constant 0 : i32
        %dma_start3A_617 = tpu.memref_slice %arg9[%dma_start3A_615, %dma_start3A_616] : memref<16x768xf32, #tpu.memory_space<vmem>> -> memref<1x768xf32, #tpu.memory_space<vmem>>
        %dma_start3A_618 = arith.constant 0 : i32
        %dma_start3A_619 = tpu.memref_slice %arg6[%squeeze3A_609, %dma_start3A_618] : memref<1024x768xf32, #tpu.memory_space<vmem_shared>> -> memref<1x768xf32, #tpu.memory_space<vmem_shared>>
        tpu.enqueue_dma source(%dma_start3A_619 : memref<1x768xf32, #tpu.memory_space<vmem_shared>>) target(%dma_start3A_617 : memref<1x768xf32, #tpu.memory_space<vmem>>) target_semaphore(%arg13 : memref<!tpu.dma_semaphore, #tpu.memory_space<semaphore_mem>>)
        %slice3A_620 = vector.extract_strided_slice %get3A_535 {offsets = [7], sizes = [1], strides = [1]} : vector<16xi32> to vector<1xi32>
        %squeeze3A_621 = vector.extract %slice3A_620[0] : i32 from vector<1xi32>
        %dma_start3A_622 = arith.constant 7 : i32
        %dma_start3A_623 = arith.constant 0 : i32
        %dma_start3A_624 = tpu.memref_slice %arg9[%dma_start3A_622, %dma_start3A_623] : memref<16x768xf32, #tpu.memory_space<vmem>> -> memref<1x768xf32, #tpu.memory_space<vmem>>
        %dma_start3A_625 = arith.constant 0 : i32
        %dma_start3A_626 = tpu.memref_slice %arg6[%squeeze3A_621, %dma_start3A_625] : memref<1024x768xf32, #tpu.memory_space<vmem_shared>> -> memref<1x768xf32, #tpu.memory_space<vmem_shared>>
        %dma_start3A_627 = arith.constant 7 : i32
        %dma_start3A_628 = arith.constant 0 : i32
        %dma_start3A_629 = tpu.memref_slice %arg9[%dma_start3A_627, %dma_start3A_628] : memref<16x768xf32, #tpu.memory_space<vmem>> -> memref<1x768xf32, #tpu.memory_space<vmem>>
        %dma_start3A_630 = arith.constant 0 : i32
        %dma_start3A_631 = tpu.memref_slice %arg6[%squeeze3A_621, %dma_start3A_630] : memref<1024x768xf32, #tpu.memory_space<vmem_shared>> -> memref<1x768xf32, #tpu.memory_space<vmem_shared>>
        tpu.enqueue_dma source(%dma_start3A_631 : memref<1x768xf32, #tpu.memory_space<vmem_shared>>) target(%dma_start3A_629 : memref<1x768xf32, #tpu.memory_space<vmem>>) target_semaphore(%arg13 : memref<!tpu.dma_semaphore, #tpu.memory_space<semaphore_mem>>)
        %slice3A_632 = vector.extract_strided_slice %get3A_535 {offsets = [8], sizes = [1], strides = [1]} : vector<16xi32> to vector<1xi32>
        %squeeze3A_633 = vector.extract %slice3A_632[0] : i32 from vector<1xi32>
        %dma_start3A_634 = arith.constant 8 : i32
        %dma_start3A_635 = arith.constant 0 : i32
        %dma_start3A_636 = tpu.memref_slice %arg9[%dma_start3A_634, %dma_start3A_635] : memref<16x768xf32, #tpu.memory_space<vmem>> -> memref<1x768xf32, #tpu.memory_space<vmem>>
        %dma_start3A_637 = arith.constant 0 : i32
        %dma_start3A_638 = tpu.memref_slice %arg6[%squeeze3A_633, %dma_start3A_637] : memref<1024x768xf32, #tpu.memory_space<vmem_shared>> -> memref<1x768xf32, #tpu.memory_space<vmem_shared>>
        %dma_start3A_639 = arith.constant 8 : i32
        %dma_start3A_640 = arith.constant 0 : i32
        %dma_start3A_641 = tpu.memref_slice %arg9[%dma_start3A_639, %dma_start3A_640] : memref<16x768xf32, #tpu.memory_space<vmem>> -> memref<1x768xf32, #tpu.memory_space<vmem>>
        %dma_start3A_642 = arith.constant 0 : i32
        %dma_start3A_643 = tpu.memref_slice %arg6[%squeeze3A_633, %dma_start3A_642] : memref<1024x768xf32, #tpu.memory_space<vmem_shared>> -> memref<1x768xf32, #tpu.memory_space<vmem_shared>>
        tpu.enqueue_dma source(%dma_start3A_643 : memref<1x768xf32, #tpu.memory_space<vmem_shared>>) target(%dma_start3A_641 : memref<1x768xf32, #tpu.memory_space<vmem>>) target_semaphore(%arg13 : memref<!tpu.dma_semaphore, #tpu.memory_space<semaphore_mem>>)
        %slice3A_644 = vector.extract_strided_slice %get3A_535 {offsets = [9], sizes = [1], strides = [1]} : vector<16xi32> to vector<1xi32>
        %squeeze3A_645 = vector.extract %slice3A_644[0] : i32 from vector<1xi32>
        %dma_start3A_646 = arith.constant 9 : i32
        %dma_start3A_647 = arith.constant 0 : i32
        %dma_start3A_648 = tpu.memref_slice %arg9[%dma_start3A_646, %dma_start3A_647] : memref<16x768xf32, #tpu.memory_space<vmem>> -> memref<1x768xf32, #tpu.memory_space<vmem>>
        %dma_start3A_649 = arith.constant 0 : i32
        %dma_start3A_650 = tpu.memref_slice %arg6[%squeeze3A_645, %dma_start3A_649] : memref<1024x768xf32, #tpu.memory_space<vmem_shared>> -> memref<1x768xf32, #tpu.memory_space<vmem_shared>>
        %dma_start3A_651 = arith.constant 9 : i32
        %dma_start3A_652 = arith.constant 0 : i32
        %dma_start3A_653 = tpu.memref_slice %arg9[%dma_start3A_651, %dma_start3A_652] : memref<16x768xf32, #tpu.memory_space<vmem>> -> memref<1x768xf32, #tpu.memory_space<vmem>>
        %dma_start3A_654 = arith.constant 0 : i32
        %dma_start3A_655 = tpu.memref_slice %arg6[%squeeze3A_645, %dma_start3A_654] : memref<1024x768xf32, #tpu.memory_space<vmem_shared>> -> memref<1x768xf32, #tpu.memory_space<vmem_shared>>
        tpu.enqueue_dma source(%dma_start3A_655 : memref<1x768xf32, #tpu.memory_space<vmem_shared>>) target(%dma_start3A_653 : memref<1x768xf32, #tpu.memory_space<vmem>>) target_semaphore(%arg13 : memref<!tpu.dma_semaphore, #tpu.memory_space<semaphore_mem>>)
        %slice3A_656 = vector.extract_strided_slice %get3A_535 {offsets = [10], sizes = [1], strides = [1]} : vector<16xi32> to vector<1xi32>
        %squeeze3A_657 = vector.extract %slice3A_656[0] : i32 from vector<1xi32>
        %dma_start3A_658 = arith.constant 10 : i32
        %dma_start3A_659 = arith.constant 0 : i32
        %dma_start3A_660 = tpu.memref_slice %arg9[%dma_start3A_658, %dma_start3A_659] : memref<16x768xf32, #tpu.memory_space<vmem>> -> memref<1x768xf32, #tpu.memory_space<vmem>>
        %dma_start3A_661 = arith.constant 0 : i32
        %dma_start3A_662 = tpu.memref_slice %arg6[%squeeze3A_657, %dma_start3A_661] : memref<1024x768xf32, #tpu.memory_space<vmem_shared>> -> memref<1x768xf32, #tpu.memory_space<vmem_shared>>
        %dma_start3A_663 = arith.constant 10 : i32
        %dma_start3A_664 = arith.constant 0 : i32
        %dma_start3A_665 = tpu.memref_slice %arg9[%dma_start3A_663, %dma_start3A_664] : memref<16x768xf32, #tpu.memory_space<vmem>> -> memref<1x768xf32, #tpu.memory_space<vmem>>
        %dma_start3A_666 = arith.constant 0 : i32
        %dma_start3A_667 = tpu.memref_slice %arg6[%squeeze3A_657, %dma_start3A_666] : memref<1024x768xf32, #tpu.memory_space<vmem_shared>> -> memref<1x768xf32, #tpu.memory_space<vmem_shared>>
        tpu.enqueue_dma source(%dma_start3A_667 : memref<1x768xf32, #tpu.memory_space<vmem_shared>>) target(%dma_start3A_665 : memref<1x768xf32, #tpu.memory_space<vmem>>) target_semaphore(%arg13 : memref<!tpu.dma_semaphore, #tpu.memory_space<semaphore_mem>>)
        %slice3A_668 = vector.extract_strided_slice %get3A_535 {offsets = [11], sizes = [1], strides = [1]} : vector<16xi32> to vector<1xi32>
        %squeeze3A_669 = vector.extract %slice3A_668[0] : i32 from vector<1xi32>
        %dma_start3A_670 = arith.constant 11 : i32
        %dma_start3A_671 = arith.constant 0 : i32
        %dma_start3A_672 = tpu.memref_slice %arg9[%dma_start3A_670, %dma_start3A_671] : memref<16x768xf32, #tpu.memory_space<vmem>> -> memref<1x768xf32, #tpu.memory_space<vmem>>
        %dma_start3A_673 = arith.constant 0 : i32
        %dma_start3A_674 = tpu.memref_slice %arg6[%squeeze3A_669, %dma_start3A_673] : memref<1024x768xf32, #tpu.memory_space<vmem_shared>> -> memref<1x768xf32, #tpu.memory_space<vmem_shared>>
        %dma_start3A_675 = arith.constant 11 : i32
        %dma_start3A_676 = arith.constant 0 : i32
        %dma_start3A_677 = tpu.memref_slice %arg9[%dma_start3A_675, %dma_start3A_676] : memref<16x768xf32, #tpu.memory_space<vmem>> -> memref<1x768xf32, #tpu.memory_space<vmem>>
        %dma_start3A_678 = arith.constant 0 : i32
        %dma_start3A_679 = tpu.memref_slice %arg6[%squeeze3A_669, %dma_start3A_678] : memref<1024x768xf32, #tpu.memory_space<vmem_shared>> -> memref<1x768xf32, #tpu.memory_space<vmem_shared>>
        tpu.enqueue_dma source(%dma_start3A_679 : memref<1x768xf32, #tpu.memory_space<vmem_shared>>) target(%dma_start3A_677 : memref<1x768xf32, #tpu.memory_space<vmem>>) target_semaphore(%arg13 : memref<!tpu.dma_semaphore, #tpu.memory_space<semaphore_mem>>)
        %slice3A_680 = vector.extract_strided_slice %get3A_535 {offsets = [12], sizes = [1], strides = [1]} : vector<16xi32> to vector<1xi32>
        %squeeze3A_681 = vector.extract %slice3A_680[0] : i32 from vector<1xi32>
        %dma_start3A_682 = arith.constant 12 : i32
        %dma_start3A_683 = arith.constant 0 : i32
        %dma_start3A_684 = tpu.memref_slice %arg9[%dma_start3A_682, %dma_start3A_683] : memref<16x768xf32, #tpu.memory_space<vmem>> -> memref<1x768xf32, #tpu.memory_space<vmem>>
        %dma_start3A_685 = arith.constant 0 : i32
        %dma_start3A_686 = tpu.memref_slice %arg6[%squeeze3A_681, %dma_start3A_685] : memref<1024x768xf32, #tpu.memory_space<vmem_shared>> -> memref<1x768xf32, #tpu.memory_space<vmem_shared>>
        %dma_start3A_687 = arith.constant 12 : i32
        %dma_start3A_688 = arith.constant 0 : i32
        %dma_start3A_689 = tpu.memref_slice %arg9[%dma_start3A_687, %dma_start3A_688] : memref<16x768xf32, #tpu.memory_space<vmem>> -> memref<1x768xf32, #tpu.memory_space<vmem>>
        %dma_start3A_690 = arith.constant 0 : i32
        %dma_start3A_691 = tpu.memref_slice %arg6[%squeeze3A_681, %dma_start3A_690] : memref<1024x768xf32, #tpu.memory_space<vmem_shared>> -> memref<1x768xf32, #tpu.memory_space<vmem_shared>>
        tpu.enqueue_dma source(%dma_start3A_691 : memref<1x768xf32, #tpu.memory_space<vmem_shared>>) target(%dma_start3A_689 : memref<1x768xf32, #tpu.memory_space<vmem>>) target_semaphore(%arg13 : memref<!tpu.dma_semaphore, #tpu.memory_space<semaphore_mem>>)
        %slice3A_692 = vector.extract_strided_slice %get3A_535 {offsets = [13], sizes = [1], strides = [1]} : vector<16xi32> to vector<1xi32>
        %squeeze3A_693 = vector.extract %slice3A_692[0] : i32 from vector<1xi32>
        %dma_start3A_694 = arith.constant 13 : i32
        %dma_start3A_695 = arith.constant 0 : i32
        %dma_start3A_696 = tpu.memref_slice %arg9[%dma_start3A_694, %dma_start3A_695] : memref<16x768xf32, #tpu.memory_space<vmem>> -> memref<1x768xf32, #tpu.memory_space<vmem>>
        %dma_start3A_697 = arith.constant 0 : i32
        %dma_start3A_698 = tpu.memref_slice %arg6[%squeeze3A_693, %dma_start3A_697] : memref<1024x768xf32, #tpu.memory_space<vmem_shared>> -> memref<1x768xf32, #tpu.memory_space<vmem_shared>>
        %dma_start3A_699 = arith.constant 13 : i32
        %dma_start3A_700 = arith.constant 0 : i32
        %dma_start3A_701 = tpu.memref_slice %arg9[%dma_start3A_699, %dma_start3A_700] : memref<16x768xf32, #tpu.memory_space<vmem>> -> memref<1x768xf32, #tpu.memory_space<vmem>>
        %dma_start3A_702 = arith.constant 0 : i32
        %dma_start3A_703 = tpu.memref_slice %arg6[%squeeze3A_693, %dma_start3A_702] : memref<1024x768xf32, #tpu.memory_space<vmem_shared>> -> memref<1x768xf32, #tpu.memory_space<vmem_shared>>
        tpu.enqueue_dma source(%dma_start3A_703 : memref<1x768xf32, #tpu.memory_space<vmem_shared>>) target(%dma_start3A_701 : memref<1x768xf32, #tpu.memory_space<vmem>>) target_semaphore(%arg13 : memref<!tpu.dma_semaphore, #tpu.memory_space<semaphore_mem>>)
        %slice3A_704 = vector.extract_strided_slice %get3A_535 {offsets = [14], sizes = [1], strides = [1]} : vector<16xi32> to vector<1xi32>
        %squeeze3A_705 = vector.extract %slice3A_704[0] : i32 from vector<1xi32>
        %dma_start3A_706 = arith.constant 14 : i32
        %dma_start3A_707 = arith.constant 0 : i32
        %dma_start3A_708 = tpu.memref_slice %arg9[%dma_start3A_706, %dma_start3A_707] : memref<16x768xf32, #tpu.memory_space<vmem>> -> memref<1x768xf32, #tpu.memory_space<vmem>>
        %dma_start3A_709 = arith.constant 0 : i32
        %dma_start3A_710 = tpu.memref_slice %arg6[%squeeze3A_705, %dma_start3A_709] : memref<1024x768xf32, #tpu.memory_space<vmem_shared>> -> memref<1x768xf32, #tpu.memory_space<vmem_shared>>
        %dma_start3A_711 = arith.constant 14 : i32
        %dma_start3A_712 = arith.constant 0 : i32
        %dma_start3A_713 = tpu.memref_slice %arg9[%dma_start3A_711, %dma_start3A_712] : memref<16x768xf32, #tpu.memory_space<vmem>> -> memref<1x768xf32, #tpu.memory_space<vmem>>
        %dma_start3A_714 = arith.constant 0 : i32
        %dma_start3A_715 = tpu.memref_slice %arg6[%squeeze3A_705, %dma_start3A_714] : memref<1024x768xf32, #tpu.memory_space<vmem_shared>> -> memref<1x768xf32, #tpu.memory_space<vmem_shared>>
        tpu.enqueue_dma source(%dma_start3A_715 : memref<1x768xf32, #tpu.memory_space<vmem_shared>>) target(%dma_start3A_713 : memref<1x768xf32, #tpu.memory_space<vmem>>) target_semaphore(%arg13 : memref<!tpu.dma_semaphore, #tpu.memory_space<semaphore_mem>>)
        %slice3A_716 = vector.extract_strided_slice %get3A_535 {offsets = [15], sizes = [1], strides = [1]} : vector<16xi32> to vector<1xi32>
        %squeeze3A_717 = vector.extract %slice3A_716[0] : i32 from vector<1xi32>
        %dma_start3A_718 = arith.constant 15 : i32
        %dma_start3A_719 = arith.constant 0 : i32
        %dma_start3A_720 = tpu.memref_slice %arg9[%dma_start3A_718, %dma_start3A_719] : memref<16x768xf32, #tpu.memory_space<vmem>> -> memref<1x768xf32, #tpu.memory_space<vmem>>
        %dma_start3A_721 = arith.constant 0 : i32
        %dma_start3A_722 = tpu.memref_slice %arg6[%squeeze3A_717, %dma_start3A_721] : memref<1024x768xf32, #tpu.memory_space<vmem_shared>> -> memref<1x768xf32, #tpu.memory_space<vmem_shared>>
        %dma_start3A_723 = arith.constant 15 : i32
        %dma_start3A_724 = arith.constant 0 : i32
        %dma_start3A_725 = tpu.memref_slice %arg9[%dma_start3A_723, %dma_start3A_724] : memref<16x768xf32, #tpu.memory_space<vmem>> -> memref<1x768xf32, #tpu.memory_space<vmem>>
        %dma_start3A_726 = arith.constant 0 : i32
        %dma_start3A_727 = tpu.memref_slice %arg6[%squeeze3A_717, %dma_start3A_726] : memref<1024x768xf32, #tpu.memory_space<vmem_shared>> -> memref<1x768xf32, #tpu.memory_space<vmem_shared>>
        tpu.enqueue_dma source(%dma_start3A_727 : memref<1x768xf32, #tpu.memory_space<vmem_shared>>) target(%dma_start3A_725 : memref<1x768xf32, #tpu.memory_space<vmem>>) target_semaphore(%arg13 : memref<!tpu.dma_semaphore, #tpu.memory_space<semaphore_mem>>)
      } else {
      }
      %mul3A_432 = arith.constant 4 : i32
      %mul3A_433 = arith.muli %scan3A_405, %mul3A_432 : i32
      %add3A_434 = arith.constant 1 : i32
      %add3A_435 = arith.addi %mul3A_433, %add3A_434 : i32
      %dma_wait3A_436 = arith.constant 0 : i32
      %dma_wait3A_437 = arith.constant 0 : i32
      %dma_wait3A_438 = tpu.memref_slice %arg6[%dma_wait3A_436, %dma_wait3A_437] : memref<1024x768xf32, #tpu.memory_space<vmem_shared>> -> memref<16x768xf32, #tpu.memory_space<vmem_shared>>
      %dma_wait3A_439 = arith.constant 0 : i32
      %dma_wait3A_440 = arith.constant 0 : i32
      %dma_wait3A_441 = tpu.memref_slice %arg6[%dma_wait3A_439, %dma_wait3A_440] : memref<1024x768xf32, #tpu.memory_space<vmem_shared>> -> memref<16x768xf32, #tpu.memory_space<vmem_shared>>
      tpu.wait_dma2 semaphore(%arg12 : memref<!tpu.dma_semaphore, #tpu.memory_space<semaphore_mem>>) src(%dma_wait3A_441 : memref<16x768xf32, #tpu.memory_space<vmem_shared>>) dst(%arg8 : memref<16x768xf32, #tpu.memory_space<vmem>>)
      %mul3A_442 = arith.constant 16 : i32
      %mul3A_443 = arith.muli %add3A_435, %mul3A_442 : i32
      %add3A_444 = arith.addi %mul3A_2, %mul3A_443 : i32
      %dma_start3A_445 = arith.constant 0 : i32
      %dma_start3A_446 = tpu.memref_slice %arg4[%add3A_444, %dma_start3A_445] : memref<65536x768xf32, #tpu.memory_space<hbm>> -> memref<16x768xf32, #tpu.memory_space<hbm>>
      %dma_start3A_447 = arith.constant 0 : i32
      %dma_start3A_448 = tpu.memref_slice %arg4[%add3A_444, %dma_start3A_447] : memref<65536x768xf32, #tpu.memory_space<hbm>> -> memref<16x768xf32, #tpu.memory_space<hbm>>
      tpu.enqueue_dma source(%arg8 : memref<16x768xf32, #tpu.memory_space<vmem>>) target(%dma_start3A_448 : memref<16x768xf32, #tpu.memory_space<hbm>>) target_semaphore(%arg16 : memref<!tpu.dma_semaphore, #tpu.memory_space<semaphore_mem>>)
      %ge3A_449 = arith.constant 2 : i32
      %ge3A_450 = arith.cmpi sge, %add3A_435, %ge3A_449 : i32
      %convert_element_type3A_451 = arith.extui %ge3A_450 : i1 to i32
      %cond3A_452 = arith.constant 0 : i32
      %cond3A_453 = arith.cmpi ne, %convert_element_type3A_451, %cond3A_452 : i32
      scf.if %cond3A_453 {
        %dma_wait3A_525 = arith.constant 0 : i32
        %dma_wait3A_526 = tpu.memref_slice %arg4[%mul3A_2, %dma_wait3A_525] : memref<65536x768xf32, #tpu.memory_space<hbm>> -> memref<16x768xf32, #tpu.memory_space<hbm>>
        %dma_wait3A_527 = arith.constant 0 : i32
        %dma_wait3A_528 = tpu.memref_slice %arg4[%mul3A_2, %dma_wait3A_527] : memref<65536x768xf32, #tpu.memory_space<hbm>> -> memref<16x768xf32, #tpu.memory_space<hbm>>
        tpu.wait_dma2 semaphore(%arg18 : memref<!tpu.dma_semaphore, #tpu.memory_space<semaphore_mem>>) src(%arg10 : memref<16x768xf32, #tpu.memory_space<vmem>>) dst(%dma_wait3A_528 : memref<16x768xf32, #tpu.memory_space<hbm>>)
      } else {
      }
      %sub3A_454 = arith.constant 2 : i32
      %sub3A_455 = arith.subi %add3A_435, %sub3A_454 : i32
      %add3A_456 = arith.constant 4 : i32
      %add3A_457 = arith.addi %sub3A_455, %add3A_456 : i32
      %lt3A_458 = arith.constant 128 : i32
      %lt3A_459 = arith.cmpi slt, %add3A_457, %lt3A_458 : i32
      %convert_element_type3A_460 = arith.extui %lt3A_459 : i1 to i32
      %cond3A_461 = arith.constant 0 : i32
      %cond3A_462 = arith.cmpi ne, %convert_element_type3A_460, %cond3A_461 : i32
      scf.if %cond3A_462 {
        %sub3A_525 = arith.constant 2 : i32
        %sub3A_526 = arith.subi %add3A_435, %sub3A_525 : i32
        %add3A_527 = arith.constant 4 : i32
        %add3A_528 = arith.addi %sub3A_526, %add3A_527 : i32
        %mul3A_529 = arith.constant 16 : i32
        %mul3A_530 = arith.muli %add3A_528, %mul3A_529 : i32
        %add3A_531 = arith.constant 0 : i32
        %add3A_532 = arith.addi %mul3A_530, %add3A_531 : i32
        %get3A_533 = arith.index_cast %add3A_532 : i32 to index
        %get3A_534 = tpu.vector_load %arg5[%get3A_533] {strides = array<i32>} : memref<2048xi32, #tpu.memory_space<vmem>>, vector<16xi32>,
        %get3A_535 = vector.shape_cast %get3A_534 : vector<16xi32> to vector<16xi32>
        %slice3A_536 = vector.extract_strided_slice %get3A_535 {offsets = [0], sizes = [1], strides = [1]} : vector<16xi32> to vector<1xi32>
        %squeeze3A_537 = vector.extract %slice3A_536[0] : i32 from vector<1xi32>
        %dma_start3A_538 = arith.constant 0 : i32
        %dma_start3A_539 = arith.constant 0 : i32
        %dma_start3A_540 = tpu.memref_slice %arg10[%dma_start3A_538, %dma_start3A_539] : memref<16x768xf32, #tpu.memory_space<vmem>> -> memref<1x768xf32, #tpu.memory_space<vmem>>
        %dma_start3A_541 = arith.constant 0 : i32
        %dma_start3A_542 = tpu.memref_slice %arg6[%squeeze3A_537, %dma_start3A_541] : memref<1024x768xf32, #tpu.memory_space<vmem_shared>> -> memref<1x768xf32, #tpu.memory_space<vmem_shared>>
        %dma_start3A_543 = arith.constant 0 : i32
        %dma_start3A_544 = arith.constant 0 : i32
        %dma_start3A_545 = tpu.memref_slice %arg10[%dma_start3A_543, %dma_start3A_544] : memref<16x768xf32, #tpu.memory_space<vmem>> -> memref<1x768xf32, #tpu.memory_space<vmem>>
        %dma_start3A_546 = arith.constant 0 : i32
        %dma_start3A_547 = tpu.memref_slice %arg6[%squeeze3A_537, %dma_start3A_546] : memref<1024x768xf32, #tpu.memory_space<vmem_shared>> -> memref<1x768xf32, #tpu.memory_space<vmem_shared>>
        tpu.enqueue_dma source(%dma_start3A_547 : memref<1x768xf32, #tpu.memory_space<vmem_shared>>) target(%dma_start3A_545 : memref<1x768xf32, #tpu.memory_space<vmem>>) target_semaphore(%arg14 : memref<!tpu.dma_semaphore, #tpu.memory_space<semaphore_mem>>)
        %slice3A_548 = vector.extract_strided_slice %get3A_535 {offsets = [1], sizes = [1], strides = [1]} : vector<16xi32> to vector<1xi32>
        %squeeze3A_549 = vector.extract %slice3A_548[0] : i32 from vector<1xi32>
        %dma_start3A_550 = arith.constant 1 : i32
        %dma_start3A_551 = arith.constant 0 : i32
        %dma_start3A_552 = tpu.memref_slice %arg10[%dma_start3A_550, %dma_start3A_551] : memref<16x768xf32, #tpu.memory_space<vmem>> -> memref<1x768xf32, #tpu.memory_space<vmem>>
        %dma_start3A_553 = arith.constant 0 : i32
        %dma_start3A_554 = tpu.memref_slice %arg6[%squeeze3A_549, %dma_start3A_553] : memref<1024x768xf32, #tpu.memory_space<vmem_shared>> -> memref<1x768xf32, #tpu.memory_space<vmem_shared>>
        %dma_start3A_555 = arith.constant 1 : i32
        %dma_start3A_556 = arith.constant 0 : i32
        %dma_start3A_557 = tpu.memref_slice %arg10[%dma_start3A_555, %dma_start3A_556] : memref<16x768xf32, #tpu.memory_space<vmem>> -> memref<1x768xf32, #tpu.memory_space<vmem>>
        %dma_start3A_558 = arith.constant 0 : i32
        %dma_start3A_559 = tpu.memref_slice %arg6[%squeeze3A_549, %dma_start3A_558] : memref<1024x768xf32, #tpu.memory_space<vmem_shared>> -> memref<1x768xf32, #tpu.memory_space<vmem_shared>>
        tpu.enqueue_dma source(%dma_start3A_559 : memref<1x768xf32, #tpu.memory_space<vmem_shared>>) target(%dma_start3A_557 : memref<1x768xf32, #tpu.memory_space<vmem>>) target_semaphore(%arg14 : memref<!tpu.dma_semaphore, #tpu.memory_space<semaphore_mem>>)
        %slice3A_560 = vector.extract_strided_slice %get3A_535 {offsets = [2], sizes = [1], strides = [1]} : vector<16xi32> to vector<1xi32>
        %squeeze3A_561 = vector.extract %slice3A_560[0] : i32 from vector<1xi32>
        %dma_start3A_562 = arith.constant 2 : i32
        %dma_start3A_563 = arith.constant 0 : i32
        %dma_start3A_564 = tpu.memref_slice %arg10[%dma_start3A_562, %dma_start3A_563] : memref<16x768xf32, #tpu.memory_space<vmem>> -> memref<1x768xf32, #tpu.memory_space<vmem>>
        %dma_start3A_565 = arith.constant 0 : i32
        %dma_start3A_566 = tpu.memref_slice %arg6[%squeeze3A_561, %dma_start3A_565] : memref<1024x768xf32, #tpu.memory_space<vmem_shared>> -> memref<1x768xf32, #tpu.memory_space<vmem_shared>>
        %dma_start3A_567 = arith.constant 2 : i32
        %dma_start3A_568 = arith.constant 0 : i32
        %dma_start3A_569 = tpu.memref_slice %arg10[%dma_start3A_567, %dma_start3A_568] : memref<16x768xf32, #tpu.memory_space<vmem>> -> memref<1x768xf32, #tpu.memory_space<vmem>>
        %dma_start3A_570 = arith.constant 0 : i32
        %dma_start3A_571 = tpu.memref_slice %arg6[%squeeze3A_561, %dma_start3A_570] : memref<1024x768xf32, #tpu.memory_space<vmem_shared>> -> memref<1x768xf32, #tpu.memory_space<vmem_shared>>
        tpu.enqueue_dma source(%dma_start3A_571 : memref<1x768xf32, #tpu.memory_space<vmem_shared>>) target(%dma_start3A_569 : memref<1x768xf32, #tpu.memory_space<vmem>>) target_semaphore(%arg14 : memref<!tpu.dma_semaphore, #tpu.memory_space<semaphore_mem>>)
        %slice3A_572 = vector.extract_strided_slice %get3A_535 {offsets = [3], sizes = [1], strides = [1]} : vector<16xi32> to vector<1xi32>
        %squeeze3A_573 = vector.extract %slice3A_572[0] : i32 from vector<1xi32>
        %dma_start3A_574 = arith.constant 3 : i32
        %dma_start3A_575 = arith.constant 0 : i32
        %dma_start3A_576 = tpu.memref_slice %arg10[%dma_start3A_574, %dma_start3A_575] : memref<16x768xf32, #tpu.memory_space<vmem>> -> memref<1x768xf32, #tpu.memory_space<vmem>>
        %dma_start3A_577 = arith.constant 0 : i32
        %dma_start3A_578 = tpu.memref_slice %arg6[%squeeze3A_573, %dma_start3A_577] : memref<1024x768xf32, #tpu.memory_space<vmem_shared>> -> memref<1x768xf32, #tpu.memory_space<vmem_shared>>
        %dma_start3A_579 = arith.constant 3 : i32
        %dma_start3A_580 = arith.constant 0 : i32
        %dma_start3A_581 = tpu.memref_slice %arg10[%dma_start3A_579, %dma_start3A_580] : memref<16x768xf32, #tpu.memory_space<vmem>> -> memref<1x768xf32, #tpu.memory_space<vmem>>
        %dma_start3A_582 = arith.constant 0 : i32
        %dma_start3A_583 = tpu.memref_slice %arg6[%squeeze3A_573, %dma_start3A_582] : memref<1024x768xf32, #tpu.memory_space<vmem_shared>> -> memref<1x768xf32, #tpu.memory_space<vmem_shared>>
        tpu.enqueue_dma source(%dma_start3A_583 : memref<1x768xf32, #tpu.memory_space<vmem_shared>>) target(%dma_start3A_581 : memref<1x768xf32, #tpu.memory_space<vmem>>) target_semaphore(%arg14 : memref<!tpu.dma_semaphore, #tpu.memory_space<semaphore_mem>>)
        %slice3A_584 = vector.extract_strided_slice %get3A_535 {offsets = [4], sizes = [1], strides = [1]} : vector<16xi32> to vector<1xi32>
        %squeeze3A_585 = vector.extract %slice3A_584[0] : i32 from vector<1xi32>
        %dma_start3A_586 = arith.constant 4 : i32
        %dma_start3A_587 = arith.constant 0 : i32
        %dma_start3A_588 = tpu.memref_slice %arg10[%dma_start3A_586, %dma_start3A_587] : memref<16x768xf32, #tpu.memory_space<vmem>> -> memref<1x768xf32, #tpu.memory_space<vmem>>
        %dma_start3A_589 = arith.constant 0 : i32
        %dma_start3A_590 = tpu.memref_slice %arg6[%squeeze3A_585, %dma_start3A_589] : memref<1024x768xf32, #tpu.memory_space<vmem_shared>> -> memref<1x768xf32, #tpu.memory_space<vmem_shared>>
        %dma_start3A_591 = arith.constant 4 : i32
        %dma_start3A_592 = arith.constant 0 : i32
        %dma_start3A_593 = tpu.memref_slice %arg10[%dma_start3A_591, %dma_start3A_592] : memref<16x768xf32, #tpu.memory_space<vmem>> -> memref<1x768xf32, #tpu.memory_space<vmem>>
        %dma_start3A_594 = arith.constant 0 : i32
        %dma_start3A_595 = tpu.memref_slice %arg6[%squeeze3A_585, %dma_start3A_594] : memref<1024x768xf32, #tpu.memory_space<vmem_shared>> -> memref<1x768xf32, #tpu.memory_space<vmem_shared>>
        tpu.enqueue_dma source(%dma_start3A_595 : memref<1x768xf32, #tpu.memory_space<vmem_shared>>) target(%dma_start3A_593 : memref<1x768xf32, #tpu.memory_space<vmem>>) target_semaphore(%arg14 : memref<!tpu.dma_semaphore, #tpu.memory_space<semaphore_mem>>)
        %slice3A_596 = vector.extract_strided_slice %get3A_535 {offsets = [5], sizes = [1], strides = [1]} : vector<16xi32> to vector<1xi32>
        %squeeze3A_597 = vector.extract %slice3A_596[0] : i32 from vector<1xi32>
        %dma_start3A_598 = arith.constant 5 : i32
        %dma_start3A_599 = arith.constant 0 : i32
        %dma_start3A_600 = tpu.memref_slice %arg10[%dma_start3A_598, %dma_start3A_599] : memref<16x768xf32, #tpu.memory_space<vmem>> -> memref<1x768xf32, #tpu.memory_space<vmem>>
        %dma_start3A_601 = arith.constant 0 : i32
        %dma_start3A_602 = tpu.memref_slice %arg6[%squeeze3A_597, %dma_start3A_601] : memref<1024x768xf32, #tpu.memory_space<vmem_shared>> -> memref<1x768xf32, #tpu.memory_space<vmem_shared>>
        %dma_start3A_603 = arith.constant 5 : i32
        %dma_start3A_604 = arith.constant 0 : i32
        %dma_start3A_605 = tpu.memref_slice %arg10[%dma_start3A_603, %dma_start3A_604] : memref<16x768xf32, #tpu.memory_space<vmem>> -> memref<1x768xf32, #tpu.memory_space<vmem>>
        %dma_start3A_606 = arith.constant 0 : i32
        %dma_start3A_607 = tpu.memref_slice %arg6[%squeeze3A_597, %dma_start3A_606] : memref<1024x768xf32, #tpu.memory_space<vmem_shared>> -> memref<1x768xf32, #tpu.memory_space<vmem_shared>>
        tpu.enqueue_dma source(%dma_start3A_607 : memref<1x768xf32, #tpu.memory_space<vmem_shared>>) target(%dma_start3A_605 : memref<1x768xf32, #tpu.memory_space<vmem>>) target_semaphore(%arg14 : memref<!tpu.dma_semaphore, #tpu.memory_space<semaphore_mem>>)
        %slice3A_608 = vector.extract_strided_slice %get3A_535 {offsets = [6], sizes = [1], strides = [1]} : vector<16xi32> to vector<1xi32>
        %squeeze3A_609 = vector.extract %slice3A_608[0] : i32 from vector<1xi32>
        %dma_start3A_610 = arith.constant 6 : i32
        %dma_start3A_611 = arith.constant 0 : i32
        %dma_start3A_612 = tpu.memref_slice %arg10[%dma_start3A_610, %dma_start3A_611] : memref<16x768xf32, #tpu.memory_space<vmem>> -> memref<1x768xf32, #tpu.memory_space<vmem>>
        %dma_start3A_613 = arith.constant 0 : i32
        %dma_start3A_614 = tpu.memref_slice %arg6[%squeeze3A_609, %dma_start3A_613] : memref<1024x768xf32, #tpu.memory_space<vmem_shared>> -> memref<1x768xf32, #tpu.memory_space<vmem_shared>>
        %dma_start3A_615 = arith.constant 6 : i32
        %dma_start3A_616 = arith.constant 0 : i32
        %dma_start3A_617 = tpu.memref_slice %arg10[%dma_start3A_615, %dma_start3A_616] : memref<16x768xf32, #tpu.memory_space<vmem>> -> memref<1x768xf32, #tpu.memory_space<vmem>>
        %dma_start3A_618 = arith.constant 0 : i32
        %dma_start3A_619 = tpu.memref_slice %arg6[%squeeze3A_609, %dma_start3A_618] : memref<1024x768xf32, #tpu.memory_space<vmem_shared>> -> memref<1x768xf32, #tpu.memory_space<vmem_shared>>
        tpu.enqueue_dma source(%dma_start3A_619 : memref<1x768xf32, #tpu.memory_space<vmem_shared>>) target(%dma_start3A_617 : memref<1x768xf32, #tpu.memory_space<vmem>>) target_semaphore(%arg14 : memref<!tpu.dma_semaphore, #tpu.memory_space<semaphore_mem>>)
        %slice3A_620 = vector.extract_strided_slice %get3A_535 {offsets = [7], sizes = [1], strides = [1]} : vector<16xi32> to vector<1xi32>
        %squeeze3A_621 = vector.extract %slice3A_620[0] : i32 from vector<1xi32>
        %dma_start3A_622 = arith.constant 7 : i32
        %dma_start3A_623 = arith.constant 0 : i32
        %dma_start3A_624 = tpu.memref_slice %arg10[%dma_start3A_622, %dma_start3A_623] : memref<16x768xf32, #tpu.memory_space<vmem>> -> memref<1x768xf32, #tpu.memory_space<vmem>>
        %dma_start3A_625 = arith.constant 0 : i32
        %dma_start3A_626 = tpu.memref_slice %arg6[%squeeze3A_621, %dma_start3A_625] : memref<1024x768xf32, #tpu.memory_space<vmem_shared>> -> memref<1x768xf32, #tpu.memory_space<vmem_shared>>
        %dma_start3A_627 = arith.constant 7 : i32
        %dma_start3A_628 = arith.constant 0 : i32
        %dma_start3A_629 = tpu.memref_slice %arg10[%dma_start3A_627, %dma_start3A_628] : memref<16x768xf32, #tpu.memory_space<vmem>> -> memref<1x768xf32, #tpu.memory_space<vmem>>
        %dma_start3A_630 = arith.constant 0 : i32
        %dma_start3A_631 = tpu.memref_slice %arg6[%squeeze3A_621, %dma_start3A_630] : memref<1024x768xf32, #tpu.memory_space<vmem_shared>> -> memref<1x768xf32, #tpu.memory_space<vmem_shared>>
        tpu.enqueue_dma source(%dma_start3A_631 : memref<1x768xf32, #tpu.memory_space<vmem_shared>>) target(%dma_start3A_629 : memref<1x768xf32, #tpu.memory_space<vmem>>) target_semaphore(%arg14 : memref<!tpu.dma_semaphore, #tpu.memory_space<semaphore_mem>>)
        %slice3A_632 = vector.extract_strided_slice %get3A_535 {offsets = [8], sizes = [1], strides = [1]} : vector<16xi32> to vector<1xi32>
        %squeeze3A_633 = vector.extract %slice3A_632[0] : i32 from vector<1xi32>
        %dma_start3A_634 = arith.constant 8 : i32
        %dma_start3A_635 = arith.constant 0 : i32
        %dma_start3A_636 = tpu.memref_slice %arg10[%dma_start3A_634, %dma_start3A_635] : memref<16x768xf32, #tpu.memory_space<vmem>> -> memref<1x768xf32, #tpu.memory_space<vmem>>
        %dma_start3A_637 = arith.constant 0 : i32
        %dma_start3A_638 = tpu.memref_slice %arg6[%squeeze3A_633, %dma_start3A_637] : memref<1024x768xf32, #tpu.memory_space<vmem_shared>> -> memref<1x768xf32, #tpu.memory_space<vmem_shared>>
        %dma_start3A_639 = arith.constant 8 : i32
        %dma_start3A_640 = arith.constant 0 : i32
        %dma_start3A_641 = tpu.memref_slice %arg10[%dma_start3A_639, %dma_start3A_640] : memref<16x768xf32, #tpu.memory_space<vmem>> -> memref<1x768xf32, #tpu.memory_space<vmem>>
        %dma_start3A_642 = arith.constant 0 : i32
        %dma_start3A_643 = tpu.memref_slice %arg6[%squeeze3A_633, %dma_start3A_642] : memref<1024x768xf32, #tpu.memory_space<vmem_shared>> -> memref<1x768xf32, #tpu.memory_space<vmem_shared>>
        tpu.enqueue_dma source(%dma_start3A_643 : memref<1x768xf32, #tpu.memory_space<vmem_shared>>) target(%dma_start3A_641 : memref<1x768xf32, #tpu.memory_space<vmem>>) target_semaphore(%arg14 : memref<!tpu.dma_semaphore, #tpu.memory_space<semaphore_mem>>)
        %slice3A_644 = vector.extract_strided_slice %get3A_535 {offsets = [9], sizes = [1], strides = [1]} : vector<16xi32> to vector<1xi32>
        %squeeze3A_645 = vector.extract %slice3A_644[0] : i32 from vector<1xi32>
        %dma_start3A_646 = arith.constant 9 : i32
        %dma_start3A_647 = arith.constant 0 : i32
        %dma_start3A_648 = tpu.memref_slice %arg10[%dma_start3A_646, %dma_start3A_647] : memref<16x768xf32, #tpu.memory_space<vmem>> -> memref<1x768xf32, #tpu.memory_space<vmem>>
        %dma_start3A_649 = arith.constant 0 : i32
        %dma_start3A_650 = tpu.memref_slice %arg6[%squeeze3A_645, %dma_start3A_649] : memref<1024x768xf32, #tpu.memory_space<vmem_shared>> -> memref<1x768xf32, #tpu.memory_space<vmem_shared>>
        %dma_start3A_651 = arith.constant 9 : i32
        %dma_start3A_652 = arith.constant 0 : i32
        %dma_start3A_653 = tpu.memref_slice %arg10[%dma_start3A_651, %dma_start3A_652] : memref<16x768xf32, #tpu.memory_space<vmem>> -> memref<1x768xf32, #tpu.memory_space<vmem>>
        %dma_start3A_654 = arith.constant 0 : i32
        %dma_start3A_655 = tpu.memref_slice %arg6[%squeeze3A_645, %dma_start3A_654] : memref<1024x768xf32, #tpu.memory_space<vmem_shared>> -> memref<1x768xf32, #tpu.memory_space<vmem_shared>>
        tpu.enqueue_dma source(%dma_start3A_655 : memref<1x768xf32, #tpu.memory_space<vmem_shared>>) target(%dma_start3A_653 : memref<1x768xf32, #tpu.memory_space<vmem>>) target_semaphore(%arg14 : memref<!tpu.dma_semaphore, #tpu.memory_space<semaphore_mem>>)
        %slice3A_656 = vector.extract_strided_slice %get3A_535 {offsets = [10], sizes = [1], strides = [1]} : vector<16xi32> to vector<1xi32>
        %squeeze3A_657 = vector.extract %slice3A_656[0] : i32 from vector<1xi32>
        %dma_start3A_658 = arith.constant 10 : i32
        %dma_start3A_659 = arith.constant 0 : i32
        %dma_start3A_660 = tpu.memref_slice %arg10[%dma_start3A_658, %dma_start3A_659] : memref<16x768xf32, #tpu.memory_space<vmem>> -> memref<1x768xf32, #tpu.memory_space<vmem>>
        %dma_start3A_661 = arith.constant 0 : i32
        %dma_start3A_662 = tpu.memref_slice %arg6[%squeeze3A_657, %dma_start3A_661] : memref<1024x768xf32, #tpu.memory_space<vmem_shared>> -> memref<1x768xf32, #tpu.memory_space<vmem_shared>>
        %dma_start3A_663 = arith.constant 10 : i32
        %dma_start3A_664 = arith.constant 0 : i32
        %dma_start3A_665 = tpu.memref_slice %arg10[%dma_start3A_663, %dma_start3A_664] : memref<16x768xf32, #tpu.memory_space<vmem>> -> memref<1x768xf32, #tpu.memory_space<vmem>>
        %dma_start3A_666 = arith.constant 0 : i32
        %dma_start3A_667 = tpu.memref_slice %arg6[%squeeze3A_657, %dma_start3A_666] : memref<1024x768xf32, #tpu.memory_space<vmem_shared>> -> memref<1x768xf32, #tpu.memory_space<vmem_shared>>
        tpu.enqueue_dma source(%dma_start3A_667 : memref<1x768xf32, #tpu.memory_space<vmem_shared>>) target(%dma_start3A_665 : memref<1x768xf32, #tpu.memory_space<vmem>>) target_semaphore(%arg14 : memref<!tpu.dma_semaphore, #tpu.memory_space<semaphore_mem>>)
        %slice3A_668 = vector.extract_strided_slice %get3A_535 {offsets = [11], sizes = [1], strides = [1]} : vector<16xi32> to vector<1xi32>
        %squeeze3A_669 = vector.extract %slice3A_668[0] : i32 from vector<1xi32>
        %dma_start3A_670 = arith.constant 11 : i32
        %dma_start3A_671 = arith.constant 0 : i32
        %dma_start3A_672 = tpu.memref_slice %arg10[%dma_start3A_670, %dma_start3A_671] : memref<16x768xf32, #tpu.memory_space<vmem>> -> memref<1x768xf32, #tpu.memory_space<vmem>>
        %dma_start3A_673 = arith.constant 0 : i32
        %dma_start3A_674 = tpu.memref_slice %arg6[%squeeze3A_669, %dma_start3A_673] : memref<1024x768xf32, #tpu.memory_space<vmem_shared>> -> memref<1x768xf32, #tpu.memory_space<vmem_shared>>
        %dma_start3A_675 = arith.constant 11 : i32
        %dma_start3A_676 = arith.constant 0 : i32
        %dma_start3A_677 = tpu.memref_slice %arg10[%dma_start3A_675, %dma_start3A_676] : memref<16x768xf32, #tpu.memory_space<vmem>> -> memref<1x768xf32, #tpu.memory_space<vmem>>
        %dma_start3A_678 = arith.constant 0 : i32
        %dma_start3A_679 = tpu.memref_slice %arg6[%squeeze3A_669, %dma_start3A_678] : memref<1024x768xf32, #tpu.memory_space<vmem_shared>> -> memref<1x768xf32, #tpu.memory_space<vmem_shared>>
        tpu.enqueue_dma source(%dma_start3A_679 : memref<1x768xf32, #tpu.memory_space<vmem_shared>>) target(%dma_start3A_677 : memref<1x768xf32, #tpu.memory_space<vmem>>) target_semaphore(%arg14 : memref<!tpu.dma_semaphore, #tpu.memory_space<semaphore_mem>>)
        %slice3A_680 = vector.extract_strided_slice %get3A_535 {offsets = [12], sizes = [1], strides = [1]} : vector<16xi32> to vector<1xi32>
        %squeeze3A_681 = vector.extract %slice3A_680[0] : i32 from vector<1xi32>
        %dma_start3A_682 = arith.constant 12 : i32
        %dma_start3A_683 = arith.constant 0 : i32
        %dma_start3A_684 = tpu.memref_slice %arg10[%dma_start3A_682, %dma_start3A_683] : memref<16x768xf32, #tpu.memory_space<vmem>> -> memref<1x768xf32, #tpu.memory_space<vmem>>
        %dma_start3A_685 = arith.constant 0 : i32
        %dma_start3A_686 = tpu.memref_slice %arg6[%squeeze3A_681, %dma_start3A_685] : memref<1024x768xf32, #tpu.memory_space<vmem_shared>> -> memref<1x768xf32, #tpu.memory_space<vmem_shared>>
        %dma_start3A_687 = arith.constant 12 : i32
        %dma_start3A_688 = arith.constant 0 : i32
        %dma_start3A_689 = tpu.memref_slice %arg10[%dma_start3A_687, %dma_start3A_688] : memref<16x768xf32, #tpu.memory_space<vmem>> -> memref<1x768xf32, #tpu.memory_space<vmem>>
        %dma_start3A_690 = arith.constant 0 : i32
        %dma_start3A_691 = tpu.memref_slice %arg6[%squeeze3A_681, %dma_start3A_690] : memref<1024x768xf32, #tpu.memory_space<vmem_shared>> -> memref<1x768xf32, #tpu.memory_space<vmem_shared>>
        tpu.enqueue_dma source(%dma_start3A_691 : memref<1x768xf32, #tpu.memory_space<vmem_shared>>) target(%dma_start3A_689 : memref<1x768xf32, #tpu.memory_space<vmem>>) target_semaphore(%arg14 : memref<!tpu.dma_semaphore, #tpu.memory_space<semaphore_mem>>)
        %slice3A_692 = vector.extract_strided_slice %get3A_535 {offsets = [13], sizes = [1], strides = [1]} : vector<16xi32> to vector<1xi32>
        %squeeze3A_693 = vector.extract %slice3A_692[0] : i32 from vector<1xi32>
        %dma_start3A_694 = arith.constant 13 : i32
        %dma_start3A_695 = arith.constant 0 : i32
        %dma_start3A_696 = tpu.memref_slice %arg10[%dma_start3A_694, %dma_start3A_695] : memref<16x768xf32, #tpu.memory_space<vmem>> -> memref<1x768xf32, #tpu.memory_space<vmem>>
        %dma_start3A_697 = arith.constant 0 : i32
        %dma_start3A_698 = tpu.memref_slice %arg6[%squeeze3A_693, %dma_start3A_697] : memref<1024x768xf32, #tpu.memory_space<vmem_shared>> -> memref<1x768xf32, #tpu.memory_space<vmem_shared>>
        %dma_start3A_699 = arith.constant 13 : i32
        %dma_start3A_700 = arith.constant 0 : i32
        %dma_start3A_701 = tpu.memref_slice %arg10[%dma_start3A_699, %dma_start3A_700] : memref<16x768xf32, #tpu.memory_space<vmem>> -> memref<1x768xf32, #tpu.memory_space<vmem>>
        %dma_start3A_702 = arith.constant 0 : i32
        %dma_start3A_703 = tpu.memref_slice %arg6[%squeeze3A_693, %dma_start3A_702] : memref<1024x768xf32, #tpu.memory_space<vmem_shared>> -> memref<1x768xf32, #tpu.memory_space<vmem_shared>>
        tpu.enqueue_dma source(%dma_start3A_703 : memref<1x768xf32, #tpu.memory_space<vmem_shared>>) target(%dma_start3A_701 : memref<1x768xf32, #tpu.memory_space<vmem>>) target_semaphore(%arg14 : memref<!tpu.dma_semaphore, #tpu.memory_space<semaphore_mem>>)
        %slice3A_704 = vector.extract_strided_slice %get3A_535 {offsets = [14], sizes = [1], strides = [1]} : vector<16xi32> to vector<1xi32>
        %squeeze3A_705 = vector.extract %slice3A_704[0] : i32 from vector<1xi32>
        %dma_start3A_706 = arith.constant 14 : i32
        %dma_start3A_707 = arith.constant 0 : i32
        %dma_start3A_708 = tpu.memref_slice %arg10[%dma_start3A_706, %dma_start3A_707] : memref<16x768xf32, #tpu.memory_space<vmem>> -> memref<1x768xf32, #tpu.memory_space<vmem>>
        %dma_start3A_709 = arith.constant 0 : i32
        %dma_start3A_710 = tpu.memref_slice %arg6[%squeeze3A_705, %dma_start3A_709] : memref<1024x768xf32, #tpu.memory_space<vmem_shared>> -> memref<1x768xf32, #tpu.memory_space<vmem_shared>>
        %dma_start3A_711 = arith.constant 14 : i32
        %dma_start3A_712 = arith.constant 0 : i32
        %dma_start3A_713 = tpu.memref_slice %arg10[%dma_start3A_711, %dma_start3A_712] : memref<16x768xf32, #tpu.memory_space<vmem>> -> memref<1x768xf32, #tpu.memory_space<vmem>>
        %dma_start3A_714 = arith.constant 0 : i32
        %dma_start3A_715 = tpu.memref_slice %arg6[%squeeze3A_705, %dma_start3A_714] : memref<1024x768xf32, #tpu.memory_space<vmem_shared>> -> memref<1x768xf32, #tpu.memory_space<vmem_shared>>
        tpu.enqueue_dma source(%dma_start3A_715 : memref<1x768xf32, #tpu.memory_space<vmem_shared>>) target(%dma_start3A_713 : memref<1x768xf32, #tpu.memory_space<vmem>>) target_semaphore(%arg14 : memref<!tpu.dma_semaphore, #tpu.memory_space<semaphore_mem>>)
        %slice3A_716 = vector.extract_strided_slice %get3A_535 {offsets = [15], sizes = [1], strides = [1]} : vector<16xi32> to vector<1xi32>
        %squeeze3A_717 = vector.extract %slice3A_716[0] : i32 from vector<1xi32>
        %dma_start3A_718 = arith.constant 15 : i32
        %dma_start3A_719 = arith.constant 0 : i32
        %dma_start3A_720 = tpu.memref_slice %arg10[%dma_start3A_718, %dma_start3A_719] : memref<16x768xf32, #tpu.memory_space<vmem>> -> memref<1x768xf32, #tpu.memory_space<vmem>>
        %dma_start3A_721 = arith.constant 0 : i32
        %dma_start3A_722 = tpu.memref_slice %arg6[%squeeze3A_717, %dma_start3A_721] : memref<1024x768xf32, #tpu.memory_space<vmem_shared>> -> memref<1x768xf32, #tpu.memory_space<vmem_shared>>
        %dma_start3A_723 = arith.constant 15 : i32
        %dma_start3A_724 = arith.constant 0 : i32
        %dma_start3A_725 = tpu.memref_slice %arg10[%dma_start3A_723, %dma_start3A_724] : memref<16x768xf32, #tpu.memory_space<vmem>> -> memref<1x768xf32, #tpu.memory_space<vmem>>
        %dma_start3A_726 = arith.constant 0 : i32
        %dma_start3A_727 = tpu.memref_slice %arg6[%squeeze3A_717, %dma_start3A_726] : memref<1024x768xf32, #tpu.memory_space<vmem_shared>> -> memref<1x768xf32, #tpu.memory_space<vmem_shared>>
        tpu.enqueue_dma source(%dma_start3A_727 : memref<1x768xf32, #tpu.memory_space<vmem_shared>>) target(%dma_start3A_725 : memref<1x768xf32, #tpu.memory_space<vmem>>) target_semaphore(%arg14 : memref<!tpu.dma_semaphore, #tpu.memory_space<semaphore_mem>>)
      } else {
      }
      %mul3A_463 = arith.constant 4 : i32
      %mul3A_464 = arith.muli %scan3A_405, %mul3A_463 : i32
      %add3A_465 = arith.constant 2 : i32
      %add3A_466 = arith.addi %mul3A_464, %add3A_465 : i32
      %dma_wait3A_467 = arith.constant 0 : i32
      %dma_wait3A_468 = arith.constant 0 : i32
      %dma_wait3A_469 = tpu.memref_slice %arg6[%dma_wait3A_467, %dma_wait3A_468] : memref<1024x768xf32, #tpu.memory_space<vmem_shared>> -> memref<16x768xf32, #tpu.memory_space<vmem_shared>>
      %dma_wait3A_470 = arith.constant 0 : i32
      %dma_wait3A_471 = arith.constant 0 : i32
      %dma_wait3A_472 = tpu.memref_slice %arg6[%dma_wait3A_470, %dma_wait3A_471] : memref<1024x768xf32, #tpu.memory_space<vmem_shared>> -> memref<16x768xf32, #tpu.memory_space<vmem_shared>>
      tpu.wait_dma2 semaphore(%arg13 : memref<!tpu.dma_semaphore, #tpu.memory_space<semaphore_mem>>) src(%dma_wait3A_472 : memref<16x768xf32, #tpu.memory_space<vmem_shared>>) dst(%arg9 : memref<16x768xf32, #tpu.memory_space<vmem>>)
      %mul3A_473 = arith.constant 16 : i32
      %mul3A_474 = arith.muli %add3A_466, %mul3A_473 : i32
      %add3A_475 = arith.addi %mul3A_2, %mul3A_474 : i32
      %dma_start3A_476 = arith.constant 0 : i32
      %dma_start3A_477 = tpu.memref_slice %arg4[%add3A_475, %dma_start3A_476] : memref<65536x768xf32, #tpu.memory_space<hbm>> -> memref<16x768xf32, #tpu.memory_space<hbm>>
      %dma_start3A_478 = arith.constant 0 : i32
      %dma_start3A_479 = tpu.memref_slice %arg4[%add3A_475, %dma_start3A_478] : memref<65536x768xf32, #tpu.memory_space<hbm>> -> memref<16x768xf32, #tpu.memory_space<hbm>>
      tpu.enqueue_dma source(%arg9 : memref<16x768xf32, #tpu.memory_space<vmem>>) target(%dma_start3A_479 : memref<16x768xf32, #tpu.memory_space<hbm>>) target_semaphore(%arg17 : memref<!tpu.dma_semaphore, #tpu.memory_space<semaphore_mem>>)
      %ge3A_480 = arith.constant 2 : i32
      %ge3A_481 = arith.cmpi sge, %add3A_466, %ge3A_480 : i32
      %convert_element_type3A_482 = arith.extui %ge3A_481 : i1 to i32
      %cond3A_483 = arith.constant 0 : i32
      %cond3A_484 = arith.cmpi ne, %convert_element_type3A_482, %cond3A_483 : i32
      scf.if %cond3A_484 {
        %dma_wait3A_525 = arith.constant 0 : i32
        %dma_wait3A_526 = tpu.memref_slice %arg4[%mul3A_2, %dma_wait3A_525] : memref<65536x768xf32, #tpu.memory_space<hbm>> -> memref<16x768xf32, #tpu.memory_space<hbm>>
        %dma_wait3A_527 = arith.constant 0 : i32
        %dma_wait3A_528 = tpu.memref_slice %arg4[%mul3A_2, %dma_wait3A_527] : memref<65536x768xf32, #tpu.memory_space<hbm>> -> memref<16x768xf32, #tpu.memory_space<hbm>>
        tpu.wait_dma2 semaphore(%arg15 : memref<!tpu.dma_semaphore, #tpu.memory_space<semaphore_mem>>) src(%arg7 : memref<16x768xf32, #tpu.memory_space<vmem>>) dst(%dma_wait3A_528 : memref<16x768xf32, #tpu.memory_space<hbm>>)
      } else {
      }
      %sub3A_485 = arith.constant 2 : i32
      %sub3A_486 = arith.subi %add3A_466, %sub3A_485 : i32
      %add3A_487 = arith.constant 4 : i32
      %add3A_488 = arith.addi %sub3A_486, %add3A_487 : i32
      %lt3A_489 = arith.constant 128 : i32
      %lt3A_490 = arith.cmpi slt, %add3A_488, %lt3A_489 : i32
      %convert_element_type3A_491 = arith.extui %lt3A_490 : i1 to i32
      %cond3A_492 = arith.constant 0 : i32
      %cond3A_493 = arith.cmpi ne, %convert_element_type3A_491, %cond3A_492 : i32
      scf.if %cond3A_493 {
        %sub3A_525 = arith.constant 2 : i32
        %sub3A_526 = arith.subi %add3A_466, %sub3A_525 : i32
        %add3A_527 = arith.constant 4 : i32
        %add3A_528 = arith.addi %sub3A_526, %add3A_527 : i32
        %mul3A_529 = arith.constant 16 : i32
        %mul3A_530 = arith.muli %add3A_528, %mul3A_529 : i32
        %add3A_531 = arith.constant 0 : i32
        %add3A_532 = arith.addi %mul3A_530, %add3A_531 : i32
        %get3A_533 = arith.index_cast %add3A_532 : i32 to index
        %get3A_534 = tpu.vector_load %arg5[%get3A_533] {strides = array<i32>} : memref<2048xi32, #tpu.memory_space<vmem>>, vector<16xi32>,
        %get3A_535 = vector.shape_cast %get3A_534 : vector<16xi32> to vector<16xi32>
        %slice3A_536 = vector.extract_strided_slice %get3A_535 {offsets = [0], sizes = [1], strides = [1]} : vector<16xi32> to vector<1xi32>
        %squeeze3A_537 = vector.extract %slice3A_536[0] : i32 from vector<1xi32>
        %dma_start3A_538 = arith.constant 0 : i32
        %dma_start3A_539 = arith.constant 0 : i32
        %dma_start3A_540 = tpu.memref_slice %arg7[%dma_start3A_538, %dma_start3A_539] : memref<16x768xf32, #tpu.memory_space<vmem>> -> memref<1x768xf32, #tpu.memory_space<vmem>>
        %dma_start3A_541 = arith.constant 0 : i32
        %dma_start3A_542 = tpu.memref_slice %arg6[%squeeze3A_537, %dma_start3A_541] : memref<1024x768xf32, #tpu.memory_space<vmem_shared>> -> memref<1x768xf32, #tpu.memory_space<vmem_shared>>
        %dma_start3A_543 = arith.constant 0 : i32
        %dma_start3A_544 = arith.constant 0 : i32
        %dma_start3A_545 = tpu.memref_slice %arg7[%dma_start3A_543, %dma_start3A_544] : memref<16x768xf32, #tpu.memory_space<vmem>> -> memref<1x768xf32, #tpu.memory_space<vmem>>
        %dma_start3A_546 = arith.constant 0 : i32
        %dma_start3A_547 = tpu.memref_slice %arg6[%squeeze3A_537, %dma_start3A_546] : memref<1024x768xf32, #tpu.memory_space<vmem_shared>> -> memref<1x768xf32, #tpu.memory_space<vmem_shared>>
        tpu.enqueue_dma source(%dma_start3A_547 : memref<1x768xf32, #tpu.memory_space<vmem_shared>>) target(%dma_start3A_545 : memref<1x768xf32, #tpu.memory_space<vmem>>) target_semaphore(%arg11 : memref<!tpu.dma_semaphore, #tpu.memory_space<semaphore_mem>>)
        %slice3A_548 = vector.extract_strided_slice %get3A_535 {offsets = [1], sizes = [1], strides = [1]} : vector<16xi32> to vector<1xi32>
        %squeeze3A_549 = vector.extract %slice3A_548[0] : i32 from vector<1xi32>
        %dma_start3A_550 = arith.constant 1 : i32
        %dma_start3A_551 = arith.constant 0 : i32
        %dma_start3A_552 = tpu.memref_slice %arg7[%dma_start3A_550, %dma_start3A_551] : memref<16x768xf32, #tpu.memory_space<vmem>> -> memref<1x768xf32, #tpu.memory_space<vmem>>
        %dma_start3A_553 = arith.constant 0 : i32
        %dma_start3A_554 = tpu.memref_slice %arg6[%squeeze3A_549, %dma_start3A_553] : memref<1024x768xf32, #tpu.memory_space<vmem_shared>> -> memref<1x768xf32, #tpu.memory_space<vmem_shared>>
        %dma_start3A_555 = arith.constant 1 : i32
        %dma_start3A_556 = arith.constant 0 : i32
        %dma_start3A_557 = tpu.memref_slice %arg7[%dma_start3A_555, %dma_start3A_556] : memref<16x768xf32, #tpu.memory_space<vmem>> -> memref<1x768xf32, #tpu.memory_space<vmem>>
        %dma_start3A_558 = arith.constant 0 : i32
        %dma_start3A_559 = tpu.memref_slice %arg6[%squeeze3A_549, %dma_start3A_558] : memref<1024x768xf32, #tpu.memory_space<vmem_shared>> -> memref<1x768xf32, #tpu.memory_space<vmem_shared>>
        tpu.enqueue_dma source(%dma_start3A_559 : memref<1x768xf32, #tpu.memory_space<vmem_shared>>) target(%dma_start3A_557 : memref<1x768xf32, #tpu.memory_space<vmem>>) target_semaphore(%arg11 : memref<!tpu.dma_semaphore, #tpu.memory_space<semaphore_mem>>)
        %slice3A_560 = vector.extract_strided_slice %get3A_535 {offsets = [2], sizes = [1], strides = [1]} : vector<16xi32> to vector<1xi32>
        %squeeze3A_561 = vector.extract %slice3A_560[0] : i32 from vector<1xi32>
        %dma_start3A_562 = arith.constant 2 : i32
        %dma_start3A_563 = arith.constant 0 : i32
        %dma_start3A_564 = tpu.memref_slice %arg7[%dma_start3A_562, %dma_start3A_563] : memref<16x768xf32, #tpu.memory_space<vmem>> -> memref<1x768xf32, #tpu.memory_space<vmem>>
        %dma_start3A_565 = arith.constant 0 : i32
        %dma_start3A_566 = tpu.memref_slice %arg6[%squeeze3A_561, %dma_start3A_565] : memref<1024x768xf32, #tpu.memory_space<vmem_shared>> -> memref<1x768xf32, #tpu.memory_space<vmem_shared>>
        %dma_start3A_567 = arith.constant 2 : i32
        %dma_start3A_568 = arith.constant 0 : i32
        %dma_start3A_569 = tpu.memref_slice %arg7[%dma_start3A_567, %dma_start3A_568] : memref<16x768xf32, #tpu.memory_space<vmem>> -> memref<1x768xf32, #tpu.memory_space<vmem>>
        %dma_start3A_570 = arith.constant 0 : i32
        %dma_start3A_571 = tpu.memref_slice %arg6[%squeeze3A_561, %dma_start3A_570] : memref<1024x768xf32, #tpu.memory_space<vmem_shared>> -> memref<1x768xf32, #tpu.memory_space<vmem_shared>>
        tpu.enqueue_dma source(%dma_start3A_571 : memref<1x768xf32, #tpu.memory_space<vmem_shared>>) target(%dma_start3A_569 : memref<1x768xf32, #tpu.memory_space<vmem>>) target_semaphore(%arg11 : memref<!tpu.dma_semaphore, #tpu.memory_space<semaphore_mem>>)
        %slice3A_572 = vector.extract_strided_slice %get3A_535 {offsets = [3], sizes = [1], strides = [1]} : vector<16xi32> to vector<1xi32>
        %squeeze3A_573 = vector.extract %slice3A_572[0] : i32 from vector<1xi32>
        %dma_start3A_574 = arith.constant 3 : i32
        %dma_start3A_575 = arith.constant 0 : i32
        %dma_start3A_576 = tpu.memref_slice %arg7[%dma_start3A_574, %dma_start3A_575] : memref<16x768xf32, #tpu.memory_space<vmem>> -> memref<1x768xf32, #tpu.memory_space<vmem>>
        %dma_start3A_577 = arith.constant 0 : i32
        %dma_start3A_578 = tpu.memref_slice %arg6[%squeeze3A_573, %dma_start3A_577] : memref<1024x768xf32, #tpu.memory_space<vmem_shared>> -> memref<1x768xf32, #tpu.memory_space<vmem_shared>>
        %dma_start3A_579 = arith.constant 3 : i32
        %dma_start3A_580 = arith.constant 0 : i32
        %dma_start3A_581 = tpu.memref_slice %arg7[%dma_start3A_579, %dma_start3A_580] : memref<16x768xf32, #tpu.memory_space<vmem>> -> memref<1x768xf32, #tpu.memory_space<vmem>>
        %dma_start3A_582 = arith.constant 0 : i32
        %dma_start3A_583 = tpu.memref_slice %arg6[%squeeze3A_573, %dma_start3A_582] : memref<1024x768xf32, #tpu.memory_space<vmem_shared>> -> memref<1x768xf32, #tpu.memory_space<vmem_shared>>
        tpu.enqueue_dma source(%dma_start3A_583 : memref<1x768xf32, #tpu.memory_space<vmem_shared>>) target(%dma_start3A_581 : memref<1x768xf32, #tpu.memory_space<vmem>>) target_semaphore(%arg11 : memref<!tpu.dma_semaphore, #tpu.memory_space<semaphore_mem>>)
        %slice3A_584 = vector.extract_strided_slice %get3A_535 {offsets = [4], sizes = [1], strides = [1]} : vector<16xi32> to vector<1xi32>
        %squeeze3A_585 = vector.extract %slice3A_584[0] : i32 from vector<1xi32>
        %dma_start3A_586 = arith.constant 4 : i32
        %dma_start3A_587 = arith.constant 0 : i32
        %dma_start3A_588 = tpu.memref_slice %arg7[%dma_start3A_586, %dma_start3A_587] : memref<16x768xf32, #tpu.memory_space<vmem>> -> memref<1x768xf32, #tpu.memory_space<vmem>>
        %dma_start3A_589 = arith.constant 0 : i32
        %dma_start3A_590 = tpu.memref_slice %arg6[%squeeze3A_585, %dma_start3A_589] : memref<1024x768xf32, #tpu.memory_space<vmem_shared>> -> memref<1x768xf32, #tpu.memory_space<vmem_shared>>
        %dma_start3A_591 = arith.constant 4 : i32
        %dma_start3A_592 = arith.constant 0 : i32
        %dma_start3A_593 = tpu.memref_slice %arg7[%dma_start3A_591, %dma_start3A_592] : memref<16x768xf32, #tpu.memory_space<vmem>> -> memref<1x768xf32, #tpu.memory_space<vmem>>
        %dma_start3A_594 = arith.constant 0 : i32
        %dma_start3A_595 = tpu.memref_slice %arg6[%squeeze3A_585, %dma_start3A_594] : memref<1024x768xf32, #tpu.memory_space<vmem_shared>> -> memref<1x768xf32, #tpu.memory_space<vmem_shared>>
        tpu.enqueue_dma source(%dma_start3A_595 : memref<1x768xf32, #tpu.memory_space<vmem_shared>>) target(%dma_start3A_593 : memref<1x768xf32, #tpu.memory_space<vmem>>) target_semaphore(%arg11 : memref<!tpu.dma_semaphore, #tpu.memory_space<semaphore_mem>>)
        %slice3A_596 = vector.extract_strided_slice %get3A_535 {offsets = [5], sizes = [1], strides = [1]} : vector<16xi32> to vector<1xi32>
        %squeeze3A_597 = vector.extract %slice3A_596[0] : i32 from vector<1xi32>
        %dma_start3A_598 = arith.constant 5 : i32
        %dma_start3A_599 = arith.constant 0 : i32
        %dma_start3A_600 = tpu.memref_slice %arg7[%dma_start3A_598, %dma_start3A_599] : memref<16x768xf32, #tpu.memory_space<vmem>> -> memref<1x768xf32, #tpu.memory_space<vmem>>
        %dma_start3A_601 = arith.constant 0 : i32
        %dma_start3A_602 = tpu.memref_slice %arg6[%squeeze3A_597, %dma_start3A_601] : memref<1024x768xf32, #tpu.memory_space<vmem_shared>> -> memref<1x768xf32, #tpu.memory_space<vmem_shared>>
        %dma_start3A_603 = arith.constant 5 : i32
        %dma_start3A_604 = arith.constant 0 : i32
        %dma_start3A_605 = tpu.memref_slice %arg7[%dma_start3A_603, %dma_start3A_604] : memref<16x768xf32, #tpu.memory_space<vmem>> -> memref<1x768xf32, #tpu.memory_space<vmem>>
        %dma_start3A_606 = arith.constant 0 : i32
        %dma_start3A_607 = tpu.memref_slice %arg6[%squeeze3A_597, %dma_start3A_606] : memref<1024x768xf32, #tpu.memory_space<vmem_shared>> -> memref<1x768xf32, #tpu.memory_space<vmem_shared>>
        tpu.enqueue_dma source(%dma_start3A_607 : memref<1x768xf32, #tpu.memory_space<vmem_shared>>) target(%dma_start3A_605 : memref<1x768xf32, #tpu.memory_space<vmem>>) target_semaphore(%arg11 : memref<!tpu.dma_semaphore, #tpu.memory_space<semaphore_mem>>)
        %slice3A_608 = vector.extract_strided_slice %get3A_535 {offsets = [6], sizes = [1], strides = [1]} : vector<16xi32> to vector<1xi32>
        %squeeze3A_609 = vector.extract %slice3A_608[0] : i32 from vector<1xi32>
        %dma_start3A_610 = arith.constant 6 : i32
        %dma_start3A_611 = arith.constant 0 : i32
        %dma_start3A_612 = tpu.memref_slice %arg7[%dma_start3A_610, %dma_start3A_611] : memref<16x768xf32, #tpu.memory_space<vmem>> -> memref<1x768xf32, #tpu.memory_space<vmem>>
        %dma_start3A_613 = arith.constant 0 : i32
        %dma_start3A_614 = tpu.memref_slice %arg6[%squeeze3A_609, %dma_start3A_613] : memref<1024x768xf32, #tpu.memory_space<vmem_shared>> -> memref<1x768xf32, #tpu.memory_space<vmem_shared>>
        %dma_start3A_615 = arith.constant 6 : i32
        %dma_start3A_616 = arith.constant 0 : i32
        %dma_start3A_617 = tpu.memref_slice %arg7[%dma_start3A_615, %dma_start3A_616] : memref<16x768xf32, #tpu.memory_space<vmem>> -> memref<1x768xf32, #tpu.memory_space<vmem>>
        %dma_start3A_618 = arith.constant 0 : i32
        %dma_start3A_619 = tpu.memref_slice %arg6[%squeeze3A_609, %dma_start3A_618] : memref<1024x768xf32, #tpu.memory_space<vmem_shared>> -> memref<1x768xf32, #tpu.memory_space<vmem_shared>>
        tpu.enqueue_dma source(%dma_start3A_619 : memref<1x768xf32, #tpu.memory_space<vmem_shared>>) target(%dma_start3A_617 : memref<1x768xf32, #tpu.memory_space<vmem>>) target_semaphore(%arg11 : memref<!tpu.dma_semaphore, #tpu.memory_space<semaphore_mem>>)
        %slice3A_620 = vector.extract_strided_slice %get3A_535 {offsets = [7], sizes = [1], strides = [1]} : vector<16xi32> to vector<1xi32>
        %squeeze3A_621 = vector.extract %slice3A_620[0] : i32 from vector<1xi32>
        %dma_start3A_622 = arith.constant 7 : i32
        %dma_start3A_623 = arith.constant 0 : i32
        %dma_start3A_624 = tpu.memref_slice %arg7[%dma_start3A_622, %dma_start3A_623] : memref<16x768xf32, #tpu.memory_space<vmem>> -> memref<1x768xf32, #tpu.memory_space<vmem>>
        %dma_start3A_625 = arith.constant 0 : i32
        %dma_start3A_626 = tpu.memref_slice %arg6[%squeeze3A_621, %dma_start3A_625] : memref<1024x768xf32, #tpu.memory_space<vmem_shared>> -> memref<1x768xf32, #tpu.memory_space<vmem_shared>>
        %dma_start3A_627 = arith.constant 7 : i32
        %dma_start3A_628 = arith.constant 0 : i32
        %dma_start3A_629 = tpu.memref_slice %arg7[%dma_start3A_627, %dma_start3A_628] : memref<16x768xf32, #tpu.memory_space<vmem>> -> memref<1x768xf32, #tpu.memory_space<vmem>>
        %dma_start3A_630 = arith.constant 0 : i32
        %dma_start3A_631 = tpu.memref_slice %arg6[%squeeze3A_621, %dma_start3A_630] : memref<1024x768xf32, #tpu.memory_space<vmem_shared>> -> memref<1x768xf32, #tpu.memory_space<vmem_shared>>
        tpu.enqueue_dma source(%dma_start3A_631 : memref<1x768xf32, #tpu.memory_space<vmem_shared>>) target(%dma_start3A_629 : memref<1x768xf32, #tpu.memory_space<vmem>>) target_semaphore(%arg11 : memref<!tpu.dma_semaphore, #tpu.memory_space<semaphore_mem>>)
        %slice3A_632 = vector.extract_strided_slice %get3A_535 {offsets = [8], sizes = [1], strides = [1]} : vector<16xi32> to vector<1xi32>
        %squeeze3A_633 = vector.extract %slice3A_632[0] : i32 from vector<1xi32>
        %dma_start3A_634 = arith.constant 8 : i32
        %dma_start3A_635 = arith.constant 0 : i32
        %dma_start3A_636 = tpu.memref_slice %arg7[%dma_start3A_634, %dma_start3A_635] : memref<16x768xf32, #tpu.memory_space<vmem>> -> memref<1x768xf32, #tpu.memory_space<vmem>>
        %dma_start3A_637 = arith.constant 0 : i32
        %dma_start3A_638 = tpu.memref_slice %arg6[%squeeze3A_633, %dma_start3A_637] : memref<1024x768xf32, #tpu.memory_space<vmem_shared>> -> memref<1x768xf32, #tpu.memory_space<vmem_shared>>
        %dma_start3A_639 = arith.constant 8 : i32
        %dma_start3A_640 = arith.constant 0 : i32
        %dma_start3A_641 = tpu.memref_slice %arg7[%dma_start3A_639, %dma_start3A_640] : memref<16x768xf32, #tpu.memory_space<vmem>> -> memref<1x768xf32, #tpu.memory_space<vmem>>
        %dma_start3A_642 = arith.constant 0 : i32
        %dma_start3A_643 = tpu.memref_slice %arg6[%squeeze3A_633, %dma_start3A_642] : memref<1024x768xf32, #tpu.memory_space<vmem_shared>> -> memref<1x768xf32, #tpu.memory_space<vmem_shared>>
        tpu.enqueue_dma source(%dma_start3A_643 : memref<1x768xf32, #tpu.memory_space<vmem_shared>>) target(%dma_start3A_641 : memref<1x768xf32, #tpu.memory_space<vmem>>) target_semaphore(%arg11 : memref<!tpu.dma_semaphore, #tpu.memory_space<semaphore_mem>>)
        %slice3A_644 = vector.extract_strided_slice %get3A_535 {offsets = [9], sizes = [1], strides = [1]} : vector<16xi32> to vector<1xi32>
        %squeeze3A_645 = vector.extract %slice3A_644[0] : i32 from vector<1xi32>
        %dma_start3A_646 = arith.constant 9 : i32
        %dma_start3A_647 = arith.constant 0 : i32
        %dma_start3A_648 = tpu.memref_slice %arg7[%dma_start3A_646, %dma_start3A_647] : memref<16x768xf32, #tpu.memory_space<vmem>> -> memref<1x768xf32, #tpu.memory_space<vmem>>
        %dma_start3A_649 = arith.constant 0 : i32
        %dma_start3A_650 = tpu.memref_slice %arg6[%squeeze3A_645, %dma_start3A_649] : memref<1024x768xf32, #tpu.memory_space<vmem_shared>> -> memref<1x768xf32, #tpu.memory_space<vmem_shared>>
        %dma_start3A_651 = arith.constant 9 : i32
        %dma_start3A_652 = arith.constant 0 : i32
        %dma_start3A_653 = tpu.memref_slice %arg7[%dma_start3A_651, %dma_start3A_652] : memref<16x768xf32, #tpu.memory_space<vmem>> -> memref<1x768xf32, #tpu.memory_space<vmem>>
        %dma_start3A_654 = arith.constant 0 : i32
        %dma_start3A_655 = tpu.memref_slice %arg6[%squeeze3A_645, %dma_start3A_654] : memref<1024x768xf32, #tpu.memory_space<vmem_shared>> -> memref<1x768xf32, #tpu.memory_space<vmem_shared>>
        tpu.enqueue_dma source(%dma_start3A_655 : memref<1x768xf32, #tpu.memory_space<vmem_shared>>) target(%dma_start3A_653 : memref<1x768xf32, #tpu.memory_space<vmem>>) target_semaphore(%arg11 : memref<!tpu.dma_semaphore, #tpu.memory_space<semaphore_mem>>)
        %slice3A_656 = vector.extract_strided_slice %get3A_535 {offsets = [10], sizes = [1], strides = [1]} : vector<16xi32> to vector<1xi32>
        %squeeze3A_657 = vector.extract %slice3A_656[0] : i32 from vector<1xi32>
        %dma_start3A_658 = arith.constant 10 : i32
        %dma_start3A_659 = arith.constant 0 : i32
        %dma_start3A_660 = tpu.memref_slice %arg7[%dma_start3A_658, %dma_start3A_659] : memref<16x768xf32, #tpu.memory_space<vmem>> -> memref<1x768xf32, #tpu.memory_space<vmem>>
        %dma_start3A_661 = arith.constant 0 : i32
        %dma_start3A_662 = tpu.memref_slice %arg6[%squeeze3A_657, %dma_start3A_661] : memref<1024x768xf32, #tpu.memory_space<vmem_shared>> -> memref<1x768xf32, #tpu.memory_space<vmem_shared>>
        %dma_start3A_663 = arith.constant 10 : i32
        %dma_start3A_664 = arith.constant 0 : i32
        %dma_start3A_665 = tpu.memref_slice %arg7[%dma_start3A_663, %dma_start3A_664] : memref<16x768xf32, #tpu.memory_space<vmem>> -> memref<1x768xf32, #tpu.memory_space<vmem>>
        %dma_start3A_666 = arith.constant 0 : i32
        %dma_start3A_667 = tpu.memref_slice %arg6[%squeeze3A_657, %dma_start3A_666] : memref<1024x768xf32, #tpu.memory_space<vmem_shared>> -> memref<1x768xf32, #tpu.memory_space<vmem_shared>>
        tpu.enqueue_dma source(%dma_start3A_667 : memref<1x768xf32, #tpu.memory_space<vmem_shared>>) target(%dma_start3A_665 : memref<1x768xf32, #tpu.memory_space<vmem>>) target_semaphore(%arg11 : memref<!tpu.dma_semaphore, #tpu.memory_space<semaphore_mem>>)
        %slice3A_668 = vector.extract_strided_slice %get3A_535 {offsets = [11], sizes = [1], strides = [1]} : vector<16xi32> to vector<1xi32>
        %squeeze3A_669 = vector.extract %slice3A_668[0] : i32 from vector<1xi32>
        %dma_start3A_670 = arith.constant 11 : i32
        %dma_start3A_671 = arith.constant 0 : i32
        %dma_start3A_672 = tpu.memref_slice %arg7[%dma_start3A_670, %dma_start3A_671] : memref<16x768xf32, #tpu.memory_space<vmem>> -> memref<1x768xf32, #tpu.memory_space<vmem>>
        %dma_start3A_673 = arith.constant 0 : i32
        %dma_start3A_674 = tpu.memref_slice %arg6[%squeeze3A_669, %dma_start3A_673] : memref<1024x768xf32, #tpu.memory_space<vmem_shared>> -> memref<1x768xf32, #tpu.memory_space<vmem_shared>>
        %dma_start3A_675 = arith.constant 11 : i32
        %dma_start3A_676 = arith.constant 0 : i32
        %dma_start3A_677 = tpu.memref_slice %arg7[%dma_start3A_675, %dma_start3A_676] : memref<16x768xf32, #tpu.memory_space<vmem>> -> memref<1x768xf32, #tpu.memory_space<vmem>>
        %dma_start3A_678 = arith.constant 0 : i32
        %dma_start3A_679 = tpu.memref_slice %arg6[%squeeze3A_669, %dma_start3A_678] : memref<1024x768xf32, #tpu.memory_space<vmem_shared>> -> memref<1x768xf32, #tpu.memory_space<vmem_shared>>
        tpu.enqueue_dma source(%dma_start3A_679 : memref<1x768xf32, #tpu.memory_space<vmem_shared>>) target(%dma_start3A_677 : memref<1x768xf32, #tpu.memory_space<vmem>>) target_semaphore(%arg11 : memref<!tpu.dma_semaphore, #tpu.memory_space<semaphore_mem>>)
        %slice3A_680 = vector.extract_strided_slice %get3A_535 {offsets = [12], sizes = [1], strides = [1]} : vector<16xi32> to vector<1xi32>
        %squeeze3A_681 = vector.extract %slice3A_680[0] : i32 from vector<1xi32>
        %dma_start3A_682 = arith.constant 12 : i32
        %dma_start3A_683 = arith.constant 0 : i32
        %dma_start3A_684 = tpu.memref_slice %arg7[%dma_start3A_682, %dma_start3A_683] : memref<16x768xf32, #tpu.memory_space<vmem>> -> memref<1x768xf32, #tpu.memory_space<vmem>>
        %dma_start3A_685 = arith.constant 0 : i32
        %dma_start3A_686 = tpu.memref_slice %arg6[%squeeze3A_681, %dma_start3A_685] : memref<1024x768xf32, #tpu.memory_space<vmem_shared>> -> memref<1x768xf32, #tpu.memory_space<vmem_shared>>
        %dma_start3A_687 = arith.constant 12 : i32
        %dma_start3A_688 = arith.constant 0 : i32
        %dma_start3A_689 = tpu.memref_slice %arg7[%dma_start3A_687, %dma_start3A_688] : memref<16x768xf32, #tpu.memory_space<vmem>> -> memref<1x768xf32, #tpu.memory_space<vmem>>
        %dma_start3A_690 = arith.constant 0 : i32
        %dma_start3A_691 = tpu.memref_slice %arg6[%squeeze3A_681, %dma_start3A_690] : memref<1024x768xf32, #tpu.memory_space<vmem_shared>> -> memref<1x768xf32, #tpu.memory_space<vmem_shared>>
        tpu.enqueue_dma source(%dma_start3A_691 : memref<1x768xf32, #tpu.memory_space<vmem_shared>>) target(%dma_start3A_689 : memref<1x768xf32, #tpu.memory_space<vmem>>) target_semaphore(%arg11 : memref<!tpu.dma_semaphore, #tpu.memory_space<semaphore_mem>>)
        %slice3A_692 = vector.extract_strided_slice %get3A_535 {offsets = [13], sizes = [1], strides = [1]} : vector<16xi32> to vector<1xi32>
        %squeeze3A_693 = vector.extract %slice3A_692[0] : i32 from vector<1xi32>
        %dma_start3A_694 = arith.constant 13 : i32
        %dma_start3A_695 = arith.constant 0 : i32
        %dma_start3A_696 = tpu.memref_slice %arg7[%dma_start3A_694, %dma_start3A_695] : memref<16x768xf32, #tpu.memory_space<vmem>> -> memref<1x768xf32, #tpu.memory_space<vmem>>
        %dma_start3A_697 = arith.constant 0 : i32
        %dma_start3A_698 = tpu.memref_slice %arg6[%squeeze3A_693, %dma_start3A_697] : memref<1024x768xf32, #tpu.memory_space<vmem_shared>> -> memref<1x768xf32, #tpu.memory_space<vmem_shared>>
        %dma_start3A_699 = arith.constant 13 : i32
        %dma_start3A_700 = arith.constant 0 : i32
        %dma_start3A_701 = tpu.memref_slice %arg7[%dma_start3A_699, %dma_start3A_700] : memref<16x768xf32, #tpu.memory_space<vmem>> -> memref<1x768xf32, #tpu.memory_space<vmem>>
        %dma_start3A_702 = arith.constant 0 : i32
        %dma_start3A_703 = tpu.memref_slice %arg6[%squeeze3A_693, %dma_start3A_702] : memref<1024x768xf32, #tpu.memory_space<vmem_shared>> -> memref<1x768xf32, #tpu.memory_space<vmem_shared>>
        tpu.enqueue_dma source(%dma_start3A_703 : memref<1x768xf32, #tpu.memory_space<vmem_shared>>) target(%dma_start3A_701 : memref<1x768xf32, #tpu.memory_space<vmem>>) target_semaphore(%arg11 : memref<!tpu.dma_semaphore, #tpu.memory_space<semaphore_mem>>)
        %slice3A_704 = vector.extract_strided_slice %get3A_535 {offsets = [14], sizes = [1], strides = [1]} : vector<16xi32> to vector<1xi32>
        %squeeze3A_705 = vector.extract %slice3A_704[0] : i32 from vector<1xi32>
        %dma_start3A_706 = arith.constant 14 : i32
        %dma_start3A_707 = arith.constant 0 : i32
        %dma_start3A_708 = tpu.memref_slice %arg7[%dma_start3A_706, %dma_start3A_707] : memref<16x768xf32, #tpu.memory_space<vmem>> -> memref<1x768xf32, #tpu.memory_space<vmem>>
        %dma_start3A_709 = arith.constant 0 : i32
        %dma_start3A_710 = tpu.memref_slice %arg6[%squeeze3A_705, %dma_start3A_709] : memref<1024x768xf32, #tpu.memory_space<vmem_shared>> -> memref<1x768xf32, #tpu.memory_space<vmem_shared>>
        %dma_start3A_711 = arith.constant 14 : i32
        %dma_start3A_712 = arith.constant 0 : i32
        %dma_start3A_713 = tpu.memref_slice %arg7[%dma_start3A_711, %dma_start3A_712] : memref<16x768xf32, #tpu.memory_space<vmem>> -> memref<1x768xf32, #tpu.memory_space<vmem>>
        %dma_start3A_714 = arith.constant 0 : i32
        %dma_start3A_715 = tpu.memref_slice %arg6[%squeeze3A_705, %dma_start3A_714] : memref<1024x768xf32, #tpu.memory_space<vmem_shared>> -> memref<1x768xf32, #tpu.memory_space<vmem_shared>>
        tpu.enqueue_dma source(%dma_start3A_715 : memref<1x768xf32, #tpu.memory_space<vmem_shared>>) target(%dma_start3A_713 : memref<1x768xf32, #tpu.memory_space<vmem>>) target_semaphore(%arg11 : memref<!tpu.dma_semaphore, #tpu.memory_space<semaphore_mem>>)
        %slice3A_716 = vector.extract_strided_slice %get3A_535 {offsets = [15], sizes = [1], strides = [1]} : vector<16xi32> to vector<1xi32>
        %squeeze3A_717 = vector.extract %slice3A_716[0] : i32 from vector<1xi32>
        %dma_start3A_718 = arith.constant 15 : i32
        %dma_start3A_719 = arith.constant 0 : i32
        %dma_start3A_720 = tpu.memref_slice %arg7[%dma_start3A_718, %dma_start3A_719] : memref<16x768xf32, #tpu.memory_space<vmem>> -> memref<1x768xf32, #tpu.memory_space<vmem>>
        %dma_start3A_721 = arith.constant 0 : i32
        %dma_start3A_722 = tpu.memref_slice %arg6[%squeeze3A_717, %dma_start3A_721] : memref<1024x768xf32, #tpu.memory_space<vmem_shared>> -> memref<1x768xf32, #tpu.memory_space<vmem_shared>>
        %dma_start3A_723 = arith.constant 15 : i32
        %dma_start3A_724 = arith.constant 0 : i32
        %dma_start3A_725 = tpu.memref_slice %arg7[%dma_start3A_723, %dma_start3A_724] : memref<16x768xf32, #tpu.memory_space<vmem>> -> memref<1x768xf32, #tpu.memory_space<vmem>>
        %dma_start3A_726 = arith.constant 0 : i32
        %dma_start3A_727 = tpu.memref_slice %arg6[%squeeze3A_717, %dma_start3A_726] : memref<1024x768xf32, #tpu.memory_space<vmem_shared>> -> memref<1x768xf32, #tpu.memory_space<vmem_shared>>
        tpu.enqueue_dma source(%dma_start3A_727 : memref<1x768xf32, #tpu.memory_space<vmem_shared>>) target(%dma_start3A_725 : memref<1x768xf32, #tpu.memory_space<vmem>>) target_semaphore(%arg11 : memref<!tpu.dma_semaphore, #tpu.memory_space<semaphore_mem>>)
      } else {
      }
      %mul3A_494 = arith.constant 4 : i32
      %mul3A_495 = arith.muli %scan3A_405, %mul3A_494 : i32
      %add3A_496 = arith.constant 3 : i32
      %add3A_497 = arith.addi %mul3A_495, %add3A_496 : i32
      %dma_wait3A_498 = arith.constant 0 : i32
      %dma_wait3A_499 = arith.constant 0 : i32
      %dma_wait3A_500 = tpu.memref_slice %arg6[%dma_wait3A_498, %dma_wait3A_499] : memref<1024x768xf32, #tpu.memory_space<vmem_shared>> -> memref<16x768xf32, #tpu.memory_space<vmem_shared>>
      %dma_wait3A_501 = arith.constant 0 : i32
      %dma_wait3A_502 = arith.constant 0 : i32
      %dma_wait3A_503 = tpu.memref_slice %arg6[%dma_wait3A_501, %dma_wait3A_502] : memref<1024x768xf32, #tpu.memory_space<vmem_shared>> -> memref<16x768xf32, #tpu.memory_space<vmem_shared>>
      tpu.wait_dma2 semaphore(%arg14 : memref<!tpu.dma_semaphore, #tpu.memory_space<semaphore_mem>>) src(%dma_wait3A_503 : memref<16x768xf32, #tpu.memory_space<vmem_shared>>) dst(%arg10 : memref<16x768xf32, #tpu.memory_space<vmem>>)
      %mul3A_504 = arith.constant 16 : i32
      %mul3A_505 = arith.muli %add3A_497, %mul3A_504 : i32
      %add3A_506 = arith.addi %mul3A_2, %mul3A_505 : i32
      %dma_start3A_507 = arith.constant 0 : i32
      %dma_start3A_508 = tpu.memref_slice %arg4[%add3A_506, %dma_start3A_507] : memref<65536x768xf32, #tpu.memory_space<hbm>> -> memref<16x768xf32, #tpu.memory_space<hbm>>
      %dma_start3A_509 = arith.constant 0 : i32
      %dma_start3A_510 = tpu.memref_slice %arg4[%add3A_506, %dma_start3A_509] : memref<65536x768xf32, #tpu.memory_space<hbm>> -> memref<16x768xf32, #tpu.memory_space<hbm>>
      tpu.enqueue_dma source(%arg10 : memref<16x768xf32, #tpu.memory_space<vmem>>) target(%dma_start3A_510 : memref<16x768xf32, #tpu.memory_space<hbm>>) target_semaphore(%arg18 : memref<!tpu.dma_semaphore, #tpu.memory_space<semaphore_mem>>)
      %ge3A_511 = arith.constant 2 : i32
      %ge3A_512 = arith.cmpi sge, %add3A_497, %ge3A_511 : i32
      %convert_element_type3A_513 = arith.extui %ge3A_512 : i1 to i32
      %cond3A_514 = arith.constant 0 : i32
      %cond3A_515 = arith.cmpi ne, %convert_element_type3A_513, %cond3A_514 : i32
      scf.if %cond3A_515 {
        %dma_wait3A_525 = arith.constant 0 : i32
        %dma_wait3A_526 = tpu.memref_slice %arg4[%mul3A_2, %dma_wait3A_525] : memref<65536x768xf32, #tpu.memory_space<hbm>> -> memref<16x768xf32, #tpu.memory_space<hbm>>
        %dma_wait3A_527 = arith.constant 0 : i32
        %dma_wait3A_528 = tpu.memref_slice %arg4[%mul3A_2, %dma_wait3A_527] : memref<65536x768xf32, #tpu.memory_space<hbm>> -> memref<16x768xf32, #tpu.memory_space<hbm>>
        tpu.wait_dma2 semaphore(%arg16 : memref<!tpu.dma_semaphore, #tpu.memory_space<semaphore_mem>>) src(%arg8 : memref<16x768xf32, #tpu.memory_space<vmem>>) dst(%dma_wait3A_528 : memref<16x768xf32, #tpu.memory_space<hbm>>)
      } else {
      }
      %sub3A_516 = arith.constant 2 : i32
      %sub3A_517 = arith.subi %add3A_497, %sub3A_516 : i32
      %add3A_518 = arith.constant 4 : i32
      %add3A_519 = arith.addi %sub3A_517, %add3A_518 : i32
      %lt3A_520 = arith.constant 128 : i32
      %lt3A_521 = arith.cmpi slt, %add3A_519, %lt3A_520 : i32
      %convert_element_type3A_522 = arith.extui %lt3A_521 : i1 to i32
      %cond3A_523 = arith.constant 0 : i32
      %cond3A_524 = arith.cmpi ne, %convert_element_type3A_522, %cond3A_523 : i32
      scf.if %cond3A_524 {
        %sub3A_525 = arith.constant 2 : i32
        %sub3A_526 = arith.subi %add3A_497, %sub3A_525 : i32
        %add3A_527 = arith.constant 4 : i32
        %add3A_528 = arith.addi %sub3A_526, %add3A_527 : i32
        %mul3A_529 = arith.constant 16 : i32
        %mul3A_530 = arith.muli %add3A_528, %mul3A_529 : i32
        %add3A_531 = arith.constant 0 : i32
        %add3A_532 = arith.addi %mul3A_530, %add3A_531 : i32
        %get3A_533 = arith.index_cast %add3A_532 : i32 to index
        %get3A_534 = tpu.vector_load %arg5[%get3A_533] {strides = array<i32>} : memref<2048xi32, #tpu.memory_space<vmem>>, vector<16xi32>,
        %get3A_535 = vector.shape_cast %get3A_534 : vector<16xi32> to vector<16xi32>
        %slice3A_536 = vector.extract_strided_slice %get3A_535 {offsets = [0], sizes = [1], strides = [1]} : vector<16xi32> to vector<1xi32>
        %squeeze3A_537 = vector.extract %slice3A_536[0] : i32 from vector<1xi32>
        %dma_start3A_538 = arith.constant 0 : i32
        %dma_start3A_539 = arith.constant 0 : i32
        %dma_start3A_540 = tpu.memref_slice %arg8[%dma_start3A_538, %dma_start3A_539] : memref<16x768xf32, #tpu.memory_space<vmem>> -> memref<1x768xf32, #tpu.memory_space<vmem>>
        %dma_start3A_541 = arith.constant 0 : i32
        %dma_start3A_542 = tpu.memref_slice %arg6[%squeeze3A_537, %dma_start3A_541] : memref<1024x768xf32, #tpu.memory_space<vmem_shared>> -> memref<1x768xf32, #tpu.memory_space<vmem_shared>>
        %dma_start3A_543 = arith.constant 0 : i32
        %dma_start3A_544 = arith.constant 0 : i32
        %dma_start3A_545 = tpu.memref_slice %arg8[%dma_start3A_543, %dma_start3A_544] : memref<16x768xf32, #tpu.memory_space<vmem>> -> memref<1x768xf32, #tpu.memory_space<vmem>>
        %dma_start3A_546 = arith.constant 0 : i32
        %dma_start3A_547 = tpu.memref_slice %arg6[%squeeze3A_537, %dma_start3A_546] : memref<1024x768xf32, #tpu.memory_space<vmem_shared>> -> memref<1x768xf32, #tpu.memory_space<vmem_shared>>
        tpu.enqueue_dma source(%dma_start3A_547 : memref<1x768xf32, #tpu.memory_space<vmem_shared>>) target(%dma_start3A_545 : memref<1x768xf32, #tpu.memory_space<vmem>>) target_semaphore(%arg12 : memref<!tpu.dma_semaphore, #tpu.memory_space<semaphore_mem>>)
        %slice3A_548 = vector.extract_strided_slice %get3A_535 {offsets = [1], sizes = [1], strides = [1]} : vector<16xi32> to vector<1xi32>
        %squeeze3A_549 = vector.extract %slice3A_548[0] : i32 from vector<1xi32>
        %dma_start3A_550 = arith.constant 1 : i32
        %dma_start3A_551 = arith.constant 0 : i32
        %dma_start3A_552 = tpu.memref_slice %arg8[%dma_start3A_550, %dma_start3A_551] : memref<16x768xf32, #tpu.memory_space<vmem>> -> memref<1x768xf32, #tpu.memory_space<vmem>>
        %dma_start3A_553 = arith.constant 0 : i32
        %dma_start3A_554 = tpu.memref_slice %arg6[%squeeze3A_549, %dma_start3A_553] : memref<1024x768xf32, #tpu.memory_space<vmem_shared>> -> memref<1x768xf32, #tpu.memory_space<vmem_shared>>
        %dma_start3A_555 = arith.constant 1 : i32
        %dma_start3A_556 = arith.constant 0 : i32
        %dma_start3A_557 = tpu.memref_slice %arg8[%dma_start3A_555, %dma_start3A_556] : memref<16x768xf32, #tpu.memory_space<vmem>> -> memref<1x768xf32, #tpu.memory_space<vmem>>
        %dma_start3A_558 = arith.constant 0 : i32
        %dma_start3A_559 = tpu.memref_slice %arg6[%squeeze3A_549, %dma_start3A_558] : memref<1024x768xf32, #tpu.memory_space<vmem_shared>> -> memref<1x768xf32, #tpu.memory_space<vmem_shared>>
        tpu.enqueue_dma source(%dma_start3A_559 : memref<1x768xf32, #tpu.memory_space<vmem_shared>>) target(%dma_start3A_557 : memref<1x768xf32, #tpu.memory_space<vmem>>) target_semaphore(%arg12 : memref<!tpu.dma_semaphore, #tpu.memory_space<semaphore_mem>>)
        %slice3A_560 = vector.extract_strided_slice %get3A_535 {offsets = [2], sizes = [1], strides = [1]} : vector<16xi32> to vector<1xi32>
        %squeeze3A_561 = vector.extract %slice3A_560[0] : i32 from vector<1xi32>
        %dma_start3A_562 = arith.constant 2 : i32
        %dma_start3A_563 = arith.constant 0 : i32
        %dma_start3A_564 = tpu.memref_slice %arg8[%dma_start3A_562, %dma_start3A_563] : memref<16x768xf32, #tpu.memory_space<vmem>> -> memref<1x768xf32, #tpu.memory_space<vmem>>
        %dma_start3A_565 = arith.constant 0 : i32
        %dma_start3A_566 = tpu.memref_slice %arg6[%squeeze3A_561, %dma_start3A_565] : memref<1024x768xf32, #tpu.memory_space<vmem_shared>> -> memref<1x768xf32, #tpu.memory_space<vmem_shared>>
        %dma_start3A_567 = arith.constant 2 : i32
        %dma_start3A_568 = arith.constant 0 : i32
        %dma_start3A_569 = tpu.memref_slice %arg8[%dma_start3A_567, %dma_start3A_568] : memref<16x768xf32, #tpu.memory_space<vmem>> -> memref<1x768xf32, #tpu.memory_space<vmem>>
        %dma_start3A_570 = arith.constant 0 : i32
        %dma_start3A_571 = tpu.memref_slice %arg6[%squeeze3A_561, %dma_start3A_570] : memref<1024x768xf32, #tpu.memory_space<vmem_shared>> -> memref<1x768xf32, #tpu.memory_space<vmem_shared>>
        tpu.enqueue_dma source(%dma_start3A_571 : memref<1x768xf32, #tpu.memory_space<vmem_shared>>) target(%dma_start3A_569 : memref<1x768xf32, #tpu.memory_space<vmem>>) target_semaphore(%arg12 : memref<!tpu.dma_semaphore, #tpu.memory_space<semaphore_mem>>)
        %slice3A_572 = vector.extract_strided_slice %get3A_535 {offsets = [3], sizes = [1], strides = [1]} : vector<16xi32> to vector<1xi32>
        %squeeze3A_573 = vector.extract %slice3A_572[0] : i32 from vector<1xi32>
        %dma_start3A_574 = arith.constant 3 : i32
        %dma_start3A_575 = arith.constant 0 : i32
        %dma_start3A_576 = tpu.memref_slice %arg8[%dma_start3A_574, %dma_start3A_575] : memref<16x768xf32, #tpu.memory_space<vmem>> -> memref<1x768xf32, #tpu.memory_space<vmem>>
        %dma_start3A_577 = arith.constant 0 : i32
        %dma_start3A_578 = tpu.memref_slice %arg6[%squeeze3A_573, %dma_start3A_577] : memref<1024x768xf32, #tpu.memory_space<vmem_shared>> -> memref<1x768xf32, #tpu.memory_space<vmem_shared>>
        %dma_start3A_579 = arith.constant 3 : i32
        %dma_start3A_580 = arith.constant 0 : i32
        %dma_start3A_581 = tpu.memref_slice %arg8[%dma_start3A_579, %dma_start3A_580] : memref<16x768xf32, #tpu.memory_space<vmem>> -> memref<1x768xf32, #tpu.memory_space<vmem>>
        %dma_start3A_582 = arith.constant 0 : i32
        %dma_start3A_583 = tpu.memref_slice %arg6[%squeeze3A_573, %dma_start3A_582] : memref<1024x768xf32, #tpu.memory_space<vmem_shared>> -> memref<1x768xf32, #tpu.memory_space<vmem_shared>>
        tpu.enqueue_dma source(%dma_start3A_583 : memref<1x768xf32, #tpu.memory_space<vmem_shared>>) target(%dma_start3A_581 : memref<1x768xf32, #tpu.memory_space<vmem>>) target_semaphore(%arg12 : memref<!tpu.dma_semaphore, #tpu.memory_space<semaphore_mem>>)
        %slice3A_584 = vector.extract_strided_slice %get3A_535 {offsets = [4], sizes = [1], strides = [1]} : vector<16xi32> to vector<1xi32>
        %squeeze3A_585 = vector.extract %slice3A_584[0] : i32 from vector<1xi32>
        %dma_start3A_586 = arith.constant 4 : i32
        %dma_start3A_587 = arith.constant 0 : i32
        %dma_start3A_588 = tpu.memref_slice %arg8[%dma_start3A_586, %dma_start3A_587] : memref<16x768xf32, #tpu.memory_space<vmem>> -> memref<1x768xf32, #tpu.memory_space<vmem>>
        %dma_start3A_589 = arith.constant 0 : i32
        %dma_start3A_590 = tpu.memref_slice %arg6[%squeeze3A_585, %dma_start3A_589] : memref<1024x768xf32, #tpu.memory_space<vmem_shared>> -> memref<1x768xf32, #tpu.memory_space<vmem_shared>>
        %dma_start3A_591 = arith.constant 4 : i32
        %dma_start3A_592 = arith.constant 0 : i32
        %dma_start3A_593 = tpu.memref_slice %arg8[%dma_start3A_591, %dma_start3A_592] : memref<16x768xf32, #tpu.memory_space<vmem>> -> memref<1x768xf32, #tpu.memory_space<vmem>>
        %dma_start3A_594 = arith.constant 0 : i32
        %dma_start3A_595 = tpu.memref_slice %arg6[%squeeze3A_585, %dma_start3A_594] : memref<1024x768xf32, #tpu.memory_space<vmem_shared>> -> memref<1x768xf32, #tpu.memory_space<vmem_shared>>
        tpu.enqueue_dma source(%dma_start3A_595 : memref<1x768xf32, #tpu.memory_space<vmem_shared>>) target(%dma_start3A_593 : memref<1x768xf32, #tpu.memory_space<vmem>>) target_semaphore(%arg12 : memref<!tpu.dma_semaphore, #tpu.memory_space<semaphore_mem>>)
        %slice3A_596 = vector.extract_strided_slice %get3A_535 {offsets = [5], sizes = [1], strides = [1]} : vector<16xi32> to vector<1xi32>
        %squeeze3A_597 = vector.extract %slice3A_596[0] : i32 from vector<1xi32>
        %dma_start3A_598 = arith.constant 5 : i32
        %dma_start3A_599 = arith.constant 0 : i32
        %dma_start3A_600 = tpu.memref_slice %arg8[%dma_start3A_598, %dma_start3A_599] : memref<16x768xf32, #tpu.memory_space<vmem>> -> memref<1x768xf32, #tpu.memory_space<vmem>>
        %dma_start3A_601 = arith.constant 0 : i32
        %dma_start3A_602 = tpu.memref_slice %arg6[%squeeze3A_597, %dma_start3A_601] : memref<1024x768xf32, #tpu.memory_space<vmem_shared>> -> memref<1x768xf32, #tpu.memory_space<vmem_shared>>
        %dma_start3A_603 = arith.constant 5 : i32
        %dma_start3A_604 = arith.constant 0 : i32
        %dma_start3A_605 = tpu.memref_slice %arg8[%dma_start3A_603, %dma_start3A_604] : memref<16x768xf32, #tpu.memory_space<vmem>> -> memref<1x768xf32, #tpu.memory_space<vmem>>
        %dma_start3A_606 = arith.constant 0 : i32
        %dma_start3A_607 = tpu.memref_slice %arg6[%squeeze3A_597, %dma_start3A_606] : memref<1024x768xf32, #tpu.memory_space<vmem_shared>> -> memref<1x768xf32, #tpu.memory_space<vmem_shared>>
        tpu.enqueue_dma source(%dma_start3A_607 : memref<1x768xf32, #tpu.memory_space<vmem_shared>>) target(%dma_start3A_605 : memref<1x768xf32, #tpu.memory_space<vmem>>) target_semaphore(%arg12 : memref<!tpu.dma_semaphore, #tpu.memory_space<semaphore_mem>>)
        %slice3A_608 = vector.extract_strided_slice %get3A_535 {offsets = [6], sizes = [1], strides = [1]} : vector<16xi32> to vector<1xi32>
        %squeeze3A_609 = vector.extract %slice3A_608[0] : i32 from vector<1xi32>
        %dma_start3A_610 = arith.constant 6 : i32
        %dma_start3A_611 = arith.constant 0 : i32
        %dma_start3A_612 = tpu.memref_slice %arg8[%dma_start3A_610, %dma_start3A_611] : memref<16x768xf32, #tpu.memory_space<vmem>> -> memref<1x768xf32, #tpu.memory_space<vmem>>
        %dma_start3A_613 = arith.constant 0 : i32
        %dma_start3A_614 = tpu.memref_slice %arg6[%squeeze3A_609, %dma_start3A_613] : memref<1024x768xf32, #tpu.memory_space<vmem_shared>> -> memref<1x768xf32, #tpu.memory_space<vmem_shared>>
        %dma_start3A_615 = arith.constant 6 : i32
        %dma_start3A_616 = arith.constant 0 : i32
        %dma_start3A_617 = tpu.memref_slice %arg8[%dma_start3A_615, %dma_start3A_616] : memref<16x768xf32, #tpu.memory_space<vmem>> -> memref<1x768xf32, #tpu.memory_space<vmem>>
        %dma_start3A_618 = arith.constant 0 : i32
        %dma_start3A_619 = tpu.memref_slice %arg6[%squeeze3A_609, %dma_start3A_618] : memref<1024x768xf32, #tpu.memory_space<vmem_shared>> -> memref<1x768xf32, #tpu.memory_space<vmem_shared>>
        tpu.enqueue_dma source(%dma_start3A_619 : memref<1x768xf32, #tpu.memory_space<vmem_shared>>) target(%dma_start3A_617 : memref<1x768xf32, #tpu.memory_space<vmem>>) target_semaphore(%arg12 : memref<!tpu.dma_semaphore, #tpu.memory_space<semaphore_mem>>)
        %slice3A_620 = vector.extract_strided_slice %get3A_535 {offsets = [7], sizes = [1], strides = [1]} : vector<16xi32> to vector<1xi32>
        %squeeze3A_621 = vector.extract %slice3A_620[0] : i32 from vector<1xi32>
        %dma_start3A_622 = arith.constant 7 : i32
        %dma_start3A_623 = arith.constant 0 : i32
        %dma_start3A_624 = tpu.memref_slice %arg8[%dma_start3A_622, %dma_start3A_623] : memref<16x768xf32, #tpu.memory_space<vmem>> -> memref<1x768xf32, #tpu.memory_space<vmem>>
        %dma_start3A_625 = arith.constant 0 : i32
        %dma_start3A_626 = tpu.memref_slice %arg6[%squeeze3A_621, %dma_start3A_625] : memref<1024x768xf32, #tpu.memory_space<vmem_shared>> -> memref<1x768xf32, #tpu.memory_space<vmem_shared>>
        %dma_start3A_627 = arith.constant 7 : i32
        %dma_start3A_628 = arith.constant 0 : i32
        %dma_start3A_629 = tpu.memref_slice %arg8[%dma_start3A_627, %dma_start3A_628] : memref<16x768xf32, #tpu.memory_space<vmem>> -> memref<1x768xf32, #tpu.memory_space<vmem>>
        %dma_start3A_630 = arith.constant 0 : i32
        %dma_start3A_631 = tpu.memref_slice %arg6[%squeeze3A_621, %dma_start3A_630] : memref<1024x768xf32, #tpu.memory_space<vmem_shared>> -> memref<1x768xf32, #tpu.memory_space<vmem_shared>>
        tpu.enqueue_dma source(%dma_start3A_631 : memref<1x768xf32, #tpu.memory_space<vmem_shared>>) target(%dma_start3A_629 : memref<1x768xf32, #tpu.memory_space<vmem>>) target_semaphore(%arg12 : memref<!tpu.dma_semaphore, #tpu.memory_space<semaphore_mem>>)
        %slice3A_632 = vector.extract_strided_slice %get3A_535 {offsets = [8], sizes = [1], strides = [1]} : vector<16xi32> to vector<1xi32>
        %squeeze3A_633 = vector.extract %slice3A_632[0] : i32 from vector<1xi32>
        %dma_start3A_634 = arith.constant 8 : i32
        %dma_start3A_635 = arith.constant 0 : i32
        %dma_start3A_636 = tpu.memref_slice %arg8[%dma_start3A_634, %dma_start3A_635] : memref<16x768xf32, #tpu.memory_space<vmem>> -> memref<1x768xf32, #tpu.memory_space<vmem>>
        %dma_start3A_637 = arith.constant 0 : i32
        %dma_start3A_638 = tpu.memref_slice %arg6[%squeeze3A_633, %dma_start3A_637] : memref<1024x768xf32, #tpu.memory_space<vmem_shared>> -> memref<1x768xf32, #tpu.memory_space<vmem_shared>>
        %dma_start3A_639 = arith.constant 8 : i32
        %dma_start3A_640 = arith.constant 0 : i32
        %dma_start3A_641 = tpu.memref_slice %arg8[%dma_start3A_639, %dma_start3A_640] : memref<16x768xf32, #tpu.memory_space<vmem>> -> memref<1x768xf32, #tpu.memory_space<vmem>>
        %dma_start3A_642 = arith.constant 0 : i32
        %dma_start3A_643 = tpu.memref_slice %arg6[%squeeze3A_633, %dma_start3A_642] : memref<1024x768xf32, #tpu.memory_space<vmem_shared>> -> memref<1x768xf32, #tpu.memory_space<vmem_shared>>
        tpu.enqueue_dma source(%dma_start3A_643 : memref<1x768xf32, #tpu.memory_space<vmem_shared>>) target(%dma_start3A_641 : memref<1x768xf32, #tpu.memory_space<vmem>>) target_semaphore(%arg12 : memref<!tpu.dma_semaphore, #tpu.memory_space<semaphore_mem>>)
        %slice3A_644 = vector.extract_strided_slice %get3A_535 {offsets = [9], sizes = [1], strides = [1]} : vector<16xi32> to vector<1xi32>
        %squeeze3A_645 = vector.extract %slice3A_644[0] : i32 from vector<1xi32>
        %dma_start3A_646 = arith.constant 9 : i32
        %dma_start3A_647 = arith.constant 0 : i32
        %dma_start3A_648 = tpu.memref_slice %arg8[%dma_start3A_646, %dma_start3A_647] : memref<16x768xf32, #tpu.memory_space<vmem>> -> memref<1x768xf32, #tpu.memory_space<vmem>>
        %dma_start3A_649 = arith.constant 0 : i32
        %dma_start3A_650 = tpu.memref_slice %arg6[%squeeze3A_645, %dma_start3A_649] : memref<1024x768xf32, #tpu.memory_space<vmem_shared>> -> memref<1x768xf32, #tpu.memory_space<vmem_shared>>
        %dma_start3A_651 = arith.constant 9 : i32
        %dma_start3A_652 = arith.constant 0 : i32
        %dma_start3A_653 = tpu.memref_slice %arg8[%dma_start3A_651, %dma_start3A_652] : memref<16x768xf32, #tpu.memory_space<vmem>> -> memref<1x768xf32, #tpu.memory_space<vmem>>
        %dma_start3A_654 = arith.constant 0 : i32
        %dma_start3A_655 = tpu.memref_slice %arg6[%squeeze3A_645, %dma_start3A_654] : memref<1024x768xf32, #tpu.memory_space<vmem_shared>> -> memref<1x768xf32, #tpu.memory_space<vmem_shared>>
        tpu.enqueue_dma source(%dma_start3A_655 : memref<1x768xf32, #tpu.memory_space<vmem_shared>>) target(%dma_start3A_653 : memref<1x768xf32, #tpu.memory_space<vmem>>) target_semaphore(%arg12 : memref<!tpu.dma_semaphore, #tpu.memory_space<semaphore_mem>>)
        %slice3A_656 = vector.extract_strided_slice %get3A_535 {offsets = [10], sizes = [1], strides = [1]} : vector<16xi32> to vector<1xi32>
        %squeeze3A_657 = vector.extract %slice3A_656[0] : i32 from vector<1xi32>
        %dma_start3A_658 = arith.constant 10 : i32
        %dma_start3A_659 = arith.constant 0 : i32
        %dma_start3A_660 = tpu.memref_slice %arg8[%dma_start3A_658, %dma_start3A_659] : memref<16x768xf32, #tpu.memory_space<vmem>> -> memref<1x768xf32, #tpu.memory_space<vmem>>
        %dma_start3A_661 = arith.constant 0 : i32
        %dma_start3A_662 = tpu.memref_slice %arg6[%squeeze3A_657, %dma_start3A_661] : memref<1024x768xf32, #tpu.memory_space<vmem_shared>> -> memref<1x768xf32, #tpu.memory_space<vmem_shared>>
        %dma_start3A_663 = arith.constant 10 : i32
        %dma_start3A_664 = arith.constant 0 : i32
        %dma_start3A_665 = tpu.memref_slice %arg8[%dma_start3A_663, %dma_start3A_664] : memref<16x768xf32, #tpu.memory_space<vmem>> -> memref<1x768xf32, #tpu.memory_space<vmem>>
        %dma_start3A_666 = arith.constant 0 : i32
        %dma_start3A_667 = tpu.memref_slice %arg6[%squeeze3A_657, %dma_start3A_666] : memref<1024x768xf32, #tpu.memory_space<vmem_shared>> -> memref<1x768xf32, #tpu.memory_space<vmem_shared>>
        tpu.enqueue_dma source(%dma_start3A_667 : memref<1x768xf32, #tpu.memory_space<vmem_shared>>) target(%dma_start3A_665 : memref<1x768xf32, #tpu.memory_space<vmem>>) target_semaphore(%arg12 : memref<!tpu.dma_semaphore, #tpu.memory_space<semaphore_mem>>)
        %slice3A_668 = vector.extract_strided_slice %get3A_535 {offsets = [11], sizes = [1], strides = [1]} : vector<16xi32> to vector<1xi32>
        %squeeze3A_669 = vector.extract %slice3A_668[0] : i32 from vector<1xi32>
        %dma_start3A_670 = arith.constant 11 : i32
        %dma_start3A_671 = arith.constant 0 : i32
        %dma_start3A_672 = tpu.memref_slice %arg8[%dma_start3A_670, %dma_start3A_671] : memref<16x768xf32, #tpu.memory_space<vmem>> -> memref<1x768xf32, #tpu.memory_space<vmem>>
        %dma_start3A_673 = arith.constant 0 : i32
        %dma_start3A_674 = tpu.memref_slice %arg6[%squeeze3A_669, %dma_start3A_673] : memref<1024x768xf32, #tpu.memory_space<vmem_shared>> -> memref<1x768xf32, #tpu.memory_space<vmem_shared>>
        %dma_start3A_675 = arith.constant 11 : i32
        %dma_start3A_676 = arith.constant 0 : i32
        %dma_start3A_677 = tpu.memref_slice %arg8[%dma_start3A_675, %dma_start3A_676] : memref<16x768xf32, #tpu.memory_space<vmem>> -> memref<1x768xf32, #tpu.memory_space<vmem>>
        %dma_start3A_678 = arith.constant 0 : i32
        %dma_start3A_679 = tpu.memref_slice %arg6[%squeeze3A_669, %dma_start3A_678] : memref<1024x768xf32, #tpu.memory_space<vmem_shared>> -> memref<1x768xf32, #tpu.memory_space<vmem_shared>>
        tpu.enqueue_dma source(%dma_start3A_679 : memref<1x768xf32, #tpu.memory_space<vmem_shared>>) target(%dma_start3A_677 : memref<1x768xf32, #tpu.memory_space<vmem>>) target_semaphore(%arg12 : memref<!tpu.dma_semaphore, #tpu.memory_space<semaphore_mem>>)
        %slice3A_680 = vector.extract_strided_slice %get3A_535 {offsets = [12], sizes = [1], strides = [1]} : vector<16xi32> to vector<1xi32>
        %squeeze3A_681 = vector.extract %slice3A_680[0] : i32 from vector<1xi32>
        %dma_start3A_682 = arith.constant 12 : i32
        %dma_start3A_683 = arith.constant 0 : i32
        %dma_start3A_684 = tpu.memref_slice %arg8[%dma_start3A_682, %dma_start3A_683] : memref<16x768xf32, #tpu.memory_space<vmem>> -> memref<1x768xf32, #tpu.memory_space<vmem>>
        %dma_start3A_685 = arith.constant 0 : i32
        %dma_start3A_686 = tpu.memref_slice %arg6[%squeeze3A_681, %dma_start3A_685] : memref<1024x768xf32, #tpu.memory_space<vmem_shared>> -> memref<1x768xf32, #tpu.memory_space<vmem_shared>>
        %dma_start3A_687 = arith.constant 12 : i32
        %dma_start3A_688 = arith.constant 0 : i32
        %dma_start3A_689 = tpu.memref_slice %arg8[%dma_start3A_687, %dma_start3A_688] : memref<16x768xf32, #tpu.memory_space<vmem>> -> memref<1x768xf32, #tpu.memory_space<vmem>>
        %dma_start3A_690 = arith.constant 0 : i32
        %dma_start3A_691 = tpu.memref_slice %arg6[%squeeze3A_681, %dma_start3A_690] : memref<1024x768xf32, #tpu.memory_space<vmem_shared>> -> memref<1x768xf32, #tpu.memory_space<vmem_shared>>
        tpu.enqueue_dma source(%dma_start3A_691 : memref<1x768xf32, #tpu.memory_space<vmem_shared>>) target(%dma_start3A_689 : memref<1x768xf32, #tpu.memory_space<vmem>>) target_semaphore(%arg12 : memref<!tpu.dma_semaphore, #tpu.memory_space<semaphore_mem>>)
        %slice3A_692 = vector.extract_strided_slice %get3A_535 {offsets = [13], sizes = [1], strides = [1]} : vector<16xi32> to vector<1xi32>
        %squeeze3A_693 = vector.extract %slice3A_692[0] : i32 from vector<1xi32>
        %dma_start3A_694 = arith.constant 13 : i32
        %dma_start3A_695 = arith.constant 0 : i32
        %dma_start3A_696 = tpu.memref_slice %arg8[%dma_start3A_694, %dma_start3A_695] : memref<16x768xf32, #tpu.memory_space<vmem>> -> memref<1x768xf32, #tpu.memory_space<vmem>>
        %dma_start3A_697 = arith.constant 0 : i32
        %dma_start3A_698 = tpu.memref_slice %arg6[%squeeze3A_693, %dma_start3A_697] : memref<1024x768xf32, #tpu.memory_space<vmem_shared>> -> memref<1x768xf32, #tpu.memory_space<vmem_shared>>
        %dma_start3A_699 = arith.constant 13 : i32
        %dma_start3A_700 = arith.constant 0 : i32
        %dma_start3A_701 = tpu.memref_slice %arg8[%dma_start3A_699, %dma_start3A_700] : memref<16x768xf32, #tpu.memory_space<vmem>> -> memref<1x768xf32, #tpu.memory_space<vmem>>
        %dma_start3A_702 = arith.constant 0 : i32
        %dma_start3A_703 = tpu.memref_slice %arg6[%squeeze3A_693, %dma_start3A_702] : memref<1024x768xf32, #tpu.memory_space<vmem_shared>> -> memref<1x768xf32, #tpu.memory_space<vmem_shared>>
        tpu.enqueue_dma source(%dma_start3A_703 : memref<1x768xf32, #tpu.memory_space<vmem_shared>>) target(%dma_start3A_701 : memref<1x768xf32, #tpu.memory_space<vmem>>) target_semaphore(%arg12 : memref<!tpu.dma_semaphore, #tpu.memory_space<semaphore_mem>>)
        %slice3A_704 = vector.extract_strided_slice %get3A_535 {offsets = [14], sizes = [1], strides = [1]} : vector<16xi32> to vector<1xi32>
        %squeeze3A_705 = vector.extract %slice3A_704[0] : i32 from vector<1xi32>
        %dma_start3A_706 = arith.constant 14 : i32
        %dma_start3A_707 = arith.constant 0 : i32
        %dma_start3A_708 = tpu.memref_slice %arg8[%dma_start3A_706, %dma_start3A_707] : memref<16x768xf32, #tpu.memory_space<vmem>> -> memref<1x768xf32, #tpu.memory_space<vmem>>
        %dma_start3A_709 = arith.constant 0 : i32
        %dma_start3A_710 = tpu.memref_slice %arg6[%squeeze3A_705, %dma_start3A_709] : memref<1024x768xf32, #tpu.memory_space<vmem_shared>> -> memref<1x768xf32, #tpu.memory_space<vmem_shared>>
        %dma_start3A_711 = arith.constant 14 : i32
        %dma_start3A_712 = arith.constant 0 : i32
        %dma_start3A_713 = tpu.memref_slice %arg8[%dma_start3A_711, %dma_start3A_712] : memref<16x768xf32, #tpu.memory_space<vmem>> -> memref<1x768xf32, #tpu.memory_space<vmem>>
        %dma_start3A_714 = arith.constant 0 : i32
        %dma_start3A_715 = tpu.memref_slice %arg6[%squeeze3A_705, %dma_start3A_714] : memref<1024x768xf32, #tpu.memory_space<vmem_shared>> -> memref<1x768xf32, #tpu.memory_space<vmem_shared>>
        tpu.enqueue_dma source(%dma_start3A_715 : memref<1x768xf32, #tpu.memory_space<vmem_shared>>) target(%dma_start3A_713 : memref<1x768xf32, #tpu.memory_space<vmem>>) target_semaphore(%arg12 : memref<!tpu.dma_semaphore, #tpu.memory_space<semaphore_mem>>)
        %slice3A_716 = vector.extract_strided_slice %get3A_535 {offsets = [15], sizes = [1], strides = [1]} : vector<16xi32> to vector<1xi32>
        %squeeze3A_717 = vector.extract %slice3A_716[0] : i32 from vector<1xi32>
        %dma_start3A_718 = arith.constant 15 : i32
        %dma_start3A_719 = arith.constant 0 : i32
        %dma_start3A_720 = tpu.memref_slice %arg8[%dma_start3A_718, %dma_start3A_719] : memref<16x768xf32, #tpu.memory_space<vmem>> -> memref<1x768xf32, #tpu.memory_space<vmem>>
        %dma_start3A_721 = arith.constant 0 : i32
        %dma_start3A_722 = tpu.memref_slice %arg6[%squeeze3A_717, %dma_start3A_721] : memref<1024x768xf32, #tpu.memory_space<vmem_shared>> -> memref<1x768xf32, #tpu.memory_space<vmem_shared>>
        %dma_start3A_723 = arith.constant 15 : i32
        %dma_start3A_724 = arith.constant 0 : i32
        %dma_start3A_725 = tpu.memref_slice %arg8[%dma_start3A_723, %dma_start3A_724] : memref<16x768xf32, #tpu.memory_space<vmem>> -> memref<1x768xf32, #tpu.memory_space<vmem>>
        %dma_start3A_726 = arith.constant 0 : i32
        %dma_start3A_727 = tpu.memref_slice %arg6[%squeeze3A_717, %dma_start3A_726] : memref<1024x768xf32, #tpu.memory_space<vmem_shared>> -> memref<1x768xf32, #tpu.memory_space<vmem_shared>>
        tpu.enqueue_dma source(%dma_start3A_727 : memref<1x768xf32, #tpu.memory_space<vmem_shared>>) target(%dma_start3A_725 : memref<1x768xf32, #tpu.memory_space<vmem>>) target_semaphore(%arg12 : memref<!tpu.dma_semaphore, #tpu.memory_space<semaphore_mem>>)
      } else {
      }
    }
    %scan3A_397 = arith.constant 32 : i32
    %dma_wait3A = arith.constant 0 : i32
    %dma_wait3A_398 = tpu.memref_slice %arg4[%mul3A_2, %dma_wait3A] : memref<65536x768xf32, #tpu.memory_space<hbm>> -> memref<16x768xf32, #tpu.memory_space<hbm>>
    %dma_wait3A_399 = arith.constant 0 : i32
    %dma_wait3A_400 = tpu.memref_slice %arg4[%mul3A_2, %dma_wait3A_399] : memref<65536x768xf32, #tpu.memory_space<hbm>> -> memref<16x768xf32, #tpu.memory_space<hbm>>
    tpu.wait_dma2 semaphore(%arg17 : memref<!tpu.dma_semaphore, #tpu.memory_space<semaphore_mem>>) src(%arg9 : memref<16x768xf32, #tpu.memory_space<vmem>>) dst(%dma_wait3A_400 : memref<16x768xf32, #tpu.memory_space<hbm>>)
    %dma_wait3A_401 = arith.constant 0 : i32
    %dma_wait3A_402 = tpu.memref_slice %arg4[%mul3A_2, %dma_wait3A_401] : memref<65536x768xf32, #tpu.memory_space<hbm>> -> memref<16x768xf32, #tpu.memory_space<hbm>>
    %dma_wait3A_403 = arith.constant 0 : i32
    %dma_wait3A_404 = tpu.memref_slice %arg4[%mul3A_2, %dma_wait3A_403] : memref<65536x768xf32, #tpu.memory_space<hbm>> -> memref<16x768xf32, #tpu.memory_space<hbm>>
    tpu.wait_dma2 semaphore(%arg18 : memref<!tpu.dma_semaphore, #tpu.memory_space<semaphore_mem>>) src(%arg10 : memref<16x768xf32, #tpu.memory_space<vmem>>) dst(%dma_wait3A_404 : memref<16x768xf32, #tpu.memory_space<hbm>>)
    return
  }
}

</mosaic_0001>

<sc_bundles>
// kernel: kernel.3.cloned.1.call-start
scs
__scs_entry_jumppad:
0x0: {  	(pc) =	sbr.rel $0x88, $3  }
0x1: {  	(tag) =	ssettag $0x0;
	lr =	simm.s32 $0x1  }
0x2: {  	[smem:$0x3F9F] =	sst lr;
	_ =	strace $0xD0000000  }
0x3: {  	_ = 	snop  }
0x4: {  	_ = 	snop  }
0x5: {  	_ = 	snop  }
0x6: {  	_ = 	snop  }
0x7: {  	_ = 	snop  }
__scs_overlays_trampoline_lowered:
0x8: {  	[smem:$0x3FAE] =	sst s0  }
0x9: {  	[smem:$0x3FAF] =	sst s1  }
0xa: {  	[smem:$0x3FB0] =	sst s2  }
0xb: {  	[smem:$0x3FB1] =	sst s3  }
0xc: {  	[smem:$0x3FB2] =	sst s4  }
0xd: {  	[smem:$0x3FB3] =	sst s5  }
0xe: {  	[smem:$0x3FB4] =	sst s6  }
0xf: {  	[smem:$0x3FB5] =	sst s7  }
0x10: {  	[smem:$0x3FB6] =	sst s8  }
0x11: {  	[smem:$0x3FB7] =	sst s9;
	s0 =	simm.s32 @!p0 $0x0  }
0x12: {  	s1 =	sld [smem:$0x3F9D];
	s0 =	simm.s32 @p0 $0x1  }
0x13: {  	[smem:$0x3FB8] =	sst s0;
	s0 =	simm.s32 @!p1 $0x0  }
0x14: {  	s2 =	sld [smem:$0x3F9C];
	s0 =	simm.s32 @p1 $0x1  }
0x15: {  	[smem:$0x3FB9] =	sst s0;
	s0 =	simm.s32 @!p2 $0x0  }
0x16: {  	s3 =	sld [smem:$0x3FDB];
	s0 =	simm.s32 @p2 $0x1  }
0x17: {  	s4 =	simm.s32 $0x1BF5;
	[smem:$0x3FBB] =	sst s0  }
0x18: {  	s0 =	sld [smem:$0x3F9E];
	_ =	swait.ge [sflag:s4], $0x0  }
0x19: {  	s7 =	sld [smem:$0x3F9F]  }
0x1a: {  	s8 =	sadd.s32 $0xFFFFE003, lr  }
0x1b: {  	s9 =	sadd.s32 $0xFFFFFEF7, lr;
	s5 =	simm.s32 $0xFFFFFFFF;
	p2 =	slt.u32 s8, $0xFFFFF086  }
0x1c: {  	p1 =	slt.u32 s9, $0xF7A;
	s5 =	simm.s32 @!p2 $0x0  }
0x1d: {  	s5 =	simm.s32 @p1 $0x1;
	p0 =	seq.s32 s7, s2  }
0x1e: {  	s7 =	smul.u32 @!p0 $0xF7A, s2;
	p2 =	seq.s32 @!p0 s5, $0x0  }
0x1f: {  	s9 =	smul.u32 $0xF7A, s1;
	s8 =	simm.s32 @!p0 $0x1BF5;
	p2 =	por !p2, p0  }
0x20: {  	[sflag:s8] =	ssyncset.s32 @!p0 $0xFFFFF086;
	s6 =	sadd.s32 @!p0 s3, s7;
	s7 =	simm.s32 @!p0 $0x108  }
0x21: {  	s3 =	sadd.s32 s3, s9;
	s6 =	sadd.s32 @!p0 $0x88, s6;
	s7 =	simm.s32 @p2 $0x1082  }
0x22: {  	[simem:s7], [sflag:s8] =	dma.local @!p0 [hbm:s6], $0xF7A  }
0x23: {  	s9 =	sor.u32 $0xD0000000, s2;
	s6 =	simm.s32 $0x108;
	_ =	swait.ge @!p0 [sflag:s8], $0x0  }
0x24: {  	s3 =	sadd.s32 $0x88, s3;
	s6 =	simm.s32 @!p1 $0x1082;
	[sflag:s4] =	ssyncset.s32 $0xFFFFF086  }
0x25: {  	[simem:s6], [sflag:s4] =	dma.local [hbm:s3], $0xF7A  }
0x26: {  	[smem:$0x3F9F] =	sst s1;
	(tag) =	ssettag s2;
	_ =	strace s9  }
0x27: {  	s1 =	sld [smem:$0x3FAF]  }
0x28: {  	s2 =	sld [smem:$0x3FB0]  }
0x29: {  	s4 =	sld [smem:$0x3FB2]  }
0x2a: {  	p0 =	seq.s32 s5, $0x0;
	s5 =	sld [smem:$0x3FB3]  }
0x2b: {  	s6 =	sld [smem:$0x3FB4]  }
0x2c: {  	s7 =	sld [smem:$0x3FB5]  }
0x2d: {  	s3 =	simm.s32 $0x108;
	s8 =	sld [smem:$0x3FB6]  }
0x2e: {  	s3 =	simm.s32 @!p0 $0x1082;
	s9 =	sld [smem:$0x3FB7]  }
0x2f: {  	lr =	sadd.s32 s0, s3;
	s0 =	sld [smem:$0x3FAE]  }
0x30: {  	s3 =	sld [smem:$0x3FB1]  }
0x31: {  	[smem:$0x3FBA] =	sst s10  }
0x32: {  	s10 =	sld [smem:$0x3FB8];
	_ =	sdelay $0x3  }
0x33: {  	p0 =	seq.s32 s10, $0x1;
	s10 =	sld [smem:$0x3FBA];
	_ =	sdelay $0x3  }
0x34: {  	[smem:$0x3FBA] =	sst s10  }
0x35: {  	s10 =	sld [smem:$0x3FB9];
	_ =	sdelay $0x3  }
0x36: {  	p1 =	seq.s32 s10, $0x1;
	s10 =	sld [smem:$0x3FBA];
	_ =	sdelay $0x3  }
0x37: {  	[smem:$0x3FBA] =	sst s10  }
0x38: {  	s10 =	sld [smem:$0x3FBB]  }
0x39: {  	_ = 	snop;
	(pc) =	sbr.ind lr, $3  }
0x3a: {  	_ = 	snop  }
0x3b: {  	_ = 	snop  }
0x3c: {  	p2 =	seq.s32 s10, $0x1;
	s10 =	sld [smem:$0x3FBA]  }
0x3d: {  	_ =	shalt  }
0x3e: {  	_ =	shalt  }
0x3f: {  	_ =	shalt  }
0x40: {  	_ =	shalt  }
0x41: {  	_ =	shalt  }
0x42: {  	_ =	shalt  }
0x43: {  	_ =	shalt  }
0x44: {  	_ =	shalt  }
0x45: {  	_ =	shalt  }
0x46: {  	_ =	shalt  }
0x47: {  	_ =	shalt  }
0x48: {  	_ =	shalt  }
0x49: {  	_ =	shalt  }
0x4a: {  	_ =	shalt  }
0x4b: {  	_ =	shalt  }
0x4c: {  	_ =	shalt  }
0x4d: {  	_ =	shalt  }
0x4e: {  	_ =	shalt  }
0x4f: {  	_ =	shalt  }
0x50: {  	_ =	shalt  }
0x51: {  	_ =	shalt  }
0x52: {  	_ =	shalt  }
0x53: {  	_ =	shalt  }
0x54: {  	_ =	shalt  }
0x55: {  	_ =	shalt  }
0x56: {  	_ =	shalt  }
0x57: {  	_ =	shalt  }
0x58: {  	_ =	shalt  }
0x59: {  	_ =	shalt  }
0x5a: {  	_ =	shalt  }
0x5b: {  	_ =	shalt  }
0x5c: {  	_ =	shalt  }
0x5d: {  	_ =	shalt  }
0x5e: {  	_ =	shalt  }
0x5f: {  	_ =	shalt  }
0x60: {  	_ =	shalt  }
0x61: {  	_ =	shalt  }
0x62: {  	_ =	shalt  }
0x63: {  	_ =	shalt  }
0x64: {  	_ =	shalt  }
0x65: {  	_ =	shalt  }
0x66: {  	_ =	shalt  }
0x67: {  	_ =	shalt  }
0x68: {  	_ =	shalt  }
0x69: {  	_ =	shalt  }
0x6a: {  	_ =	shalt  }
0x6b: {  	_ =	shalt  }
0x6c: {  	_ =	shalt  }
0x6d: {  	_ =	shalt  }
0x6e: {  	_ =	shalt  }
0x6f: {  	_ =	shalt  }
0x70: {  	_ =	shalt  }
0x71: {  	_ =	shalt  }
0x72: {  	_ =	shalt  }
0x73: {  	_ =	shalt  }
0x74: {  	_ =	shalt  }
0x75: {  	_ =	shalt  }
0x76: {  	_ =	shalt  }
0x77: {  	_ =	shalt  }
0x78: {  	_ =	shalt  }
0x79: {  	_ =	shalt  }
0x7a: {  	_ =	shalt  }
0x7b: {  	_ =	shalt  }
0x7c: {  	_ =	shalt  }
0x7d: {  	_ =	shalt  }
0x7e: {  	_ =	shalt  }
0x7f: {  	_ =	shalt  }
0x80: {  	_ =	shalt  }
0x81: {  	_ =	shalt  }
0x82: {  	_ =	shalt  }
0x83: {  	_ =	shalt  }
0x84: {  	_ =	shalt  }
0x85: {  	_ =	shalt  }
0x86: {  	_ =	shalt  }
0x87: {  	_ =	shalt  }
.Lfunc_end0:
.L_simem_size_0:
called_computation_lowered:
.L_overlay_start_0:
0x88: {  	s2 =	sld [smem:$0x3FD9]  }
0x89: {  	s3 =	sld [smem:$0x3FFE];
	_ =	sdelay $0x1  }
0x8a: {  	s1 =	srdreg.scid  }
0x8b: {  	s0 =	sand.u32 $0x1, s1  }
0x8c: {  	s17 =	sshll.u32 s0, $0xA;
	s2 =	sadd.s32 s3, s2  }
0x8d: {  	s2 =	sadd.s32 s2, s17  }
0x8e: {  	[smem:$0x3FC6] =	sst s2  }
0x8f: {  	_ = 	snop  }
0x90: {  	s2 =	sld [smem:$0x3FC8]  }
0x91: {  	s18 =	sld [smem:$0x3FD0];
	(tm) =	ssettm $0x1  }
0x92: {  	s4 =	sld [smem:$0x3FFB];
	_ =	sdelay $0x3  }
0x93: {  	_ =	strace s4  }
0x94: {  	s4 =	sld [smem:$0x3FFC];
	_ =	sdelay $0x3  }
0x95: {  	_ =	strace s4  }
0x96: {  	s4 =	sld [smem:$0x3FFD];
	_ =	sdelay $0x3  }
0x97: {  	_ =	strace s4  }
0x98: {  	_ =	strace $0x8FFFFFFF  }
0x99: {  	s19 =	sld [smem:$0x3FDB];
	_ =	sdelay $0x1  }
0x9a: {  	s5 =	simm.s32 $_scs_section_size  }
0x9b: {  	s6 =	simm.s32 $_size__tile_overlayer_lowered;
	s7 =	simm.s32 $_tile_overlayer_lowered  }
0x9c: {  	s22 =	simm.s32 $0x1BFF;
	s21 =	sshll.u32 s7, $0x1;
	s4 =	sadd.s32 s5, s19  }
0x9d: {  	s8 =	simm.s32 $0x0;
	s20 =	sshll.u32 s6, $0x1;
	s6 =	sadd.s32 s21, s4  }
0x9e: {  	[timem:s8], [sflag:s22] =	dma.local [hbm:s6], s20  }
0x9f: {  	_ =	swait.ge [sflag:s22], s20  }
0xa0: {  	s5 =	ssub.s32 $0x0, s20;
	[sflag:s22] =	ssyncset.done $0x0  }
0xa1: {  	[sflag:s22] =	ssyncadd.s32 s5;
	_ =	sdelay $0x1  }
0xa2: {  	s23 =	simm.s32 $0x1B8B  }
0xa3: {  	_ =	swait.ge [sflag:s23], $0x1  }
0xa4: {  	[sflag:s23] =	ssyncset.done $0x0  }
0xa5: {  	s25 =	simm.s32 $0x1B8E;
	s24 =	sld [smem:$0x3FFE];
	[sflag:s23] =	ssyncadd.s32 $0xFFFFFFFF  }
0xa6: {  	s26 =	simm.s32 $execute0_lowered;
	[smem:$0x3FD2] =	sst s25  }
0xa7: {  	s6 =	sshll.u32 s26, $0x1;
	_ =	strace $0x80000046;
	[dreg:$0x1] =	wrdreg $0xFFFFFFFF  }
0xa8: {  	s28 =	simm.s32 $_size_execute0_lowered;
	s4 =	sadd.s32 s4, s6;
	[dreg:$0x0] =	wrdreg $0x0  }
0xa9: {  	s6 =	sshll.u32 s28, $0x1;
	[dreg:$0x2] =	wrdreg s4  }
0xaa: {  	[dreg:$0x3] =	wrdreg s6  }
0xab: {  	[dreg:$0x4] =	wrdreg $0xC0  }
0xac: {  	_ =	task [dreg:s8], $0x5FFFF  }
0xad: {  	[dreg:$0x1] =	wrdreg $0xFFFFFFFF  }
0xae: {  	[dreg:$0x0] =	wrdreg $0x60  }
0xaf: {  	[dreg:$0x2] =	wrdreg s2  }
0xb0: {  	[dreg:$0x3] =	wrdreg s24  }
0xb1: {  	[dreg:$0x4] =	wrdreg s18  }
0xb2: {  	[dreg:$0x5] =	wrdreg $0x8000  }
0xb3: {  	[dreg:$0x6] =	wrdreg $0x9  }
0xb4: {  	_ =	task.clear_ibuf [dreg:s8], $0x7FFFF;
	_ =	strace $0x90000046  }
0xb5: {  	s29 =	simm.s32 $0x9;
	_ =	strace $0x80000048  }
0xb6: {  	_ =	swait.ge [sflag:s29], $0x1  }
0xb7: {  	[sflag:s29] =	ssyncadd.s32 $0xFFFFFFFF  }
0xb8: {  	_ =	strace $0x90000048  }
0xb9: {  	_ =	sfence  }
0xba: {  	s30 =	sld [smem:$0x0];
	_ =	sdelay $0x2  }
0xbb: {  	s31 =	sshll.u32 s1, $0xD;
	s1 =	sshrl.u32 s1, $0x2  }
0xbc: {  	s3 =	sand.u32 $0x4000, s31;
	s1 =	sadd.s32 s1, s30  }
0xbd: {  	s0 =	sor.u32 s3, s0;
	s1 =	sshll.u32 s1, $0x11  }
0xbe: {  	s0 =	sor.u32 s1, s0  }
0xbf: {  	s0 =	sadd.s32 $0x8F2B, s0  }
0xc0: {  	[sflag:s0] =	ssyncadd.remote.s32 $0x1  }
0xc1: {  	_ =	sfence.sel $0xFFFF  }
0xc2: {  	[dreg:$0x0] =	wrdreg $0xFFFFFFFF;
	(pc) =	sbr.abs _section_cstart, $3  }
0xc3: {  	[dreg:$0x1] =	wrdreg $0xFFFFFFFF  }
0xc4: {  	_ =	task.clear_ibuf [dreg:s8], $0x2FFFF;
	_ =	strace $0x9FFFFFFF  }
0xc5: {  	(tm) =	ssettm $0x7FFFFFFF  }
tec
execute0_lowered:
.L_overlay_start_1:
0x0: {  	(tag) =	ssettag $0x1  }
0x1: {  	s0 =	rddreg [dreg:$0x0]  }
0x2: {  	s1 =	rddreg [dreg:$0x1]  }
0x3: {  	s4 =	rddreg [dreg:$0x2]  }
0x4: {  	s2 =	rddreg [dreg:$0x3];
	s5 =	srdreg.scid;
	s3 =	simm.s32 $0x0  }
0x5: {  	s10 =	stileid.u32;
	s13 =	simm.s32 $0xC800;
	s18 =	simm.s32 $0x2  }
0x6: {  	s19 =	simm.s32 $0x15800;
	s28 =	simm.s32 $0x18300;
	s29 =	simm.s32 $0x18700  }
0x7: {  	s30 =	simm.s32 $0x17380;
	s31 =	simm.s32 $0x17780;
	s11 =	simm.s32 $0x18780  }
0x8: {  	s12 =	simm.s32 $0x3;
	s14 =	simm.s32 $0x5;
	s15 =	simm.s32 $0x4  }
0x9: {  	s16 =	simm.s32 $0x6;
	s5 =	sand.u32 $0x1, s5;
	[smem:$0x7FF] =	sst s3  }
0xa: {  	s6 =	sshll.u32 s10, $0xC;
	s21 =	smul.u32 $0xC000, s10;
	s25 =	sshll.u32 s10, $0x6  }
0xb: {  	s7 =	sshll.u32 s5, $0xB;
	s5 =	ssub.s32 $0x2, s5;
	_ =	strace $0x80000047  }
0xc: {  	s6 =	sor.u32 s7, s6;
	s9 =	sshrl.u32 s5, $0x1;
	s22 =	sshrl.u32 s21, $0x3  }
0xd: {  	s23 =	sadd.s32 s21, s2;
	s21 =	simm.s32 $0x0;
	s8 =	sshrl.u32 s6, $0x3  }
0xe: {  	s5 =	ssub.s32 s5, s9;
	s0 =	sadd.s32 s0, s22;
	s24 =	sor.u32 $0x30, s6  }
0xf: {  	s6 =	sor.u32 $0x20, s6;
	s9 =	sor.u32 $0x1C09, s25;
	s1 =	sadd.s32 s8, s1  }
0x10: {  	[dreg:$0x5] =	wrdreg s0;
	s8 =	smul.u32 $0x300, s8;
	s7 =	sshrl.u32 s24, $0x3  }
0x11: {  	s6 =	sshrl.u32 s6, $0x3;
	[dreg:$0x6] =	wrdreg s9;
	s7 =	smul.u32 $0x300, s7  }
0x12: {  	s5 =	smax.u32 s5, $0x1;
	s0 =	sshrl.u32 s23, $0x3;
	s26 =	smul.u32 $0x300, s6  }
.Ltmp0:
0x13: {  	s1 =	sadd.s32 $0x400, s1;
	[dreg:$0x8] =	wrdreg s5;
	(pc) =	sbr.rel .LBB2_1-.Ltmp0, $4  }
0x14: {  	[dreg:$0x9] =	wrdreg s0;
	s5 =	simm.s32 $0xF800;
	s6 =	simm.s32 $0x12800  }
0x15: {  	s0 =	simm.s32 $0x17B80;
	[dreg:$0x7] =	wrdreg s1;
	s8 =	sadd.s32 s8, s4  }
0x16: {  	s1 =	simm.s32 $0x17F80;
	s9 =	sadd.s32 s7, s4;
	s10 =	sadd.s32 s26, s4  }
0x17: {  	s4 =	simm.s32 $0x1;
	s26 =	simm.s32 $0x17F00;
	s7 =	simm.s32 $0x18380  }
.LBB2_6:
0x18: {  	s17 =	simm.s32 $0x7  }
0x19: {  	_ =	swait.ge [sflag:s17], $0x3000  }
0x1a: {  	[sflag:s17] =	ssyncset.done $0x0  }
0x1b: {  	s20 =	simm.s32 $0x8;
	[sflag:s17] =	ssyncadd.s32 $0xFFFFD000  }
0x1c: {  	_ =	swait.ge [sflag:s20], $0x3000  }
0x1d: {  	s21 =	rddreg [dreg:$0xa]  }
0x1e: {  	s25 =	rddreg [dreg:$0x8];
	s21 =	sadd.s32 $0x1, s21  }
0x1f: {  	p0 =	sne.s32 s21, s25  }
.Ltmp1:
0x20: {  	_ = 	snop;
	(pc) =	sbr.rel @!p0 .LBB2_7-.Ltmp1, $3  }
0x21: {  	_ =	sdelay $0x1  }
0x22: {  	[sflag:s20] =	ssyncset.done $0x0  }
0x23: {  	[sflag:s20] =	ssyncadd.s32 $0xFFFFD000  }
.LBB2_1:
0x24: {  	[dreg:$0xa] =	wrdreg s21  }
0x25: {  	s17 =	rddreg [dreg:$0x5]  }
0x26: {  	s20 =	rddreg [dreg:$0x6]  }
0x27: {  	s23 =	rddreg [dreg:$0x9];
	s24 =	simm.s32 $0x9  }
0x28: {  	[spmem:s23], [sflag:s20] =	dma.local [hbm:s17], $0x1800  }
0x29: {  	_ =	swait.ge [sflag:s24], $0x1800  }
0x2a: {  	[sflag:s24] =	ssyncset.done $0x0  }
0x2b: {  	s25 =	rddreg [dreg:$0x7];
	[sflag:s24] =	ssyncadd.s32 $0xFFFFE800  }
0x2c: {  	[tilespmem:s3], [sflag:$0x9] =	stream.linear.gather [hbm4b:s25+s3], $0x800, $0x38;
	[tilespmem:$0x18800] =	vst v63  }
0x2d: {  	_ =	swait.ge [sflag:s24], $0x800  }
0x2e: {  	[sflag:s24] =	ssyncset.done $0x0  }
0x2f: {  	[sflag:s24] =	ssyncadd.s32 $0xFFFFF800  }
0x30: {  	[bflag:$0x0] =	sbarrier.arrive $0xFFFF  }
0x31: {  	v0 =	vld [tilespmem:$0x0];
	_ =	sdelay $0x4  }
0x32: {  	(v2sf) =	vpush v0, $0x0;
	_ =	sdelay $0xe  }
0x33: {  	s21 =	spop (v2sf)  }
0x34: {  	(v2sf) =	vpush v0, $0x1;
	s22 =	sshrl.u32 s21, $0x3  }
0x35: {  	s20 =	smul.u32 $0x6000, s22;
	_ =	sdelay $0x1  }
0x36: {  	s17 =	sshll.u32 s21, $0x7;
	s20 =	sshra.s32 s20, $0x2  }
0x37: {  	s17 =	sand.u32 $0x380, s17;
	s20 =	sadd.s32 s20, s2  }
0x38: {  	s17 =	sadd.s32 s17, s20  }
0x39: {  	[tilespmem:s13], [sflag:$0x1] =	stream.linear.gather [spmem:s17], $0x80, $0x38;
	[tilespmem:$0x18800] =	vst v63  }
0x3a: {  	s23 =	simm.s32 $0xCC00;
	s20 =	sadd.s32 $0x400, s17  }
0x3b: {  	[tilespmem:s23], [sflag:$0x1] =	stream.linear.gather [spmem:s20], $0x80, $0x38;
	[tilespmem:$0x18800] =	vst v63  }
0x3c: {  	s25 =	simm.s32 $0xD000;
	s24 =	sadd.s32 $0x800, s17  }
0x3d: {  	[tilespmem:s25], [sflag:$0x1] =	stream.linear.gather [spmem:s24], $0x80, $0x38;
	[tilespmem:$0x18800] =	vst v63  }
0x3e: {  	s22 =	simm.s32 $0xD400;
	s21 =	sadd.s32 $0xC00, s17  }
0x3f: {  	[tilespmem:s22], [sflag:$0x1] =	stream.linear.gather [spmem:s21], $0x80, $0x38;
	[tilespmem:$0x18800] =	vst v63  }
0x40: {  	s23 =	sadd.s32 $0x1000, s17;
	s24 =	simm.s32 $0xD800  }
0x41: {  	[tilespmem:s24], [sflag:$0x1] =	stream.linear.gather [spmem:s23], $0x80, $0x38;
	[tilespmem:$0x18800] =	vst v63  }
0x42: {  	s25 =	spop (v2sf)  }
0x43: {  	(v2sf) =	vpush v0, $0x2;
	s23 =	sshrl.u32 s25, $0x3  }
0x44: {  	s17 =	sadd.s32 $0x1400, s17;
	s22 =	simm.s32 $0xDC00;
	s21 =	smul.u32 $0x6000, s23  }
0x45: {  	[tilespmem:s22], [sflag:$0x1] =	stream.linear.gather [spmem:s17], $0x80, $0x38;
	[tilespmem:$0x18800] =	vst v63  }
0x46: {  	s24 =	sshll.u32 s25, $0x7;
	s25 =	sshra.s32 s21, $0x2  }
0x47: {  	s17 =	sand.u32 $0x380, s24;
	s20 =	sadd.s32 s25, s2  }
0x48: {  	s21 =	simm.s32 $0xC880;
	s17 =	sadd.s32 s17, s20  }
0x49: {  	[tilespmem:s21], [sflag:$0x1] =	stream.linear.gather [spmem:s17], $0x80, $0x38;
	[tilespmem:$0x18800] =	vst v63  }
0x4a: {  	s23 =	simm.s32 $0xCC80;
	s22 =	sadd.s32 $0x400, s17  }
0x4b: {  	[tilespmem:s23], [sflag:$0x1] =	stream.linear.gather [spmem:s22], $0x80, $0x38;
	[tilespmem:$0x18800] =	vst v63  }
0x4c: {  	s25 =	simm.s32 $0xD080;
	s24 =	sadd.s32 $0x800, s17  }
0x4d: {  	[tilespmem:s25], [sflag:$0x1] =	stream.linear.gather [spmem:s24], $0x80, $0x38;
	[tilespmem:$0x18800] =	vst v63  }
0x4e: {  	s21 =	sadd.s32 $0xC00, s17;
	s22 =	simm.s32 $0xD480  }
0x4f: {  	[tilespmem:s22], [sflag:$0x1] =	stream.linear.gather [spmem:s21], $0x80, $0x38;
	[tilespmem:$0x18800] =	vst v63  }
0x50: {  	s23 =	sadd.s32 $0x1000, s17;
	s24 =	simm.s32 $0xD880  }
0x51: {  	[tilespmem:s24], [sflag:$0x1] =	stream.linear.gather [spmem:s23], $0x80, $0x38;
	[tilespmem:$0x18800] =	vst v63  }
0x52: {  	s25 =	spop (v2sf)  }
0x53: {  	(v2sf) =	vpush v0, $0x3;
	s22 =	sshrl.u32 s25, $0x3  }
0x54: {  	s17 =	sadd.s32 $0x1400, s17;
	s23 =	simm.s32 $0xDC80;
	s21 =	smul.u32 $0x6000, s22  }
0x55: {  	[tilespmem:s23], [sflag:$0x1] =	stream.linear.gather [spmem:s17], $0x80, $0x38;
	[tilespmem:$0x18800] =	vst v63  }
0x56: {  	s24 =	sshll.u32 s25, $0x7;
	s25 =	sshra.s32 s21, $0x2  }
0x57: {  	s17 =	sand.u32 $0x380, s24;
	s20 =	sadd.s32 s25, s2  }
0x58: {  	s21 =	simm.s32 $0xC900;
	s17 =	sadd.s32 s17, s20  }
0x59: {  	[tilespmem:s21], [sflag:$0x1] =	stream.linear.gather [spmem:s17], $0x80, $0x38;
	[tilespmem:$0x18800] =	vst v63  }
0x5a: {  	s23 =	simm.s32 $0xCD00;
	s22 =	sadd.s32 $0x400, s17  }
0x5b: {  	[tilespmem:s23], [sflag:$0x1] =	stream.linear.gather [spmem:s22], $0x80, $0x38;
	[tilespmem:$0x18800] =	vst v63  }
0x5c: {  	s25 =	simm.s32 $0xD100;
	s24 =	sadd.s32 $0x800, s17  }
0x5d: {  	[tilespmem:s25], [sflag:$0x1] =	stream.linear.gather [spmem:s24], $0x80, $0x38;
	[tilespmem:$0x18800] =	vst v63  }
0x5e: {  	s21 =	sadd.s32 $0xC00, s17;
	s22 =	simm.s32 $0xD500  }
0x5f: {  	[tilespmem:s22], [sflag:$0x1] =	stream.linear.gather [spmem:s21], $0x80, $0x38;
	[tilespmem:$0x18800] =	vst v63  }
0x60: {  	s23 =	sadd.s32 $0x1000, s17;
	s24 =	simm.s32 $0xD900  }
0x61: {  	[tilespmem:s24], [sflag:$0x1] =	stream.linear.gather [spmem:s23], $0x80, $0x38;
	[tilespmem:$0x18800] =	vst v63  }
0x62: {  	s25 =	spop (v2sf)  }
0x63: {  	(v2sf) =	vpush v0, $0x4;
	s22 =	sshrl.u32 s25, $0x3  }
0x64: {  	s17 =	sadd.s32 $0x1400, s17;
	s23 =	simm.s32 $0xDD00;
	s21 =	smul.u32 $0x6000, s22  }
0x65: {  	[tilespmem:s23], [sflag:$0x1] =	stream.linear.gather [spmem:s17], $0x80, $0x38;
	[tilespmem:$0x18800] =	vst v63  }
0x66: {  	s24 =	sshll.u32 s25, $0x7;
	s25 =	sshra.s32 s21, $0x2  }
0x67: {  	s17 =	sand.u32 $0x380, s24;
	s20 =	sadd.s32 s25, s2  }
0x68: {  	s21 =	simm.s32 $0xC980;
	s17 =	sadd.s32 s17, s20  }
0x69: {  	[tilespmem:s21], [sflag:$0x1] =	stream.linear.gather [spmem:s17], $0x80, $0x38;
	[tilespmem:$0x18800] =	vst v63  }
0x6a: {  	s23 =	simm.s32 $0xCD80;
	s22 =	sadd.s32 $0x400, s17  }
0x6b: {  	[tilespmem:s23], [sflag:$0x1] =	stream.linear.gather [spmem:s22], $0x80, $0x38;
	[tilespmem:$0x18800] =	vst v63  }
0x6c: {  	s25 =	simm.s32 $0xD180;
	s24 =	sadd.s32 $0x800, s17  }
0x6d: {  	[tilespmem:s25], [sflag:$0x1] =	stream.linear.gather [spmem:s24], $0x80, $0x38;
	[tilespmem:$0x18800] =	vst v63  }
0x6e: {  	s21 =	sadd.s32 $0xC00, s17;
	s22 =	simm.s32 $0xD580  }
0x6f: {  	[tilespmem:s22], [sflag:$0x1] =	stream.linear.gather [spmem:s21], $0x80, $0x38;
	[tilespmem:$0x18800] =	vst v63  }
0x70: {  	s23 =	sadd.s32 $0x1000, s17;
	s24 =	simm.s32 $0xD980  }
0x71: {  	[tilespmem:s24], [sflag:$0x1] =	stream.linear.gather [spmem:s23], $0x80, $0x38;
	[tilespmem:$0x18800] =	vst v63  }
0x72: {  	s25 =	spop (v2sf)  }
0x73: {  	(v2sf) =	vpush v0, $0x5;
	s22 =	sshrl.u32 s25, $0x3  }
0x74: {  	s17 =	sadd.s32 $0x1400, s17;
	s23 =	simm.s32 $0xDD80;
	s21 =	smul.u32 $0x6000, s22  }
0x75: {  	[tilespmem:s23], [sflag:$0x1] =	stream.linear.gather [spmem:s17], $0x80, $0x38;
	[tilespmem:$0x18800] =	vst v63  }
0x76: {  	s24 =	sshll.u32 s25, $0x7;
	s25 =	sshra.s32 s21, $0x2  }
0x77: {  	s17 =	sand.u32 $0x380, s24;
	s20 =	sadd.s32 s25, s2  }
0x78: {  	s21 =	simm.s32 $0xCA00;
	s17 =	sadd.s32 s17, s20  }
0x79: {  	[tilespmem:s21], [sflag:$0x1] =	stream.linear.gather [spmem:s17], $0x80, $0x38;
	[tilespmem:$0x18800] =	vst v63  }
0x7a: {  	s23 =	simm.s32 $0xCE00;
	s22 =	sadd.s32 $0x400, s17  }
0x7b: {  	[tilespmem:s23], [sflag:$0x1] =	stream.linear.gather [spmem:s22], $0x80, $0x38;
	[tilespmem:$0x18800] =	vst v63  }
0x7c: {  	s25 =	simm.s32 $0xD200;
	s24 =	sadd.s32 $0x800, s17  }
0x7d: {  	[tilespmem:s25], [sflag:$0x1] =	stream.linear.gather [spmem:s24], $0x80, $0x38;
	[tilespmem:$0x18800] =	vst v63  }
0x7e: {  	s21 =	sadd.s32 $0xC00, s17;
	s22 =	simm.s32 $0xD600  }
0x7f: {  	[tilespmem:s22], [sflag:$0x1] =	stream.linear.gather [spmem:s21], $0x80, $0x38;
	[tilespmem:$0x18800] =	vst v63  }
0x80: {  	s23 =	sadd.s32 $0x1000, s17;
	s24 =	simm.s32 $0xDA00  }
0x81: {  	[tilespmem:s24], [sflag:$0x1] =	stream.linear.gather [spmem:s23], $0x80, $0x38;
	[tilespmem:$0x18800] =	vst v63  }
0x82: {  	s25 =	spop (v2sf)  }
0x83: {  	(v2sf) =	vpush v0, $0x6;
	s22 =	sshrl.u32 s25, $0x3  }
0x84: {  	s17 =	sadd.s32 $0x1400, s17;
	s23 =	simm.s32 $0xDE00;
	s21 =	smul.u32 $0x6000, s22  }
0x85: {  	[tilespmem:s23], [sflag:$0x1] =	stream.linear.gather [spmem:s17], $0x80, $0x38;
	[tilespmem:$0x18800] =	vst v63  }
0x86: {  	s24 =	sshll.u32 s25, $0x7;
	s25 =	sshra.s32 s21, $0x2  }
0x87: {  	s17 =	sand.u32 $0x380, s24;
	s20 =	sadd.s32 s25, s2  }
0x88: {  	s21 =	simm.s32 $0xCA80;
	s17 =	sadd.s32 s17, s20  }
0x89: {  	[tilespmem:s21], [sflag:$0x1] =	stream.linear.gather [spmem:s17], $0x80, $0x38;
	[tilespmem:$0x18800] =	vst v63  }
0x8a: {  	s23 =	simm.s32 $0xCE80;
	s22 =	sadd.s32 $0x400, s17  }
0x8b: {  	[tilespmem:s23], [sflag:$0x1] =	stream.linear.gather [spmem:s22], $0x80, $0x38;
	[tilespmem:$0x18800] =	vst v63  }
0x8c: {  	s25 =	simm.s32 $0xD280;
	s24 =	sadd.s32 $0x800, s17  }
0x8d: {  	[tilespmem:s25], [sflag:$0x1] =	stream.linear.gather [spmem:s24], $0x80, $0x38;
	[tilespmem:$0x18800] =	vst v63  }
0x8e: {  	s21 =	sadd.s32 $0xC00, s17;
	s22 =	simm.s32 $0xD680  }
0x8f: {  	[tilespmem:s22], [sflag:$0x1] =	stream.linear.gather [spmem:s21], $0x80, $0x38;
	[tilespmem:$0x18800] =	vst v63  }
0x90: {  	s23 =	sadd.s32 $0x1000, s17;
	s24 =	simm.s32 $0xDA80  }
0x91: {  	[tilespmem:s24], [sflag:$0x1] =	stream.linear.gather [spmem:s23], $0x80, $0x38;
	[tilespmem:$0x18800] =	vst v63  }
0x92: {  	s25 =	spop (v2sf)  }
0x93: {  	(v2sf) =	vpush v0, $0x7;
	s22 =	sshrl.u32 s25, $0x3  }
0x94: {  	s17 =	sadd.s32 $0x1400, s17;
	s23 =	simm.s32 $0xDE80;
	s21 =	smul.u32 $0x6000, s22  }
0x95: {  	[tilespmem:s23], [sflag:$0x1] =	stream.linear.gather [spmem:s17], $0x80, $0x38;
	[tilespmem:$0x18800] =	vst v63  }
0x96: {  	s24 =	sshll.u32 s25, $0x7;
	s25 =	sshra.s32 s21, $0x2  }
0x97: {  	s17 =	sand.u32 $0x380, s24;
	s20 =	sadd.s32 s25, s2  }
0x98: {  	s21 =	simm.s32 $0xCB00;
	s17 =	sadd.s32 s17, s20  }
0x99: {  	[tilespmem:s21], [sflag:$0x1] =	stream.linear.gather [spmem:s17], $0x80, $0x38;
	[tilespmem:$0x18800] =	vst v63  }
0x9a: {  	s23 =	simm.s32 $0xCF00;
	s22 =	sadd.s32 $0x400, s17  }
0x9b: {  	[tilespmem:s23], [sflag:$0x1] =	stream.linear.gather [spmem:s22], $0x80, $0x38;
	[tilespmem:$0x18800] =	vst v63  }
0x9c: {  	s25 =	simm.s32 $0xD300;
	s24 =	sadd.s32 $0x800, s17  }
0x9d: {  	[tilespmem:s25], [sflag:$0x1] =	stream.linear.gather [spmem:s24], $0x80, $0x38;
	[tilespmem:$0x18800] =	vst v63  }
0x9e: {  	s21 =	sadd.s32 $0xC00, s17;
	s22 =	simm.s32 $0xD700  }
0x9f: {  	[tilespmem:s22], [sflag:$0x1] =	stream.linear.gather [spmem:s21], $0x80, $0x38;
	[tilespmem:$0x18800] =	vst v63  }
0xa0: {  	s23 =	sadd.s32 $0x1000, s17;
	s24 =	simm.s32 $0xDB00  }
0xa1: {  	[tilespmem:s24], [sflag:$0x1] =	stream.linear.gather [spmem:s23], $0x80, $0x38;
	[tilespmem:$0x18800] =	vst v63  }
0xa2: {  	s25 =	spop (v2sf)  }
0xa3: {  	(v2sf) =	vpush v0, $0x8;
	s22 =	sshrl.u32 s25, $0x3  }
0xa4: {  	s17 =	sadd.s32 $0x1400, s17;
	s23 =	simm.s32 $0xDF00;
	s21 =	smul.u32 $0x6000, s22  }
0xa5: {  	[tilespmem:s23], [sflag:$0x1] =	stream.linear.gather [spmem:s17], $0x80, $0x38;
	[tilespmem:$0x18800] =	vst v63  }
0xa6: {  	s24 =	sshll.u32 s25, $0x7;
	s25 =	sshra.s32 s21, $0x2  }
0xa7: {  	s17 =	sand.u32 $0x380, s24;
	s20 =	sadd.s32 s25, s2  }
0xa8: {  	s21 =	simm.s32 $0xCB80;
	s17 =	sadd.s32 s17, s20  }
0xa9: {  	[tilespmem:s21], [sflag:$0x1] =	stream.linear.gather [spmem:s17], $0x80, $0x38;
	[tilespmem:$0x18800] =	vst v63  }
0xaa: {  	s23 =	simm.s32 $0xCF80;
	s22 =	sadd.s32 $0x400, s17  }
0xab: {  	[tilespmem:s23], [sflag:$0x1] =	stream.linear.gather [spmem:s22], $0x80, $0x38;
	[tilespmem:$0x18800] =	vst v63  }
0xac: {  	s25 =	simm.s32 $0xD380;
	s24 =	sadd.s32 $0x800, s17  }
0xad: {  	[tilespmem:s25], [sflag:$0x1] =	stream.linear.gather [spmem:s24], $0x80, $0x38;
	[tilespmem:$0x18800] =	vst v63  }
0xae: {  	s21 =	sadd.s32 $0xC00, s17;
	s22 =	simm.s32 $0xD780  }
0xaf: {  	[tilespmem:s22], [sflag:$0x1] =	stream.linear.gather [spmem:s21], $0x80, $0x38;
	[tilespmem:$0x18800] =	vst v63  }
0xb0: {  	s23 =	sadd.s32 $0x1000, s17;
	s24 =	simm.s32 $0xDB80  }
0xb1: {  	[tilespmem:s24], [sflag:$0x1] =	stream.linear.gather [spmem:s23], $0x80, $0x38;
	[tilespmem:$0x18800] =	vst v63  }
0xb2: {  	s25 =	spop (v2sf)  }
0xb3: {  	(v2sf) =	vpush v0, $0x9;
	s22 =	sshrl.u32 s25, $0x3  }
0xb4: {  	s17 =	sadd.s32 $0x1400, s17;
	s23 =	simm.s32 $0xDF80;
	s21 =	smul.u32 $0x6000, s22  }
0xb5: {  	[tilespmem:s23], [sflag:$0x1] =	stream.linear.gather [spmem:s17], $0x80, $0x38;
	[tilespmem:$0x18800] =	vst v63  }
0xb6: {  	s24 =	sshll.u32 s25, $0x7;
	s25 =	sshra.s32 s21, $0x2  }
0xb7: {  	s17 =	sand.u32 $0x380, s24;
	s20 =	sadd.s32 s25, s2  }
0xb8: {  	s21 =	simm.s32 $0xE000;
	s17 =	sadd.s32 s17, s20  }
0xb9: {  	[tilespmem:s21], [sflag:$0x1] =	stream.linear.gather [spmem:s17], $0x80, $0x38;
	[tilespmem:$0x18800] =	vst v63  }
0xba: {  	s23 =	simm.s32 $0xE400;
	s22 =	sadd.s32 $0x400, s17  }
0xbb: {  	[tilespmem:s23], [sflag:$0x1] =	stream.linear.gather [spmem:s22], $0x80, $0x38;
	[tilespmem:$0x18800] =	vst v63  }
0xbc: {  	s25 =	simm.s32 $0xE800;
	s24 =	sadd.s32 $0x800, s17  }
0xbd: {  	[tilespmem:s25], [sflag:$0x1] =	stream.linear.gather [spmem:s24], $0x80, $0x38;
	[tilespmem:$0x18800] =	vst v63  }
0xbe: {  	s21 =	sadd.s32 $0xC00, s17;
	s22 =	simm.s32 $0xEC00  }
0xbf: {  	[tilespmem:s22], [sflag:$0x1] =	stream.linear.gather [spmem:s21], $0x80, $0x38;
	[tilespmem:$0x18800] =	vst v63  }
0xc0: {  	s23 =	sadd.s32 $0x1000, s17;
	s24 =	simm.s32 $0xF000  }
0xc1: {  	[tilespmem:s24], [sflag:$0x1] =	stream.linear.gather [spmem:s23], $0x80, $0x38;
	[tilespmem:$0x18800] =	vst v63  }
0xc2: {  	s25 =	spop (v2sf)  }
0xc3: {  	(v2sf) =	vpush v0, $0xA;
	s22 =	sshrl.u32 s25, $0x3  }
0xc4: {  	s17 =	sadd.s32 $0x1400, s17;
	s23 =	simm.s32 $0xF400;
	s21 =	smul.u32 $0x6000, s22  }
0xc5: {  	[tilespmem:s23], [sflag:$0x1] =	stream.linear.gather [spmem:s17], $0x80, $0x38;
	[tilespmem:$0x18800] =	vst v63  }
0xc6: {  	s24 =	sshll.u32 s25, $0x7;
	s25 =	sshra.s32 s21, $0x2  }
0xc7: {  	s17 =	sand.u32 $0x380, s24;
	s20 =	sadd.s32 s25, s2  }
0xc8: {  	s21 =	simm.s32 $0xE080;
	s17 =	sadd.s32 s17, s20  }
0xc9: {  	[tilespmem:s21], [sflag:$0x1] =	stream.linear.gather [spmem:s17], $0x80, $0x38;
	[tilespmem:$0x18800] =	vst v63  }
0xca: {  	s23 =	simm.s32 $0xE480;
	s22 =	sadd.s32 $0x400, s17  }
0xcb: {  	[tilespmem:s23], [sflag:$0x1] =	stream.linear.gather [spmem:s22], $0x80, $0x38;
	[tilespmem:$0x18800] =	vst v63  }
0xcc: {  	s25 =	simm.s32 $0xE880;
	s24 =	sadd.s32 $0x800, s17  }
0xcd: {  	[tilespmem:s25], [sflag:$0x1] =	stream.linear.gather [spmem:s24], $0x80, $0x38;
	[tilespmem:$0x18800] =	vst v63  }
0xce: {  	s21 =	sadd.s32 $0xC00, s17;
	s22 =	simm.s32 $0xEC80  }
0xcf: {  	[tilespmem:s22], [sflag:$0x1] =	stream.linear.gather [spmem:s21], $0x80, $0x38;
	[tilespmem:$0x18800] =	vst v63  }
0xd0: {  	s23 =	sadd.s32 $0x1000, s17;
	s24 =	simm.s32 $0xF080  }
0xd1: {  	[tilespmem:s24], [sflag:$0x1] =	stream.linear.gather [spmem:s23], $0x80, $0x38;
	[tilespmem:$0x18800] =	vst v63  }
0xd2: {  	s25 =	spop (v2sf)  }
0xd3: {  	(v2sf) =	vpush v0, $0xB;
	s22 =	sshrl.u32 s25, $0x3  }
0xd4: {  	s17 =	sadd.s32 $0x1400, s17;
	s23 =	simm.s32 $0xF480;
	s21 =	smul.u32 $0x6000, s22  }
0xd5: {  	[tilespmem:s23], [sflag:$0x1] =	stream.linear.gather [spmem:s17], $0x80, $0x38;
	[tilespmem:$0x18800] =	vst v63  }
0xd6: {  	s24 =	sshll.u32 s25, $0x7;
	s25 =	sshra.s32 s21, $0x2  }
0xd7: {  	s17 =	sand.u32 $0x380, s24;
	s20 =	sadd.s32 s25, s2  }
0xd8: {  	s21 =	simm.s32 $0xE100;
	s17 =	sadd.s32 s17, s20  }
0xd9: {  	[tilespmem:s21], [sflag:$0x1] =	stream.linear.gather [spmem:s17], $0x80, $0x38;
	[tilespmem:$0x18800] =	vst v63  }
0xda: {  	s23 =	simm.s32 $0xE500;
	s22 =	sadd.s32 $0x400, s17  }
0xdb: {  	[tilespmem:s23], [sflag:$0x1] =	stream.linear.gather [spmem:s22], $0x80, $0x38;
	[tilespmem:$0x18800] =	vst v63  }
0xdc: {  	s25 =	simm.s32 $0xE900;
	s24 =	sadd.s32 $0x800, s17  }
0xdd: {  	[tilespmem:s25], [sflag:$0x1] =	stream.linear.gather [spmem:s24], $0x80, $0x38;
	[tilespmem:$0x18800] =	vst v63  }
0xde: {  	s21 =	sadd.s32 $0xC00, s17;
	s22 =	simm.s32 $0xED00  }
0xdf: {  	[tilespmem:s22], [sflag:$0x1] =	stream.linear.gather [spmem:s21], $0x80, $0x38;
	[tilespmem:$0x18800] =	vst v63  }
0xe0: {  	s23 =	sadd.s32 $0x1000, s17;
	s24 =	simm.s32 $0xF100  }
0xe1: {  	[tilespmem:s24], [sflag:$0x1] =	stream.linear.gather [spmem:s23], $0x80, $0x38;
	[tilespmem:$0x18800] =	vst v63  }
0xe2: {  	s25 =	spop (v2sf)  }
0xe3: {  	(v2sf) =	vpush v0, $0xC;
	s22 =	sshrl.u32 s25, $0x3  }
0xe4: {  	s17 =	sadd.s32 $0x1400, s17;
	s23 =	simm.s32 $0xF500;
	s21 =	smul.u32 $0x6000, s22  }
0xe5: {  	[tilespmem:s23], [sflag:$0x1] =	stream.linear.gather [spmem:s17], $0x80, $0x38;
	[tilespmem:$0x18800] =	vst v63  }
0xe6: {  	s24 =	sshll.u32 s25, $0x7;
	s25 =	sshra.s32 s21, $0x2  }
0xe7: {  	s17 =	sand.u32 $0x380, s24;
	s20 =	sadd.s32 s25, s2  }
0xe8: {  	s21 =	simm.s32 $0xE180;
	s17 =	sadd.s32 s17, s20  }
0xe9: {  	[tilespmem:s21], [sflag:$0x1] =	stream.linear.gather [spmem:s17], $0x80, $0x38;
	[tilespmem:$0x18800] =	vst v63  }
0xea: {  	s23 =	simm.s32 $0xE580;
	s22 =	sadd.s32 $0x400, s17  }
0xeb: {  	[tilespmem:s23], [sflag:$0x1] =	stream.linear.gather [spmem:s22], $0x80, $0x38;
	[tilespmem:$0x18800] =	vst v63  }
0xec: {  	s25 =	simm.s32 $0xE980;
	s24 =	sadd.s32 $0x800, s17  }
0xed: {  	[tilespmem:s25], [sflag:$0x1] =	stream.linear.gather [spmem:s24], $0x80, $0x38;
	[tilespmem:$0x18800] =	vst v63  }
0xee: {  	s21 =	sadd.s32 $0xC00, s17;
	s22 =	simm.s32 $0xED80  }
0xef: {  	[tilespmem:s22], [sflag:$0x1] =	stream.linear.gather [spmem:s21], $0x80, $0x38;
	[tilespmem:$0x18800] =	vst v63  }
0xf0: {  	s23 =	sadd.s32 $0x1000, s17;
	s24 =	simm.s32 $0xF180  }
0xf1: {  	[tilespmem:s24], [sflag:$0x1] =	stream.linear.gather [spmem:s23], $0x80, $0x38;
	[tilespmem:$0x18800] =	vst v63  }
0xf2: {  	s25 =	spop (v2sf)  }
0xf3: {  	(v2sf) =	vpush v0, $0xD;
	s22 =	sshrl.u32 s25, $0x3  }
0xf4: {  	s17 =	sadd.s32 $0x1400, s17;
	s23 =	simm.s32 $0xF580;
	s21 =	smul.u32 $0x6000, s22  }
0xf5: {  	[tilespmem:s23], [sflag:$0x1] =	stream.linear.gather [spmem:s17], $0x80, $0x38;
	[tilespmem:$0x18800] =	vst v63  }
0xf6: {  	s24 =	sshll.u32 s25, $0x7;
	s25 =	sshra.s32 s21, $0x2  }
0xf7: {  	s17 =	sand.u32 $0x380, s24;
	s20 =	sadd.s32 s25, s2  }
0xf8: {  	s21 =	simm.s32 $0xE200;
	s17 =	sadd.s32 s17, s20  }
0xf9: {  	[tilespmem:s21], [sflag:$0x1] =	stream.linear.gather [spmem:s17], $0x80, $0x38;
	[tilespmem:$0x18800] =	vst v63  }
0xfa: {  	s23 =	simm.s32 $0xE600;
	s22 =	sadd.s32 $0x400, s17  }
0xfb: {  	[tilespmem:s23], [sflag:$0x1] =	stream.linear.gather [spmem:s22], $0x80, $0x38;
	[tilespmem:$0x18800] =	vst v63  }
0xfc: {  	s25 =	simm.s32 $0xEA00;
	s24 =	sadd.s32 $0x800, s17  }
0xfd: {  	[tilespmem:s25], [sflag:$0x1] =	stream.linear.gather [spmem:s24], $0x80, $0x38;
	[tilespmem:$0x18800] =	vst v63  }
0xfe: {  	s21 =	sadd.s32 $0xC00, s17;
	s22 =	simm.s32 $0xEE00  }
0xff: {  	[tilespmem:s22], [sflag:$0x1] =	stream.linear.gather [spmem:s21], $0x80, $0x38;
	[tilespmem:$0x18800] =	vst v63  }
0x100: {  	s23 =	sadd.s32 $0x1000, s17;
	s24 =	simm.s32 $0xF200  }
0x101: {  	[tilespmem:s24], [sflag:$0x1] =	stream.linear.gather [spmem:s23], $0x80, $0x38;
	[tilespmem:$0x18800] =	vst v63  }
0x102: {  	s25 =	spop (v2sf)  }
0x103: {  	(v2sf) =	vpush v0, $0xE;
	s22 =	sshrl.u32 s25, $0x3  }
0x104: {  	s17 =	sadd.s32 $0x1400, s17;
	s23 =	simm.s32 $0xF600;
	s21 =	smul.u32 $0x6000, s22  }
0x105: {  	[tilespmem:s23], [sflag:$0x1] =	stream.linear.gather [spmem:s17], $0x80, $0x38;
	[tilespmem:$0x18800] =	vst v63  }
0x106: {  	s24 =	sshll.u32 s25, $0x7;
	s25 =	sshra.s32 s21, $0x2  }
0x107: {  	s17 =	sand.u32 $0x380, s24;
	s20 =	sadd.s32 s25, s2  }
0x108: {  	s21 =	simm.s32 $0xE280;
	s17 =	sadd.s32 s17, s20  }
0x109: {  	[tilespmem:s21], [sflag:$0x1] =	stream.linear.gather [spmem:s17], $0x80, $0x38;
	[tilespmem:$0x18800] =	vst v63  }
0x10a: {  	s23 =	simm.s32 $0xE680;
	s22 =	sadd.s32 $0x400, s17  }
0x10b: {  	[tilespmem:s23], [sflag:$0x1] =	stream.linear.gather [spmem:s22], $0x80, $0x38;
	[tilespmem:$0x18800] =	vst v63  }
0x10c: {  	s25 =	simm.s32 $0xEA80;
	s24 =	sadd.s32 $0x800, s17  }
0x10d: {  	[tilespmem:s25], [sflag:$0x1] =	stream.linear.gather [spmem:s24], $0x80, $0x38;
	[tilespmem:$0x18800] =	vst v63  }
0x10e: {  	s21 =	sadd.s32 $0xC00, s17;
	s22 =	simm.s32 $0xEE80  }
0x10f: {  	[tilespmem:s22], [sflag:$0x1] =	stream.linear.gather [spmem:s21], $0x80, $0x38;
	[tilespmem:$0x18800] =	vst v63  }
0x110: {  	s23 =	sadd.s32 $0x1000, s17;
	s24 =	simm.s32 $0xF280  }
0x111: {  	[tilespmem:s24], [sflag:$0x1] =	stream.linear.gather [spmem:s23], $0x80, $0x38;
	[tilespmem:$0x18800] =	vst v63  }
0x112: {  	s25 =	spop (v2sf)  }
0x113: {  	(v2sf) =	vpush v0, $0xF;
	s22 =	sshrl.u32 s25, $0x3  }
0x114: {  	s17 =	sadd.s32 $0x1400, s17;
	s23 =	simm.s32 $0xF680;
	s21 =	smul.u32 $0x6000, s22  }
0x115: {  	[tilespmem:s23], [sflag:$0x1] =	stream.linear.gather [spmem:s17], $0x80, $0x38;
	[tilespmem:$0x18800] =	vst v63  }
0x116: {  	s24 =	sshll.u32 s25, $0x7;
	s25 =	sshra.s32 s21, $0x2  }
0x117: {  	s17 =	sand.u32 $0x380, s24;
	s20 =	sadd.s32 s25, s2  }
0x118: {  	s21 =	simm.s32 $0xE300;
	s17 =	sadd.s32 s17, s20  }
0x119: {  	[tilespmem:s21], [sflag:$0x1] =	stream.linear.gather [spmem:s17], $0x80, $0x38;
	[tilespmem:$0x18800] =	vst v63  }
0x11a: {  	s23 =	simm.s32 $0xE700;
	s22 =	sadd.s32 $0x400, s17  }
0x11b: {  	[tilespmem:s23], [sflag:$0x1] =	stream.linear.gather [spmem:s22], $0x80, $0x38;
	[tilespmem:$0x18800] =	vst v63  }
0x11c: {  	s25 =	simm.s32 $0xEB00;
	s24 =	sadd.s32 $0x800, s17  }
0x11d: {  	[tilespmem:s25], [sflag:$0x1] =	stream.linear.gather [spmem:s24], $0x80, $0x38;
	[tilespmem:$0x18800] =	vst v63  }
0x11e: {  	s21 =	sadd.s32 $0xC00, s17;
	s22 =	simm.s32 $0xEF00  }
0x11f: {  	[tilespmem:s22], [sflag:$0x1] =	stream.linear.gather [spmem:s21], $0x80, $0x38;
	[tilespmem:$0x18800] =	vst v63  }
0x120: {  	s23 =	sadd.s32 $0x1000, s17;
	s24 =	simm.s32 $0xF300  }
0x121: {  	[tilespmem:s24], [sflag:$0x1] =	stream.linear.gather [spmem:s23], $0x80, $0x38;
	[tilespmem:$0x18800] =	vst v63  }
0x122: {  	s25 =	spop (v2sf)  }
0x123: {  	s22 =	sshrl.u32 s25, $0x3  }
0x124: {  	s17 =	sadd.s32 $0x1400, s17;
	s23 =	simm.s32 $0xF700;
	s21 =	smul.u32 $0x6000, s22  }
0x125: {  	[tilespmem:s23], [sflag:$0x1] =	stream.linear.gather [spmem:s17], $0x80, $0x38;
	[tilespmem:$0x18800] =	vst v63  }
0x126: {  	s24 =	sshll.u32 s25, $0x7;
	s25 =	sshra.s32 s21, $0x2  }
0x127: {  	s17 =	sand.u32 $0x380, s24;
	s20 =	sadd.s32 s25, s2  }
0x128: {  	s21 =	simm.s32 $0xE380;
	s17 =	sadd.s32 s17, s20  }
0x129: {  	[tilespmem:s21], [sflag:$0x1] =	stream.linear.gather [spmem:s17], $0x80, $0x38;
	[tilespmem:$0x18800] =	vst v63  }
0x12a: {  	s23 =	simm.s32 $0xE780;
	s22 =	sadd.s32 $0x400, s17  }
0x12b: {  	[tilespmem:s23], [sflag:$0x1] =	stream.linear.gather [spmem:s22], $0x80, $0x38;
	[tilespmem:$0x18800] =	vst v63  }
0x12c: {  	s25 =	simm.s32 $0xEB80;
	s24 =	sadd.s32 $0x800, s17  }
0x12d: {  	[tilespmem:s25], [sflag:$0x1] =	stream.linear.gather [spmem:s24], $0x80, $0x38;
	[tilespmem:$0x18800] =	vst v63  }
0x12e: {  	s21 =	sadd.s32 $0xC00, s17;
	s22 =	simm.s32 $0xEF80  }
0x12f: {  	[tilespmem:s22], [sflag:$0x1] =	stream.linear.gather [spmem:s21], $0x80, $0x38;
	[tilespmem:$0x18800] =	vst v63  }
0x130: {  	s23 =	sadd.s32 $0x1000, s17;
	s24 =	simm.s32 $0xF380  }
0x131: {  	[tilespmem:s24], [sflag:$0x1] =	stream.linear.gather [spmem:s23], $0x80, $0x38;
	[tilespmem:$0x18800] =	vst v63  }
0x132: {  	s17 =	sadd.s32 $0x1400, s17;
	s25 =	simm.s32 $0xF780  }
0x133: {  	[tilespmem:s25], [sflag:$0x1] =	stream.linear.gather [spmem:s17], $0x80, $0x38;
	[tilespmem:$0x18800] =	vst v63  }
0x134: {  	v63 =	vld [tilespmem:$0x10];
	_ =	sdelay $0x4  }
0x135: {  	(v2sf) =	vpush v63, $0x0;
	_ =	sdelay $0xe  }
0x136: {  	s21 =	spop (v2sf)  }
0x137: {  	(v2sf) =	vpush v63, $0x1;
	s22 =	sshrl.u32 s21, $0x3  }
0x138: {  	s20 =	smul.u32 $0x6000, s22;
	_ =	sdelay $0x1  }
0x139: {  	s17 =	sshll.u32 s21, $0x7;
	s20 =	sshra.s32 s20, $0x2  }
0x13a: {  	s17 =	sand.u32 $0x380, s17;
	s20 =	sadd.s32 s20, s2  }
0x13b: {  	s17 =	sadd.s32 s17, s20  }
0x13c: {  	[tilespmem:s5], [sflag:$0x2] =	stream.linear.gather [spmem:s17], $0x80, $0x38;
	[tilespmem:$0x18800] =	vst v63  }
0x13d: {  	s23 =	simm.s32 $0xFC00;
	s20 =	sadd.s32 $0x400, s17  }
0x13e: {  	[tilespmem:s23], [sflag:$0x2] =	stream.linear.gather [spmem:s20], $0x80, $0x38;
	[tilespmem:$0x18800] =	vst v63  }
0x13f: {  	s25 =	simm.s32 $0x10000;
	s24 =	sadd.s32 $0x800, s17  }
0x140: {  	[tilespmem:s25], [sflag:$0x2] =	stream.linear.gather [spmem:s24], $0x80, $0x38;
	[tilespmem:$0x18800] =	vst v63  }
0x141: {  	s22 =	simm.s32 $0x10400;
	s21 =	sadd.s32 $0xC00, s17  }
0x142: {  	[tilespmem:s22], [sflag:$0x2] =	stream.linear.gather [spmem:s21], $0x80, $0x38;
	[tilespmem:$0x18800] =	vst v63  }
0x143: {  	s23 =	sadd.s32 $0x1000, s17;
	s24 =	simm.s32 $0x10800  }
0x144: {  	[tilespmem:s24], [sflag:$0x2] =	stream.linear.gather [spmem:s23], $0x80, $0x38;
	[tilespmem:$0x18800] =	vst v63  }
0x145: {  	s25 =	spop (v2sf)  }
0x146: {  	(v2sf) =	vpush v63, $0x2;
	s22 =	sshrl.u32 s25, $0x3  }
0x147: {  	s17 =	sadd.s32 $0x1400, s17;
	s23 =	simm.s32 $0x10C00;
	s21 =	smul.u32 $0x6000, s22  }
0x148: {  	[tilespmem:s23], [sflag:$0x2] =	stream.linear.gather [spmem:s17], $0x80, $0x38;
	[tilespmem:$0x18800] =	vst v63  }
0x149: {  	s24 =	sshll.u32 s25, $0x7;
	s25 =	sshra.s32 s21, $0x2  }
0x14a: {  	s17 =	sand.u32 $0x380, s24;
	s20 =	sadd.s32 s25, s2  }
0x14b: {  	s21 =	simm.s32 $0xF880;
	s17 =	sadd.s32 s17, s20  }
0x14c: {  	[tilespmem:s21], [sflag:$0x2] =	stream.linear.gather [spmem:s17], $0x80, $0x38;
	[tilespmem:$0x18800] =	vst v63  }
0x14d: {  	s23 =	simm.s32 $0xFC80;
	s22 =	sadd.s32 $0x400, s17  }
0x14e: {  	[tilespmem:s23], [sflag:$0x2] =	stream.linear.gather [spmem:s22], $0x80, $0x38;
	[tilespmem:$0x18800] =	vst v63  }
0x14f: {  	s25 =	simm.s32 $0x10080;
	s24 =	sadd.s32 $0x800, s17  }
0x150: {  	[tilespmem:s25], [sflag:$0x2] =	stream.linear.gather [spmem:s24], $0x80, $0x38;
	[tilespmem:$0x18800] =	vst v63  }
0x151: {  	s21 =	sadd.s32 $0xC00, s17;
	s22 =	simm.s32 $0x10480  }
0x152: {  	[tilespmem:s22], [sflag:$0x2] =	stream.linear.gather [spmem:s21], $0x80, $0x38;
	[tilespmem:$0x18800] =	vst v63  }
0x153: {  	s23 =	sadd.s32 $0x1000, s17;
	s24 =	simm.s32 $0x10880  }
0x154: {  	[tilespmem:s24], [sflag:$0x2] =	stream.linear.gather [spmem:s23], $0x80, $0x38;
	[tilespmem:$0x18800] =	vst v63  }
0x155: {  	s25 =	spop (v2sf)  }
0x156: {  	(v2sf) =	vpush v63, $0x3;
	s22 =	sshrl.u32 s25, $0x3  }
0x157: {  	s17 =	sadd.s32 $0x1400, s17;
	s23 =	simm.s32 $0x10C80;
	s21 =	smul.u32 $0x6000, s22  }
0x158: {  	[tilespmem:s23], [sflag:$0x2] =	stream.linear.gather [spmem:s17], $0x80, $0x38;
	[tilespmem:$0x18800] =	vst v63  }
0x159: {  	s24 =	sshll.u32 s25, $0x7;
	s25 =	sshra.s32 s21, $0x2  }
0x15a: {  	s17 =	sand.u32 $0x380, s24;
	s20 =	sadd.s32 s25, s2  }
0x15b: {  	s21 =	simm.s32 $0xF900;
	s17 =	sadd.s32 s17, s20  }
0x15c: {  	[tilespmem:s21], [sflag:$0x2] =	stream.linear.gather [spmem:s17], $0x80, $0x38;
	[tilespmem:$0x18800] =	vst v63  }
0x15d: {  	s23 =	simm.s32 $0xFD00;
	s22 =	sadd.s32 $0x400, s17  }
0x15e: {  	[tilespmem:s23], [sflag:$0x2] =	stream.linear.gather [spmem:s22], $0x80, $0x38;
	[tilespmem:$0x18800] =	vst v63  }
0x15f: {  	s25 =	simm.s32 $0x10100;
	s24 =	sadd.s32 $0x800, s17  }
0x160: {  	[tilespmem:s25], [sflag:$0x2] =	stream.linear.gather [spmem:s24], $0x80, $0x38;
	[tilespmem:$0x18800] =	vst v63  }
0x161: {  	s21 =	sadd.s32 $0xC00, s17;
	s22 =	simm.s32 $0x10500  }
0x162: {  	[tilespmem:s22], [sflag:$0x2] =	stream.linear.gather [spmem:s21], $0x80, $0x38;
	[tilespmem:$0x18800] =	vst v63  }
0x163: {  	s23 =	sadd.s32 $0x1000, s17;
	s24 =	simm.s32 $0x10900  }
0x164: {  	[tilespmem:s24], [sflag:$0x2] =	stream.linear.gather [spmem:s23], $0x80, $0x38;
	[tilespmem:$0x18800] =	vst v63  }
0x165: {  	s25 =	spop (v2sf)  }
0x166: {  	(v2sf) =	vpush v63, $0x4;
	s22 =	sshrl.u32 s25, $0x3  }
0x167: {  	s17 =	sadd.s32 $0x1400, s17;
	s23 =	simm.s32 $0x10D00;
	s21 =	smul.u32 $0x6000, s22  }
0x168: {  	[tilespmem:s23], [sflag:$0x2] =	stream.linear.gather [spmem:s17], $0x80, $0x38;
	[tilespmem:$0x18800] =	vst v63  }
0x169: {  	s24 =	sshll.u32 s25, $0x7;
	s25 =	sshra.s32 s21, $0x2  }
0x16a: {  	s17 =	sand.u32 $0x380, s24;
	s20 =	sadd.s32 s25, s2  }
0x16b: {  	s21 =	simm.s32 $0xF980;
	s17 =	sadd.s32 s17, s20  }
0x16c: {  	[tilespmem:s21], [sflag:$0x2] =	stream.linear.gather [spmem:s17], $0x80, $0x38;
	[tilespmem:$0x18800] =	vst v63  }
0x16d: {  	s23 =	simm.s32 $0xFD80;
	s22 =	sadd.s32 $0x400, s17  }
0x16e: {  	[tilespmem:s23], [sflag:$0x2] =	stream.linear.gather [spmem:s22], $0x80, $0x38;
	[tilespmem:$0x18800] =	vst v63  }
0x16f: {  	s25 =	simm.s32 $0x10180;
	s24 =	sadd.s32 $0x800, s17  }
0x170: {  	[tilespmem:s25], [sflag:$0x2] =	stream.linear.gather [spmem:s24], $0x80, $0x38;
	[tilespmem:$0x18800] =	vst v63  }
0x171: {  	s21 =	sadd.s32 $0xC00, s17;
	s22 =	simm.s32 $0x10580  }
0x172: {  	[tilespmem:s22], [sflag:$0x2] =	stream.linear.gather [spmem:s21], $0x80, $0x38;
	[tilespmem:$0x18800] =	vst v63  }
0x173: {  	s23 =	sadd.s32 $0x1000, s17;
	s24 =	simm.s32 $0x10980  }
0x174: {  	[tilespmem:s24], [sflag:$0x2] =	stream.linear.gather [spmem:s23], $0x80, $0x38;
	[tilespmem:$0x18800] =	vst v63  }
0x175: {  	s25 =	spop (v2sf)  }
0x176: {  	(v2sf) =	vpush v63, $0x5;
	s22 =	sshrl.u32 s25, $0x3  }
0x177: {  	s17 =	sadd.s32 $0x1400, s17;
	s23 =	simm.s32 $0x10D80;
	s21 =	smul.u32 $0x6000, s22  }
0x178: {  	[tilespmem:s23], [sflag:$0x2] =	stream.linear.gather [spmem:s17], $0x80, $0x38;
	[tilespmem:$0x18800] =	vst v63  }
0x179: {  	s24 =	sshll.u32 s25, $0x7;
	s25 =	sshra.s32 s21, $0x2  }
0x17a: {  	s17 =	sand.u32 $0x380, s24;
	s20 =	sadd.s32 s25, s2  }
0x17b: {  	s21 =	simm.s32 $0xFA00;
	s17 =	sadd.s32 s17, s20  }
0x17c: {  	[tilespmem:s21], [sflag:$0x2] =	stream.linear.gather [spmem:s17], $0x80, $0x38;
	[tilespmem:$0x18800] =	vst v63  }
0x17d: {  	s23 =	simm.s32 $0xFE00;
	s22 =	sadd.s32 $0x400, s17  }
0x17e: {  	[tilespmem:s23], [sflag:$0x2] =	stream.linear.gather [spmem:s22], $0x80, $0x38;
	[tilespmem:$0x18800] =	vst v63  }
0x17f: {  	s25 =	simm.s32 $0x10200;
	s24 =	sadd.s32 $0x800, s17  }
0x180: {  	[tilespmem:s25], [sflag:$0x2] =	stream.linear.gather [spmem:s24], $0x80, $0x38;
	[tilespmem:$0x18800] =	vst v63  }
0x181: {  	s21 =	sadd.s32 $0xC00, s17;
	s22 =	simm.s32 $0x10600  }
0x182: {  	[tilespmem:s22], [sflag:$0x2] =	stream.linear.gather [spmem:s21], $0x80, $0x38;
	[tilespmem:$0x18800] =	vst v63  }
0x183: {  	s23 =	sadd.s32 $0x1000, s17;
	s24 =	simm.s32 $0x10A00  }
0x184: {  	[tilespmem:s24], [sflag:$0x2] =	stream.linear.gather [spmem:s23], $0x80, $0x38;
	[tilespmem:$0x18800] =	vst v63  }
0x185: {  	s25 =	spop (v2sf)  }
0x186: {  	(v2sf) =	vpush v63, $0x6;
	s22 =	sshrl.u32 s25, $0x3  }
0x187: {  	s17 =	sadd.s32 $0x1400, s17;
	s23 =	simm.s32 $0x10E00;
	s21 =	smul.u32 $0x6000, s22  }
0x188: {  	[tilespmem:s23], [sflag:$0x2] =	stream.linear.gather [spmem:s17], $0x80, $0x38;
	[tilespmem:$0x18800] =	vst v63  }
0x189: {  	s24 =	sshll.u32 s25, $0x7;
	s25 =	sshra.s32 s21, $0x2  }
0x18a: {  	s17 =	sand.u32 $0x380, s24;
	s20 =	sadd.s32 s25, s2  }
0x18b: {  	s21 =	simm.s32 $0xFA80;
	s17 =	sadd.s32 s17, s20  }
0x18c: {  	[tilespmem:s21], [sflag:$0x2] =	stream.linear.gather [spmem:s17], $0x80, $0x38;
	[tilespmem:$0x18800] =	vst v63  }
0x18d: {  	s23 =	simm.s32 $0xFE80;
	s22 =	sadd.s32 $0x400, s17  }
0x18e: {  	[tilespmem:s23], [sflag:$0x2] =	stream.linear.gather [spmem:s22], $0x80, $0x38;
	[tilespmem:$0x18800] =	vst v63  }
0x18f: {  	s25 =	simm.s32 $0x10280;
	s24 =	sadd.s32 $0x800, s17  }
0x190: {  	[tilespmem:s25], [sflag:$0x2] =	stream.linear.gather [spmem:s24], $0x80, $0x38;
	[tilespmem:$0x18800] =	vst v63  }
0x191: {  	s21 =	sadd.s32 $0xC00, s17;
	s22 =	simm.s32 $0x10680  }
0x192: {  	[tilespmem:s22], [sflag:$0x2] =	stream.linear.gather [spmem:s21], $0x80, $0x38;
	[tilespmem:$0x18800] =	vst v63  }
0x193: {  	s23 =	sadd.s32 $0x1000, s17;
	s24 =	simm.s32 $0x10A80  }
0x194: {  	[tilespmem:s24], [sflag:$0x2] =	stream.linear.gather [spmem:s23], $0x80, $0x38;
	[tilespmem:$0x18800] =	vst v63  }
0x195: {  	s25 =	spop (v2sf)  }
0x196: {  	(v2sf) =	vpush v63, $0x7;
	s22 =	sshrl.u32 s25, $0x3  }
0x197: {  	s17 =	sadd.s32 $0x1400, s17;
	s23 =	simm.s32 $0x10E80;
	s21 =	smul.u32 $0x6000, s22  }
0x198: {  	[tilespmem:s23], [sflag:$0x2] =	stream.linear.gather [spmem:s17], $0x80, $0x38;
	[tilespmem:$0x18800] =	vst v63  }
0x199: {  	s24 =	sshll.u32 s25, $0x7;
	s25 =	sshra.s32 s21, $0x2  }
0x19a: {  	s17 =	sand.u32 $0x380, s24;
	s20 =	sadd.s32 s25, s2  }
0x19b: {  	s21 =	simm.s32 $0xFB00;
	s17 =	sadd.s32 s17, s20  }
0x19c: {  	[tilespmem:s21], [sflag:$0x2] =	stream.linear.gather [spmem:s17], $0x80, $0x38;
	[tilespmem:$0x18800] =	vst v63  }
0x19d: {  	s23 =	simm.s32 $0xFF00;
	s22 =	sadd.s32 $0x400, s17  }
0x19e: {  	[tilespmem:s23], [sflag:$0x2] =	stream.linear.gather [spmem:s22], $0x80, $0x38;
	[tilespmem:$0x18800] =	vst v63  }
0x19f: {  	s25 =	simm.s32 $0x10300;
	s24 =	sadd.s32 $0x800, s17  }
0x1a0: {  	[tilespmem:s25], [sflag:$0x2] =	stream.linear.gather [spmem:s24], $0x80, $0x38;
	[tilespmem:$0x18800] =	vst v63  }
0x1a1: {  	s21 =	sadd.s32 $0xC00, s17;
	s22 =	simm.s32 $0x10700  }
0x1a2: {  	[tilespmem:s22], [sflag:$0x2] =	stream.linear.gather [spmem:s21], $0x80, $0x38;
	[tilespmem:$0x18800] =	vst v63  }
0x1a3: {  	s23 =	sadd.s32 $0x1000, s17;
	s24 =	simm.s32 $0x10B00  }
0x1a4: {  	[tilespmem:s24], [sflag:$0x2] =	stream.linear.gather [spmem:s23], $0x80, $0x38;
	[tilespmem:$0x18800] =	vst v63  }
0x1a5: {  	s25 =	spop (v2sf)  }
0x1a6: {  	(v2sf) =	vpush v63, $0x8;
	s22 =	sshrl.u32 s25, $0x3  }
0x1a7: {  	s17 =	sadd.s32 $0x1400, s17;
	s23 =	simm.s32 $0x10F00;
	s21 =	smul.u32 $0x6000, s22  }
0x1a8: {  	[tilespmem:s23], [sflag:$0x2] =	stream.linear.gather [spmem:s17], $0x80, $0x38;
	[tilespmem:$0x18800] =	vst v63  }
0x1a9: {  	s24 =	sshll.u32 s25, $0x7;
	s25 =	sshra.s32 s21, $0x2  }
0x1aa: {  	s17 =	sand.u32 $0x380, s24;
	s20 =	sadd.s32 s25, s2  }
0x1ab: {  	s21 =	simm.s32 $0xFB80;
	s17 =	sadd.s32 s17, s20  }
0x1ac: {  	[tilespmem:s21], [sflag:$0x2] =	stream.linear.gather [spmem:s17], $0x80, $0x38;
	[tilespmem:$0x18800] =	vst v63  }
0x1ad: {  	s23 =	simm.s32 $0xFF80;
	s22 =	sadd.s32 $0x400, s17  }
0x1ae: {  	[tilespmem:s23], [sflag:$0x2] =	stream.linear.gather [spmem:s22], $0x80, $0x38;
	[tilespmem:$0x18800] =	vst v63  }
0x1af: {  	s25 =	simm.s32 $0x10380;
	s24 =	sadd.s32 $0x800, s17  }
0x1b0: {  	[tilespmem:s25], [sflag:$0x2] =	stream.linear.gather [spmem:s24], $0x80, $0x38;
	[tilespmem:$0x18800] =	vst v63  }
0x1b1: {  	s21 =	sadd.s32 $0xC00, s17;
	s22 =	simm.s32 $0x10780  }
0x1b2: {  	[tilespmem:s22], [sflag:$0x2] =	stream.linear.gather [spmem:s21], $0x80, $0x38;
	[tilespmem:$0x18800] =	vst v63  }
0x1b3: {  	s23 =	sadd.s32 $0x1000, s17;
	s24 =	simm.s32 $0x10B80  }
0x1b4: {  	[tilespmem:s24], [sflag:$0x2] =	stream.linear.gather [spmem:s23], $0x80, $0x38;
	[tilespmem:$0x18800] =	vst v63  }
0x1b5: {  	s25 =	spop (v2sf)  }
0x1b6: {  	(v2sf) =	vpush v63, $0x9;
	s22 =	sshrl.u32 s25, $0x3  }
0x1b7: {  	s17 =	sadd.s32 $0x1400, s17;
	s23 =	simm.s32 $0x10F80;
	s21 =	smul.u32 $0x6000, s22  }
0x1b8: {  	[tilespmem:s23], [sflag:$0x2] =	stream.linear.gather [spmem:s17], $0x80, $0x38;
	[tilespmem:$0x18800] =	vst v63  }
0x1b9: {  	s24 =	sshll.u32 s25, $0x7;
	s25 =	sshra.s32 s21, $0x2  }
0x1ba: {  	s17 =	sand.u32 $0x380, s24;
	s20 =	sadd.s32 s25, s2  }
0x1bb: {  	s21 =	simm.s32 $0x11000;
	s17 =	sadd.s32 s17, s20  }
0x1bc: {  	[tilespmem:s21], [sflag:$0x2] =	stream.linear.gather [spmem:s17], $0x80, $0x38;
	[tilespmem:$0x18800] =	vst v63  }
0x1bd: {  	s23 =	simm.s32 $0x11400;
	s22 =	sadd.s32 $0x400, s17  }
0x1be: {  	[tilespmem:s23], [sflag:$0x2] =	stream.linear.gather [spmem:s22], $0x80, $0x38;
	[tilespmem:$0x18800] =	vst v63  }
0x1bf: {  	s25 =	simm.s32 $0x11800;
	s24 =	sadd.s32 $0x800, s17  }
0x1c0: {  	[tilespmem:s25], [sflag:$0x2] =	stream.linear.gather [spmem:s24], $0x80, $0x38;
	[tilespmem:$0x18800] =	vst v63  }
0x1c1: {  	s21 =	sadd.s32 $0xC00, s17;
	s22 =	simm.s32 $0x11C00  }
0x1c2: {  	[tilespmem:s22], [sflag:$0x2] =	stream.linear.gather [spmem:s21], $0x80, $0x38;
	[tilespmem:$0x18800] =	vst v63  }
0x1c3: {  	s23 =	sadd.s32 $0x1000, s17;
	s24 =	simm.s32 $0x12000  }
0x1c4: {  	[tilespmem:s24], [sflag:$0x2] =	stream.linear.gather [spmem:s23], $0x80, $0x38;
	[tilespmem:$0x18800] =	vst v63  }
0x1c5: {  	s25 =	spop (v2sf)  }
0x1c6: {  	(v2sf) =	vpush v63, $0xA;
	s22 =	sshrl.u32 s25, $0x3  }
0x1c7: {  	s17 =	sadd.s32 $0x1400, s17;
	s23 =	simm.s32 $0x12400;
	s21 =	smul.u32 $0x6000, s22  }
0x1c8: {  	[tilespmem:s23], [sflag:$0x2] =	stream.linear.gather [spmem:s17], $0x80, $0x38;
	[tilespmem:$0x18800] =	vst v63  }
0x1c9: {  	s24 =	sshll.u32 s25, $0x7;
	s25 =	sshra.s32 s21, $0x2  }
0x1ca: {  	s17 =	sand.u32 $0x380, s24;
	s20 =	sadd.s32 s25, s2  }
0x1cb: {  	s21 =	simm.s32 $0x11080;
	s17 =	sadd.s32 s17, s20  }
0x1cc: {  	[tilespmem:s21], [sflag:$0x2] =	stream.linear.gather [spmem:s17], $0x80, $0x38;
	[tilespmem:$0x18800] =	vst v63  }
0x1cd: {  	s23 =	simm.s32 $0x11480;
	s22 =	sadd.s32 $0x400, s17  }
0x1ce: {  	[tilespmem:s23], [sflag:$0x2] =	stream.linear.gather [spmem:s22], $0x80, $0x38;
	[tilespmem:$0x18800] =	vst v63  }
0x1cf: {  	s25 =	simm.s32 $0x11880;
	s24 =	sadd.s32 $0x800, s17  }
0x1d0: {  	[tilespmem:s25], [sflag:$0x2] =	stream.linear.gather [spmem:s24], $0x80, $0x38;
	[tilespmem:$0x18800] =	vst v63  }
0x1d1: {  	s21 =	sadd.s32 $0xC00, s17;
	s22 =	simm.s32 $0x11C80  }
0x1d2: {  	[tilespmem:s22], [sflag:$0x2] =	stream.linear.gather [spmem:s21], $0x80, $0x38;
	[tilespmem:$0x18800] =	vst v63  }
0x1d3: {  	s23 =	sadd.s32 $0x1000, s17;
	s24 =	simm.s32 $0x12080  }
0x1d4: {  	[tilespmem:s24], [sflag:$0x2] =	stream.linear.gather [spmem:s23], $0x80, $0x38;
	[tilespmem:$0x18800] =	vst v63  }
0x1d5: {  	s25 =	spop (v2sf)  }
0x1d6: {  	(v2sf) =	vpush v63, $0xB;
	s22 =	sshrl.u32 s25, $0x3  }
0x1d7: {  	s17 =	sadd.s32 $0x1400, s17;
	s23 =	simm.s32 $0x12480;
	s21 =	smul.u32 $0x6000, s22  }
0x1d8: {  	[tilespmem:s23], [sflag:$0x2] =	stream.linear.gather [spmem:s17], $0x80, $0x38;
	[tilespmem:$0x18800] =	vst v63  }
0x1d9: {  	s24 =	sshll.u32 s25, $0x7;
	s25 =	sshra.s32 s21, $0x2  }
0x1da: {  	s17 =	sand.u32 $0x380, s24;
	s20 =	sadd.s32 s25, s2  }
0x1db: {  	s21 =	simm.s32 $0x11100;
	s17 =	sadd.s32 s17, s20  }
0x1dc: {  	[tilespmem:s21], [sflag:$0x2] =	stream.linear.gather [spmem:s17], $0x80, $0x38;
	[tilespmem:$0x18800] =	vst v63  }
0x1dd: {  	s23 =	simm.s32 $0x11500;
	s22 =	sadd.s32 $0x400, s17  }
0x1de: {  	[tilespmem:s23], [sflag:$0x2] =	stream.linear.gather [spmem:s22], $0x80, $0x38;
	[tilespmem:$0x18800] =	vst v63  }
0x1df: {  	s25 =	simm.s32 $0x11900;
	s24 =	sadd.s32 $0x800, s17  }
0x1e0: {  	[tilespmem:s25], [sflag:$0x2] =	stream.linear.gather [spmem:s24], $0x80, $0x38;
	[tilespmem:$0x18800] =	vst v63  }
0x1e1: {  	s21 =	sadd.s32 $0xC00, s17;
	s22 =	simm.s32 $0x11D00  }
0x1e2: {  	[tilespmem:s22], [sflag:$0x2] =	stream.linear.gather [spmem:s21], $0x80, $0x38;
	[tilespmem:$0x18800] =	vst v63  }
0x1e3: {  	s23 =	sadd.s32 $0x1000, s17;
	s24 =	simm.s32 $0x12100  }
0x1e4: {  	[tilespmem:s24], [sflag:$0x2] =	stream.linear.gather [spmem:s23], $0x80, $0x38;
	[tilespmem:$0x18800] =	vst v63  }
0x1e5: {  	s25 =	spop (v2sf)  }
0x1e6: {  	(v2sf) =	vpush v63, $0xC;
	s22 =	sshrl.u32 s25, $0x3  }
0x1e7: {  	s17 =	sadd.s32 $0x1400, s17;
	s23 =	simm.s32 $0x12500;
	s21 =	smul.u32 $0x6000, s22  }
0x1e8: {  	[tilespmem:s23], [sflag:$0x2] =	stream.linear.gather [spmem:s17], $0x80, $0x38;
	[tilespmem:$0x18800] =	vst v63  }
0x1e9: {  	s24 =	sshll.u32 s25, $0x7;
	s25 =	sshra.s32 s21, $0x2  }
0x1ea: {  	s17 =	sand.u32 $0x380, s24;
	s20 =	sadd.s32 s25, s2  }
0x1eb: {  	s21 =	simm.s32 $0x11180;
	s17 =	sadd.s32 s17, s20  }
0x1ec: {  	[tilespmem:s21], [sflag:$0x2] =	stream.linear.gather [spmem:s17], $0x80, $0x38;
	[tilespmem:$0x18800] =	vst v63  }
0x1ed: {  	s23 =	simm.s32 $0x11580;
	s22 =	sadd.s32 $0x400, s17  }
0x1ee: {  	[tilespmem:s23], [sflag:$0x2] =	stream.linear.gather [spmem:s22], $0x80, $0x38;
	[tilespmem:$0x18800] =	vst v63  }
0x1ef: {  	s25 =	simm.s32 $0x11980;
	s24 =	sadd.s32 $0x800, s17  }
0x1f0: {  	[tilespmem:s25], [sflag:$0x2] =	stream.linear.gather [spmem:s24], $0x80, $0x38;
	[tilespmem:$0x18800] =	vst v63  }
0x1f1: {  	s21 =	sadd.s32 $0xC00, s17;
	s22 =	simm.s32 $0x11D80  }
0x1f2: {  	[tilespmem:s22], [sflag:$0x2] =	stream.linear.gather [spmem:s21], $0x80, $0x38;
	[tilespmem:$0x18800] =	vst v63  }
0x1f3: {  	s23 =	sadd.s32 $0x1000, s17;
	s24 =	simm.s32 $0x12180  }
0x1f4: {  	[tilespmem:s24], [sflag:$0x2] =	stream.linear.gather [spmem:s23], $0x80, $0x38;
	[tilespmem:$0x18800] =	vst v63  }
0x1f5: {  	s25 =	spop (v2sf)  }
0x1f6: {  	(v2sf) =	vpush v63, $0xD;
	s22 =	sshrl.u32 s25, $0x3  }
0x1f7: {  	s17 =	sadd.s32 $0x1400, s17;
	s23 =	simm.s32 $0x12580;
	s21 =	smul.u32 $0x6000, s22  }
0x1f8: {  	[tilespmem:s23], [sflag:$0x2] =	stream.linear.gather [spmem:s17], $0x80, $0x38;
	[tilespmem:$0x18800] =	vst v63  }
0x1f9: {  	s24 =	sshll.u32 s25, $0x7;
	s25 =	sshra.s32 s21, $0x2  }
0x1fa: {  	s17 =	sand.u32 $0x380, s24;
	s20 =	sadd.s32 s25, s2  }
0x1fb: {  	s21 =	simm.s32 $0x11200;
	s17 =	sadd.s32 s17, s20  }
0x1fc: {  	[tilespmem:s21], [sflag:$0x2] =	stream.linear.gather [spmem:s17], $0x80, $0x38;
	[tilespmem:$0x18800] =	vst v63  }
0x1fd: {  	s23 =	simm.s32 $0x11600;
	s22 =	sadd.s32 $0x400, s17  }
0x1fe: {  	[tilespmem:s23], [sflag:$0x2] =	stream.linear.gather [spmem:s22], $0x80, $0x38;
	[tilespmem:$0x18800] =	vst v63  }
0x1ff: {  	s25 =	simm.s32 $0x11A00;
	s24 =	sadd.s32 $0x800, s17  }
0x200: {  	[tilespmem:s25], [sflag:$0x2] =	stream.linear.gather [spmem:s24], $0x80, $0x38;
	[tilespmem:$0x18800] =	vst v63  }
0x201: {  	s21 =	sadd.s32 $0xC00, s17;
	s22 =	simm.s32 $0x11E00  }
0x202: {  	[tilespmem:s22], [sflag:$0x2] =	stream.linear.gather [spmem:s21], $0x80, $0x38;
	[tilespmem:$0x18800] =	vst v63  }
0x203: {  	s23 =	sadd.s32 $0x1000, s17;
	s24 =	simm.s32 $0x12200  }
0x204: {  	[tilespmem:s24], [sflag:$0x2] =	stream.linear.gather [spmem:s23], $0x80, $0x38;
	[tilespmem:$0x18800] =	vst v63  }
0x205: {  	s25 =	spop (v2sf)  }
0x206: {  	(v2sf) =	vpush v63, $0xE;
	s22 =	sshrl.u32 s25, $0x3  }
0x207: {  	s17 =	sadd.s32 $0x1400, s17;
	s23 =	simm.s32 $0x12600;
	s21 =	smul.u32 $0x6000, s22  }
0x208: {  	[tilespmem:s23], [sflag:$0x2] =	stream.linear.gather [spmem:s17], $0x80, $0x38;
	[tilespmem:$0x18800] =	vst v63  }
0x209: {  	s24 =	sshll.u32 s25, $0x7;
	s25 =	sshra.s32 s21, $0x2  }
0x20a: {  	s17 =	sand.u32 $0x380, s24;
	s20 =	sadd.s32 s25, s2  }
0x20b: {  	s21 =	simm.s32 $0x11280;
	s17 =	sadd.s32 s17, s20  }
0x20c: {  	[tilespmem:s21], [sflag:$0x2] =	stream.linear.gather [spmem:s17], $0x80, $0x38;
	[tilespmem:$0x18800] =	vst v63  }
0x20d: {  	s23 =	simm.s32 $0x11680;
	s22 =	sadd.s32 $0x400, s17  }
0x20e: {  	[tilespmem:s23], [sflag:$0x2] =	stream.linear.gather [spmem:s22], $0x80, $0x38;
	[tilespmem:$0x18800] =	vst v63  }
0x20f: {  	s25 =	simm.s32 $0x11A80;
	s24 =	sadd.s32 $0x800, s17  }
0x210: {  	[tilespmem:s25], [sflag:$0x2] =	stream.linear.gather [spmem:s24], $0x80, $0x38;
	[tilespmem:$0x18800] =	vst v63  }
0x211: {  	s21 =	sadd.s32 $0xC00, s17;
	s22 =	simm.s32 $0x11E80  }
0x212: {  	[tilespmem:s22], [sflag:$0x2] =	stream.linear.gather [spmem:s21], $0x80, $0x38;
	[tilespmem:$0x18800] =	vst v63  }
0x213: {  	s23 =	sadd.s32 $0x1000, s17;
	s24 =	simm.s32 $0x12280  }
0x214: {  	[tilespmem:s24], [sflag:$0x2] =	stream.linear.gather [spmem:s23], $0x80, $0x38;
	[tilespmem:$0x18800] =	vst v63  }
0x215: {  	s25 =	spop (v2sf)  }
0x216: {  	(v2sf) =	vpush v63, $0xF;
	s22 =	sshrl.u32 s25, $0x3  }
0x217: {  	s17 =	sadd.s32 $0x1400, s17;
	s23 =	simm.s32 $0x12680;
	s21 =	smul.u32 $0x6000, s22  }
0x218: {  	[tilespmem:s23], [sflag:$0x2] =	stream.linear.gather [spmem:s17], $0x80, $0x38;
	[tilespmem:$0x18800] =	vst v63  }
0x219: {  	s24 =	sshll.u32 s25, $0x7;
	s25 =	sshra.s32 s21, $0x2  }
0x21a: {  	s17 =	sand.u32 $0x380, s24;
	s20 =	sadd.s32 s25, s2  }
0x21b: {  	s21 =	simm.s32 $0x11300;
	s17 =	sadd.s32 s17, s20  }
0x21c: {  	[tilespmem:s21], [sflag:$0x2] =	stream.linear.gather [spmem:s17], $0x80, $0x38;
	[tilespmem:$0x18800] =	vst v63  }
0x21d: {  	s23 =	simm.s32 $0x11700;
	s22 =	sadd.s32 $0x400, s17  }
0x21e: {  	[tilespmem:s23], [sflag:$0x2] =	stream.linear.gather [spmem:s22], $0x80, $0x38;
	[tilespmem:$0x18800] =	vst v63  }
0x21f: {  	s25 =	simm.s32 $0x11B00;
	s24 =	sadd.s32 $0x800, s17  }
0x220: {  	[tilespmem:s25], [sflag:$0x2] =	stream.linear.gather [spmem:s24], $0x80, $0x38;
	[tilespmem:$0x18800] =	vst v63  }
0x221: {  	s21 =	sadd.s32 $0xC00, s17;
	s22 =	simm.s32 $0x11F00  }
0x222: {  	[tilespmem:s22], [sflag:$0x2] =	stream.linear.gather [spmem:s21], $0x80, $0x38;
	[tilespmem:$0x18800] =	vst v63  }
0x223: {  	s23 =	sadd.s32 $0x1000, s17;
	s24 =	simm.s32 $0x12300  }
0x224: {  	[tilespmem:s24], [sflag:$0x2] =	stream.linear.gather [spmem:s23], $0x80, $0x38;
	[tilespmem:$0x18800] =	vst v63  }
0x225: {  	s25 =	spop (v2sf)  }
0x226: {  	s22 =	sshrl.u32 s25, $0x3  }
0x227: {  	s17 =	sadd.s32 $0x1400, s17;
	s23 =	simm.s32 $0x12700;
	s21 =	smul.u32 $0x6000, s22  }
0x228: {  	[tilespmem:s23], [sflag:$0x2] =	stream.linear.gather [spmem:s17], $0x80, $0x38;
	[tilespmem:$0x18800] =	vst v63  }
0x229: {  	s24 =	sshll.u32 s25, $0x7;
	s25 =	sshra.s32 s21, $0x2  }
0x22a: {  	s17 =	sand.u32 $0x380, s24;
	s20 =	sadd.s32 s25, s2  }
0x22b: {  	s21 =	simm.s32 $0x11380;
	s17 =	sadd.s32 s17, s20  }
0x22c: {  	[tilespmem:s21], [sflag:$0x2] =	stream.linear.gather [spmem:s17], $0x80, $0x38;
	[tilespmem:$0x18800] =	vst v63  }
0x22d: {  	s23 =	simm.s32 $0x11780;
	s22 =	sadd.s32 $0x400, s17  }
0x22e: {  	[tilespmem:s23], [sflag:$0x2] =	stream.linear.gather [spmem:s22], $0x80, $0x38;
	[tilespmem:$0x18800] =	vst v63  }
0x22f: {  	s25 =	simm.s32 $0x11B80;
	s24 =	sadd.s32 $0x800, s17  }
0x230: {  	[tilespmem:s25], [sflag:$0x2] =	stream.linear.gather [spmem:s24], $0x80, $0x38;
	[tilespmem:$0x18800] =	vst v63  }
0x231: {  	s21 =	sadd.s32 $0xC00, s17;
	s22 =	simm.s32 $0x11F80  }
0x232: {  	[tilespmem:s22], [sflag:$0x2] =	stream.linear.gather [spmem:s21], $0x80, $0x38;
	[tilespmem:$0x18800] =	vst v63  }
0x233: {  	s23 =	sadd.s32 $0x1000, s17;
	s24 =	simm.s32 $0x12380  }
0x234: {  	[tilespmem:s24], [sflag:$0x2] =	stream.linear.gather [spmem:s23], $0x80, $0x38;
	[tilespmem:$0x18800] =	vst v63  }
0x235: {  	s17 =	sadd.s32 $0x1400, s17;
	s25 =	simm.s32 $0x12780  }
0x236: {  	[tilespmem:s25], [sflag:$0x2] =	stream.linear.gather [spmem:s17], $0x80, $0x38;
	[tilespmem:$0x18800] =	vst v63  }
0x237: {  	s20 =	simm.s32 $0x0;
	s17 =	simm.s32 $0x30  }
.LBB2_2:
0x238: {  	_ =	swait.ge [sflag:s4], $0x3000  }
0x239: {  	p0 =	seq.s32 s20, $0x0;
	[sflag:s4] =	ssyncset.done $0x0  }
0x23a: {  	s21 =	sadd.s32 s20, s8;
	s22 =	simm.s32 @!p0 $0x7;
	[sflag:s4] =	ssyncadd.s32 $0xFFFFD000  }
0x23b: {  	[hbm4b:s21+s3] =	stream.linear.scatter [tilespmem:s13], [sflag:$0x5], $0x3000, $0x38;
	[tilespmem:$0x18800] =	vst v63  }
0x23c: {  	_ =	swait.ge @!p0 [sflag:s22], $0x3000  }
0x23d: {  	[sflag:s22] =	ssyncset.done @!p0 $0x0  }
0x23e: {  	[sflag:s22] =	ssyncadd.s32 @!p0 $0xFFFFD000  }
0x23f: {  	v0 =	vld [tilespmem:s17+$0xFFFFFFF0];
	_ =	sdelay $0x4  }
0x240: {  	(v2sf) =	vpush v0, $0x0;
	_ =	sdelay $0xe  }
0x241: {  	s25 =	spop (v2sf)  }
0x242: {  	(v2sf) =	vpush v0, $0x1;
	s23 =	sshrl.u32 s25, $0x3  }
0x243: {  	s23 =	smul.u32 $0x6000, s23;
	_ =	sdelay $0x1  }
0x244: {  	s22 =	sshll.u32 s25, $0x7;
	s23 =	sshra.s32 s23, $0x2  }
0x245: {  	s22 =	sand.u32 $0x380, s22;
	s23 =	sadd.s32 s23, s2  }
0x246: {  	s22 =	sadd.s32 s22, s23  }
0x247: {  	[tilespmem:s6], [sflag:$0x3] =	stream.linear.gather [spmem:s22], $0x80, $0x38;
	[tilespmem:$0x18800] =	vst v63  }
0x248: {  	s24 =	simm.s32 $0x12C00;
	s23 =	sadd.s32 $0x400, s22  }
0x249: {  	[tilespmem:s24], [sflag:$0x3] =	stream.linear.gather [spmem:s23], $0x80, $0x38;
	[tilespmem:$0x18800] =	vst v63  }
0x24a: {  	s25 =	simm.s32 $0x13000;
	s24 =	sadd.s32 $0x800, s22  }
0x24b: {  	[tilespmem:s25], [sflag:$0x3] =	stream.linear.gather [spmem:s24], $0x80, $0x38;
	[tilespmem:$0x18800] =	vst v63  }
0x24c: {  	s24 =	sadd.s32 $0xC00, s22;
	s25 =	simm.s32 $0x13400  }
0x24d: {  	[tilespmem:s25], [sflag:$0x3] =	stream.linear.gather [spmem:s24], $0x80, $0x38;
	[tilespmem:$0x18800] =	vst v63  }
0x24e: {  	s24 =	sadd.s32 $0x1000, s22;
	s25 =	simm.s32 $0x13800  }
0x24f: {  	[tilespmem:s25], [sflag:$0x3] =	stream.linear.gather [spmem:s24], $0x80, $0x38;
	[tilespmem:$0x18800] =	vst v63  }
0x250: {  	s23 =	spop (v2sf)  }
0x251: {  	(v2sf) =	vpush v0, $0x2;
	s25 =	sshrl.u32 s23, $0x3  }
0x252: {  	s22 =	sadd.s32 $0x1400, s22;
	s24 =	smul.u32 $0x6000, s25;
	s25 =	simm.s32 $0x13C00  }
0x253: {  	[tilespmem:s25], [sflag:$0x3] =	stream.linear.gather [spmem:s22], $0x80, $0x38;
	[tilespmem:$0x18800] =	vst v63  }
0x254: {  	s23 =	sshll.u32 s23, $0x7;
	s24 =	sshra.s32 s24, $0x2  }
0x255: {  	s22 =	sand.u32 $0x380, s23;
	s23 =	sadd.s32 s24, s2  }
0x256: {  	s25 =	simm.s32 $0x12880;
	s22 =	sadd.s32 s22, s23  }
0x257: {  	[tilespmem:s25], [sflag:$0x3] =	stream.linear.gather [spmem:s22], $0x80, $0x38;
	[tilespmem:$0x18800] =	vst v63  }
0x258: {  	s24 =	sadd.s32 $0x400, s22;
	s25 =	simm.s32 $0x12C80  }
0x259: {  	[tilespmem:s25], [sflag:$0x3] =	stream.linear.gather [spmem:s24], $0x80, $0x38;
	[tilespmem:$0x18800] =	vst v63  }
0x25a: {  	s24 =	sadd.s32 $0x800, s22;
	s25 =	simm.s32 $0x13080  }
0x25b: {  	[tilespmem:s25], [sflag:$0x3] =	stream.linear.gather [spmem:s24], $0x80, $0x38;
	[tilespmem:$0x18800] =	vst v63  }
0x25c: {  	s24 =	sadd.s32 $0xC00, s22;
	s25 =	simm.s32 $0x13480  }
0x25d: {  	[tilespmem:s25], [sflag:$0x3] =	stream.linear.gather [spmem:s24], $0x80, $0x38;
	[tilespmem:$0x18800] =	vst v63  }
0x25e: {  	s24 =	sadd.s32 $0x1000, s22;
	s25 =	simm.s32 $0x13880  }
0x25f: {  	[tilespmem:s25], [sflag:$0x3] =	stream.linear.gather [spmem:s24], $0x80, $0x38;
	[tilespmem:$0x18800] =	vst v63  }
0x260: {  	s23 =	spop (v2sf)  }
0x261: {  	(v2sf) =	vpush v0, $0x3;
	s25 =	sshrl.u32 s23, $0x3  }
0x262: {  	s22 =	sadd.s32 $0x1400, s22;
	s24 =	smul.u32 $0x6000, s25;
	s25 =	simm.s32 $0x13C80  }
0x263: {  	[tilespmem:s25], [sflag:$0x3] =	stream.linear.gather [spmem:s22], $0x80, $0x38;
	[tilespmem:$0x18800] =	vst v63  }
0x264: {  	s23 =	sshll.u32 s23, $0x7;
	s24 =	sshra.s32 s24, $0x2  }
0x265: {  	s22 =	sand.u32 $0x380, s23;
	s23 =	sadd.s32 s24, s2  }
0x266: {  	s25 =	simm.s32 $0x12900;
	s22 =	sadd.s32 s22, s23  }
0x267: {  	[tilespmem:s25], [sflag:$0x3] =	stream.linear.gather [spmem:s22], $0x80, $0x38;
	[tilespmem:$0x18800] =	vst v63  }
0x268: {  	s24 =	sadd.s32 $0x400, s22;
	s25 =	simm.s32 $0x12D00  }
0x269: {  	[tilespmem:s25], [sflag:$0x3] =	stream.linear.gather [spmem:s24], $0x80, $0x38;
	[tilespmem:$0x18800] =	vst v63  }
0x26a: {  	s24 =	sadd.s32 $0x800, s22;
	s25 =	simm.s32 $0x13100  }
0x26b: {  	[tilespmem:s25], [sflag:$0x3] =	stream.linear.gather [spmem:s24], $0x80, $0x38;
	[tilespmem:$0x18800] =	vst v63  }
0x26c: {  	s24 =	sadd.s32 $0xC00, s22;
	s25 =	simm.s32 $0x13500  }
0x26d: {  	[tilespmem:s25], [sflag:$0x3] =	stream.linear.gather [spmem:s24], $0x80, $0x38;
	[tilespmem:$0x18800] =	vst v63  }
0x26e: {  	s24 =	sadd.s32 $0x1000, s22;
	s25 =	simm.s32 $0x13900  }
0x26f: {  	[tilespmem:s25], [sflag:$0x3] =	stream.linear.gather [spmem:s24], $0x80, $0x38;
	[tilespmem:$0x18800] =	vst v63  }
0x270: {  	s23 =	spop (v2sf)  }
0x271: {  	(v2sf) =	vpush v0, $0x4;
	s25 =	sshrl.u32 s23, $0x3  }
0x272: {  	s22 =	sadd.s32 $0x1400, s22;
	s24 =	smul.u32 $0x6000, s25;
	s25 =	simm.s32 $0x13D00  }
0x273: {  	[tilespmem:s25], [sflag:$0x3] =	stream.linear.gather [spmem:s22], $0x80, $0x38;
	[tilespmem:$0x18800] =	vst v63  }
0x274: {  	s23 =	sshll.u32 s23, $0x7;
	s24 =	sshra.s32 s24, $0x2  }
0x275: {  	s22 =	sand.u32 $0x380, s23;
	s23 =	sadd.s32 s24, s2  }
0x276: {  	s25 =	simm.s32 $0x12980;
	s22 =	sadd.s32 s22, s23  }
0x277: {  	[tilespmem:s25], [sflag:$0x3] =	stream.linear.gather [spmem:s22], $0x80, $0x38;
	[tilespmem:$0x18800] =	vst v63  }
0x278: {  	s24 =	sadd.s32 $0x400, s22;
	s25 =	simm.s32 $0x12D80  }
0x279: {  	[tilespmem:s25], [sflag:$0x3] =	stream.linear.gather [spmem:s24], $0x80, $0x38;
	[tilespmem:$0x18800] =	vst v63  }
0x27a: {  	s24 =	sadd.s32 $0x800, s22;
	s25 =	simm.s32 $0x13180  }
0x27b: {  	[tilespmem:s25], [sflag:$0x3] =	stream.linear.gather [spmem:s24], $0x80, $0x38;
	[tilespmem:$0x18800] =	vst v63  }
0x27c: {  	s24 =	sadd.s32 $0xC00, s22;
	s25 =	simm.s32 $0x13580  }
0x27d: {  	[tilespmem:s25], [sflag:$0x3] =	stream.linear.gather [spmem:s24], $0x80, $0x38;
	[tilespmem:$0x18800] =	vst v63  }
0x27e: {  	s24 =	sadd.s32 $0x1000, s22;
	s25 =	simm.s32 $0x13980  }
0x27f: {  	[tilespmem:s25], [sflag:$0x3] =	stream.linear.gather [spmem:s24], $0x80, $0x38;
	[tilespmem:$0x18800] =	vst v63  }
0x280: {  	s23 =	spop (v2sf)  }
0x281: {  	(v2sf) =	vpush v0, $0x5;
	s25 =	sshrl.u32 s23, $0x3  }
0x282: {  	s22 =	sadd.s32 $0x1400, s22;
	s24 =	smul.u32 $0x6000, s25;
	s25 =	simm.s32 $0x13D80  }
0x283: {  	[tilespmem:s25], [sflag:$0x3] =	stream.linear.gather [spmem:s22], $0x80, $0x38;
	[tilespmem:$0x18800] =	vst v63  }
0x284: {  	s23 =	sshll.u32 s23, $0x7;
	s24 =	sshra.s32 s24, $0x2  }
0x285: {  	s22 =	sand.u32 $0x380, s23;
	s23 =	sadd.s32 s24, s2  }
0x286: {  	s25 =	simm.s32 $0x12A00;
	s22 =	sadd.s32 s22, s23  }
0x287: {  	[tilespmem:s25], [sflag:$0x3] =	stream.linear.gather [spmem:s22], $0x80, $0x38;
	[tilespmem:$0x18800] =	vst v63  }
0x288: {  	s24 =	sadd.s32 $0x400, s22;
	s25 =	simm.s32 $0x12E00  }
0x289: {  	[tilespmem:s25], [sflag:$0x3] =	stream.linear.gather [spmem:s24], $0x80, $0x38;
	[tilespmem:$0x18800] =	vst v63  }
0x28a: {  	s24 =	sadd.s32 $0x800, s22;
	s25 =	simm.s32 $0x13200  }
0x28b: {  	[tilespmem:s25], [sflag:$0x3] =	stream.linear.gather [spmem:s24], $0x80, $0x38;
	[tilespmem:$0x18800] =	vst v63  }
0x28c: {  	s24 =	sadd.s32 $0xC00, s22;
	s25 =	simm.s32 $0x13600  }
0x28d: {  	[tilespmem:s25], [sflag:$0x3] =	stream.linear.gather [spmem:s24], $0x80, $0x38;
	[tilespmem:$0x18800] =	vst v63  }
0x28e: {  	s24 =	sadd.s32 $0x1000, s22;
	s25 =	simm.s32 $0x13A00  }
0x28f: {  	[tilespmem:s25], [sflag:$0x3] =	stream.linear.gather [spmem:s24], $0x80, $0x38;
	[tilespmem:$0x18800] =	vst v63  }
0x290: {  	s23 =	spop (v2sf)  }
0x291: {  	(v2sf) =	vpush v0, $0x6;
	s25 =	sshrl.u32 s23, $0x3  }
0x292: {  	s22 =	sadd.s32 $0x1400, s22;
	s24 =	smul.u32 $0x6000, s25;
	s25 =	simm.s32 $0x13E00  }
0x293: {  	[tilespmem:s25], [sflag:$0x3] =	stream.linear.gather [spmem:s22], $0x80, $0x38;
	[tilespmem:$0x18800] =	vst v63  }
0x294: {  	s23 =	sshll.u32 s23, $0x7;
	s24 =	sshra.s32 s24, $0x2  }
0x295: {  	s22 =	sand.u32 $0x380, s23;
	s23 =	sadd.s32 s24, s2  }
0x296: {  	s25 =	simm.s32 $0x12A80;
	s22 =	sadd.s32 s22, s23  }
0x297: {  	[tilespmem:s25], [sflag:$0x3] =	stream.linear.gather [spmem:s22], $0x80, $0x38;
	[tilespmem:$0x18800] =	vst v63  }
0x298: {  	s24 =	sadd.s32 $0x400, s22;
	s25 =	simm.s32 $0x12E80  }
0x299: {  	[tilespmem:s25], [sflag:$0x3] =	stream.linear.gather [spmem:s24], $0x80, $0x38;
	[tilespmem:$0x18800] =	vst v63  }
0x29a: {  	s24 =	sadd.s32 $0x800, s22;
	s25 =	simm.s32 $0x13280  }
0x29b: {  	[tilespmem:s25], [sflag:$0x3] =	stream.linear.gather [spmem:s24], $0x80, $0x38;
	[tilespmem:$0x18800] =	vst v63  }
0x29c: {  	s24 =	sadd.s32 $0xC00, s22;
	s25 =	simm.s32 $0x13680  }
0x29d: {  	[tilespmem:s25], [sflag:$0x3] =	stream.linear.gather [spmem:s24], $0x80, $0x38;
	[tilespmem:$0x18800] =	vst v63  }
0x29e: {  	s24 =	sadd.s32 $0x1000, s22;
	s25 =	simm.s32 $0x13A80  }
0x29f: {  	[tilespmem:s25], [sflag:$0x3] =	stream.linear.gather [spmem:s24], $0x80, $0x38;
	[tilespmem:$0x18800] =	vst v63  }
0x2a0: {  	s23 =	spop (v2sf)  }
0x2a1: {  	(v2sf) =	vpush v0, $0x7;
	s25 =	sshrl.u32 s23, $0x3  }
0x2a2: {  	s22 =	sadd.s32 $0x1400, s22;
	s24 =	smul.u32 $0x6000, s25;
	s25 =	simm.s32 $0x13E80  }
0x2a3: {  	[tilespmem:s25], [sflag:$0x3] =	stream.linear.gather [spmem:s22], $0x80, $0x38;
	[tilespmem:$0x18800] =	vst v63  }
0x2a4: {  	s23 =	sshll.u32 s23, $0x7;
	s24 =	sshra.s32 s24, $0x2  }
0x2a5: {  	s22 =	sand.u32 $0x380, s23;
	s23 =	sadd.s32 s24, s2  }
0x2a6: {  	s25 =	simm.s32 $0x12B00;
	s22 =	sadd.s32 s22, s23  }
0x2a7: {  	[tilespmem:s25], [sflag:$0x3] =	stream.linear.gather [spmem:s22], $0x80, $0x38;
	[tilespmem:$0x18800] =	vst v63  }
0x2a8: {  	s24 =	sadd.s32 $0x400, s22;
	s25 =	simm.s32 $0x12F00  }
0x2a9: {  	[tilespmem:s25], [sflag:$0x3] =	stream.linear.gather [spmem:s24], $0x80, $0x38;
	[tilespmem:$0x18800] =	vst v63  }
0x2aa: {  	s24 =	sadd.s32 $0x800, s22;
	s25 =	simm.s32 $0x13300  }
0x2ab: {  	[tilespmem:s25], [sflag:$0x3] =	stream.linear.gather [spmem:s24], $0x80, $0x38;
	[tilespmem:$0x18800] =	vst v63  }
0x2ac: {  	s24 =	sadd.s32 $0xC00, s22;
	s25 =	simm.s32 $0x13700  }
0x2ad: {  	[tilespmem:s25], [sflag:$0x3] =	stream.linear.gather [spmem:s24], $0x80, $0x38;
	[tilespmem:$0x18800] =	vst v63  }
0x2ae: {  	s24 =	sadd.s32 $0x1000, s22;
	s25 =	simm.s32 $0x13B00  }
0x2af: {  	[tilespmem:s25], [sflag:$0x3] =	stream.linear.gather [spmem:s24], $0x80, $0x38;
	[tilespmem:$0x18800] =	vst v63  }
0x2b0: {  	s23 =	spop (v2sf)  }
0x2b1: {  	(v2sf) =	vpush v0, $0x8;
	s25 =	sshrl.u32 s23, $0x3  }
0x2b2: {  	s22 =	sadd.s32 $0x1400, s22;
	s24 =	smul.u32 $0x6000, s25;
	s25 =	simm.s32 $0x13F00  }
0x2b3: {  	[tilespmem:s25], [sflag:$0x3] =	stream.linear.gather [spmem:s22], $0x80, $0x38;
	[tilespmem:$0x18800] =	vst v63  }
0x2b4: {  	s23 =	sshll.u32 s23, $0x7;
	s24 =	sshra.s32 s24, $0x2  }
0x2b5: {  	s22 =	sand.u32 $0x380, s23;
	s23 =	sadd.s32 s24, s2  }
0x2b6: {  	s25 =	simm.s32 $0x12B80;
	s22 =	sadd.s32 s22, s23  }
0x2b7: {  	[tilespmem:s25], [sflag:$0x3] =	stream.linear.gather [spmem:s22], $0x80, $0x38;
	[tilespmem:$0x18800] =	vst v63  }
0x2b8: {  	s24 =	sadd.s32 $0x400, s22;
	s25 =	simm.s32 $0x12F80  }
0x2b9: {  	[tilespmem:s25], [sflag:$0x3] =	stream.linear.gather [spmem:s24], $0x80, $0x38;
	[tilespmem:$0x18800] =	vst v63  }
0x2ba: {  	s24 =	sadd.s32 $0x800, s22;
	s25 =	simm.s32 $0x13380  }
0x2bb: {  	[tilespmem:s25], [sflag:$0x3] =	stream.linear.gather [spmem:s24], $0x80, $0x38;
	[tilespmem:$0x18800] =	vst v63  }
0x2bc: {  	s24 =	sadd.s32 $0xC00, s22;
	s25 =	simm.s32 $0x13780  }
0x2bd: {  	[tilespmem:s25], [sflag:$0x3] =	stream.linear.gather [spmem:s24], $0x80, $0x38;
	[tilespmem:$0x18800] =	vst v63  }
0x2be: {  	s24 =	sadd.s32 $0x1000, s22;
	s25 =	simm.s32 $0x13B80  }
0x2bf: {  	[tilespmem:s25], [sflag:$0x3] =	stream.linear.gather [spmem:s24], $0x80, $0x38;
	[tilespmem:$0x18800] =	vst v63  }
0x2c0: {  	s23 =	spop (v2sf)  }
0x2c1: {  	(v2sf) =	vpush v0, $0x9;
	s25 =	sshrl.u32 s23, $0x3  }
0x2c2: {  	s22 =	sadd.s32 $0x1400, s22;
	s24 =	smul.u32 $0x6000, s25;
	s25 =	simm.s32 $0x13F80  }
0x2c3: {  	[tilespmem:s25], [sflag:$0x3] =	stream.linear.gather [spmem:s22], $0x80, $0x38;
	[tilespmem:$0x18800] =	vst v63  }
0x2c4: {  	s23 =	sshll.u32 s23, $0x7;
	s24 =	sshra.s32 s24, $0x2  }
0x2c5: {  	s22 =	sand.u32 $0x380, s23;
	s23 =	sadd.s32 s24, s2  }
0x2c6: {  	s25 =	simm.s32 $0x14000;
	s22 =	sadd.s32 s22, s23  }
0x2c7: {  	[tilespmem:s25], [sflag:$0x3] =	stream.linear.gather [spmem:s22], $0x80, $0x38;
	[tilespmem:$0x18800] =	vst v63  }
0x2c8: {  	s24 =	sadd.s32 $0x400, s22;
	s25 =	simm.s32 $0x14400  }
0x2c9: {  	[tilespmem:s25], [sflag:$0x3] =	stream.linear.gather [spmem:s24], $0x80, $0x38;
	[tilespmem:$0x18800] =	vst v63  }
0x2ca: {  	s24 =	sadd.s32 $0x800, s22;
	s25 =	simm.s32 $0x14800  }
0x2cb: {  	[tilespmem:s25], [sflag:$0x3] =	stream.linear.gather [spmem:s24], $0x80, $0x38;
	[tilespmem:$0x18800] =	vst v63  }
0x2cc: {  	s24 =	sadd.s32 $0xC00, s22;
	s25 =	simm.s32 $0x14C00  }
0x2cd: {  	[tilespmem:s25], [sflag:$0x3] =	stream.linear.gather [spmem:s24], $0x80, $0x38;
	[tilespmem:$0x18800] =	vst v63  }
0x2ce: {  	s24 =	sadd.s32 $0x1000, s22;
	s25 =	simm.s32 $0x15000  }
0x2cf: {  	[tilespmem:s25], [sflag:$0x3] =	stream.linear.gather [spmem:s24], $0x80, $0x38;
	[tilespmem:$0x18800] =	vst v63  }
0x2d0: {  	s23 =	spop (v2sf)  }
0x2d1: {  	(v2sf) =	vpush v0, $0xA;
	s25 =	sshrl.u32 s23, $0x3  }
0x2d2: {  	s22 =	sadd.s32 $0x1400, s22;
	s24 =	smul.u32 $0x6000, s25;
	s25 =	simm.s32 $0x15400  }
0x2d3: {  	[tilespmem:s25], [sflag:$0x3] =	stream.linear.gather [spmem:s22], $0x80, $0x38;
	[tilespmem:$0x18800] =	vst v63  }
0x2d4: {  	s23 =	sshll.u32 s23, $0x7;
	s24 =	sshra.s32 s24, $0x2  }
0x2d5: {  	s22 =	sand.u32 $0x380, s23;
	s23 =	sadd.s32 s24, s2  }
0x2d6: {  	s25 =	simm.s32 $0x14080;
	s22 =	sadd.s32 s22, s23  }
0x2d7: {  	[tilespmem:s25], [sflag:$0x3] =	stream.linear.gather [spmem:s22], $0x80, $0x38;
	[tilespmem:$0x18800] =	vst v63  }
0x2d8: {  	s24 =	sadd.s32 $0x400, s22;
	s25 =	simm.s32 $0x14480  }
0x2d9: {  	[tilespmem:s25], [sflag:$0x3] =	stream.linear.gather [spmem:s24], $0x80, $0x38;
	[tilespmem:$0x18800] =	vst v63  }
0x2da: {  	s24 =	sadd.s32 $0x800, s22;
	s25 =	simm.s32 $0x14880  }
0x2db: {  	[tilespmem:s25], [sflag:$0x3] =	stream.linear.gather [spmem:s24], $0x80, $0x38;
	[tilespmem:$0x18800] =	vst v63  }
0x2dc: {  	s24 =	sadd.s32 $0xC00, s22;
	s25 =	simm.s32 $0x14C80  }
0x2dd: {  	[tilespmem:s25], [sflag:$0x3] =	stream.linear.gather [spmem:s24], $0x80, $0x38;
	[tilespmem:$0x18800] =	vst v63  }
0x2de: {  	s24 =	sadd.s32 $0x1000, s22;
	s25 =	simm.s32 $0x15080  }
0x2df: {  	[tilespmem:s25], [sflag:$0x3] =	stream.linear.gather [spmem:s24], $0x80, $0x38;
	[tilespmem:$0x18800] =	vst v63  }
0x2e0: {  	s23 =	spop (v2sf)  }
0x2e1: {  	(v2sf) =	vpush v0, $0xB;
	s25 =	sshrl.u32 s23, $0x3  }
0x2e2: {  	s22 =	sadd.s32 $0x1400, s22;
	s24 =	smul.u32 $0x6000, s25;
	s25 =	simm.s32 $0x15480  }
0x2e3: {  	[tilespmem:s25], [sflag:$0x3] =	stream.linear.gather [spmem:s22], $0x80, $0x38;
	[tilespmem:$0x18800] =	vst v63  }
0x2e4: {  	s23 =	sshll.u32 s23, $0x7;
	s24 =	sshra.s32 s24, $0x2  }
0x2e5: {  	s22 =	sand.u32 $0x380, s23;
	s23 =	sadd.s32 s24, s2  }
0x2e6: {  	s25 =	simm.s32 $0x14100;
	s22 =	sadd.s32 s22, s23  }
0x2e7: {  	[tilespmem:s25], [sflag:$0x3] =	stream.linear.gather [spmem:s22], $0x80, $0x38;
	[tilespmem:$0x18800] =	vst v63  }
0x2e8: {  	s24 =	sadd.s32 $0x400, s22;
	s25 =	simm.s32 $0x14500  }
0x2e9: {  	[tilespmem:s25], [sflag:$0x3] =	stream.linear.gather [spmem:s24], $0x80, $0x38;
	[tilespmem:$0x18800] =	vst v63  }
0x2ea: {  	s24 =	sadd.s32 $0x800, s22;
	s25 =	simm.s32 $0x14900  }
0x2eb: {  	[tilespmem:s25], [sflag:$0x3] =	stream.linear.gather [spmem:s24], $0x80, $0x38;
	[tilespmem:$0x18800] =	vst v63  }
0x2ec: {  	s24 =	sadd.s32 $0xC00, s22;
	s25 =	simm.s32 $0x14D00  }
0x2ed: {  	[tilespmem:s25], [sflag:$0x3] =	stream.linear.gather [spmem:s24], $0x80, $0x38;
	[tilespmem:$0x18800] =	vst v63  }
0x2ee: {  	s24 =	sadd.s32 $0x1000, s22;
	s25 =	simm.s32 $0x15100  }
0x2ef: {  	[tilespmem:s25], [sflag:$0x3] =	stream.linear.gather [spmem:s24], $0x80, $0x38;
	[tilespmem:$0x18800] =	vst v63  }
0x2f0: {  	s23 =	spop (v2sf)  }
0x2f1: {  	(v2sf) =	vpush v0, $0xC;
	s25 =	sshrl.u32 s23, $0x3  }
0x2f2: {  	s22 =	sadd.s32 $0x1400, s22;
	s24 =	smul.u32 $0x6000, s25;
	s25 =	simm.s32 $0x15500  }
0x2f3: {  	[tilespmem:s25], [sflag:$0x3] =	stream.linear.gather [spmem:s22], $0x80, $0x38;
	[tilespmem:$0x18800] =	vst v63  }
0x2f4: {  	s23 =	sshll.u32 s23, $0x7;
	s24 =	sshra.s32 s24, $0x2  }
0x2f5: {  	s22 =	sand.u32 $0x380, s23;
	s23 =	sadd.s32 s24, s2  }
0x2f6: {  	s25 =	simm.s32 $0x14180;
	s22 =	sadd.s32 s22, s23  }
0x2f7: {  	[tilespmem:s25], [sflag:$0x3] =	stream.linear.gather [spmem:s22], $0x80, $0x38;
	[tilespmem:$0x18800] =	vst v63  }
0x2f8: {  	s24 =	sadd.s32 $0x400, s22;
	s25 =	simm.s32 $0x14580  }
0x2f9: {  	[tilespmem:s25], [sflag:$0x3] =	stream.linear.gather [spmem:s24], $0x80, $0x38;
	[tilespmem:$0x18800] =	vst v63  }
0x2fa: {  	s24 =	sadd.s32 $0x800, s22;
	s25 =	simm.s32 $0x14980  }
0x2fb: {  	[tilespmem:s25], [sflag:$0x3] =	stream.linear.gather [spmem:s24], $0x80, $0x38;
	[tilespmem:$0x18800] =	vst v63  }
0x2fc: {  	s24 =	sadd.s32 $0xC00, s22;
	s25 =	simm.s32 $0x14D80  }
0x2fd: {  	[tilespmem:s25], [sflag:$0x3] =	stream.linear.gather [spmem:s24], $0x80, $0x38;
	[tilespmem:$0x18800] =	vst v63  }
0x2fe: {  	s24 =	sadd.s32 $0x1000, s22;
	s25 =	simm.s32 $0x15180  }
0x2ff: {  	[tilespmem:s25], [sflag:$0x3] =	stream.linear.gather [spmem:s24], $0x80, $0x38;
	[tilespmem:$0x18800] =	vst v63  }
0x300: {  	s23 =	spop (v2sf)  }
0x301: {  	(v2sf) =	vpush v0, $0xD;
	s25 =	sshrl.u32 s23, $0x3  }
0x302: {  	s22 =	sadd.s32 $0x1400, s22;
	s24 =	smul.u32 $0x6000, s25;
	s25 =	simm.s32 $0x15580  }
0x303: {  	[tilespmem:s25], [sflag:$0x3] =	stream.linear.gather [spmem:s22], $0x80, $0x38;
	[tilespmem:$0x18800] =	vst v63  }
0x304: {  	s23 =	sshll.u32 s23, $0x7;
	s24 =	sshra.s32 s24, $0x2  }
0x305: {  	s22 =	sand.u32 $0x380, s23;
	s23 =	sadd.s32 s24, s2  }
0x306: {  	s25 =	simm.s32 $0x14200;
	s22 =	sadd.s32 s22, s23  }
0x307: {  	[tilespmem:s25], [sflag:$0x3] =	stream.linear.gather [spmem:s22], $0x80, $0x38;
	[tilespmem:$0x18800] =	vst v63  }
0x308: {  	s24 =	sadd.s32 $0x400, s22;
	s25 =	simm.s32 $0x14600  }
0x309: {  	[tilespmem:s25], [sflag:$0x3] =	stream.linear.gather [spmem:s24], $0x80, $0x38;
	[tilespmem:$0x18800] =	vst v63  }
0x30a: {  	s24 =	sadd.s32 $0x800, s22;
	s25 =	simm.s32 $0x14A00  }
0x30b: {  	[tilespmem:s25], [sflag:$0x3] =	stream.linear.gather [spmem:s24], $0x80, $0x38;
	[tilespmem:$0x18800] =	vst v63  }
0x30c: {  	s24 =	sadd.s32 $0xC00, s22;
	s25 =	simm.s32 $0x14E00  }
0x30d: {  	[tilespmem:s25], [sflag:$0x3] =	stream.linear.gather [spmem:s24], $0x80, $0x38;
	[tilespmem:$0x18800] =	vst v63  }
0x30e: {  	s24 =	sadd.s32 $0x1000, s22;
	s25 =	simm.s32 $0x15200  }
0x30f: {  	[tilespmem:s25], [sflag:$0x3] =	stream.linear.gather [spmem:s24], $0x80, $0x38;
	[tilespmem:$0x18800] =	vst v63  }
0x310: {  	s23 =	spop (v2sf)  }
0x311: {  	(v2sf) =	vpush v0, $0xE;
	s25 =	sshrl.u32 s23, $0x3  }
0x312: {  	s22 =	sadd.s32 $0x1400, s22;
	s24 =	smul.u32 $0x6000, s25;
	s25 =	simm.s32 $0x15600  }
0x313: {  	[tilespmem:s25], [sflag:$0x3] =	stream.linear.gather [spmem:s22], $0x80, $0x38;
	[tilespmem:$0x18800] =	vst v63  }
0x314: {  	s23 =	sshll.u32 s23, $0x7;
	s24 =	sshra.s32 s24, $0x2  }
0x315: {  	s22 =	sand.u32 $0x380, s23;
	s23 =	sadd.s32 s24, s2  }
0x316: {  	s25 =	simm.s32 $0x14280;
	s22 =	sadd.s32 s22, s23  }
0x317: {  	[tilespmem:s25], [sflag:$0x3] =	stream.linear.gather [spmem:s22], $0x80, $0x38;
	[tilespmem:$0x18800] =	vst v63  }
0x318: {  	s24 =	sadd.s32 $0x400, s22;
	s25 =	simm.s32 $0x14680  }
0x319: {  	[tilespmem:s25], [sflag:$0x3] =	stream.linear.gather [spmem:s24], $0x80, $0x38;
	[tilespmem:$0x18800] =	vst v63  }
0x31a: {  	s24 =	sadd.s32 $0x800, s22;
	s25 =	simm.s32 $0x14A80  }
0x31b: {  	[tilespmem:s25], [sflag:$0x3] =	stream.linear.gather [spmem:s24], $0x80, $0x38;
	[tilespmem:$0x18800] =	vst v63  }
0x31c: {  	s24 =	sadd.s32 $0xC00, s22;
	s25 =	simm.s32 $0x14E80  }
0x31d: {  	[tilespmem:s25], [sflag:$0x3] =	stream.linear.gather [spmem:s24], $0x80, $0x38;
	[tilespmem:$0x18800] =	vst v63  }
0x31e: {  	s24 =	sadd.s32 $0x1000, s22;
	s25 =	simm.s32 $0x15280  }
0x31f: {  	[tilespmem:s25], [sflag:$0x3] =	stream.linear.gather [spmem:s24], $0x80, $0x38;
	[tilespmem:$0x18800] =	vst v63  }
0x320: {  	s23 =	spop (v2sf)  }
0x321: {  	(v2sf) =	vpush v0, $0xF;
	s25 =	sshrl.u32 s23, $0x3  }
0x322: {  	s22 =	sadd.s32 $0x1400, s22;
	s24 =	smul.u32 $0x6000, s25;
	s25 =	simm.s32 $0x15680  }
0x323: {  	[tilespmem:s25], [sflag:$0x3] =	stream.linear.gather [spmem:s22], $0x80, $0x38;
	[tilespmem:$0x18800] =	vst v63  }
0x324: {  	s23 =	sshll.u32 s23, $0x7;
	s24 =	sshra.s32 s24, $0x2  }
0x325: {  	s22 =	sand.u32 $0x380, s23;
	s23 =	sadd.s32 s24, s2  }
0x326: {  	s25 =	simm.s32 $0x14300;
	s22 =	sadd.s32 s22, s23  }
0x327: {  	[tilespmem:s25], [sflag:$0x3] =	stream.linear.gather [spmem:s22], $0x80, $0x38;
	[tilespmem:$0x18800] =	vst v63  }
0x328: {  	s24 =	sadd.s32 $0x400, s22;
	s25 =	simm.s32 $0x14700  }
0x329: {  	[tilespmem:s25], [sflag:$0x3] =	stream.linear.gather [spmem:s24], $0x80, $0x38;
	[tilespmem:$0x18800] =	vst v63  }
0x32a: {  	s24 =	sadd.s32 $0x800, s22;
	s25 =	simm.s32 $0x14B00  }
0x32b: {  	[tilespmem:s25], [sflag:$0x3] =	stream.linear.gather [spmem:s24], $0x80, $0x38;
	[tilespmem:$0x18800] =	vst v63  }
0x32c: {  	s24 =	sadd.s32 $0xC00, s22;
	s25 =	simm.s32 $0x14F00  }
0x32d: {  	[tilespmem:s25], [sflag:$0x3] =	stream.linear.gather [spmem:s24], $0x80, $0x38;
	[tilespmem:$0x18800] =	vst v63  }
0x32e: {  	s24 =	sadd.s32 $0x1000, s22;
	s25 =	simm.s32 $0x15300  }
0x32f: {  	[tilespmem:s25], [sflag:$0x3] =	stream.linear.gather [spmem:s24], $0x80, $0x38;
	[tilespmem:$0x18800] =	vst v63  }
0x330: {  	s23 =	spop (v2sf)  }
0x331: {  	s25 =	sshrl.u32 s23, $0x3  }
0x332: {  	s22 =	sadd.s32 $0x1400, s22;
	s24 =	smul.u32 $0x6000, s25;
	s25 =	simm.s32 $0x15700  }
0x333: {  	[tilespmem:s25], [sflag:$0x3] =	stream.linear.gather [spmem:s22], $0x80, $0x38;
	[tilespmem:$0x18800] =	vst v63  }
0x334: {  	s23 =	sshll.u32 s23, $0x7;
	s24 =	sshra.s32 s24, $0x2  }
0x335: {  	s22 =	sand.u32 $0x380, s23;
	s23 =	sadd.s32 s24, s2  }
0x336: {  	s25 =	simm.s32 $0x14380;
	s22 =	sadd.s32 s22, s23  }
0x337: {  	[tilespmem:s25], [sflag:$0x3] =	stream.linear.gather [spmem:s22], $0x80, $0x38;
	[tilespmem:$0x18800] =	vst v63  }
0x338: {  	s24 =	sadd.s32 $0x400, s22;
	s25 =	simm.s32 $0x14780  }
0x339: {  	[tilespmem:s25], [sflag:$0x3] =	stream.linear.gather [spmem:s24], $0x80, $0x38;
	[tilespmem:$0x18800] =	vst v63  }
0x33a: {  	s24 =	sadd.s32 $0x800, s22;
	s25 =	simm.s32 $0x14B80  }
0x33b: {  	[tilespmem:s25], [sflag:$0x3] =	stream.linear.gather [spmem:s24], $0x80, $0x38;
	[tilespmem:$0x18800] =	vst v63  }
0x33c: {  	s24 =	sadd.s32 $0xC00, s22;
	s25 =	simm.s32 $0x14F80  }
0x33d: {  	[tilespmem:s25], [sflag:$0x3] =	stream.linear.gather [spmem:s24], $0x80, $0x38;
	[tilespmem:$0x18800] =	vst v63  }
0x33e: {  	s24 =	sadd.s32 $0x1000, s22;
	s25 =	simm.s32 $0x15380  }
0x33f: {  	[tilespmem:s25], [sflag:$0x3] =	stream.linear.gather [spmem:s24], $0x80, $0x38;
	[tilespmem:$0x18800] =	vst v63  }
0x340: {  	s22 =	sadd.s32 $0x1400, s22;
	s25 =	simm.s32 $0x15780  }
0x341: {  	[tilespmem:s25], [sflag:$0x3] =	stream.linear.gather [spmem:s22], $0x80, $0x38;
	[tilespmem:$0x18800] =	vst v63  }
0x342: {  	_ =	swait.ge [sflag:s18], $0x3000  }
0x343: {  	[sflag:s18] =	ssyncset.done $0x0  }
0x344: {  	s21 =	sadd.s32 $0x600, s21;
	[sflag:s18] =	ssyncadd.s32 $0xFFFFD000  }
0x345: {  	[hbm4b:s21+s3] =	stream.linear.scatter [tilespmem:s5], [sflag:$0x6], $0x3000, $0x38;
	[tilespmem:$0x18800] =	vst v63  }
0x346: {  	s21 =	simm.s32 @!p0 $0x8  }
0x347: {  	_ =	swait.ge @!p0 [sflag:s21], $0x3000  }
0x348: {  	[sflag:s21] =	ssyncset.done @!p0 $0x0  }
0x349: {  	[sflag:s21] =	ssyncadd.s32 @!p0 $0xFFFFD000  }
0x34a: {  	v63 =	vld [tilespmem:s17+$0x0];
	_ =	sdelay $0x4  }
0x34b: {  	(v2sf) =	vpush v63, $0x0;
	_ =	sdelay $0xe  }
0x34c: {  	s23 =	spop (v2sf)  }
0x34d: {  	(v2sf) =	vpush v63, $0x1;
	s24 =	sshrl.u32 s23, $0x3  }
0x34e: {  	s22 =	smul.u32 $0x6000, s24;
	_ =	sdelay $0x1  }
0x34f: {  	s21 =	sshll.u32 s23, $0x7;
	s22 =	sshra.s32 s22, $0x2  }
0x350: {  	s21 =	sand.u32 $0x380, s21;
	s22 =	sadd.s32 s22, s2  }
0x351: {  	s21 =	sadd.s32 s21, s22  }
0x352: {  	[tilespmem:s19], [sflag:$0x4] =	stream.linear.gather [spmem:s21], $0x80, $0x38;
	[tilespmem:$0x18800] =	vst v63  }
0x353: {  	s25 =	simm.s32 $0x15C00;
	s22 =	sadd.s32 $0x400, s21  }
0x354: {  	[tilespmem:s25], [sflag:$0x4] =	stream.linear.gather [spmem:s22], $0x80, $0x38;
	[tilespmem:$0x18800] =	vst v63  }
0x355: {  	s24 =	sadd.s32 $0x800, s21;
	s25 =	simm.s32 $0x16000  }
0x356: {  	[tilespmem:s25], [sflag:$0x4] =	stream.linear.gather [spmem:s24], $0x80, $0x38;
	[tilespmem:$0x18800] =	vst v63  }
0x357: {  	s24 =	sadd.s32 $0xC00, s21;
	s25 =	simm.s32 $0x16400  }
0x358: {  	[tilespmem:s25], [sflag:$0x4] =	stream.linear.gather [spmem:s24], $0x80, $0x38;
	[tilespmem:$0x18800] =	vst v63  }
0x359: {  	s24 =	sadd.s32 $0x1000, s21;
	s25 =	simm.s32 $0x16800  }
0x35a: {  	[tilespmem:s25], [sflag:$0x4] =	stream.linear.gather [spmem:s24], $0x80, $0x38;
	[tilespmem:$0x18800] =	vst v63  }
0x35b: {  	s22 =	spop (v2sf)  }
0x35c: {  	(v2sf) =	vpush v63, $0x2;
	s24 =	sshrl.u32 s22, $0x3  }
0x35d: {  	s21 =	sadd.s32 $0x1400, s21;
	s25 =	simm.s32 $0x16C00;
	s23 =	smul.u32 $0x6000, s24  }
0x35e: {  	[tilespmem:s25], [sflag:$0x4] =	stream.linear.gather [spmem:s21], $0x80, $0x38;
	[tilespmem:$0x18800] =	vst v63  }
0x35f: {  	s24 =	sshll.u32 s22, $0x7;
	s25 =	sshra.s32 s23, $0x2  }
0x360: {  	s21 =	sand.u32 $0x380, s24;
	s22 =	sadd.s32 s25, s2  }
0x361: {  	s23 =	simm.s32 $0x15880;
	s21 =	sadd.s32 s21, s22  }
0x362: {  	[tilespmem:s23], [sflag:$0x4] =	stream.linear.gather [spmem:s21], $0x80, $0x38;
	[tilespmem:$0x18800] =	vst v63  }
0x363: {  	s25 =	simm.s32 $0x15C80;
	s24 =	sadd.s32 $0x400, s21  }
0x364: {  	[tilespmem:s25], [sflag:$0x4] =	stream.linear.gather [spmem:s24], $0x80, $0x38;
	[tilespmem:$0x18800] =	vst v63  }
0x365: {  	s24 =	sadd.s32 $0x800, s21;
	s25 =	simm.s32 $0x16080  }
0x366: {  	[tilespmem:s25], [sflag:$0x4] =	stream.linear.gather [spmem:s24], $0x80, $0x38;
	[tilespmem:$0x18800] =	vst v63  }
0x367: {  	s24 =	sadd.s32 $0xC00, s21;
	s25 =	simm.s32 $0x16480  }
0x368: {  	[tilespmem:s25], [sflag:$0x4] =	stream.linear.gather [spmem:s24], $0x80, $0x38;
	[tilespmem:$0x18800] =	vst v63  }
0x369: {  	s24 =	sadd.s32 $0x1000, s21;
	s25 =	simm.s32 $0x16880  }
0x36a: {  	[tilespmem:s25], [sflag:$0x4] =	stream.linear.gather [spmem:s24], $0x80, $0x38;
	[tilespmem:$0x18800] =	vst v63  }
0x36b: {  	s22 =	spop (v2sf)  }
0x36c: {  	(v2sf) =	vpush v63, $0x3;
	s24 =	sshrl.u32 s22, $0x3  }
0x36d: {  	s21 =	sadd.s32 $0x1400, s21;
	s25 =	simm.s32 $0x16C80;
	s23 =	smul.u32 $0x6000, s24  }
0x36e: {  	[tilespmem:s25], [sflag:$0x4] =	stream.linear.gather [spmem:s21], $0x80, $0x38;
	[tilespmem:$0x18800] =	vst v63  }
0x36f: {  	s24 =	sshll.u32 s22, $0x7;
	s25 =	sshra.s32 s23, $0x2  }
0x370: {  	s21 =	sand.u32 $0x380, s24;
	s22 =	sadd.s32 s25, s2  }
0x371: {  	s23 =	simm.s32 $0x15900;
	s21 =	sadd.s32 s21, s22  }
0x372: {  	[tilespmem:s23], [sflag:$0x4] =	stream.linear.gather [spmem:s21], $0x80, $0x38;
	[tilespmem:$0x18800] =	vst v63  }
0x373: {  	s25 =	simm.s32 $0x15D00;
	s24 =	sadd.s32 $0x400, s21  }
0x374: {  	[tilespmem:s25], [sflag:$0x4] =	stream.linear.gather [spmem:s24], $0x80, $0x38;
	[tilespmem:$0x18800] =	vst v63  }
0x375: {  	s24 =	sadd.s32 $0x800, s21;
	s25 =	simm.s32 $0x16100  }
0x376: {  	[tilespmem:s25], [sflag:$0x4] =	stream.linear.gather [spmem:s24], $0x80, $0x38;
	[tilespmem:$0x18800] =	vst v63  }
0x377: {  	s24 =	sadd.s32 $0xC00, s21;
	s25 =	simm.s32 $0x16500  }
0x378: {  	[tilespmem:s25], [sflag:$0x4] =	stream.linear.gather [spmem:s24], $0x80, $0x38;
	[tilespmem:$0x18800] =	vst v63  }
0x379: {  	s24 =	sadd.s32 $0x1000, s21;
	s25 =	simm.s32 $0x16900  }
0x37a: {  	[tilespmem:s25], [sflag:$0x4] =	stream.linear.gather [spmem:s24], $0x80, $0x38;
	[tilespmem:$0x18800] =	vst v63  }
0x37b: {  	s22 =	spop (v2sf)  }
0x37c: {  	(v2sf) =	vpush v63, $0x4;
	s24 =	sshrl.u32 s22, $0x3  }
0x37d: {  	s21 =	sadd.s32 $0x1400, s21;
	s25 =	simm.s32 $0x16D00;
	s23 =	smul.u32 $0x6000, s24  }
0x37e: {  	[tilespmem:s25], [sflag:$0x4] =	stream.linear.gather [spmem:s21], $0x80, $0x38;
	[tilespmem:$0x18800] =	vst v63  }
0x37f: {  	s24 =	sshll.u32 s22, $0x7;
	s25 =	sshra.s32 s23, $0x2  }
0x380: {  	s21 =	sand.u32 $0x380, s24;
	s22 =	sadd.s32 s25, s2  }
0x381: {  	s23 =	simm.s32 $0x15980;
	s21 =	sadd.s32 s21, s22  }
0x382: {  	[tilespmem:s23], [sflag:$0x4] =	stream.linear.gather [spmem:s21], $0x80, $0x38;
	[tilespmem:$0x18800] =	vst v63  }
0x383: {  	s25 =	simm.s32 $0x15D80;
	s24 =	sadd.s32 $0x400, s21  }
0x384: {  	[tilespmem:s25], [sflag:$0x4] =	stream.linear.gather [spmem:s24], $0x80, $0x38;
	[tilespmem:$0x18800] =	vst v63  }
0x385: {  	s24 =	sadd.s32 $0x800, s21;
	s25 =	simm.s32 $0x16180  }
0x386: {  	[tilespmem:s25], [sflag:$0x4] =	stream.linear.gather [spmem:s24], $0x80, $0x38;
	[tilespmem:$0x18800] =	vst v63  }
0x387: {  	s24 =	sadd.s32 $0xC00, s21;
	s25 =	simm.s32 $0x16580  }
0x388: {  	[tilespmem:s25], [sflag:$0x4] =	stream.linear.gather [spmem:s24], $0x80, $0x38;
	[tilespmem:$0x18800] =	vst v63  }
0x389: {  	s24 =	sadd.s32 $0x1000, s21;
	s25 =	simm.s32 $0x16980  }
0x38a: {  	[tilespmem:s25], [sflag:$0x4] =	stream.linear.gather [spmem:s24], $0x80, $0x38;
	[tilespmem:$0x18800] =	vst v63  }
0x38b: {  	s22 =	spop (v2sf)  }
0x38c: {  	(v2sf) =	vpush v63, $0x5;
	s24 =	sshrl.u32 s22, $0x3  }
0x38d: {  	s21 =	sadd.s32 $0x1400, s21;
	s25 =	simm.s32 $0x16D80;
	s23 =	smul.u32 $0x6000, s24  }
0x38e: {  	[tilespmem:s25], [sflag:$0x4] =	stream.linear.gather [spmem:s21], $0x80, $0x38;
	[tilespmem:$0x18800] =	vst v63  }
0x38f: {  	s24 =	sshll.u32 s22, $0x7;
	s25 =	sshra.s32 s23, $0x2  }
0x390: {  	s21 =	sand.u32 $0x380, s24;
	s22 =	sadd.s32 s25, s2  }
0x391: {  	s23 =	simm.s32 $0x15A00;
	s21 =	sadd.s32 s21, s22  }
0x392: {  	[tilespmem:s23], [sflag:$0x4] =	stream.linear.gather [spmem:s21], $0x80, $0x38;
	[tilespmem:$0x18800] =	vst v63  }
0x393: {  	s25 =	simm.s32 $0x15E00;
	s24 =	sadd.s32 $0x400, s21  }
0x394: {  	[tilespmem:s25], [sflag:$0x4] =	stream.linear.gather [spmem:s24], $0x80, $0x38;
	[tilespmem:$0x18800] =	vst v63  }
0x395: {  	s24 =	sadd.s32 $0x800, s21;
	s25 =	simm.s32 $0x16200  }
0x396: {  	[tilespmem:s25], [sflag:$0x4] =	stream.linear.gather [spmem:s24], $0x80, $0x38;
	[tilespmem:$0x18800] =	vst v63  }
0x397: {  	s24 =	sadd.s32 $0xC00, s21;
	s25 =	simm.s32 $0x16600  }
0x398: {  	[tilespmem:s25], [sflag:$0x4] =	stream.linear.gather [spmem:s24], $0x80, $0x38;
	[tilespmem:$0x18800] =	vst v63  }
0x399: {  	s24 =	sadd.s32 $0x1000, s21;
	s25 =	simm.s32 $0x16A00  }
0x39a: {  	[tilespmem:s25], [sflag:$0x4] =	stream.linear.gather [spmem:s24], $0x80, $0x38;
	[tilespmem:$0x18800] =	vst v63  }
0x39b: {  	s22 =	spop (v2sf)  }
0x39c: {  	(v2sf) =	vpush v63, $0x6;
	s24 =	sshrl.u32 s22, $0x3  }
0x39d: {  	s21 =	sadd.s32 $0x1400, s21;
	s25 =	simm.s32 $0x16E00;
	s23 =	smul.u32 $0x6000, s24  }
0x39e: {  	[tilespmem:s25], [sflag:$0x4] =	stream.linear.gather [spmem:s21], $0x80, $0x38;
	[tilespmem:$0x18800] =	vst v63  }
0x39f: {  	s24 =	sshll.u32 s22, $0x7;
	s25 =	sshra.s32 s23, $0x2  }
0x3a0: {  	s21 =	sand.u32 $0x380, s24;
	s22 =	sadd.s32 s25, s2  }
0x3a1: {  	s23 =	simm.s32 $0x15A80;
	s21 =	sadd.s32 s21, s22  }
0x3a2: {  	[tilespmem:s23], [sflag:$0x4] =	stream.linear.gather [spmem:s21], $0x80, $0x38;
	[tilespmem:$0x18800] =	vst v63  }
0x3a3: {  	s25 =	simm.s32 $0x15E80;
	s24 =	sadd.s32 $0x400, s21  }
0x3a4: {  	[tilespmem:s25], [sflag:$0x4] =	stream.linear.gather [spmem:s24], $0x80, $0x38;
	[tilespmem:$0x18800] =	vst v63  }
0x3a5: {  	s24 =	sadd.s32 $0x800, s21;
	s25 =	simm.s32 $0x16280  }
0x3a6: {  	[tilespmem:s25], [sflag:$0x4] =	stream.linear.gather [spmem:s24], $0x80, $0x38;
	[tilespmem:$0x18800] =	vst v63  }
0x3a7: {  	s24 =	sadd.s32 $0xC00, s21;
	s25 =	simm.s32 $0x16680  }
0x3a8: {  	[tilespmem:s25], [sflag:$0x4] =	stream.linear.gather [spmem:s24], $0x80, $0x38;
	[tilespmem:$0x18800] =	vst v63  }
0x3a9: {  	s24 =	sadd.s32 $0x1000, s21;
	s25 =	simm.s32 $0x16A80  }
0x3aa: {  	[tilespmem:s25], [sflag:$0x4] =	stream.linear.gather [spmem:s24], $0x80, $0x38;
	[tilespmem:$0x18800] =	vst v63  }
0x3ab: {  	s22 =	spop (v2sf)  }
0x3ac: {  	(v2sf) =	vpush v63, $0x7;
	s24 =	sshrl.u32 s22, $0x3  }
0x3ad: {  	s21 =	sadd.s32 $0x1400, s21;
	s25 =	simm.s32 $0x16E80;
	s23 =	smul.u32 $0x6000, s24  }
0x3ae: {  	[tilespmem:s25], [sflag:$0x4] =	stream.linear.gather [spmem:s21], $0x80, $0x38;
	[tilespmem:$0x18800] =	vst v63  }
0x3af: {  	s24 =	sshll.u32 s22, $0x7;
	s25 =	sshra.s32 s23, $0x2  }
0x3b0: {  	s21 =	sand.u32 $0x380, s24;
	s22 =	sadd.s32 s25, s2  }
0x3b1: {  	s23 =	simm.s32 $0x15B00;
	s21 =	sadd.s32 s21, s22  }
0x3b2: {  	[tilespmem:s23], [sflag:$0x4] =	stream.linear.gather [spmem:s21], $0x80, $0x38;
	[tilespmem:$0x18800] =	vst v63  }
0x3b3: {  	s25 =	simm.s32 $0x15F00;
	s24 =	sadd.s32 $0x400, s21  }
0x3b4: {  	[tilespmem:s25], [sflag:$0x4] =	stream.linear.gather [spmem:s24], $0x80, $0x38;
	[tilespmem:$0x18800] =	vst v63  }
0x3b5: {  	s24 =	sadd.s32 $0x800, s21;
	s25 =	simm.s32 $0x16300  }
0x3b6: {  	[tilespmem:s25], [sflag:$0x4] =	stream.linear.gather [spmem:s24], $0x80, $0x38;
	[tilespmem:$0x18800] =	vst v63  }
0x3b7: {  	s24 =	sadd.s32 $0xC00, s21;
	s25 =	simm.s32 $0x16700  }
0x3b8: {  	[tilespmem:s25], [sflag:$0x4] =	stream.linear.gather [spmem:s24], $0x80, $0x38;
	[tilespmem:$0x18800] =	vst v63  }
0x3b9: {  	s24 =	sadd.s32 $0x1000, s21;
	s25 =	simm.s32 $0x16B00  }
0x3ba: {  	[tilespmem:s25], [sflag:$0x4] =	stream.linear.gather [spmem:s24], $0x80, $0x38;
	[tilespmem:$0x18800] =	vst v63  }
0x3bb: {  	s22 =	spop (v2sf)  }
0x3bc: {  	(v2sf) =	vpush v63, $0x8;
	s24 =	sshrl.u32 s22, $0x3  }
0x3bd: {  	s21 =	sadd.s32 $0x1400, s21;
	s25 =	simm.s32 $0x16F00;
	s23 =	smul.u32 $0x6000, s24  }
0x3be: {  	[tilespmem:s25], [sflag:$0x4] =	stream.linear.gather [spmem:s21], $0x80, $0x38;
	[tilespmem:$0x18800] =	vst v63  }
0x3bf: {  	s24 =	sshll.u32 s22, $0x7;
	s25 =	sshra.s32 s23, $0x2  }
0x3c0: {  	s21 =	sand.u32 $0x380, s24;
	s22 =	sadd.s32 s25, s2  }
0x3c1: {  	s23 =	simm.s32 $0x15B80;
	s21 =	sadd.s32 s21, s22  }
0x3c2: {  	[tilespmem:s23], [sflag:$0x4] =	stream.linear.gather [spmem:s21], $0x80, $0x38;
	[tilespmem:$0x18800] =	vst v63  }
0x3c3: {  	s25 =	simm.s32 $0x15F80;
	s24 =	sadd.s32 $0x400, s21  }
0x3c4: {  	[tilespmem:s25], [sflag:$0x4] =	stream.linear.gather [spmem:s24], $0x80, $0x38;
	[tilespmem:$0x18800] =	vst v63  }
0x3c5: {  	s24 =	sadd.s32 $0x800, s21;
	s25 =	simm.s32 $0x16380  }
0x3c6: {  	[tilespmem:s25], [sflag:$0x4] =	stream.linear.gather [spmem:s24], $0x80, $0x38;
	[tilespmem:$0x18800] =	vst v63  }
0x3c7: {  	s24 =	sadd.s32 $0xC00, s21;
	s25 =	simm.s32 $0x16780  }
0x3c8: {  	[tilespmem:s25], [sflag:$0x4] =	stream.linear.gather [spmem:s24], $0x80, $0x38;
	[tilespmem:$0x18800] =	vst v63  }
0x3c9: {  	s24 =	sadd.s32 $0x1000, s21;
	s25 =	simm.s32 $0x16B80  }
0x3ca: {  	[tilespmem:s25], [sflag:$0x4] =	stream.linear.gather [spmem:s24], $0x80, $0x38;
	[tilespmem:$0x18800] =	vst v63  }
0x3cb: {  	s22 =	spop (v2sf)  }
0x3cc: {  	(v2sf) =	vpush v63, $0x9;
	s24 =	sshrl.u32 s22, $0x3  }
0x3cd: {  	s21 =	sadd.s32 $0x1400, s21;
	s25 =	simm.s32 $0x16F80;
	s23 =	smul.u32 $0x6000, s24  }
0x3ce: {  	[tilespmem:s25], [sflag:$0x4] =	stream.linear.gather [spmem:s21], $0x80, $0x38;
	[tilespmem:$0x18800] =	vst v63  }
0x3cf: {  	s24 =	sshll.u32 s22, $0x7;
	s25 =	sshra.s32 s23, $0x2  }
0x3d0: {  	s21 =	sand.u32 $0x380, s24;
	s22 =	sadd.s32 s25, s2  }
0x3d1: {  	s23 =	simm.s32 $0x17000;
	s21 =	sadd.s32 s21, s22  }
0x3d2: {  	[tilespmem:s23], [sflag:$0x4] =	stream.linear.gather [spmem:s21], $0x80, $0x38;
	[tilespmem:$0x18800] =	vst v63  }
0x3d3: {  	s25 =	simm.s32 $0x17400;
	s24 =	sadd.s32 $0x400, s21  }
0x3d4: {  	[tilespmem:s25], [sflag:$0x4] =	stream.linear.gather [spmem:s24], $0x80, $0x38;
	[tilespmem:$0x18800] =	vst v63  }
0x3d5: {  	s24 =	sadd.s32 $0x800, s21;
	s25 =	simm.s32 $0x17800  }
0x3d6: {  	[tilespmem:s25], [sflag:$0x4] =	stream.linear.gather [spmem:s24], $0x80, $0x38;
	[tilespmem:$0x18800] =	vst v63  }
0x3d7: {  	s24 =	sadd.s32 $0xC00, s21;
	s25 =	simm.s32 $0x17C00  }
0x3d8: {  	[tilespmem:s25], [sflag:$0x4] =	stream.linear.gather [spmem:s24], $0x80, $0x38;
	[tilespmem:$0x18800] =	vst v63  }
0x3d9: {  	s24 =	sadd.s32 $0x1000, s21;
	s25 =	simm.s32 $0x18000  }
0x3da: {  	[tilespmem:s25], [sflag:$0x4] =	stream.linear.gather [spmem:s24], $0x80, $0x38;
	[tilespmem:$0x18800] =	vst v63  }
0x3db: {  	s22 =	spop (v2sf)  }
0x3dc: {  	(v2sf) =	vpush v63, $0xA;
	s24 =	sshrl.u32 s22, $0x3  }
0x3dd: {  	s21 =	sadd.s32 $0x1400, s21;
	s25 =	simm.s32 $0x18400;
	s23 =	smul.u32 $0x6000, s24  }
0x3de: {  	[tilespmem:s25], [sflag:$0x4] =	stream.linear.gather [spmem:s21], $0x80, $0x38;
	[tilespmem:$0x18800] =	vst v63  }
0x3df: {  	s24 =	sshll.u32 s22, $0x7;
	s25 =	sshra.s32 s23, $0x2  }
0x3e0: {  	s21 =	sand.u32 $0x380, s24;
	s22 =	sadd.s32 s25, s2  }
0x3e1: {  	s23 =	simm.s32 $0x17080;
	s21 =	sadd.s32 s21, s22  }
0x3e2: {  	[tilespmem:s23], [sflag:$0x4] =	stream.linear.gather [spmem:s21], $0x80, $0x38;
	[tilespmem:$0x18800] =	vst v63  }
0x3e3: {  	s25 =	simm.s32 $0x17480;
	s24 =	sadd.s32 $0x400, s21  }
0x3e4: {  	[tilespmem:s25], [sflag:$0x4] =	stream.linear.gather [spmem:s24], $0x80, $0x38;
	[tilespmem:$0x18800] =	vst v63  }
0x3e5: {  	s24 =	sadd.s32 $0x800, s21;
	s25 =	simm.s32 $0x17880  }
0x3e6: {  	[tilespmem:s25], [sflag:$0x4] =	stream.linear.gather [spmem:s24], $0x80, $0x38;
	[tilespmem:$0x18800] =	vst v63  }
0x3e7: {  	s24 =	sadd.s32 $0xC00, s21;
	s25 =	simm.s32 $0x17C80  }
0x3e8: {  	[tilespmem:s25], [sflag:$0x4] =	stream.linear.gather [spmem:s24], $0x80, $0x38;
	[tilespmem:$0x18800] =	vst v63  }
0x3e9: {  	s24 =	sadd.s32 $0x1000, s21;
	s25 =	simm.s32 $0x18080  }
0x3ea: {  	[tilespmem:s25], [sflag:$0x4] =	stream.linear.gather [spmem:s24], $0x80, $0x38;
	[tilespmem:$0x18800] =	vst v63  }
0x3eb: {  	s22 =	spop (v2sf)  }
0x3ec: {  	(v2sf) =	vpush v63, $0xB;
	s24 =	sshrl.u32 s22, $0x3  }
0x3ed: {  	s21 =	sadd.s32 $0x1400, s21;
	s25 =	simm.s32 $0x18480;
	s23 =	smul.u32 $0x6000, s24  }
0x3ee: {  	[tilespmem:s25], [sflag:$0x4] =	stream.linear.gather [spmem:s21], $0x80, $0x38;
	[tilespmem:$0x18800] =	vst v63  }
0x3ef: {  	s24 =	sshll.u32 s22, $0x7;
	s25 =	sshra.s32 s23, $0x2  }
0x3f0: {  	s21 =	sand.u32 $0x380, s24;
	s22 =	sadd.s32 s25, s2  }
0x3f1: {  	s23 =	simm.s32 $0x17100;
	s21 =	sadd.s32 s21, s22  }
0x3f2: {  	[tilespmem:s23], [sflag:$0x4] =	stream.linear.gather [spmem:s21], $0x80, $0x38;
	[tilespmem:$0x18800] =	vst v63  }
0x3f3: {  	s25 =	simm.s32 $0x17500;
	s24 =	sadd.s32 $0x400, s21  }
0x3f4: {  	[tilespmem:s25], [sflag:$0x4] =	stream.linear.gather [spmem:s24], $0x80, $0x38;
	[tilespmem:$0x18800] =	vst v63  }
0x3f5: {  	s24 =	sadd.s32 $0x800, s21;
	s25 =	simm.s32 $0x17900  }
0x3f6: {  	[tilespmem:s25], [sflag:$0x4] =	stream.linear.gather [spmem:s24], $0x80, $0x38;
	[tilespmem:$0x18800] =	vst v63  }
0x3f7: {  	s24 =	sadd.s32 $0xC00, s21;
	s25 =	simm.s32 $0x17D00  }
0x3f8: {  	[tilespmem:s25], [sflag:$0x4] =	stream.linear.gather [spmem:s24], $0x80, $0x38;
	[tilespmem:$0x18800] =	vst v63  }
0x3f9: {  	s24 =	sadd.s32 $0x1000, s21;
	s25 =	simm.s32 $0x18100  }
0x3fa: {  	[tilespmem:s25], [sflag:$0x4] =	stream.linear.gather [spmem:s24], $0x80, $0x38;
	[tilespmem:$0x18800] =	vst v63  }
0x3fb: {  	s22 =	spop (v2sf)  }
0x3fc: {  	(v2sf) =	vpush v63, $0xC;
	s24 =	sshrl.u32 s22, $0x3  }
0x3fd: {  	s21 =	sadd.s32 $0x1400, s21;
	s25 =	simm.s32 $0x18500;
	s23 =	smul.u32 $0x6000, s24  }
0x3fe: {  	[tilespmem:s25], [sflag:$0x4] =	stream.linear.gather [spmem:s21], $0x80, $0x38;
	[tilespmem:$0x18800] =	vst v63  }
0x3ff: {  	s24 =	sshll.u32 s22, $0x7;
	s25 =	sshra.s32 s23, $0x2  }
0x400: {  	s21 =	sand.u32 $0x380, s24;
	s22 =	sadd.s32 s25, s2  }
0x401: {  	s23 =	simm.s32 $0x17180;
	s21 =	sadd.s32 s21, s22  }
0x402: {  	[tilespmem:s23], [sflag:$0x4] =	stream.linear.gather [spmem:s21], $0x80, $0x38;
	[tilespmem:$0x18800] =	vst v63  }
0x403: {  	s25 =	simm.s32 $0x17580;
	s24 =	sadd.s32 $0x400, s21  }
0x404: {  	[tilespmem:s25], [sflag:$0x4] =	stream.linear.gather [spmem:s24], $0x80, $0x38;
	[tilespmem:$0x18800] =	vst v63  }
0x405: {  	s24 =	sadd.s32 $0x800, s21;
	s25 =	simm.s32 $0x17980  }
0x406: {  	[tilespmem:s25], [sflag:$0x4] =	stream.linear.gather [spmem:s24], $0x80, $0x38;
	[tilespmem:$0x18800] =	vst v63  }
0x407: {  	s24 =	sadd.s32 $0xC00, s21;
	s25 =	simm.s32 $0x17D80  }
0x408: {  	[tilespmem:s25], [sflag:$0x4] =	stream.linear.gather [spmem:s24], $0x80, $0x38;
	[tilespmem:$0x18800] =	vst v63  }
0x409: {  	s24 =	sadd.s32 $0x1000, s21;
	s25 =	simm.s32 $0x18180  }
0x40a: {  	[tilespmem:s25], [sflag:$0x4] =	stream.linear.gather [spmem:s24], $0x80, $0x38;
	[tilespmem:$0x18800] =	vst v63  }
0x40b: {  	s22 =	spop (v2sf)  }
0x40c: {  	(v2sf) =	vpush v63, $0xD;
	s24 =	sshrl.u32 s22, $0x3  }
0x40d: {  	s21 =	sadd.s32 $0x1400, s21;
	s25 =	simm.s32 $0x18580;
	s23 =	smul.u32 $0x6000, s24  }
0x40e: {  	[tilespmem:s25], [sflag:$0x4] =	stream.linear.gather [spmem:s21], $0x80, $0x38;
	[tilespmem:$0x18800] =	vst v63  }
0x40f: {  	s24 =	sshll.u32 s22, $0x7;
	s25 =	sshra.s32 s23, $0x2  }
0x410: {  	s21 =	sand.u32 $0x380, s24;
	s22 =	sadd.s32 s25, s2  }
0x411: {  	s23 =	simm.s32 $0x17200;
	s21 =	sadd.s32 s21, s22  }
0x412: {  	[tilespmem:s23], [sflag:$0x4] =	stream.linear.gather [spmem:s21], $0x80, $0x38;
	[tilespmem:$0x18800] =	vst v63  }
0x413: {  	s25 =	simm.s32 $0x17600;
	s24 =	sadd.s32 $0x400, s21  }
0x414: {  	[tilespmem:s25], [sflag:$0x4] =	stream.linear.gather [spmem:s24], $0x80, $0x38;
	[tilespmem:$0x18800] =	vst v63  }
0x415: {  	s24 =	sadd.s32 $0x800, s21;
	s25 =	simm.s32 $0x17A00  }
0x416: {  	[tilespmem:s25], [sflag:$0x4] =	stream.linear.gather [spmem:s24], $0x80, $0x38;
	[tilespmem:$0x18800] =	vst v63  }
0x417: {  	s24 =	sadd.s32 $0xC00, s21;
	s25 =	simm.s32 $0x17E00  }
0x418: {  	[tilespmem:s25], [sflag:$0x4] =	stream.linear.gather [spmem:s24], $0x80, $0x38;
	[tilespmem:$0x18800] =	vst v63  }
0x419: {  	s24 =	sadd.s32 $0x1000, s21;
	s25 =	simm.s32 $0x18200  }
0x41a: {  	[tilespmem:s25], [sflag:$0x4] =	stream.linear.gather [spmem:s24], $0x80, $0x38;
	[tilespmem:$0x18800] =	vst v63  }
0x41b: {  	s22 =	spop (v2sf)  }
0x41c: {  	(v2sf) =	vpush v63, $0xE;
	s24 =	sshrl.u32 s22, $0x3  }
0x41d: {  	s21 =	sadd.s32 $0x1400, s21;
	s25 =	simm.s32 $0x18600;
	s23 =	smul.u32 $0x6000, s24  }
0x41e: {  	[tilespmem:s25], [sflag:$0x4] =	stream.linear.gather [spmem:s21], $0x80, $0x38;
	[tilespmem:$0x18800] =	vst v63  }
0x41f: {  	s24 =	sshll.u32 s22, $0x7;
	s25 =	sshra.s32 s23, $0x2  }
0x420: {  	s21 =	sand.u32 $0x380, s24;
	s22 =	sadd.s32 s25, s2  }
0x421: {  	s23 =	simm.s32 $0x17280;
	s21 =	sadd.s32 s21, s22  }
0x422: {  	[tilespmem:s23], [sflag:$0x4] =	stream.linear.gather [spmem:s21], $0x80, $0x38;
	[tilespmem:$0x18800] =	vst v63  }
0x423: {  	s25 =	simm.s32 $0x17680;
	s24 =	sadd.s32 $0x400, s21  }
0x424: {  	[tilespmem:s25], [sflag:$0x4] =	stream.linear.gather [spmem:s24], $0x80, $0x38;
	[tilespmem:$0x18800] =	vst v63  }
0x425: {  	s24 =	sadd.s32 $0x800, s21;
	s25 =	simm.s32 $0x17A80  }
0x426: {  	[tilespmem:s25], [sflag:$0x4] =	stream.linear.gather [spmem:s24], $0x80, $0x38;
	[tilespmem:$0x18800] =	vst v63  }
0x427: {  	s24 =	sadd.s32 $0xC00, s21;
	s25 =	simm.s32 $0x17E80  }
0x428: {  	[tilespmem:s25], [sflag:$0x4] =	stream.linear.gather [spmem:s24], $0x80, $0x38;
	[tilespmem:$0x18800] =	vst v63  }
0x429: {  	s24 =	sadd.s32 $0x1000, s21;
	s25 =	simm.s32 $0x18280  }
0x42a: {  	[tilespmem:s25], [sflag:$0x4] =	stream.linear.gather [spmem:s24], $0x80, $0x38;
	[tilespmem:$0x18800] =	vst v63  }
0x42b: {  	s22 =	spop (v2sf)  }
0x42c: {  	(v2sf) =	vpush v63, $0xF;
	s24 =	sshrl.u32 s22, $0x3  }
0x42d: {  	s21 =	sadd.s32 $0x1400, s21;
	s25 =	simm.s32 $0x18680;
	s23 =	smul.u32 $0x6000, s24  }
0x42e: {  	[tilespmem:s25], [sflag:$0x4] =	stream.linear.gather [spmem:s21], $0x80, $0x38;
	[tilespmem:$0x18800] =	vst v63  }
0x42f: {  	s24 =	sshll.u32 s22, $0x7;
	s25 =	sshra.s32 s23, $0x2  }
0x430: {  	s21 =	sand.u32 $0x380, s24;
	s22 =	sadd.s32 s25, s2  }
0x431: {  	s23 =	simm.s32 $0x17300;
	s21 =	sadd.s32 s21, s22  }
0x432: {  	[tilespmem:s23], [sflag:$0x4] =	stream.linear.gather [spmem:s21], $0x80, $0x38;
	[tilespmem:$0x18800] =	vst v63  }
0x433: {  	s25 =	simm.s32 $0x17700;
	s24 =	sadd.s32 $0x400, s21  }
0x434: {  	[tilespmem:s25], [sflag:$0x4] =	stream.linear.gather [spmem:s24], $0x80, $0x38;
	[tilespmem:$0x18800] =	vst v63  }
0x435: {  	s23 =	sadd.s32 $0x800, s21;
	s24 =	simm.s32 $0x17B00  }
0x436: {  	[tilespmem:s24], [sflag:$0x4] =	stream.linear.gather [spmem:s23], $0x80, $0x38;
	[tilespmem:$0x18800] =	vst v63  }
0x437: {  	s25 =	sadd.s32 $0xC00, s21  }
0x438: {  	[tilespmem:s26], [sflag:$0x4] =	stream.linear.gather [spmem:s25], $0x80, $0x38;
	[tilespmem:$0x18800] =	vst v63  }
0x439: {  	s23 =	sadd.s32 $0x1000, s21  }
0x43a: {  	[tilespmem:s28], [sflag:$0x4] =	stream.linear.gather [spmem:s23], $0x80, $0x38;
	[tilespmem:$0x18800] =	vst v63  }
0x43b: {  	s24 =	spop (v2sf)  }
0x43c: {  	s25 =	sshrl.u32 s24, $0x3  }
0x43d: {  	s21 =	sadd.s32 $0x1400, s21;
	s23 =	smul.u32 $0x6000, s25  }
0x43e: {  	[tilespmem:s29], [sflag:$0x4] =	stream.linear.gather [spmem:s21], $0x80, $0x38;
	[tilespmem:$0x18800] =	vst v63  }
0x43f: {  	s22 =	sshll.u32 s24, $0x7;
	s24 =	sshra.s32 s23, $0x2  }
0x440: {  	s21 =	sand.u32 $0x380, s22;
	s22 =	sadd.s32 s24, s2  }
0x441: {  	s21 =	sadd.s32 s21, s22  }
0x442: {  	[tilespmem:s30], [sflag:$0x4] =	stream.linear.gather [spmem:s21], $0x80, $0x38;
	[tilespmem:$0x18800] =	vst v63  }
0x443: {  	s22 =	sadd.s32 $0x400, s21  }
0x444: {  	[tilespmem:s31], [sflag:$0x4] =	stream.linear.gather [spmem:s22], $0x80, $0x38;
	[tilespmem:$0x18800] =	vst v63  }
0x445: {  	s25 =	sadd.s32 $0x800, s21  }
0x446: {  	[tilespmem:s0], [sflag:$0x4] =	stream.linear.gather [spmem:s25], $0x80, $0x38;
	[tilespmem:$0x18800] =	vst v63  }
0x447: {  	s23 =	sadd.s32 $0xC00, s21  }
0x448: {  	[tilespmem:s1], [sflag:$0x4] =	stream.linear.gather [spmem:s23], $0x80, $0x38;
	[tilespmem:$0x18800] =	vst v63  }
0x449: {  	s24 =	sadd.s32 $0x1000, s21  }
0x44a: {  	[tilespmem:s7], [sflag:$0x4] =	stream.linear.gather [spmem:s24], $0x80, $0x38;
	[tilespmem:$0x18800] =	vst v63  }
0x44b: {  	s21 =	sadd.s32 $0x1400, s21  }
0x44c: {  	[tilespmem:s11], [sflag:$0x4] =	stream.linear.gather [spmem:s21], $0x80, $0x38;
	[tilespmem:$0x18800] =	vst v63  }
0x44d: {  	_ =	swait.ge [sflag:s12], $0x3000  }
0x44e: {  	p0 =	seq.s32 s20, $0x2E800;
	[sflag:s12] =	ssyncset.done $0x0  }
.Ltmp2:
0x44f: {  	s25 =	sadd.s32 s20, s10;
	[sflag:s12] =	ssyncadd.s32 $0xFFFFD000;
	(pc) =	sbr.rel @p0 .LBB2_4-.Ltmp2, $4  }
0x450: {  	[hbm4b:s25+s3] =	stream.linear.scatter [tilespmem:s6], [sflag:$0x7], $0x3000, $0x38;
	[tilespmem:$0x18800] =	vst v63  }
0x451: {  	_ =	swait.ge [sflag:s14], $0x3000  }
0x452: {  	[sflag:s14] =	ssyncset.done $0x0  }
0x453: {  	[sflag:s14] =	ssyncadd.s32 $0xFFFFD000  }
0x454: {  	v0 =	vld [tilespmem:s17+$0x10];
	_ =	sdelay $0x4  }
0x455: {  	(v2sf) =	vpush v0, $0x0;
	_ =	sdelay $0xe  }
0x456: {  	s21 =	spop (v2sf)  }
0x457: {  	(v2sf) =	vpush v0, $0x1;
	s22 =	sshrl.u32 s21, $0x3  }
0x458: {  	s22 =	smul.u32 $0x6000, s22;
	_ =	sdelay $0x1  }
0x459: {  	s21 =	sshll.u32 s21, $0x7;
	s22 =	sshra.s32 s22, $0x2  }
0x45a: {  	s21 =	sand.u32 $0x380, s21;
	s22 =	sadd.s32 s22, s2  }
0x45b: {  	s21 =	sadd.s32 s21, s22  }
0x45c: {  	[tilespmem:s13], [sflag:$0x1] =	stream.linear.gather [spmem:s21], $0x80, $0x38;
	[tilespmem:$0x18800] =	vst v63  }
0x45d: {  	s23 =	simm.s32 $0xCC00;
	s22 =	sadd.s32 $0x400, s21  }
0x45e: {  	[tilespmem:s23], [sflag:$0x1] =	stream.linear.gather [spmem:s22], $0x80, $0x38;
	[tilespmem:$0x18800] =	vst v63  }
0x45f: {  	s25 =	simm.s32 $0xD000;
	s24 =	sadd.s32 $0x800, s21  }
0x460: {  	[tilespmem:s25], [sflag:$0x1] =	stream.linear.gather [spmem:s24], $0x80, $0x38;
	[tilespmem:$0x18800] =	vst v63  }
0x461: {  	s24 =	sadd.s32 $0xC00, s21;
	s25 =	simm.s32 $0xD400  }
0x462: {  	[tilespmem:s25], [sflag:$0x1] =	stream.linear.gather [spmem:s24], $0x80, $0x38;
	[tilespmem:$0x18800] =	vst v63  }
0x463: {  	s23 =	sadd.s32 $0x1000, s21;
	s24 =	simm.s32 $0xD800  }
0x464: {  	[tilespmem:s24], [sflag:$0x1] =	stream.linear.gather [spmem:s23], $0x80, $0x38;
	[tilespmem:$0x18800] =	vst v63  }
0x465: {  	s22 =	spop (v2sf)  }
0x466: {  	(v2sf) =	vpush v0, $0x2;
	s25 =	sshrl.u32 s22, $0x3  }
0x467: {  	s21 =	sadd.s32 $0x1400, s21;
	s24 =	simm.s32 $0xDC00;
	s23 =	smul.u32 $0x6000, s25  }
0x468: {  	[tilespmem:s24], [sflag:$0x1] =	stream.linear.gather [spmem:s21], $0x80, $0x38;
	[tilespmem:$0x18800] =	vst v63  }
0x469: {  	s24 =	sshll.u32 s22, $0x7;
	s25 =	sshra.s32 s23, $0x2  }
0x46a: {  	s21 =	sand.u32 $0x380, s24;
	s22 =	sadd.s32 s25, s2  }
0x46b: {  	s23 =	simm.s32 $0xC880;
	s21 =	sadd.s32 s21, s22  }
0x46c: {  	[tilespmem:s23], [sflag:$0x1] =	stream.linear.gather [spmem:s21], $0x80, $0x38;
	[tilespmem:$0x18800] =	vst v63  }
0x46d: {  	s25 =	simm.s32 $0xCC80;
	s24 =	sadd.s32 $0x400, s21  }
0x46e: {  	[tilespmem:s25], [sflag:$0x1] =	stream.linear.gather [spmem:s24], $0x80, $0x38;
	[tilespmem:$0x18800] =	vst v63  }
0x46f: {  	s24 =	sadd.s32 $0x800, s21;
	s25 =	simm.s32 $0xD080  }
0x470: {  	[tilespmem:s25], [sflag:$0x1] =	stream.linear.gather [spmem:s24], $0x80, $0x38;
	[tilespmem:$0x18800] =	vst v63  }
0x471: {  	s24 =	sadd.s32 $0xC00, s21;
	s25 =	simm.s32 $0xD480  }
0x472: {  	[tilespmem:s25], [sflag:$0x1] =	stream.linear.gather [spmem:s24], $0x80, $0x38;
	[tilespmem:$0x18800] =	vst v63  }
0x473: {  	s24 =	sadd.s32 $0x1000, s21;
	s25 =	simm.s32 $0xD880  }
0x474: {  	[tilespmem:s25], [sflag:$0x1] =	stream.linear.gather [spmem:s24], $0x80, $0x38;
	[tilespmem:$0x18800] =	vst v63  }
0x475: {  	s22 =	spop (v2sf)  }
0x476: {  	(v2sf) =	vpush v0, $0x3;
	s24 =	sshrl.u32 s22, $0x3  }
0x477: {  	s21 =	sadd.s32 $0x1400, s21;
	s25 =	simm.s32 $0xDC80;
	s23 =	smul.u32 $0x6000, s24  }
0x478: {  	[tilespmem:s25], [sflag:$0x1] =	stream.linear.gather [spmem:s21], $0x80, $0x38;
	[tilespmem:$0x18800] =	vst v63  }
0x479: {  	s24 =	sshll.u32 s22, $0x7;
	s25 =	sshra.s32 s23, $0x2  }
0x47a: {  	s21 =	sand.u32 $0x380, s24;
	s22 =	sadd.s32 s25, s2  }
0x47b: {  	s23 =	simm.s32 $0xC900;
	s21 =	sadd.s32 s21, s22  }
0x47c: {  	[tilespmem:s23], [sflag:$0x1] =	stream.linear.gather [spmem:s21], $0x80, $0x38;
	[tilespmem:$0x18800] =	vst v63  }
0x47d: {  	s25 =	simm.s32 $0xCD00;
	s24 =	sadd.s32 $0x400, s21  }
0x47e: {  	[tilespmem:s25], [sflag:$0x1] =	stream.linear.gather [spmem:s24], $0x80, $0x38;
	[tilespmem:$0x18800] =	vst v63  }
0x47f: {  	s24 =	sadd.s32 $0x800, s21;
	s25 =	simm.s32 $0xD100  }
0x480: {  	[tilespmem:s25], [sflag:$0x1] =	stream.linear.gather [spmem:s24], $0x80, $0x38;
	[tilespmem:$0x18800] =	vst v63  }
0x481: {  	s24 =	sadd.s32 $0xC00, s21;
	s25 =	simm.s32 $0xD500  }
0x482: {  	[tilespmem:s25], [sflag:$0x1] =	stream.linear.gather [spmem:s24], $0x80, $0x38;
	[tilespmem:$0x18800] =	vst v63  }
0x483: {  	s24 =	sadd.s32 $0x1000, s21;
	s25 =	simm.s32 $0xD900  }
0x484: {  	[tilespmem:s25], [sflag:$0x1] =	stream.linear.gather [spmem:s24], $0x80, $0x38;
	[tilespmem:$0x18800] =	vst v63  }
0x485: {  	s22 =	spop (v2sf)  }
0x486: {  	(v2sf) =	vpush v0, $0x4;
	s24 =	sshrl.u32 s22, $0x3  }
0x487: {  	s21 =	sadd.s32 $0x1400, s21;
	s25 =	simm.s32 $0xDD00;
	s23 =	smul.u32 $0x6000, s24  }
0x488: {  	[tilespmem:s25], [sflag:$0x1] =	stream.linear.gather [spmem:s21], $0x80, $0x38;
	[tilespmem:$0x18800] =	vst v63  }
0x489: {  	s24 =	sshll.u32 s22, $0x7;
	s25 =	sshra.s32 s23, $0x2  }
0x48a: {  	s21 =	sand.u32 $0x380, s24;
	s22 =	sadd.s32 s25, s2  }
0x48b: {  	s23 =	simm.s32 $0xC980;
	s21 =	sadd.s32 s21, s22  }
0x48c: {  	[tilespmem:s23], [sflag:$0x1] =	stream.linear.gather [spmem:s21], $0x80, $0x38;
	[tilespmem:$0x18800] =	vst v63  }
0x48d: {  	s25 =	simm.s32 $0xCD80;
	s24 =	sadd.s32 $0x400, s21  }
0x48e: {  	[tilespmem:s25], [sflag:$0x1] =	stream.linear.gather [spmem:s24], $0x80, $0x38;
	[tilespmem:$0x18800] =	vst v63  }
0x48f: {  	s24 =	sadd.s32 $0x800, s21;
	s25 =	simm.s32 $0xD180  }
0x490: {  	[tilespmem:s25], [sflag:$0x1] =	stream.linear.gather [spmem:s24], $0x80, $0x38;
	[tilespmem:$0x18800] =	vst v63  }
0x491: {  	s24 =	sadd.s32 $0xC00, s21;
	s25 =	simm.s32 $0xD580  }
0x492: {  	[tilespmem:s25], [sflag:$0x1] =	stream.linear.gather [spmem:s24], $0x80, $0x38;
	[tilespmem:$0x18800] =	vst v63  }
0x493: {  	s24 =	sadd.s32 $0x1000, s21;
	s25 =	simm.s32 $0xD980  }
0x494: {  	[tilespmem:s25], [sflag:$0x1] =	stream.linear.gather [spmem:s24], $0x80, $0x38;
	[tilespmem:$0x18800] =	vst v63  }
0x495: {  	s22 =	spop (v2sf)  }
0x496: {  	(v2sf) =	vpush v0, $0x5;
	s24 =	sshrl.u32 s22, $0x3  }
0x497: {  	s21 =	sadd.s32 $0x1400, s21;
	s25 =	simm.s32 $0xDD80;
	s23 =	smul.u32 $0x6000, s24  }
0x498: {  	[tilespmem:s25], [sflag:$0x1] =	stream.linear.gather [spmem:s21], $0x80, $0x38;
	[tilespmem:$0x18800] =	vst v63  }
0x499: {  	s24 =	sshll.u32 s22, $0x7;
	s25 =	sshra.s32 s23, $0x2  }
0x49a: {  	s21 =	sand.u32 $0x380, s24;
	s22 =	sadd.s32 s25, s2  }
0x49b: {  	s23 =	simm.s32 $0xCA00;
	s21 =	sadd.s32 s21, s22  }
0x49c: {  	[tilespmem:s23], [sflag:$0x1] =	stream.linear.gather [spmem:s21], $0x80, $0x38;
	[tilespmem:$0x18800] =	vst v63  }
0x49d: {  	s25 =	simm.s32 $0xCE00;
	s24 =	sadd.s32 $0x400, s21  }
0x49e: {  	[tilespmem:s25], [sflag:$0x1] =	stream.linear.gather [spmem:s24], $0x80, $0x38;
	[tilespmem:$0x18800] =	vst v63  }
0x49f: {  	s24 =	sadd.s32 $0x800, s21;
	s25 =	simm.s32 $0xD200  }
0x4a0: {  	[tilespmem:s25], [sflag:$0x1] =	stream.linear.gather [spmem:s24], $0x80, $0x38;
	[tilespmem:$0x18800] =	vst v63  }
0x4a1: {  	s24 =	sadd.s32 $0xC00, s21;
	s25 =	simm.s32 $0xD600  }
0x4a2: {  	[tilespmem:s25], [sflag:$0x1] =	stream.linear.gather [spmem:s24], $0x80, $0x38;
	[tilespmem:$0x18800] =	vst v63  }
0x4a3: {  	s24 =	sadd.s32 $0x1000, s21;
	s25 =	simm.s32 $0xDA00  }
0x4a4: {  	[tilespmem:s25], [sflag:$0x1] =	stream.linear.gather [spmem:s24], $0x80, $0x38;
	[tilespmem:$0x18800] =	vst v63  }
0x4a5: {  	s22 =	spop (v2sf)  }
0x4a6: {  	(v2sf) =	vpush v0, $0x6;
	s24 =	sshrl.u32 s22, $0x3  }
0x4a7: {  	s21 =	sadd.s32 $0x1400, s21;
	s25 =	simm.s32 $0xDE00;
	s23 =	smul.u32 $0x6000, s24  }
0x4a8: {  	[tilespmem:s25], [sflag:$0x1] =	stream.linear.gather [spmem:s21], $0x80, $0x38;
	[tilespmem:$0x18800] =	vst v63  }
0x4a9: {  	s24 =	sshll.u32 s22, $0x7;
	s25 =	sshra.s32 s23, $0x2  }
0x4aa: {  	s21 =	sand.u32 $0x380, s24;
	s22 =	sadd.s32 s25, s2  }
0x4ab: {  	s23 =	simm.s32 $0xCA80;
	s21 =	sadd.s32 s21, s22  }
0x4ac: {  	[tilespmem:s23], [sflag:$0x1] =	stream.linear.gather [spmem:s21], $0x80, $0x38;
	[tilespmem:$0x18800] =	vst v63  }
0x4ad: {  	s25 =	simm.s32 $0xCE80;
	s24 =	sadd.s32 $0x400, s21  }
0x4ae: {  	[tilespmem:s25], [sflag:$0x1] =	stream.linear.gather [spmem:s24], $0x80, $0x38;
	[tilespmem:$0x18800] =	vst v63  }
0x4af: {  	s24 =	sadd.s32 $0x800, s21;
	s25 =	simm.s32 $0xD280  }
0x4b0: {  	[tilespmem:s25], [sflag:$0x1] =	stream.linear.gather [spmem:s24], $0x80, $0x38;
	[tilespmem:$0x18800] =	vst v63  }
0x4b1: {  	s24 =	sadd.s32 $0xC00, s21;
	s25 =	simm.s32 $0xD680  }
0x4b2: {  	[tilespmem:s25], [sflag:$0x1] =	stream.linear.gather [spmem:s24], $0x80, $0x38;
	[tilespmem:$0x18800] =	vst v63  }
0x4b3: {  	s24 =	sadd.s32 $0x1000, s21;
	s25 =	simm.s32 $0xDA80  }
0x4b4: {  	[tilespmem:s25], [sflag:$0x1] =	stream.linear.gather [spmem:s24], $0x80, $0x38;
	[tilespmem:$0x18800] =	vst v63  }
0x4b5: {  	s22 =	spop (v2sf)  }
0x4b6: {  	(v2sf) =	vpush v0, $0x7;
	s24 =	sshrl.u32 s22, $0x3  }
0x4b7: {  	s21 =	sadd.s32 $0x1400, s21;
	s25 =	simm.s32 $0xDE80;
	s23 =	smul.u32 $0x6000, s24  }
0x4b8: {  	[tilespmem:s25], [sflag:$0x1] =	stream.linear.gather [spmem:s21], $0x80, $0x38;
	[tilespmem:$0x18800] =	vst v63  }
0x4b9: {  	s24 =	sshll.u32 s22, $0x7;
	s25 =	sshra.s32 s23, $0x2  }
0x4ba: {  	s21 =	sand.u32 $0x380, s24;
	s22 =	sadd.s32 s25, s2  }
0x4bb: {  	s23 =	simm.s32 $0xCB00;
	s21 =	sadd.s32 s21, s22  }
0x4bc: {  	[tilespmem:s23], [sflag:$0x1] =	stream.linear.gather [spmem:s21], $0x80, $0x38;
	[tilespmem:$0x18800] =	vst v63  }
0x4bd: {  	s25 =	simm.s32 $0xCF00;
	s24 =	sadd.s32 $0x400, s21  }
0x4be: {  	[tilespmem:s25], [sflag:$0x1] =	stream.linear.gather [spmem:s24], $0x80, $0x38;
	[tilespmem:$0x18800] =	vst v63  }
0x4bf: {  	s24 =	sadd.s32 $0x800, s21;
	s25 =	simm.s32 $0xD300  }
0x4c0: {  	[tilespmem:s25], [sflag:$0x1] =	stream.linear.gather [spmem:s24], $0x80, $0x38;
	[tilespmem:$0x18800] =	vst v63  }
0x4c1: {  	s24 =	sadd.s32 $0xC00, s21;
	s25 =	simm.s32 $0xD700  }
0x4c2: {  	[tilespmem:s25], [sflag:$0x1] =	stream.linear.gather [spmem:s24], $0x80, $0x38;
	[tilespmem:$0x18800] =	vst v63  }
0x4c3: {  	s24 =	sadd.s32 $0x1000, s21;
	s25 =	simm.s32 $0xDB00  }
0x4c4: {  	[tilespmem:s25], [sflag:$0x1] =	stream.linear.gather [spmem:s24], $0x80, $0x38;
	[tilespmem:$0x18800] =	vst v63  }
0x4c5: {  	s22 =	spop (v2sf)  }
0x4c6: {  	(v2sf) =	vpush v0, $0x8;
	s24 =	sshrl.u32 s22, $0x3  }
0x4c7: {  	s21 =	sadd.s32 $0x1400, s21;
	s25 =	simm.s32 $0xDF00;
	s23 =	smul.u32 $0x6000, s24  }
0x4c8: {  	[tilespmem:s25], [sflag:$0x1] =	stream.linear.gather [spmem:s21], $0x80, $0x38;
	[tilespmem:$0x18800] =	vst v63  }
0x4c9: {  	s24 =	sshll.u32 s22, $0x7;
	s25 =	sshra.s32 s23, $0x2  }
0x4ca: {  	s21 =	sand.u32 $0x380, s24;
	s22 =	sadd.s32 s25, s2  }
0x4cb: {  	s23 =	simm.s32 $0xCB80;
	s21 =	sadd.s32 s21, s22  }
0x4cc: {  	[tilespmem:s23], [sflag:$0x1] =	stream.linear.gather [spmem:s21], $0x80, $0x38;
	[tilespmem:$0x18800] =	vst v63  }
0x4cd: {  	s25 =	simm.s32 $0xCF80;
	s24 =	sadd.s32 $0x400, s21  }
0x4ce: {  	[tilespmem:s25], [sflag:$0x1] =	stream.linear.gather [spmem:s24], $0x80, $0x38;
	[tilespmem:$0x18800] =	vst v63  }
0x4cf: {  	s24 =	sadd.s32 $0x800, s21;
	s25 =	simm.s32 $0xD380  }
0x4d0: {  	[tilespmem:s25], [sflag:$0x1] =	stream.linear.gather [spmem:s24], $0x80, $0x38;
	[tilespmem:$0x18800] =	vst v63  }
0x4d1: {  	s24 =	sadd.s32 $0xC00, s21;
	s25 =	simm.s32 $0xD780  }
0x4d2: {  	[tilespmem:s25], [sflag:$0x1] =	stream.linear.gather [spmem:s24], $0x80, $0x38;
	[tilespmem:$0x18800] =	vst v63  }
0x4d3: {  	s24 =	sadd.s32 $0x1000, s21;
	s25 =	simm.s32 $0xDB80  }
0x4d4: {  	[tilespmem:s25], [sflag:$0x1] =	stream.linear.gather [spmem:s24], $0x80, $0x38;
	[tilespmem:$0x18800] =	vst v63  }
0x4d5: {  	s22 =	spop (v2sf)  }
0x4d6: {  	(v2sf) =	vpush v0, $0x9;
	s24 =	sshrl.u32 s22, $0x3  }
0x4d7: {  	s21 =	sadd.s32 $0x1400, s21;
	s25 =	simm.s32 $0xDF80;
	s23 =	smul.u32 $0x6000, s24  }
0x4d8: {  	[tilespmem:s25], [sflag:$0x1] =	stream.linear.gather [spmem:s21], $0x80, $0x38;
	[tilespmem:$0x18800] =	vst v63  }
0x4d9: {  	s24 =	sshll.u32 s22, $0x7;
	s25 =	sshra.s32 s23, $0x2  }
0x4da: {  	s21 =	sand.u32 $0x380, s24;
	s22 =	sadd.s32 s25, s2  }
0x4db: {  	s23 =	simm.s32 $0xE000;
	s21 =	sadd.s32 s21, s22  }
0x4dc: {  	[tilespmem:s23], [sflag:$0x1] =	stream.linear.gather [spmem:s21], $0x80, $0x38;
	[tilespmem:$0x18800] =	vst v63  }
0x4dd: {  	s25 =	simm.s32 $0xE400;
	s24 =	sadd.s32 $0x400, s21  }
0x4de: {  	[tilespmem:s25], [sflag:$0x1] =	stream.linear.gather [spmem:s24], $0x80, $0x38;
	[tilespmem:$0x18800] =	vst v63  }
0x4df: {  	s24 =	sadd.s32 $0x800, s21;
	s25 =	simm.s32 $0xE800  }
0x4e0: {  	[tilespmem:s25], [sflag:$0x1] =	stream.linear.gather [spmem:s24], $0x80, $0x38;
	[tilespmem:$0x18800] =	vst v63  }
0x4e1: {  	s24 =	sadd.s32 $0xC00, s21;
	s25 =	simm.s32 $0xEC00  }
0x4e2: {  	[tilespmem:s25], [sflag:$0x1] =	stream.linear.gather [spmem:s24], $0x80, $0x38;
	[tilespmem:$0x18800] =	vst v63  }
0x4e3: {  	s24 =	sadd.s32 $0x1000, s21;
	s25 =	simm.s32 $0xF000  }
0x4e4: {  	[tilespmem:s25], [sflag:$0x1] =	stream.linear.gather [spmem:s24], $0x80, $0x38;
	[tilespmem:$0x18800] =	vst v63  }
0x4e5: {  	s22 =	spop (v2sf)  }
0x4e6: {  	(v2sf) =	vpush v0, $0xA;
	s24 =	sshrl.u32 s22, $0x3  }
0x4e7: {  	s21 =	sadd.s32 $0x1400, s21;
	s25 =	simm.s32 $0xF400;
	s23 =	smul.u32 $0x6000, s24  }
0x4e8: {  	[tilespmem:s25], [sflag:$0x1] =	stream.linear.gather [spmem:s21], $0x80, $0x38;
	[tilespmem:$0x18800] =	vst v63  }
0x4e9: {  	s24 =	sshll.u32 s22, $0x7;
	s25 =	sshra.s32 s23, $0x2  }
0x4ea: {  	s21 =	sand.u32 $0x380, s24;
	s22 =	sadd.s32 s25, s2  }
0x4eb: {  	s23 =	simm.s32 $0xE080;
	s21 =	sadd.s32 s21, s22  }
0x4ec: {  	[tilespmem:s23], [sflag:$0x1] =	stream.linear.gather [spmem:s21], $0x80, $0x38;
	[tilespmem:$0x18800] =	vst v63  }
0x4ed: {  	s25 =	simm.s32 $0xE480;
	s24 =	sadd.s32 $0x400, s21  }
0x4ee: {  	[tilespmem:s25], [sflag:$0x1] =	stream.linear.gather [spmem:s24], $0x80, $0x38;
	[tilespmem:$0x18800] =	vst v63  }
0x4ef: {  	s24 =	sadd.s32 $0x800, s21;
	s25 =	simm.s32 $0xE880  }
0x4f0: {  	[tilespmem:s25], [sflag:$0x1] =	stream.linear.gather [spmem:s24], $0x80, $0x38;
	[tilespmem:$0x18800] =	vst v63  }
0x4f1: {  	s24 =	sadd.s32 $0xC00, s21;
	s25 =	simm.s32 $0xEC80  }
0x4f2: {  	[tilespmem:s25], [sflag:$0x1] =	stream.linear.gather [spmem:s24], $0x80, $0x38;
	[tilespmem:$0x18800] =	vst v63  }
0x4f3: {  	s24 =	sadd.s32 $0x1000, s21;
	s25 =	simm.s32 $0xF080  }
0x4f4: {  	[tilespmem:s25], [sflag:$0x1] =	stream.linear.gather [spmem:s24], $0x80, $0x38;
	[tilespmem:$0x18800] =	vst v63  }
0x4f5: {  	s22 =	spop (v2sf)  }
0x4f6: {  	(v2sf) =	vpush v0, $0xB;
	s24 =	sshrl.u32 s22, $0x3  }
0x4f7: {  	s21 =	sadd.s32 $0x1400, s21;
	s25 =	simm.s32 $0xF480;
	s23 =	smul.u32 $0x6000, s24  }
0x4f8: {  	[tilespmem:s25], [sflag:$0x1] =	stream.linear.gather [spmem:s21], $0x80, $0x38;
	[tilespmem:$0x18800] =	vst v63  }
0x4f9: {  	s24 =	sshll.u32 s22, $0x7;
	s25 =	sshra.s32 s23, $0x2  }
0x4fa: {  	s21 =	sand.u32 $0x380, s24;
	s22 =	sadd.s32 s25, s2  }
0x4fb: {  	s23 =	simm.s32 $0xE100;
	s21 =	sadd.s32 s21, s22  }
0x4fc: {  	[tilespmem:s23], [sflag:$0x1] =	stream.linear.gather [spmem:s21], $0x80, $0x38;
	[tilespmem:$0x18800] =	vst v63  }
0x4fd: {  	s25 =	simm.s32 $0xE500;
	s24 =	sadd.s32 $0x400, s21  }
0x4fe: {  	[tilespmem:s25], [sflag:$0x1] =	stream.linear.gather [spmem:s24], $0x80, $0x38;
	[tilespmem:$0x18800] =	vst v63  }
0x4ff: {  	s24 =	sadd.s32 $0x800, s21;
	s25 =	simm.s32 $0xE900  }
0x500: {  	[tilespmem:s25], [sflag:$0x1] =	stream.linear.gather [spmem:s24], $0x80, $0x38;
	[tilespmem:$0x18800] =	vst v63  }
0x501: {  	s24 =	sadd.s32 $0xC00, s21;
	s25 =	simm.s32 $0xED00  }
0x502: {  	[tilespmem:s25], [sflag:$0x1] =	stream.linear.gather [spmem:s24], $0x80, $0x38;
	[tilespmem:$0x18800] =	vst v63  }
0x503: {  	s24 =	sadd.s32 $0x1000, s21;
	s25 =	simm.s32 $0xF100  }
0x504: {  	[tilespmem:s25], [sflag:$0x1] =	stream.linear.gather [spmem:s24], $0x80, $0x38;
	[tilespmem:$0x18800] =	vst v63  }
0x505: {  	s22 =	spop (v2sf)  }
0x506: {  	(v2sf) =	vpush v0, $0xC;
	s24 =	sshrl.u32 s22, $0x3  }
0x507: {  	s21 =	sadd.s32 $0x1400, s21;
	s25 =	simm.s32 $0xF500;
	s23 =	smul.u32 $0x6000, s24  }
0x508: {  	[tilespmem:s25], [sflag:$0x1] =	stream.linear.gather [spmem:s21], $0x80, $0x38;
	[tilespmem:$0x18800] =	vst v63  }
0x509: {  	s24 =	sshll.u32 s22, $0x7;
	s25 =	sshra.s32 s23, $0x2  }
0x50a: {  	s21 =	sand.u32 $0x380, s24;
	s22 =	sadd.s32 s25, s2  }
0x50b: {  	s23 =	simm.s32 $0xE180;
	s21 =	sadd.s32 s21, s22  }
0x50c: {  	[tilespmem:s23], [sflag:$0x1] =	stream.linear.gather [spmem:s21], $0x80, $0x38;
	[tilespmem:$0x18800] =	vst v63  }
0x50d: {  	s25 =	simm.s32 $0xE580;
	s24 =	sadd.s32 $0x400, s21  }
0x50e: {  	[tilespmem:s25], [sflag:$0x1] =	stream.linear.gather [spmem:s24], $0x80, $0x38;
	[tilespmem:$0x18800] =	vst v63  }
0x50f: {  	s24 =	sadd.s32 $0x800, s21;
	s25 =	simm.s32 $0xE980  }
0x510: {  	[tilespmem:s25], [sflag:$0x1] =	stream.linear.gather [spmem:s24], $0x80, $0x38;
	[tilespmem:$0x18800] =	vst v63  }
0x511: {  	s24 =	sadd.s32 $0xC00, s21;
	s25 =	simm.s32 $0xED80  }
0x512: {  	[tilespmem:s25], [sflag:$0x1] =	stream.linear.gather [spmem:s24], $0x80, $0x38;
	[tilespmem:$0x18800] =	vst v63  }
0x513: {  	s24 =	sadd.s32 $0x1000, s21;
	s25 =	simm.s32 $0xF180  }
0x514: {  	[tilespmem:s25], [sflag:$0x1] =	stream.linear.gather [spmem:s24], $0x80, $0x38;
	[tilespmem:$0x18800] =	vst v63  }
0x515: {  	s22 =	spop (v2sf)  }
0x516: {  	(v2sf) =	vpush v0, $0xD;
	s24 =	sshrl.u32 s22, $0x3  }
0x517: {  	s21 =	sadd.s32 $0x1400, s21;
	s25 =	simm.s32 $0xF580;
	s23 =	smul.u32 $0x6000, s24  }
0x518: {  	[tilespmem:s25], [sflag:$0x1] =	stream.linear.gather [spmem:s21], $0x80, $0x38;
	[tilespmem:$0x18800] =	vst v63  }
0x519: {  	s24 =	sshll.u32 s22, $0x7;
	s25 =	sshra.s32 s23, $0x2  }
0x51a: {  	s21 =	sand.u32 $0x380, s24;
	s22 =	sadd.s32 s25, s2  }
0x51b: {  	s23 =	simm.s32 $0xE200;
	s21 =	sadd.s32 s21, s22  }
0x51c: {  	[tilespmem:s23], [sflag:$0x1] =	stream.linear.gather [spmem:s21], $0x80, $0x38;
	[tilespmem:$0x18800] =	vst v63  }
0x51d: {  	s25 =	simm.s32 $0xE600;
	s24 =	sadd.s32 $0x400, s21  }
0x51e: {  	[tilespmem:s25], [sflag:$0x1] =	stream.linear.gather [spmem:s24], $0x80, $0x38;
	[tilespmem:$0x18800] =	vst v63  }
0x51f: {  	s24 =	sadd.s32 $0x800, s21;
	s25 =	simm.s32 $0xEA00  }
0x520: {  	[tilespmem:s25], [sflag:$0x1] =	stream.linear.gather [spmem:s24], $0x80, $0x38;
	[tilespmem:$0x18800] =	vst v63  }
0x521: {  	s24 =	sadd.s32 $0xC00, s21;
	s25 =	simm.s32 $0xEE00  }
0x522: {  	[tilespmem:s25], [sflag:$0x1] =	stream.linear.gather [spmem:s24], $0x80, $0x38;
	[tilespmem:$0x18800] =	vst v63  }
0x523: {  	s24 =	sadd.s32 $0x1000, s21;
	s25 =	simm.s32 $0xF200  }
0x524: {  	[tilespmem:s25], [sflag:$0x1] =	stream.linear.gather [spmem:s24], $0x80, $0x38;
	[tilespmem:$0x18800] =	vst v63  }
0x525: {  	s22 =	spop (v2sf)  }
0x526: {  	(v2sf) =	vpush v0, $0xE;
	s24 =	sshrl.u32 s22, $0x3  }
0x527: {  	s21 =	sadd.s32 $0x1400, s21;
	s25 =	simm.s32 $0xF600;
	s23 =	smul.u32 $0x6000, s24  }
0x528: {  	[tilespmem:s25], [sflag:$0x1] =	stream.linear.gather [spmem:s21], $0x80, $0x38;
	[tilespmem:$0x18800] =	vst v63  }
0x529: {  	s24 =	sshll.u32 s22, $0x7;
	s25 =	sshra.s32 s23, $0x2  }
0x52a: {  	s21 =	sand.u32 $0x380, s24;
	s22 =	sadd.s32 s25, s2  }
0x52b: {  	s23 =	simm.s32 $0xE280;
	s21 =	sadd.s32 s21, s22  }
0x52c: {  	[tilespmem:s23], [sflag:$0x1] =	stream.linear.gather [spmem:s21], $0x80, $0x38;
	[tilespmem:$0x18800] =	vst v63  }
0x52d: {  	s25 =	simm.s32 $0xE680;
	s24 =	sadd.s32 $0x400, s21  }
0x52e: {  	[tilespmem:s25], [sflag:$0x1] =	stream.linear.gather [spmem:s24], $0x80, $0x38;
	[tilespmem:$0x18800] =	vst v63  }
0x52f: {  	s24 =	sadd.s32 $0x800, s21;
	s25 =	simm.s32 $0xEA80  }
0x530: {  	[tilespmem:s25], [sflag:$0x1] =	stream.linear.gather [spmem:s24], $0x80, $0x38;
	[tilespmem:$0x18800] =	vst v63  }
0x531: {  	s24 =	sadd.s32 $0xC00, s21;
	s25 =	simm.s32 $0xEE80  }
0x532: {  	[tilespmem:s25], [sflag:$0x1] =	stream.linear.gather [spmem:s24], $0x80, $0x38;
	[tilespmem:$0x18800] =	vst v63  }
0x533: {  	s24 =	sadd.s32 $0x1000, s21;
	s25 =	simm.s32 $0xF280  }
0x534: {  	[tilespmem:s25], [sflag:$0x1] =	stream.linear.gather [spmem:s24], $0x80, $0x38;
	[tilespmem:$0x18800] =	vst v63  }
0x535: {  	s22 =	spop (v2sf)  }
0x536: {  	(v2sf) =	vpush v0, $0xF;
	s24 =	sshrl.u32 s22, $0x3  }
0x537: {  	s21 =	sadd.s32 $0x1400, s21;
	s25 =	simm.s32 $0xF680;
	s23 =	smul.u32 $0x6000, s24  }
0x538: {  	[tilespmem:s25], [sflag:$0x1] =	stream.linear.gather [spmem:s21], $0x80, $0x38;
	[tilespmem:$0x18800] =	vst v63  }
0x539: {  	s24 =	sshll.u32 s22, $0x7;
	s25 =	sshra.s32 s23, $0x2  }
0x53a: {  	s21 =	sand.u32 $0x380, s24;
	s22 =	sadd.s32 s25, s2  }
0x53b: {  	s23 =	simm.s32 $0xE300;
	s21 =	sadd.s32 s21, s22  }
0x53c: {  	[tilespmem:s23], [sflag:$0x1] =	stream.linear.gather [spmem:s21], $0x80, $0x38;
	[tilespmem:$0x18800] =	vst v63  }
0x53d: {  	s25 =	simm.s32 $0xE700;
	s24 =	sadd.s32 $0x400, s21  }
0x53e: {  	[tilespmem:s25], [sflag:$0x1] =	stream.linear.gather [spmem:s24], $0x80, $0x38;
	[tilespmem:$0x18800] =	vst v63  }
0x53f: {  	s24 =	sadd.s32 $0x800, s21;
	s25 =	simm.s32 $0xEB00  }
0x540: {  	[tilespmem:s25], [sflag:$0x1] =	stream.linear.gather [spmem:s24], $0x80, $0x38;
	[tilespmem:$0x18800] =	vst v63  }
0x541: {  	s24 =	sadd.s32 $0xC00, s21;
	s25 =	simm.s32 $0xEF00  }
0x542: {  	[tilespmem:s25], [sflag:$0x1] =	stream.linear.gather [spmem:s24], $0x80, $0x38;
	[tilespmem:$0x18800] =	vst v63  }
0x543: {  	s24 =	sadd.s32 $0x1000, s21;
	s25 =	simm.s32 $0xF300  }
0x544: {  	[tilespmem:s25], [sflag:$0x1] =	stream.linear.gather [spmem:s24], $0x80, $0x38;
	[tilespmem:$0x18800] =	vst v63  }
0x545: {  	s22 =	spop (v2sf)  }
0x546: {  	s24 =	sshrl.u32 s22, $0x3  }
0x547: {  	s21 =	sadd.s32 $0x1400, s21;
	s25 =	simm.s32 $0xF700;
	s23 =	smul.u32 $0x6000, s24  }
0x548: {  	[tilespmem:s25], [sflag:$0x1] =	stream.linear.gather [spmem:s21], $0x80, $0x38;
	[tilespmem:$0x18800] =	vst v63  }
0x549: {  	s24 =	sshll.u32 s22, $0x7;
	s25 =	sshra.s32 s23, $0x2  }
0x54a: {  	s21 =	sand.u32 $0x380, s24;
	s22 =	sadd.s32 s25, s2  }
0x54b: {  	s23 =	simm.s32 $0xE380;
	s21 =	sadd.s32 s21, s22  }
0x54c: {  	[tilespmem:s23], [sflag:$0x1] =	stream.linear.gather [spmem:s21], $0x80, $0x38;
	[tilespmem:$0x18800] =	vst v63  }
0x54d: {  	s25 =	simm.s32 $0xE780;
	s24 =	sadd.s32 $0x400, s21  }
0x54e: {  	[tilespmem:s25], [sflag:$0x1] =	stream.linear.gather [spmem:s24], $0x80, $0x38;
	[tilespmem:$0x18800] =	vst v63  }
0x54f: {  	s24 =	sadd.s32 $0x800, s21;
	s25 =	simm.s32 $0xEB80  }
0x550: {  	[tilespmem:s25], [sflag:$0x1] =	stream.linear.gather [spmem:s24], $0x80, $0x38;
	[tilespmem:$0x18800] =	vst v63  }
0x551: {  	s24 =	sadd.s32 $0xC00, s21;
	s25 =	simm.s32 $0xEF80  }
0x552: {  	[tilespmem:s25], [sflag:$0x1] =	stream.linear.gather [spmem:s24], $0x80, $0x38;
	[tilespmem:$0x18800] =	vst v63  }
0x553: {  	s23 =	sadd.s32 $0x1000, s21;
	s24 =	simm.s32 $0xF380  }
0x554: {  	[tilespmem:s24], [sflag:$0x1] =	stream.linear.gather [spmem:s23], $0x80, $0x38;
	[tilespmem:$0x18800] =	vst v63  }
0x555: {  	s21 =	sadd.s32 $0x1400, s21;
	s25 =	simm.s32 $0xF780  }
0x556: {  	[tilespmem:s25], [sflag:$0x1] =	stream.linear.gather [spmem:s21], $0x80, $0x38;
	[tilespmem:$0x18800] =	vst v63  }
.LBB2_4:
0x557: {  	_ =	swait.ge [sflag:s15], $0x3000  }
0x558: {  	[sflag:s15] =	ssyncset.done $0x0  }
.Ltmp3:
0x559: {  	s21 =	sadd.s32 s20, s9;
	[sflag:s15] =	ssyncadd.s32 $0xFFFFD000;
	(pc) =	sbr.rel @p0 .LBB2_6-.Ltmp3, $4  }
0x55a: {  	[hbm4b:s21+s3] =	stream.linear.scatter [tilespmem:s19], [sflag:$0x8], $0x3000, $0x38;
	[tilespmem:$0x18800] =	vst v63  }
0x55b: {  	_ =	swait.ge [sflag:s16], $0x3000  }
0x55c: {  	[sflag:s16] =	ssyncset.done $0x0  }
0x55d: {  	[sflag:s16] =	ssyncadd.s32 $0xFFFFD000  }
0x55e: {  	v0 =	vld [tilespmem:s17+$0x20];
	_ =	sdelay $0x4  }
0x55f: {  	(v2sf) =	vpush v0, $0x0;
	_ =	sdelay $0xe  }
0x560: {  	s21 =	spop (v2sf)  }
0x561: {  	(v2sf) =	vpush v0, $0x1;
	s22 =	sshrl.u32 s21, $0x3  }
0x562: {  	s22 =	smul.u32 $0x6000, s22;
	_ =	sdelay $0x1  }
0x563: {  	s21 =	sshll.u32 s21, $0x7;
	s22 =	sshra.s32 s22, $0x2  }
0x564: {  	s21 =	sand.u32 $0x380, s21;
	s22 =	sadd.s32 s22, s2  }
0x565: {  	s21 =	sadd.s32 s21, s22  }
0x566: {  	[tilespmem:s5], [sflag:$0x2] =	stream.linear.gather [spmem:s21], $0x80, $0x38;
	[tilespmem:$0x18800] =	vst v63  }
0x567: {  	s23 =	simm.s32 $0xFC00;
	s22 =	sadd.s32 $0x400, s21  }
0x568: {  	[tilespmem:s23], [sflag:$0x2] =	stream.linear.gather [spmem:s22], $0x80, $0x38;
	[tilespmem:$0x18800] =	vst v63  }
0x569: {  	s25 =	simm.s32 $0x10000;
	s24 =	sadd.s32 $0x800, s21  }
0x56a: {  	[tilespmem:s25], [sflag:$0x2] =	stream.linear.gather [spmem:s24], $0x80, $0x38;
	[tilespmem:$0x18800] =	vst v63  }
0x56b: {  	s24 =	sadd.s32 $0xC00, s21;
	s25 =	simm.s32 $0x10400  }
0x56c: {  	[tilespmem:s25], [sflag:$0x2] =	stream.linear.gather [spmem:s24], $0x80, $0x38;
	[tilespmem:$0x18800] =	vst v63  }
0x56d: {  	s23 =	sadd.s32 $0x1000, s21;
	s24 =	simm.s32 $0x10800  }
0x56e: {  	[tilespmem:s24], [sflag:$0x2] =	stream.linear.gather [spmem:s23], $0x80, $0x38;
	[tilespmem:$0x18800] =	vst v63  }
0x56f: {  	s22 =	spop (v2sf)  }
0x570: {  	(v2sf) =	vpush v0, $0x2;
	s25 =	sshrl.u32 s22, $0x3  }
0x571: {  	s21 =	sadd.s32 $0x1400, s21;
	s24 =	simm.s32 $0x10C00;
	s23 =	smul.u32 $0x6000, s25  }
0x572: {  	[tilespmem:s24], [sflag:$0x2] =	stream.linear.gather [spmem:s21], $0x80, $0x38;
	[tilespmem:$0x18800] =	vst v63  }
0x573: {  	s24 =	sshll.u32 s22, $0x7;
	s25 =	sshra.s32 s23, $0x2  }
0x574: {  	s21 =	sand.u32 $0x380, s24;
	s22 =	sadd.s32 s25, s2  }
0x575: {  	s23 =	simm.s32 $0xF880;
	s21 =	sadd.s32 s21, s22  }
0x576: {  	[tilespmem:s23], [sflag:$0x2] =	stream.linear.gather [spmem:s21], $0x80, $0x38;
	[tilespmem:$0x18800] =	vst v63  }
0x577: {  	s25 =	simm.s32 $0xFC80;
	s24 =	sadd.s32 $0x400, s21  }
0x578: {  	[tilespmem:s25], [sflag:$0x2] =	stream.linear.gather [spmem:s24], $0x80, $0x38;
	[tilespmem:$0x18800] =	vst v63  }
0x579: {  	s24 =	sadd.s32 $0x800, s21;
	s25 =	simm.s32 $0x10080  }
0x57a: {  	[tilespmem:s25], [sflag:$0x2] =	stream.linear.gather [spmem:s24], $0x80, $0x38;
	[tilespmem:$0x18800] =	vst v63  }
0x57b: {  	s24 =	sadd.s32 $0xC00, s21;
	s25 =	simm.s32 $0x10480  }
0x57c: {  	[tilespmem:s25], [sflag:$0x2] =	stream.linear.gather [spmem:s24], $0x80, $0x38;
	[tilespmem:$0x18800] =	vst v63  }
0x57d: {  	s24 =	sadd.s32 $0x1000, s21;
	s25 =	simm.s32 $0x10880  }
0x57e: {  	[tilespmem:s25], [sflag:$0x2] =	stream.linear.gather [spmem:s24], $0x80, $0x38;
	[tilespmem:$0x18800] =	vst v63  }
0x57f: {  	s22 =	spop (v2sf)  }
0x580: {  	(v2sf) =	vpush v0, $0x3;
	s24 =	sshrl.u32 s22, $0x3  }
0x581: {  	s21 =	sadd.s32 $0x1400, s21;
	s25 =	simm.s32 $0x10C80;
	s23 =	smul.u32 $0x6000, s24  }
0x582: {  	[tilespmem:s25], [sflag:$0x2] =	stream.linear.gather [spmem:s21], $0x80, $0x38;
	[tilespmem:$0x18800] =	vst v63  }
0x583: {  	s24 =	sshll.u32 s22, $0x7;
	s25 =	sshra.s32 s23, $0x2  }
0x584: {  	s21 =	sand.u32 $0x380, s24;
	s22 =	sadd.s32 s25, s2  }
0x585: {  	s23 =	simm.s32 $0xF900;
	s21 =	sadd.s32 s21, s22  }
0x586: {  	[tilespmem:s23], [sflag:$0x2] =	stream.linear.gather [spmem:s21], $0x80, $0x38;
	[tilespmem:$0x18800] =	vst v63  }
0x587: {  	s25 =	simm.s32 $0xFD00;
	s24 =	sadd.s32 $0x400, s21  }
0x588: {  	[tilespmem:s25], [sflag:$0x2] =	stream.linear.gather [spmem:s24], $0x80, $0x38;
	[tilespmem:$0x18800] =	vst v63  }
0x589: {  	s24 =	sadd.s32 $0x800, s21;
	s25 =	simm.s32 $0x10100  }
0x58a: {  	[tilespmem:s25], [sflag:$0x2] =	stream.linear.gather [spmem:s24], $0x80, $0x38;
	[tilespmem:$0x18800] =	vst v63  }
0x58b: {  	s24 =	sadd.s32 $0xC00, s21;
	s25 =	simm.s32 $0x10500  }
0x58c: {  	[tilespmem:s25], [sflag:$0x2] =	stream.linear.gather [spmem:s24], $0x80, $0x38;
	[tilespmem:$0x18800] =	vst v63  }
0x58d: {  	s24 =	sadd.s32 $0x1000, s21;
	s25 =	simm.s32 $0x10900  }
0x58e: {  	[tilespmem:s25], [sflag:$0x2] =	stream.linear.gather [spmem:s24], $0x80, $0x38;
	[tilespmem:$0x18800] =	vst v63  }
0x58f: {  	s22 =	spop (v2sf)  }
0x590: {  	(v2sf) =	vpush v0, $0x4;
	s24 =	sshrl.u32 s22, $0x3  }
0x591: {  	s21 =	sadd.s32 $0x1400, s21;
	s25 =	simm.s32 $0x10D00;
	s23 =	smul.u32 $0x6000, s24  }
0x592: {  	[tilespmem:s25], [sflag:$0x2] =	stream.linear.gather [spmem:s21], $0x80, $0x38;
	[tilespmem:$0x18800] =	vst v63  }
0x593: {  	s24 =	sshll.u32 s22, $0x7;
	s25 =	sshra.s32 s23, $0x2  }
0x594: {  	s21 =	sand.u32 $0x380, s24;
	s22 =	sadd.s32 s25, s2  }
0x595: {  	s23 =	simm.s32 $0xF980;
	s21 =	sadd.s32 s21, s22  }
0x596: {  	[tilespmem:s23], [sflag:$0x2] =	stream.linear.gather [spmem:s21], $0x80, $0x38;
	[tilespmem:$0x18800] =	vst v63  }
0x597: {  	s25 =	simm.s32 $0xFD80;
	s24 =	sadd.s32 $0x400, s21  }
0x598: {  	[tilespmem:s25], [sflag:$0x2] =	stream.linear.gather [spmem:s24], $0x80, $0x38;
	[tilespmem:$0x18800] =	vst v63  }
0x599: {  	s24 =	sadd.s32 $0x800, s21;
	s25 =	simm.s32 $0x10180  }
0x59a: {  	[tilespmem:s25], [sflag:$0x2] =	stream.linear.gather [spmem:s24], $0x80, $0x38;
	[tilespmem:$0x18800] =	vst v63  }
0x59b: {  	s24 =	sadd.s32 $0xC00, s21;
	s25 =	simm.s32 $0x10580  }
0x59c: {  	[tilespmem:s25], [sflag:$0x2] =	stream.linear.gather [spmem:s24], $0x80, $0x38;
	[tilespmem:$0x18800] =	vst v63  }
0x59d: {  	s24 =	sadd.s32 $0x1000, s21;
	s25 =	simm.s32 $0x10980  }
0x59e: {  	[tilespmem:s25], [sflag:$0x2] =	stream.linear.gather [spmem:s24], $0x80, $0x38;
	[tilespmem:$0x18800] =	vst v63  }
0x59f: {  	s22 =	spop (v2sf)  }
0x5a0: {  	(v2sf) =	vpush v0, $0x5;
	s24 =	sshrl.u32 s22, $0x3  }
0x5a1: {  	s21 =	sadd.s32 $0x1400, s21;
	s25 =	simm.s32 $0x10D80;
	s23 =	smul.u32 $0x6000, s24  }
0x5a2: {  	[tilespmem:s25], [sflag:$0x2] =	stream.linear.gather [spmem:s21], $0x80, $0x38;
	[tilespmem:$0x18800] =	vst v63  }
0x5a3: {  	s24 =	sshll.u32 s22, $0x7;
	s25 =	sshra.s32 s23, $0x2  }
0x5a4: {  	s21 =	sand.u32 $0x380, s24;
	s22 =	sadd.s32 s25, s2  }
0x5a5: {  	s23 =	simm.s32 $0xFA00;
	s21 =	sadd.s32 s21, s22  }
0x5a6: {  	[tilespmem:s23], [sflag:$0x2] =	stream.linear.gather [spmem:s21], $0x80, $0x38;
	[tilespmem:$0x18800] =	vst v63  }
0x5a7: {  	s25 =	simm.s32 $0xFE00;
	s24 =	sadd.s32 $0x400, s21  }
0x5a8: {  	[tilespmem:s25], [sflag:$0x2] =	stream.linear.gather [spmem:s24], $0x80, $0x38;
	[tilespmem:$0x18800] =	vst v63  }
0x5a9: {  	s24 =	sadd.s32 $0x800, s21;
	s25 =	simm.s32 $0x10200  }
0x5aa: {  	[tilespmem:s25], [sflag:$0x2] =	stream.linear.gather [spmem:s24], $0x80, $0x38;
	[tilespmem:$0x18800] =	vst v63  }
0x5ab: {  	s24 =	sadd.s32 $0xC00, s21;
	s25 =	simm.s32 $0x10600  }
0x5ac: {  	[tilespmem:s25], [sflag:$0x2] =	stream.linear.gather [spmem:s24], $0x80, $0x38;
	[tilespmem:$0x18800] =	vst v63  }
0x5ad: {  	s24 =	sadd.s32 $0x1000, s21;
	s25 =	simm.s32 $0x10A00  }
0x5ae: {  	[tilespmem:s25], [sflag:$0x2] =	stream.linear.gather [spmem:s24], $0x80, $0x38;
	[tilespmem:$0x18800] =	vst v63  }
0x5af: {  	s22 =	spop (v2sf)  }
0x5b0: {  	(v2sf) =	vpush v0, $0x6;
	s24 =	sshrl.u32 s22, $0x3  }
0x5b1: {  	s21 =	sadd.s32 $0x1400, s21;
	s25 =	simm.s32 $0x10E00;
	s23 =	smul.u32 $0x6000, s24  }
0x5b2: {  	[tilespmem:s25], [sflag:$0x2] =	stream.linear.gather [spmem:s21], $0x80, $0x38;
	[tilespmem:$0x18800] =	vst v63  }
0x5b3: {  	s24 =	sshll.u32 s22, $0x7;
	s25 =	sshra.s32 s23, $0x2  }
0x5b4: {  	s21 =	sand.u32 $0x380, s24;
	s22 =	sadd.s32 s25, s2  }
0x5b5: {  	s23 =	simm.s32 $0xFA80;
	s21 =	sadd.s32 s21, s22  }
0x5b6: {  	[tilespmem:s23], [sflag:$0x2] =	stream.linear.gather [spmem:s21], $0x80, $0x38;
	[tilespmem:$0x18800] =	vst v63  }
0x5b7: {  	s25 =	simm.s32 $0xFE80;
	s24 =	sadd.s32 $0x400, s21  }
0x5b8: {  	[tilespmem:s25], [sflag:$0x2] =	stream.linear.gather [spmem:s24], $0x80, $0x38;
	[tilespmem:$0x18800] =	vst v63  }
0x5b9: {  	s24 =	sadd.s32 $0x800, s21;
	s25 =	simm.s32 $0x10280  }
0x5ba: {  	[tilespmem:s25], [sflag:$0x2] =	stream.linear.gather [spmem:s24], $0x80, $0x38;
	[tilespmem:$0x18800] =	vst v63  }
0x5bb: {  	s24 =	sadd.s32 $0xC00, s21;
	s25 =	simm.s32 $0x10680  }
0x5bc: {  	[tilespmem:s25], [sflag:$0x2] =	stream.linear.gather [spmem:s24], $0x80, $0x38;
	[tilespmem:$0x18800] =	vst v63  }
0x5bd: {  	s24 =	sadd.s32 $0x1000, s21;
	s25 =	simm.s32 $0x10A80  }
0x5be: {  	[tilespmem:s25], [sflag:$0x2] =	stream.linear.gather [spmem:s24], $0x80, $0x38;
	[tilespmem:$0x18800] =	vst v63  }
0x5bf: {  	s22 =	spop (v2sf)  }
0x5c0: {  	(v2sf) =	vpush v0, $0x7;
	s24 =	sshrl.u32 s22, $0x3  }
0x5c1: {  	s21 =	sadd.s32 $0x1400, s21;
	s25 =	simm.s32 $0x10E80;
	s23 =	smul.u32 $0x6000, s24  }
0x5c2: {  	[tilespmem:s25], [sflag:$0x2] =	stream.linear.gather [spmem:s21], $0x80, $0x38;
	[tilespmem:$0x18800] =	vst v63  }
0x5c3: {  	s24 =	sshll.u32 s22, $0x7;
	s25 =	sshra.s32 s23, $0x2  }
0x5c4: {  	s21 =	sand.u32 $0x380, s24;
	s22 =	sadd.s32 s25, s2  }
0x5c5: {  	s23 =	simm.s32 $0xFB00;
	s21 =	sadd.s32 s21, s22  }
0x5c6: {  	[tilespmem:s23], [sflag:$0x2] =	stream.linear.gather [spmem:s21], $0x80, $0x38;
	[tilespmem:$0x18800] =	vst v63  }
0x5c7: {  	s25 =	simm.s32 $0xFF00;
	s24 =	sadd.s32 $0x400, s21  }
0x5c8: {  	[tilespmem:s25], [sflag:$0x2] =	stream.linear.gather [spmem:s24], $0x80, $0x38;
	[tilespmem:$0x18800] =	vst v63  }
0x5c9: {  	s24 =	sadd.s32 $0x800, s21;
	s25 =	simm.s32 $0x10300  }
0x5ca: {  	[tilespmem:s25], [sflag:$0x2] =	stream.linear.gather [spmem:s24], $0x80, $0x38;
	[tilespmem:$0x18800] =	vst v63  }
0x5cb: {  	s24 =	sadd.s32 $0xC00, s21;
	s25 =	simm.s32 $0x10700  }
0x5cc: {  	[tilespmem:s25], [sflag:$0x2] =	stream.linear.gather [spmem:s24], $0x80, $0x38;
	[tilespmem:$0x18800] =	vst v63  }
0x5cd: {  	s24 =	sadd.s32 $0x1000, s21;
	s25 =	simm.s32 $0x10B00  }
0x5ce: {  	[tilespmem:s25], [sflag:$0x2] =	stream.linear.gather [spmem:s24], $0x80, $0x38;
	[tilespmem:$0x18800] =	vst v63  }
0x5cf: {  	s22 =	spop (v2sf)  }
0x5d0: {  	(v2sf) =	vpush v0, $0x8;
	s24 =	sshrl.u32 s22, $0x3  }
0x5d1: {  	s21 =	sadd.s32 $0x1400, s21;
	s25 =	simm.s32 $0x10F00;
	s23 =	smul.u32 $0x6000, s24  }
0x5d2: {  	[tilespmem:s25], [sflag:$0x2] =	stream.linear.gather [spmem:s21], $0x80, $0x38;
	[tilespmem:$0x18800] =	vst v63  }
0x5d3: {  	s24 =	sshll.u32 s22, $0x7;
	s25 =	sshra.s32 s23, $0x2  }
0x5d4: {  	s21 =	sand.u32 $0x380, s24;
	s22 =	sadd.s32 s25, s2  }
0x5d5: {  	s23 =	simm.s32 $0xFB80;
	s21 =	sadd.s32 s21, s22  }
0x5d6: {  	[tilespmem:s23], [sflag:$0x2] =	stream.linear.gather [spmem:s21], $0x80, $0x38;
	[tilespmem:$0x18800] =	vst v63  }
0x5d7: {  	s25 =	simm.s32 $0xFF80;
	s24 =	sadd.s32 $0x400, s21  }
0x5d8: {  	[tilespmem:s25], [sflag:$0x2] =	stream.linear.gather [spmem:s24], $0x80, $0x38;
	[tilespmem:$0x18800] =	vst v63  }
0x5d9: {  	s24 =	sadd.s32 $0x800, s21;
	s25 =	simm.s32 $0x10380  }
0x5da: {  	[tilespmem:s25], [sflag:$0x2] =	stream.linear.gather [spmem:s24], $0x80, $0x38;
	[tilespmem:$0x18800] =	vst v63  }
0x5db: {  	s24 =	sadd.s32 $0xC00, s21;
	s25 =	simm.s32 $0x10780  }
0x5dc: {  	[tilespmem:s25], [sflag:$0x2] =	stream.linear.gather [spmem:s24], $0x80, $0x38;
	[tilespmem:$0x18800] =	vst v63  }
0x5dd: {  	s24 =	sadd.s32 $0x1000, s21;
	s25 =	simm.s32 $0x10B80  }
0x5de: {  	[tilespmem:s25], [sflag:$0x2] =	stream.linear.gather [spmem:s24], $0x80, $0x38;
	[tilespmem:$0x18800] =	vst v63  }
0x5df: {  	s22 =	spop (v2sf)  }
0x5e0: {  	(v2sf) =	vpush v0, $0x9;
	s24 =	sshrl.u32 s22, $0x3  }
0x5e1: {  	s21 =	sadd.s32 $0x1400, s21;
	s25 =	simm.s32 $0x10F80;
	s23 =	smul.u32 $0x6000, s24  }
0x5e2: {  	[tilespmem:s25], [sflag:$0x2] =	stream.linear.gather [spmem:s21], $0x80, $0x38;
	[tilespmem:$0x18800] =	vst v63  }
0x5e3: {  	s24 =	sshll.u32 s22, $0x7;
	s25 =	sshra.s32 s23, $0x2  }
0x5e4: {  	s21 =	sand.u32 $0x380, s24;
	s22 =	sadd.s32 s25, s2  }
0x5e5: {  	s23 =	simm.s32 $0x11000;
	s21 =	sadd.s32 s21, s22  }
0x5e6: {  	[tilespmem:s23], [sflag:$0x2] =	stream.linear.gather [spmem:s21], $0x80, $0x38;
	[tilespmem:$0x18800] =	vst v63  }
0x5e7: {  	s25 =	simm.s32 $0x11400;
	s24 =	sadd.s32 $0x400, s21  }
0x5e8: {  	[tilespmem:s25], [sflag:$0x2] =	stream.linear.gather [spmem:s24], $0x80, $0x38;
	[tilespmem:$0x18800] =	vst v63  }
0x5e9: {  	s24 =	sadd.s32 $0x800, s21;
	s25 =	simm.s32 $0x11800  }
0x5ea: {  	[tilespmem:s25], [sflag:$0x2] =	stream.linear.gather [spmem:s24], $0x80, $0x38;
	[tilespmem:$0x18800] =	vst v63  }
0x5eb: {  	s24 =	sadd.s32 $0xC00, s21;
	s25 =	simm.s32 $0x11C00  }
0x5ec: {  	[tilespmem:s25], [sflag:$0x2] =	stream.linear.gather [spmem:s24], $0x80, $0x38;
	[tilespmem:$0x18800] =	vst v63  }
0x5ed: {  	s24 =	sadd.s32 $0x1000, s21;
	s25 =	simm.s32 $0x12000  }
0x5ee: {  	[tilespmem:s25], [sflag:$0x2] =	stream.linear.gather [spmem:s24], $0x80, $0x38;
	[tilespmem:$0x18800] =	vst v63  }
0x5ef: {  	s22 =	spop (v2sf)  }
0x5f0: {  	(v2sf) =	vpush v0, $0xA;
	s24 =	sshrl.u32 s22, $0x3  }
0x5f1: {  	s21 =	sadd.s32 $0x1400, s21;
	s25 =	simm.s32 $0x12400;
	s23 =	smul.u32 $0x6000, s24  }
0x5f2: {  	[tilespmem:s25], [sflag:$0x2] =	stream.linear.gather [spmem:s21], $0x80, $0x38;
	[tilespmem:$0x18800] =	vst v63  }
0x5f3: {  	s24 =	sshll.u32 s22, $0x7;
	s25 =	sshra.s32 s23, $0x2  }
0x5f4: {  	s21 =	sand.u32 $0x380, s24;
	s22 =	sadd.s32 s25, s2  }
0x5f5: {  	s23 =	simm.s32 $0x11080;
	s21 =	sadd.s32 s21, s22  }
0x5f6: {  	[tilespmem:s23], [sflag:$0x2] =	stream.linear.gather [spmem:s21], $0x80, $0x38;
	[tilespmem:$0x18800] =	vst v63  }
0x5f7: {  	s25 =	simm.s32 $0x11480;
	s24 =	sadd.s32 $0x400, s21  }
0x5f8: {  	[tilespmem:s25], [sflag:$0x2] =	stream.linear.gather [spmem:s24], $0x80, $0x38;
	[tilespmem:$0x18800] =	vst v63  }
0x5f9: {  	s24 =	sadd.s32 $0x800, s21;
	s25 =	simm.s32 $0x11880  }
0x5fa: {  	[tilespmem:s25], [sflag:$0x2] =	stream.linear.gather [spmem:s24], $0x80, $0x38;
	[tilespmem:$0x18800] =	vst v63  }
0x5fb: {  	s24 =	sadd.s32 $0xC00, s21;
	s25 =	simm.s32 $0x11C80  }
0x5fc: {  	[tilespmem:s25], [sflag:$0x2] =	stream.linear.gather [spmem:s24], $0x80, $0x38;
	[tilespmem:$0x18800] =	vst v63  }
0x5fd: {  	s24 =	sadd.s32 $0x1000, s21;
	s25 =	simm.s32 $0x12080  }
0x5fe: {  	[tilespmem:s25], [sflag:$0x2] =	stream.linear.gather [spmem:s24], $0x80, $0x38;
	[tilespmem:$0x18800] =	vst v63  }
0x5ff: {  	s22 =	spop (v2sf)  }
0x600: {  	(v2sf) =	vpush v0, $0xB;
	s24 =	sshrl.u32 s22, $0x3  }
0x601: {  	s21 =	sadd.s32 $0x1400, s21;
	s25 =	simm.s32 $0x12480;
	s23 =	smul.u32 $0x6000, s24  }
0x602: {  	[tilespmem:s25], [sflag:$0x2] =	stream.linear.gather [spmem:s21], $0x80, $0x38;
	[tilespmem:$0x18800] =	vst v63  }
0x603: {  	s24 =	sshll.u32 s22, $0x7;
	s25 =	sshra.s32 s23, $0x2  }
0x604: {  	s21 =	sand.u32 $0x380, s24;
	s22 =	sadd.s32 s25, s2  }
0x605: {  	s23 =	simm.s32 $0x11100;
	s21 =	sadd.s32 s21, s22  }
0x606: {  	[tilespmem:s23], [sflag:$0x2] =	stream.linear.gather [spmem:s21], $0x80, $0x38;
	[tilespmem:$0x18800] =	vst v63  }
0x607: {  	s25 =	simm.s32 $0x11500;
	s24 =	sadd.s32 $0x400, s21  }
0x608: {  	[tilespmem:s25], [sflag:$0x2] =	stream.linear.gather [spmem:s24], $0x80, $0x38;
	[tilespmem:$0x18800] =	vst v63  }
0x609: {  	s24 =	sadd.s32 $0x800, s21;
	s25 =	simm.s32 $0x11900  }
0x60a: {  	[tilespmem:s25], [sflag:$0x2] =	stream.linear.gather [spmem:s24], $0x80, $0x38;
	[tilespmem:$0x18800] =	vst v63  }
0x60b: {  	s24 =	sadd.s32 $0xC00, s21;
	s25 =	simm.s32 $0x11D00  }
0x60c: {  	[tilespmem:s25], [sflag:$0x2] =	stream.linear.gather [spmem:s24], $0x80, $0x38;
	[tilespmem:$0x18800] =	vst v63  }
0x60d: {  	s24 =	sadd.s32 $0x1000, s21;
	s25 =	simm.s32 $0x12100  }
0x60e: {  	[tilespmem:s25], [sflag:$0x2] =	stream.linear.gather [spmem:s24], $0x80, $0x38;
	[tilespmem:$0x18800] =	vst v63  }
0x60f: {  	s22 =	spop (v2sf)  }
0x610: {  	(v2sf) =	vpush v0, $0xC;
	s24 =	sshrl.u32 s22, $0x3  }
0x611: {  	s21 =	sadd.s32 $0x1400, s21;
	s25 =	simm.s32 $0x12500;
	s23 =	smul.u32 $0x6000, s24  }
0x612: {  	[tilespmem:s25], [sflag:$0x2] =	stream.linear.gather [spmem:s21], $0x80, $0x38;
	[tilespmem:$0x18800] =	vst v63  }
0x613: {  	s24 =	sshll.u32 s22, $0x7;
	s25 =	sshra.s32 s23, $0x2  }
0x614: {  	s21 =	sand.u32 $0x380, s24;
	s22 =	sadd.s32 s25, s2  }
0x615: {  	s23 =	simm.s32 $0x11180;
	s21 =	sadd.s32 s21, s22  }
0x616: {  	[tilespmem:s23], [sflag:$0x2] =	stream.linear.gather [spmem:s21], $0x80, $0x38;
	[tilespmem:$0x18800] =	vst v63  }
0x617: {  	s25 =	simm.s32 $0x11580;
	s24 =	sadd.s32 $0x400, s21  }
0x618: {  	[tilespmem:s25], [sflag:$0x2] =	stream.linear.gather [spmem:s24], $0x80, $0x38;
	[tilespmem:$0x18800] =	vst v63  }
0x619: {  	s24 =	sadd.s32 $0x800, s21;
	s25 =	simm.s32 $0x11980  }
0x61a: {  	[tilespmem:s25], [sflag:$0x2] =	stream.linear.gather [spmem:s24], $0x80, $0x38;
	[tilespmem:$0x18800] =	vst v63  }
0x61b: {  	s24 =	sadd.s32 $0xC00, s21;
	s25 =	simm.s32 $0x11D80  }
0x61c: {  	[tilespmem:s25], [sflag:$0x2] =	stream.linear.gather [spmem:s24], $0x80, $0x38;
	[tilespmem:$0x18800] =	vst v63  }
0x61d: {  	s24 =	sadd.s32 $0x1000, s21;
	s25 =	simm.s32 $0x12180  }
0x61e: {  	[tilespmem:s25], [sflag:$0x2] =	stream.linear.gather [spmem:s24], $0x80, $0x38;
	[tilespmem:$0x18800] =	vst v63  }
0x61f: {  	s22 =	spop (v2sf)  }
0x620: {  	(v2sf) =	vpush v0, $0xD;
	s24 =	sshrl.u32 s22, $0x3  }
0x621: {  	s21 =	sadd.s32 $0x1400, s21;
	s25 =	simm.s32 $0x12580;
	s23 =	smul.u32 $0x6000, s24  }
0x622: {  	[tilespmem:s25], [sflag:$0x2] =	stream.linear.gather [spmem:s21], $0x80, $0x38;
	[tilespmem:$0x18800] =	vst v63  }
0x623: {  	s24 =	sshll.u32 s22, $0x7;
	s25 =	sshra.s32 s23, $0x2  }
0x624: {  	s21 =	sand.u32 $0x380, s24;
	s22 =	sadd.s32 s25, s2  }
0x625: {  	s23 =	simm.s32 $0x11200;
	s21 =	sadd.s32 s21, s22  }
0x626: {  	[tilespmem:s23], [sflag:$0x2] =	stream.linear.gather [spmem:s21], $0x80, $0x38;
	[tilespmem:$0x18800] =	vst v63  }
0x627: {  	s25 =	simm.s32 $0x11600;
	s24 =	sadd.s32 $0x400, s21  }
0x628: {  	[tilespmem:s25], [sflag:$0x2] =	stream.linear.gather [spmem:s24], $0x80, $0x38;
	[tilespmem:$0x18800] =	vst v63  }
0x629: {  	s24 =	sadd.s32 $0x800, s21;
	s25 =	simm.s32 $0x11A00  }
0x62a: {  	[tilespmem:s25], [sflag:$0x2] =	stream.linear.gather [spmem:s24], $0x80, $0x38;
	[tilespmem:$0x18800] =	vst v63  }
0x62b: {  	s24 =	sadd.s32 $0xC00, s21;
	s25 =	simm.s32 $0x11E00  }
0x62c: {  	[tilespmem:s25], [sflag:$0x2] =	stream.linear.gather [spmem:s24], $0x80, $0x38;
	[tilespmem:$0x18800] =	vst v63  }
0x62d: {  	s24 =	sadd.s32 $0x1000, s21;
	s25 =	simm.s32 $0x12200  }
0x62e: {  	[tilespmem:s25], [sflag:$0x2] =	stream.linear.gather [spmem:s24], $0x80, $0x38;
	[tilespmem:$0x18800] =	vst v63  }
0x62f: {  	s22 =	spop (v2sf)  }
0x630: {  	(v2sf) =	vpush v0, $0xE;
	s24 =	sshrl.u32 s22, $0x3  }
0x631: {  	s21 =	sadd.s32 $0x1400, s21;
	s25 =	simm.s32 $0x12600;
	s23 =	smul.u32 $0x6000, s24  }
0x632: {  	[tilespmem:s25], [sflag:$0x2] =	stream.linear.gather [spmem:s21], $0x80, $0x38;
	[tilespmem:$0x18800] =	vst v63  }
0x633: {  	s24 =	sshll.u32 s22, $0x7;
	s25 =	sshra.s32 s23, $0x2  }
0x634: {  	s21 =	sand.u32 $0x380, s24;
	s22 =	sadd.s32 s25, s2  }
0x635: {  	s23 =	simm.s32 $0x11280;
	s21 =	sadd.s32 s21, s22  }
0x636: {  	[tilespmem:s23], [sflag:$0x2] =	stream.linear.gather [spmem:s21], $0x80, $0x38;
	[tilespmem:$0x18800] =	vst v63  }
0x637: {  	s25 =	simm.s32 $0x11680;
	s24 =	sadd.s32 $0x400, s21  }
0x638: {  	[tilespmem:s25], [sflag:$0x2] =	stream.linear.gather [spmem:s24], $0x80, $0x38;
	[tilespmem:$0x18800] =	vst v63  }
0x639: {  	s24 =	sadd.s32 $0x800, s21;
	s25 =	simm.s32 $0x11A80  }
0x63a: {  	[tilespmem:s25], [sflag:$0x2] =	stream.linear.gather [spmem:s24], $0x80, $0x38;
	[tilespmem:$0x18800] =	vst v63  }
0x63b: {  	s24 =	sadd.s32 $0xC00, s21;
	s25 =	simm.s32 $0x11E80  }
0x63c: {  	[tilespmem:s25], [sflag:$0x2] =	stream.linear.gather [spmem:s24], $0x80, $0x38;
	[tilespmem:$0x18800] =	vst v63  }
0x63d: {  	s24 =	sadd.s32 $0x1000, s21;
	s25 =	simm.s32 $0x12280  }
0x63e: {  	[tilespmem:s25], [sflag:$0x2] =	stream.linear.gather [spmem:s24], $0x80, $0x38;
	[tilespmem:$0x18800] =	vst v63  }
0x63f: {  	s22 =	spop (v2sf)  }
0x640: {  	(v2sf) =	vpush v0, $0xF;
	s24 =	sshrl.u32 s22, $0x3  }
0x641: {  	s21 =	sadd.s32 $0x1400, s21;
	s25 =	simm.s32 $0x12680;
	s23 =	smul.u32 $0x6000, s24  }
0x642: {  	[tilespmem:s25], [sflag:$0x2] =	stream.linear.gather [spmem:s21], $0x80, $0x38;
	[tilespmem:$0x18800] =	vst v63  }
0x643: {  	s24 =	sshll.u32 s22, $0x7;
	s25 =	sshra.s32 s23, $0x2  }
0x644: {  	s21 =	sand.u32 $0x380, s24;
	s22 =	sadd.s32 s25, s2  }
0x645: {  	s23 =	simm.s32 $0x11300;
	s21 =	sadd.s32 s21, s22  }
0x646: {  	[tilespmem:s23], [sflag:$0x2] =	stream.linear.gather [spmem:s21], $0x80, $0x38;
	[tilespmem:$0x18800] =	vst v63  }
0x647: {  	s25 =	simm.s32 $0x11700;
	s24 =	sadd.s32 $0x400, s21  }
0x648: {  	[tilespmem:s25], [sflag:$0x2] =	stream.linear.gather [spmem:s24], $0x80, $0x38;
	[tilespmem:$0x18800] =	vst v63  }
0x649: {  	s24 =	sadd.s32 $0x800, s21;
	s25 =	simm.s32 $0x11B00  }
0x64a: {  	[tilespmem:s25], [sflag:$0x2] =	stream.linear.gather [spmem:s24], $0x80, $0x38;
	[tilespmem:$0x18800] =	vst v63  }
0x64b: {  	s24 =	sadd.s32 $0xC00, s21;
	s25 =	simm.s32 $0x11F00  }
0x64c: {  	[tilespmem:s25], [sflag:$0x2] =	stream.linear.gather [spmem:s24], $0x80, $0x38;
	[tilespmem:$0x18800] =	vst v63  }
0x64d: {  	s24 =	sadd.s32 $0x1000, s21;
	s25 =	simm.s32 $0x12300  }
0x64e: {  	[tilespmem:s25], [sflag:$0x2] =	stream.linear.gather [spmem:s24], $0x80, $0x38;
	[tilespmem:$0x18800] =	vst v63  }
0x64f: {  	s22 =	spop (v2sf)  }
0x650: {  	s24 =	sshrl.u32 s22, $0x3  }
0x651: {  	s21 =	sadd.s32 $0x1400, s21;
	s25 =	simm.s32 $0x12700;
	s23 =	smul.u32 $0x6000, s24  }
0x652: {  	[tilespmem:s25], [sflag:$0x2] =	stream.linear.gather [spmem:s21], $0x80, $0x38;
	[tilespmem:$0x18800] =	vst v63  }
0x653: {  	s24 =	sshll.u32 s22, $0x7;
	s25 =	sshra.s32 s23, $0x2  }
0x654: {  	s21 =	sand.u32 $0x380, s24;
	s22 =	sadd.s32 s25, s2  }
0x655: {  	s23 =	simm.s32 $0x11380;
	s21 =	sadd.s32 s21, s22  }
0x656: {  	[tilespmem:s23], [sflag:$0x2] =	stream.linear.gather [spmem:s21], $0x80, $0x38;
	[tilespmem:$0x18800] =	vst v63  }
0x657: {  	s25 =	simm.s32 $0x11780;
	s24 =	sadd.s32 $0x400, s21  }
0x658: {  	[tilespmem:s25], [sflag:$0x2] =	stream.linear.gather [spmem:s24], $0x80, $0x38;
	[tilespmem:$0x18800] =	vst v63  }
0x659: {  	s24 =	sadd.s32 $0x800, s21;
	s25 =	simm.s32 $0x11B80  }
0x65a: {  	[tilespmem:s25], [sflag:$0x2] =	stream.linear.gather [spmem:s24], $0x80, $0x38;
	[tilespmem:$0x18800] =	vst v63  }
0x65b: {  	s24 =	sadd.s32 $0xC00, s21;
	s25 =	simm.s32 $0x11F80  }
0x65c: {  	[tilespmem:s25], [sflag:$0x2] =	stream.linear.gather [spmem:s24], $0x80, $0x38;
	[tilespmem:$0x18800] =	vst v63  }
.Ltmp4:
0x65d: {  	_ = 	snop;
	(pc) =	sbr.rel .LBB2_2-.Ltmp4, $4  }
0x65e: {  	s20 =	sadd.s32 $0x1800, s20;
	s23 =	sadd.s32 $0x1000, s21;
	s24 =	simm.s32 $0x12380  }
0x65f: {  	[tilespmem:s24], [sflag:$0x2] =	stream.linear.gather [spmem:s23], $0x80, $0x38;
	[tilespmem:$0x18800] =	vst v63  }
0x660: {  	s17 =	sadd.s32 $0x40, s17;
	s21 =	sadd.s32 $0x1400, s21;
	s25 =	simm.s32 $0x12780  }
0x661: {  	[tilespmem:s25], [sflag:$0x2] =	stream.linear.gather [spmem:s21], $0x80, $0x38;
	[tilespmem:$0x18800] =	vst v63  }
.LBB2_7:
0x662: {  	_ =	sfence.sel $0x180000  }
0x663: {  	[bflag:$0x0] =	sbarrier.arrive $0xFFFF  }
0x664: {  	_ =	strace $0x90000047  }
0x665: {  	s0 =	stileid.u32;
	[bflag:$0x2] =	sbarrier.arrive $0xFFFF  }
0x666: {  	p0 =	sne.s32 s0, $0x0;
	s0 =	rddreg [dreg:$0x4]  }
0x667: {  	s0 =	sadd.s32 @!p0 $0x100000, s0  }
0x668: {  	[sflag:s0] =	ssyncadd.tile.s32 @!p0 $0x1;
	_ =	shalt  }
.Lfunc_end2:
_tile_overlayer_lowered:
.L_overlay_start_2:
0x669: {  	(tag) =	ssettag $0x2  }
0x66a: {  	s0 =	rddreg [dreg:$0x0];
	s2 =	stileid.u32  }
0x66b: {  	s1 =	rddreg [dreg:$0x1];
	p0 =	sne.s32 s2, $0x0  }
0x66c: {  	s3 =	rddreg [dreg:$0x2];
	[bflag:$0x3] =	sbarrier.arrive $0xFFFF;
	s2 =	simm.s32 @!p0 $0x1C09  }
0x66d: {  	[timem:s3], [sflag:s2] =	dma.local @!p0 [hbm:s0], s1  }
0x66e: {  	s0 =	simm.s32 @!p0 $0x9  }
0x66f: {  	_ =	swait.ge @!p0 [sflag:s0], s1  }
0x670: {  	s1 =	ssub.s32 @!p0 $0x0, s1;
	[sflag:s0] =	ssyncset.done @!p0 $0x0  }
0x671: {  	[sflag:s0] =	ssyncadd.s32 @!p0 s1  }
0x672: {  	[bflag:$0x3] =	sbarrier.arrive $0xFFFF  }
0x673: {  	_ =	shalt  }

</sc_bundles>
